<compile_context>
chip_gen: v7x
topology: tpu7x:2x2x1
jax: 0.10.2.dev20260603
libtpu: 0.0.44.dev20260713+nightly
codegen_flags: <defaults>
</compile_context>

<pallas_src>
import functools

import jax
import jax.numpy as jnp
from jax import lax
from jax.experimental import pallas as pl
from jax.experimental.pallas import tpu as pltpu
from jax.experimental.pallas import tpu_sc as plsc

B = 16
L = 128
V = 32000
E = 512
H = 512
NF = 256
FR = 192
FE = 128
P = NF - FR

TW = 16
NBLK = L // TW


def _dotT(a, b):
    return lax.dot_general(
        a, b, (((1,), (1,)), ((), ())), preferred_element_type=jnp.float32
    )


def _gather_rows_sc(table, idx):
    n = idx.shape[0]
    d = table.shape[1]
    mesh = plsc.VectorSubcoreMesh(core_axis_name="c", subcore_axis_name="s")
    nw = mesh.num_cores * mesh.num_subcores
    b_per_w = n // nw

    @functools.partial(
        pl.kernel,
        out_type=jax.ShapeDtypeStruct((n, d), jnp.float32),
        mesh=mesh,
        scratch_types=[
            pltpu.VMEM((b_per_w,), jnp.int32),
            pltpu.VMEM((b_per_w, d), jnp.float32),
            pltpu.SemaphoreType.DMA,
        ],
    )
    def gather_kernel(table_hbm, idx_hbm, out_hbm, idx_v, rows_v, sem):
        wid = lax.axis_index("s") * mesh.num_cores + lax.axis_index("c")
        base = wid * b_per_w
        pltpu.sync_copy(idx_hbm.at[pl.ds(base, b_per_w)], idx_v)
        pltpu.async_copy(table_hbm.at[idx_v], rows_v, sem).wait()
        pltpu.sync_copy(rows_v, out_hbm.at[pl.ds(base, b_per_w)])

    return gather_kernel(table, idx)


def _gru_cell(gi, gh, h):
    ir, iz, inn = gi[:, :H], gi[:, H : 2 * H], gi[:, 2 * H :]
    hr, hz, hn = gh[:, :H], gh[:, H : 2 * H], gh[:, 2 * H :]
    r = jax.nn.sigmoid(ir + hr)
    z = jax.nn.sigmoid(iz + hz)
    n = jnp.tanh(inn + r * hn)
    return (1.0 - z) * n + z * h


def _cell_step(gi, h, wh, bh):
    gh = lax.dot_general(
        h.astype(jnp.bfloat16), wh, (((1,), (0,)), ((), ())),
        preferred_element_type=jnp.float32,
    ) + bh
    return _gru_cell(gi, gh, h)


def _gru_scan_l0_kernel(
    xi_ref, xr_ref, w0f_ref, w0b_ref, b0f_ref, b0b_ref,
    whf_ref, whb_ref, bhf_ref, bhb_ref, h0f_ref, h0b_ref,
    yf_ref, yb_ref, hf, hb, wtf, wtb,
):
    i = pl.program_id(0)

    @pl.when(i == 0)
    def _():
        hf[...] = h0f_ref[...]
        hb[...] = h0b_ref[...]

    @pl.when(i == 0)
    def _():
        wtf[...] = whf_ref[...].T.astype(jnp.bfloat16)
        wtb[...] = whb_ref[...].T.astype(jnp.bfloat16)

    gif = (
        _dotT(xi_ref[...].reshape(TW * B, E).astype(jnp.bfloat16), w0f_ref[...])
        + b0f_ref[...]
    ).reshape(TW, B, 3 * H)
    gib = (
        _dotT(xr_ref[...].reshape(TW * B, E).astype(jnp.bfloat16), w0b_ref[...])
        + b0b_ref[...]
    ).reshape(TW, B, 3 * H)

    whf = wtf[...]
    whb = wtb[...]
    bhf = bhf_ref[...]
    bhb = bhb_ref[...]
    h_f = hf[...]
    h_b = hb[...]
    for k in range(TW):
        h_f = _cell_step(gif[k], h_f, whf, bhf)
        yf_ref[k] = h_f.astype(jnp.bfloat16)
        h_b = _cell_step(gib[TW - 1 - k], h_b, whb, bhb)
        yb_ref[TW - 1 - k] = h_b.astype(jnp.bfloat16)
    hf[...] = h_f
    hb[...] = h_b


def _gru_l0_fused(x, w0f, w0b, b0f, b0b, w_hh_f, w_hh_b, b_hh_f, b_hh_b,
                  h0f, h0b):
    out_shape = jax.ShapeDtypeStruct((L, B, H), jnp.bfloat16)
    const2 = lambda shape: pl.BlockSpec(shape, lambda i: (0, 0))
    return pl.pallas_call(
        _gru_scan_l0_kernel,
        grid=(NBLK,),
        in_specs=[
            pl.BlockSpec((TW, B, E), lambda i: (i, 0, 0)),
            pl.BlockSpec((TW, B, E), lambda i: (NBLK - 1 - i, 0, 0)),
            const2((3 * H, E)),
            const2((3 * H, E)),
            const2((1, 3 * H)),
            const2((1, 3 * H)),
            const2((3 * H, H)),
            const2((3 * H, H)),
            const2((1, 3 * H)),
            const2((1, 3 * H)),
            const2((B, H)),
            const2((B, H)),
        ],
        out_specs=[
            pl.BlockSpec((TW, B, H), lambda i: (i, 0, 0)),
            pl.BlockSpec((TW, B, H), lambda i: (NBLK - 1 - i, 0, 0)),
        ],
        out_shape=[out_shape, out_shape],
        scratch_shapes=[
            pltpu.VMEM((B, H), jnp.float32),
            pltpu.VMEM((B, H), jnp.float32),
            pltpu.VMEM((H, 3 * H), jnp.bfloat16),
            pltpu.VMEM((H, 3 * H), jnp.bfloat16),
        ],
    )(
        x, x,
        w0f.astype(jnp.bfloat16), w0b.astype(jnp.bfloat16),
        b0f.reshape(1, 3 * H), b0b.reshape(1, 3 * H),
        w_hh_f, w_hh_b,
        b_hh_f.reshape(1, 3 * H), b_hh_b.reshape(1, 3 * H), h0f, h0b,
    )


def _gru_scan_l1_kernel(
    yfi_ref, ybi_ref, yfr_ref, ybr_ref, w1f_ref, w1b_ref, b1f_ref, b1b_ref,
    whf_ref, whb_ref, bhf_ref, bhb_ref, h0f_ref, h0b_ref,
    yf_ref, yb_ref, hf, hb, wtf, wtb,
):
    i = pl.program_id(0)

    @pl.when(i == 0)
    def _():
        hf[...] = h0f_ref[...]
        hb[...] = h0b_ref[...]

    @pl.when(i == 0)
    def _():
        wtf[...] = whf_ref[...].T.astype(jnp.bfloat16)
        wtb[...] = whb_ref[...].T.astype(jnp.bfloat16)

    w1f = w1f_ref[...]
    w1b = w1b_ref[...]
    gif = (
        _dotT(yfi_ref[...].reshape(TW * B, H), w1f[:, :H])
        + _dotT(ybi_ref[...].reshape(TW * B, H), w1f[:, H:])
        + b1f_ref[...]
    ).reshape(TW, B, 3 * H)
    gib = (
        _dotT(yfr_ref[...].reshape(TW * B, H), w1b[:, :H])
        + _dotT(ybr_ref[...].reshape(TW * B, H), w1b[:, H:])
        + b1b_ref[...]
    ).reshape(TW, B, 3 * H)

    whf = wtf[...]
    whb = wtb[...]
    bhf = bhf_ref[...]
    bhb = bhb_ref[...]
    h_f = hf[...]
    h_b = hb[...]
    for k in range(TW):
        h_f = _cell_step(gif[k], h_f, whf, bhf)
        yf_ref[:, k, :] = h_f
        h_b = _cell_step(gib[TW - 1 - k], h_b, whb, bhb)
        yb_ref[:, TW - 1 - k, :] = h_b
    hf[...] = h_f
    hb[...] = h_b


def _gru_l1_fused(yf, yb, w1f, w1b, b1f, b1b, w_hh_f, w_hh_b, b_hh_f, b_hh_b,
                  h0f, h0b):
    out_shape = jax.ShapeDtypeStruct((B, L, H), jnp.float32)
    ymap_f = lambda i: (i, 0, 0)
    ymap_r = lambda i: (NBLK - 1 - i, 0, 0)
    const2 = lambda shape: pl.BlockSpec(shape, lambda i: (0, 0))
    return pl.pallas_call(
        _gru_scan_l1_kernel,
        grid=(NBLK,),
        in_specs=[
            pl.BlockSpec((TW, B, H), ymap_f),
            pl.BlockSpec((TW, B, H), ymap_f),
            pl.BlockSpec((TW, B, H), ymap_r),
            pl.BlockSpec((TW, B, H), ymap_r),
            const2((3 * H, 2 * H)),
            const2((3 * H, 2 * H)),
            const2((1, 3 * H)),
            const2((1, 3 * H)),
            const2((3 * H, H)),
            const2((3 * H, H)),
            const2((1, 3 * H)),
            const2((1, 3 * H)),
            const2((B, H)),
            const2((B, H)),
        ],
        out_specs=[
            pl.BlockSpec((B, TW, H), lambda i: (0, i, 0)),
            pl.BlockSpec((B, TW, H), lambda i: (0, NBLK - 1 - i, 0)),
        ],
        out_shape=[out_shape, out_shape],
        scratch_shapes=[
            pltpu.VMEM((B, H), jnp.float32),
            pltpu.VMEM((B, H), jnp.float32),
            pltpu.VMEM((H, 3 * H), jnp.bfloat16),
            pltpu.VMEM((H, 3 * H), jnp.bfloat16),
        ],
    )(
        yf, yb, yf, yb,
        w1f.astype(jnp.bfloat16), w1b.astype(jnp.bfloat16),
        b1f.reshape(1, 3 * H), b1b.reshape(1, 3 * H),
        w_hh_f, w_hh_b,
        b_hh_f.reshape(1, 3 * H), b_hh_b.reshape(1, 3 * H), h0f, h0b,
    )


def _attn_kernel(
    yf_ref, yb_ref, fe_ref, fw_ref, fb_ref, v_ref, lw_ref, lb_ref,
    ctx_ref, attn_ref,
):
    fe = fe_ref[...]
    vv = v_ref[...]
    mf = jnp.dot(fe, fw_ref[...], preferred_element_type=jnp.float32)
    mv = jnp.dot(vv, lw_ref[...], preferred_element_type=jnp.float32)
    m_mat = jnp.concatenate([mf, mv], axis=0)
    cf = _dotT(fb_ref[...], fe)
    cv = _dotT(lb_ref[...], vv)
    c = jnp.concatenate([cf, cv], axis=1)
    yf = yf_ref[...]
    yb = yb_ref[...]
    energy = (
        _dotT(yf.reshape(B * L, H), m_mat[:, :H])
        + _dotT(yb.reshape(B * L, H), m_mat[:, H:])
        + c
    )
    e3 = energy.reshape(B, L, NF)
    mx = jnp.max(e3, axis=0, keepdims=True)
    ex = jnp.exp(e3 - mx)
    sm = jnp.sum(ex, axis=0, keepdims=True)
    soft3 = ex / sm
    for b in range(B):
        s = soft3[b]
        ctx_ref[b, :, :H] = lax.dot_general(
            s, yf[b], (((0,), (0,)), ((), ())),
            preferred_element_type=jnp.float32,
        )
        ctx_ref[b, :, H:] = lax.dot_general(
            s, yb[b], (((0,), (0,)), ((), ())),
            preferred_element_type=jnp.float32,
        )
        attn_ref[b] = s.T


def _attention(yf2, yb2, feature_embeddings, feat_W, feat_b, v, lin_W, lin_b):
    return pl.pallas_call(
        _attn_kernel,
        out_shape=[
            jax.ShapeDtypeStruct((B, NF, 2 * H), jnp.float32),
            jax.ShapeDtypeStruct((B, NF, L), jnp.float32),
        ],
    )(
        yf2, yb2, feature_embeddings, feat_W, feat_b.reshape(1, FE),
        v, lin_W, lin_b.reshape(1, H),
    )


def _encode_tc(
    xs_flat, hidden,
    w_ih_l0f, w_hh_l0f, b_ih_l0f, b_hh_l0f,
    w_ih_l0b, w_hh_l0b, b_ih_l0b, b_hh_l0b,
    w_ih_l1f, w_hh_l1f, b_ih_l1f, b_hh_l1f,
    w_ih_l1b, w_hh_l1b, b_ih_l1b, b_hh_l1b,
    lin_W, lin_b, feat_W, feat_b, v, feature_embeddings,
):
    yf, yb = _gru_l0_fused(
        xs_flat.reshape(L, B, E),
        w_ih_l0f, w_ih_l0b, b_ih_l0f, b_ih_l0b,
        w_hh_l0f, w_hh_l0b, b_hh_l0f, b_hh_l0b,
        hidden[0], hidden[1],
    )
    yf2, yb2 = _gru_l1_fused(
        yf, yb, w_ih_l1f, w_ih_l1b, b_ih_l1f, b_ih_l1b,
        w_hh_l1f, w_hh_l1b, b_hh_l1f, b_hh_l1b,
        hidden[2], hidden[3],
    )
    context, attn_w = _attention(
        yf2, yb2, feature_embeddings, feat_W, feat_b, v, lin_W, lin_b,
    )
    return context, attn_w


def kernel(
    input_variable, input_lengths, hidden, feature_embeddings, emb_table,
    w_ih_l0f, w_hh_l0f, b_ih_l0f, b_hh_l0f,
    w_ih_l0b, w_hh_l0b, b_ih_l0b, b_hh_l0b,
    w_ih_l1f, w_hh_l1f, b_ih_l1f, b_hh_l1f,
    w_ih_l1b, w_hh_l1b, b_ih_l1b, b_hh_l1b,
    lin_W, lin_b, feat_W, feat_b, v,
):
    idx_t = jnp.transpose(input_variable, (1, 0)).reshape(L * B).astype(jnp.int32)
    xs_flat = _gather_rows_sc(emb_table, idx_t)
    return _encode_tc(
        xs_flat, hidden,
        w_ih_l0f, w_hh_l0f, b_ih_l0f, b_hh_l0f,
        w_ih_l0b, w_hh_l0b, b_ih_l0b, b_hh_l0b,
        w_ih_l1f, w_hh_l1f, b_ih_l1f, b_hh_l1f,
        w_ih_l1b, w_hh_l1b, b_ih_l1b, b_hh_l1b,
        lin_W, lin_b, feat_W, feat_b, v, feature_embeddings,
    )

# --- scband reference (transcript-rebuilt; emitter-appended) ---
"""Pipeline reference for scband-attn5-encoder-7413113553590 (READ-ONLY COPY).

The authoritative reference and input builder live on the scoring server;
editing this copy changes nothing except your own understanding.
"""

import jax, jax.numpy as jnp
import numpy as np

B = 16; L = 128; V = 32000; E = 512; H = 512
NF = 256; FR = 192; FE = 128; P = NF - FR

def setup_inputs(seed: int = 0):
    key = jax.random.key(seed)
    ks = jax.random.split(key, 32)
    s = 1.0 / np.sqrt(H)
    def u(k, shape):
        return jax.random.uniform(k, shape, jnp.float32, -s, s)
    inp = {}
    inp["input_variable"] = jax.random.randint(ks[0], (B, L), 0, V)
    inp["input_lengths"] = jnp.full((B,), L, dtype=jnp.int32)
    inp["hidden"] = jnp.zeros((4, B, H), jnp.float32)
    inp["feature_embeddings"] = jax.random.normal(ks[1], (FR, FE), jnp.float32) * 0.05
    inp["emb_table"] = jax.random.normal(ks[2], (V, E), jnp.float32) * 0.02
    names = ["l0f", "l0b", "l1f", "l1b"]
    in_sizes = [E, E, 2 * H, 2 * H]
    i = 3
    for n, isz in zip(names, in_sizes):
        inp["w_ih_" + n] = u(ks[i], (3 * H, isz)); i += 1
        inp["w_hh_" + n] = u(ks[i], (3 * H, H)); i += 1
        inp["b_ih_" + n] = u(ks[i], (3 * H,)); i += 1
        inp["b_hh_" + n] = u(ks[i], (3 * H,)); i += 1
    inp["lin_W"] = u(ks[i], (H, 2 * H)); i += 1
    inp["lin_b"] = u(ks[i], (H,)); i += 1
    inp["feat_W"] = u(ks[i], (FE, 2 * H)); i += 1
    inp["feat_b"] = u(ks[i], (FE,)); i += 1
    inp["v"] = jax.random.normal(ks[i], (P, H), jnp.float32) * 0.05
    return inp

def _gru_dir(xs, h0, w_ih, w_hh, b_ih, b_hh, reverse):
    if reverse:
        xs = xs[::-1]
    def f(h, x):
        gi = x @ w_ih.T + b_ih
        gh = h @ w_hh.T + b_hh
        ir, iz, inn = jnp.split(gi, 3, axis=-1)
        hr, hz, hn = jnp.split(gh, 3, axis=-1)
        r = jax.nn.sigmoid(ir + hr)
        z = jax.nn.sigmoid(iz + hz)
        n = jnp.tanh(inn + r * hn)
        h2 = (1.0 - z) * n + z * h
        return h2, h2
    _, ys = jax.lax.scan(f, h0, xs)
    if reverse:
        ys = ys[::-1]
    return ys

def reference(input_variable, input_lengths, hidden, feature_embeddings, emb_table,
              w_ih_l0f, w_hh_l0f, b_ih_l0f, b_hh_l0f,
              w_ih_l0b, w_hh_l0b, b_ih_l0b, b_hh_l0b,
              w_ih_l1f, w_hh_l1f, b_ih_l1f, b_hh_l1f,
              w_ih_l1b, w_hh_l1b, b_ih_l1b, b_hh_l1b,
              lin_W, lin_b, feat_W, feat_b, v):
    # embedding lookup; input_variable.transpose(0,1) -> time-major [L,B,E]
    emb = jnp.take(emb_table, input_variable, axis=0)  # [B,L,E]
    xs = jnp.transpose(emb, (1, 0, 2))                 # [L,B,E]
    # 2-layer bidirectional GRU (pack/pad is identity at full lengths)
    yf = _gru_dir(xs, hidden[0], w_ih_l0f, w_hh_l0f, b_ih_l0f, b_hh_l0f, False)
    yb = _gru_dir(xs, hidden[1], w_ih_l0b, w_hh_l0b, b_ih_l0b, b_hh_l0b, True)
    x1 = jnp.concatenate([yf, yb], axis=-1)
    yf2 = _gru_dir(x1, hidden[2], w_ih_l1f, w_hh_l1f, b_ih_l1f, b_hh_l1f, False)
    yb2 = _gru_dir(x1, hidden[3], w_ih_l1b, w_hh_l1b, b_ih_l1b, b_hh_l1b, True)
    enc = jnp.concatenate([yf2, yb2], axis=-1)  # [L,B,2H]
    # Attn.score vectorized over (b, i)
    wh = enc @ lin_W.T + lin_b                              # [L,B,H]
    vwh = jnp.einsum('ph,lbh->lbp', v, wh)                  # [L,B,P]
    wh2 = enc @ feat_W.T + feat_b                           # [L,B,FE]
    fwh = jnp.einsum('fe,lbe->lbf', feature_embeddings, wh2)  # [L,B,FR]
    energy = jnp.concatenate([fwh, vwh], axis=-1)           # [L,B,NF]
    attn_energies = jnp.transpose(energy, (1, 0, 2))        # [B,L,NF]
    # legacy torch F.softmax without dim: 3D -> dim=0
    soft = jax.nn.softmax(attn_energies, axis=0)
    attn_w = jnp.transpose(soft, (0, 2, 1))                 # [B,NF,L]
    context = jnp.einsum('bnl,bld->bnd', attn_w, jnp.transpose(enc, (1, 0, 2)))  # [B,NF,2H]
    return (context, attn_w)

if __name__ == "__main__":
    import jax
    _d = setup_inputs()
    print(jax.jit(kernel)(*tuple(_d.values())))

</pallas_src>

<mosaic_0001>
#map = affine_map<(d0, d1) -> (0, 0)>
#map1 = affine_map<(d0, d1) -> (0)>
module attributes {stable_mosaic.version = 14 : i64} {
  func.func @gather_kernel(%arg0: i32, %arg1: i32, %arg2: memref<32000x512xf32, #tpu.memory_space<hbm>>, %arg3: memref<2048xi32, #tpu.memory_space<hbm>>, %arg4: memref<2048x512xf32, #tpu.memory_space<hbm>>, %arg5: memref<64xi32, #tpu.memory_space<vmem>>, %arg6: memref<64x512xf32, #tpu.memory_space<vmem>>, %arg7: memref<!tpu.dma_semaphore, #tpu.memory_space<semaphore_mem>>) attributes {dimension_semantics = [#tpu.dimension_semantics<core_parallel>, #tpu.dimension_semantics<subcore_parallel>], iteration_bounds = array<i64: 2, 16>, scalar_prefetch = 0 : i64, scratch_operands = 3 : i64, tpu.core_type = #tpu.core_type<sc_vector_subcore>, window_params = [{transform_indices = #map}, {transform_indices = #map1}, {transform_indices = #map}]} {
    %mul3A = arith.constant 2 : i32
    %mul3A_0 = arith.muli %arg1, %mul3A : i32
    %add3A = arith.addi %mul3A_0, %arg0 : i32
    %mul3A_1 = arith.constant 64 : i32
    %mul3A_2 = arith.muli %add3A, %mul3A_1 : i32
    "tpu.region"() ({
      %run_scoped3A = tpu.sem_alloc : memref<!tpu.dma_semaphore, #tpu.memory_space<semaphore_mem>>
      %dma_start3A_7 = tpu.memref_slice %arg3[%mul3A_2] : memref<2048xi32, #tpu.memory_space<hbm>> -> memref<64xi32, #tpu.memory_space<hbm>>
      %dma_start3A_8 = tpu.memref_slice %arg3[%mul3A_2] : memref<2048xi32, #tpu.memory_space<hbm>> -> memref<64xi32, #tpu.memory_space<hbm>>
      tpu.enqueue_dma source(%dma_start3A_8 : memref<64xi32, #tpu.memory_space<hbm>>) target(%arg5 : memref<64xi32, #tpu.memory_space<vmem>>) target_semaphore(%run_scoped3A : memref<!tpu.dma_semaphore, #tpu.memory_space<semaphore_mem>>)
      %dma_wait3A_9 = tpu.memref_slice %arg3[%mul3A_2] : memref<2048xi32, #tpu.memory_space<hbm>> -> memref<64xi32, #tpu.memory_space<hbm>>
      %dma_wait3A_10 = tpu.memref_slice %arg3[%mul3A_2] : memref<2048xi32, #tpu.memory_space<hbm>> -> memref<64xi32, #tpu.memory_space<hbm>>
      tpu.wait_dma2 semaphore(%run_scoped3A : memref<!tpu.dma_semaphore, #tpu.memory_space<semaphore_mem>>) src(%dma_wait3A_10 : memref<64xi32, #tpu.memory_space<hbm>>) dst(%arg5 : memref<64xi32, #tpu.memory_space<vmem>>)
      tpu.yield
    }) : () -> ()
    %dma_start3A = arith.constant 0 : i32
    %dma_start3A_3 = arith.constant 0 : i32
    %dma_start3A_4 = tpu.memref_slice %arg2[%dma_start3A, %dma_start3A_3] : memref<32000x512xf32, #tpu.memory_space<hbm>> -> memref<32000x512xf32, #tpu.memory_space<hbm>>
    tpu.enqueue_indirect_dma source(%dma_start3A_4 : memref<32000x512xf32, #tpu.memory_space<hbm>>) target(%arg6 : memref<64x512xf32, #tpu.memory_space<vmem>>) offsets(%arg5 : memref<64xi32, #tpu.memory_space<vmem>>) semaphore(%arg7 : memref<!tpu.dma_semaphore, #tpu.memory_space<semaphore_mem>>)
    %dma_wait3A = arith.constant 0 : i32
    %dma_wait3A_5 = arith.constant 0 : i32
    %dma_wait3A_6 = tpu.memref_slice %arg2[%dma_wait3A, %dma_wait3A_5] : memref<32000x512xf32, #tpu.memory_space<hbm>> -> memref<32000x512xf32, #tpu.memory_space<hbm>>
    tpu.wait_indirect_dma semaphore(%arg7 : memref<!tpu.dma_semaphore, #tpu.memory_space<semaphore_mem>>) src(%dma_wait3A_6 : memref<32000x512xf32, #tpu.memory_space<hbm>>) dst(%arg6 : memref<64x512xf32, #tpu.memory_space<vmem>>)
    "tpu.region"() ({
      %run_scoped3A = tpu.sem_alloc : memref<!tpu.dma_semaphore, #tpu.memory_space<semaphore_mem>>
      %dma_start3A_7 = arith.constant 0 : i32
      %dma_start3A_8 = tpu.memref_slice %arg4[%mul3A_2, %dma_start3A_7] : memref<2048x512xf32, #tpu.memory_space<hbm>> -> memref<64x512xf32, #tpu.memory_space<hbm>>
      %dma_start3A_9 = arith.constant 0 : i32
      %dma_start3A_10 = tpu.memref_slice %arg4[%mul3A_2, %dma_start3A_9] : memref<2048x512xf32, #tpu.memory_space<hbm>> -> memref<64x512xf32, #tpu.memory_space<hbm>>
      tpu.enqueue_dma source(%arg6 : memref<64x512xf32, #tpu.memory_space<vmem>>) target(%dma_start3A_10 : memref<64x512xf32, #tpu.memory_space<hbm>>) target_semaphore(%run_scoped3A : memref<!tpu.dma_semaphore, #tpu.memory_space<semaphore_mem>>)
      %dma_wait3A_11 = arith.constant 0 : i32
      %dma_wait3A_12 = tpu.memref_slice %arg4[%mul3A_2, %dma_wait3A_11] : memref<2048x512xf32, #tpu.memory_space<hbm>> -> memref<64x512xf32, #tpu.memory_space<hbm>>
      %dma_wait3A_13 = arith.constant 0 : i32
      %dma_wait3A_14 = tpu.memref_slice %arg4[%mul3A_2, %dma_wait3A_13] : memref<2048x512xf32, #tpu.memory_space<hbm>> -> memref<64x512xf32, #tpu.memory_space<hbm>>
      tpu.wait_dma2 semaphore(%run_scoped3A : memref<!tpu.dma_semaphore, #tpu.memory_space<semaphore_mem>>) src(%arg6 : memref<64x512xf32, #tpu.memory_space<vmem>>) dst(%dma_wait3A_14 : memref<64x512xf32, #tpu.memory_space<hbm>>)
      tpu.yield
    }) : () -> ()
    return
  }
}

module attributes {stable_mosaic.version = 14 : i64} {
  func.func @_gru_scan_l0_kernel(%arg0: i32, %arg1: memref<16x16x512xf32, #tpu.memory_space<vmem>>, %arg2: memref<16x16x512xf32, #tpu.memory_space<vmem>>, %arg3: memref<1536x512xbf16, #tpu.memory_space<vmem>>, %arg4: memref<1536x512xbf16, #tpu.memory_space<vmem>>, %arg5: memref<1x1536xf32, #tpu.memory_space<vmem>>, %arg6: memref<1x1536xf32, #tpu.memory_space<vmem>>, %arg7: memref<1536x512xf32, #tpu.memory_space<vmem>>, %arg8: memref<1536x512xf32, #tpu.memory_space<vmem>>, %arg9: memref<1x1536xf32, #tpu.memory_space<vmem>>, %arg10: memref<1x1536xf32, #tpu.memory_space<vmem>>, %arg11: memref<16x512xf32, #tpu.memory_space<vmem>>, %arg12: memref<16x512xf32, #tpu.memory_space<vmem>>, %arg13: memref<16x16x512xbf16, #tpu.memory_space<vmem>>, %arg14: memref<16x16x512xbf16, #tpu.memory_space<vmem>>, %arg15: memref<16x512xf32, #tpu.memory_space<vmem>>, %arg16: memref<16x512xf32, #tpu.memory_space<vmem>>, %arg17: memref<512x1536xbf16, #tpu.memory_space<vmem>>, %arg18: memref<512x1536xbf16, #tpu.memory_space<vmem>>) attributes {dimension_semantics = [#tpu.dimension_semantics<arbitrary>], iteration_bounds = array<i64: 8>, scalar_prefetch = 0 : i64, scratch_operands = 4 : i64, tpu.core_type = #tpu.core_type<tc>, window_params = [{transform_indices = @transform_0, window_bounds = array<i64: 16, 16, 512>}, {transform_indices = @transform_1, window_bounds = array<i64: 16, 16, 512>}, {pipeline_mode = #tpu.pipeline_mode<synchronous>, transform_indices = @transform_2, window_bounds = array<i64: 1536, 512>}, {pipeline_mode = #tpu.pipeline_mode<synchronous>, transform_indices = @transform_3, window_bounds = array<i64: 1536, 512>}, {pipeline_mode = #tpu.pipeline_mode<synchronous>, transform_indices = @transform_4, window_bounds = array<i64: 1, 1536>}, {pipeline_mode = #tpu.pipeline_mode<synchronous>, transform_indices = @transform_5, window_bounds = array<i64: 1, 1536>}, {pipeline_mode = #tpu.pipeline_mode<synchronous>, transform_indices = @transform_6, window_bounds = array<i64: 1536, 512>}, {pipeline_mode = #tpu.pipeline_mode<synchronous>, transform_indices = @transform_7, window_bounds = array<i64: 1536, 512>}, {pipeline_mode = #tpu.pipeline_mode<synchronous>, transform_indices = @transform_8, window_bounds = array<i64: 1, 1536>}, {pipeline_mode = #tpu.pipeline_mode<synchronous>, transform_indices = @transform_9, window_bounds = array<i64: 1, 1536>}, {pipeline_mode = #tpu.pipeline_mode<synchronous>, transform_indices = @transform_10, window_bounds = array<i64: 16, 512>}, {pipeline_mode = #tpu.pipeline_mode<synchronous>, transform_indices = @transform_11, window_bounds = array<i64: 16, 512>}, {transform_indices = @transform_12, window_bounds = array<i64: 16, 16, 512>}, {transform_indices = @transform_13, window_bounds = array<i64: 16, 16, 512>}]} {
    %eq3A = arith.constant 0 : i32
    %eq3A_0 = arith.cmpi eq, %arg0, %eq3A : i32
    %convert_element_type3A = arith.extui %eq3A_0 : i1 to i32
    %cond3A = arith.constant 0 : i32
    %cond3A_1 = arith.cmpi ne, %convert_element_type3A, %cond3A : i32
    scf.if %cond3A_1 {
      %get3A_1430 = arith.constant 0 : index
      %get3A_1431 = arith.constant 0 : index
      %get3A_1432 = vector.load %arg11[%get3A_1430, %get3A_1431] : memref<16x512xf32, #tpu.memory_space<vmem>>, vector<16x512xf32>
      %swap3A_1433 = arith.constant 0 : index
      %swap3A_1434 = arith.constant 0 : index
      %swap3A_1435 = vector.load %arg15[%swap3A_1433, %swap3A_1434] : memref<16x512xf32, #tpu.memory_space<vmem>>, vector<16x512xf32>
      tpu.vector_store %arg15[%swap3A_1433, %swap3A_1434], %get3A_1432 {strides = array<i32>} : memref<16x512xf32, #tpu.memory_space<vmem>>, vector<16x512xf32>,
      %get3A_1436 = arith.constant 0 : index
      %get3A_1437 = arith.constant 0 : index
      %get3A_1438 = vector.load %arg12[%get3A_1436, %get3A_1437] : memref<16x512xf32, #tpu.memory_space<vmem>>, vector<16x512xf32>
      %swap3A_1439 = arith.constant 0 : index
      %swap3A_1440 = arith.constant 0 : index
      %swap3A_1441 = vector.load %arg16[%swap3A_1439, %swap3A_1440] : memref<16x512xf32, #tpu.memory_space<vmem>>, vector<16x512xf32>
      tpu.vector_store %arg16[%swap3A_1439, %swap3A_1440], %get3A_1438 {strides = array<i32>} : memref<16x512xf32, #tpu.memory_space<vmem>>, vector<16x512xf32>,
    } else {
    }
    %eq3A_2 = arith.constant 0 : i32
    %eq3A_3 = arith.cmpi eq, %arg0, %eq3A_2 : i32
    %convert_element_type3A_4 = arith.extui %eq3A_3 : i1 to i32
    %cond3A_5 = arith.constant 0 : i32
    %cond3A_6 = arith.cmpi ne, %convert_element_type3A_4, %cond3A_5 : i32
    scf.if %cond3A_6 {
      %get3A_1430 = arith.constant 0 : index
      %get3A_1431 = arith.constant 0 : index
      %get3A_1432 = vector.load %arg7[%get3A_1430, %get3A_1431] : memref<1536x512xf32, #tpu.memory_space<vmem>>, vector<1536x512xf32>
      %transpose3A = tpu.transpose %get3A_1432, [1, 0] : vector<1536x512xf32> -> vector<512x1536xf32>
      %convert_element_type3A_1433 = arith.truncf %transpose3A : vector<512x1536xf32> to vector<512x1536xbf16>
      %swap3A_1434 = arith.constant 0 : index
      %swap3A_1435 = arith.constant 0 : index
      %swap3A_1436 = vector.load %arg17[%swap3A_1434, %swap3A_1435] : memref<512x1536xbf16, #tpu.memory_space<vmem>>, vector<512x1536xbf16>
      tpu.vector_store %arg17[%swap3A_1434, %swap3A_1435], %convert_element_type3A_1433 {strides = array<i32>} : memref<512x1536xbf16, #tpu.memory_space<vmem>>, vector<512x1536xbf16>,
      %get3A_1437 = arith.constant 0 : index
      %get3A_1438 = arith.constant 0 : index
      %get3A_1439 = vector.load %arg8[%get3A_1437, %get3A_1438] : memref<1536x512xf32, #tpu.memory_space<vmem>>, vector<1536x512xf32>
      %transpose3A_1440 = tpu.transpose %get3A_1439, [1, 0] : vector<1536x512xf32> -> vector<512x1536xf32>
      %convert_element_type3A_1441 = arith.truncf %transpose3A_1440 : vector<512x1536xf32> to vector<512x1536xbf16>
      %swap3A_1442 = arith.constant 0 : index
      %swap3A_1443 = arith.constant 0 : index
      %swap3A_1444 = vector.load %arg18[%swap3A_1442, %swap3A_1443] : memref<512x1536xbf16, #tpu.memory_space<vmem>>, vector<512x1536xbf16>
      tpu.vector_store %arg18[%swap3A_1442, %swap3A_1443], %convert_element_type3A_1441 {strides = array<i32>} : memref<512x1536xbf16, #tpu.memory_space<vmem>>, vector<512x1536xbf16>,
    } else {
    }
    %get3A = arith.constant 0 : index
    %get3A_7 = arith.constant 0 : index
    %get3A_8 = arith.constant 0 : index
    %get3A_9 = vector.load %arg1[%get3A, %get3A_7, %get3A_8] : memref<16x16x512xf32, #tpu.memory_space<vmem>>, vector<16x16x512xf32>
    %reshape3A = vector.shape_cast %get3A_9 : vector<16x16x512xf32> to vector<256x512xf32>
    %convert_element_type3A_10 = arith.truncf %reshape3A : vector<256x512xf32> to vector<256x512xbf16>
    %get3A_11 = arith.constant 0 : index
    %get3A_12 = arith.constant 0 : index
    %get3A_13 = vector.load %arg3[%get3A_11, %get3A_12] : memref<1536x512xbf16, #tpu.memory_space<vmem>>, vector<1536x512xbf16>
    %dot_general3A = arith.constant dense<0.000000e+00> : vector<256x1536xf32>
    %dot_general3A_14 = tpu.matmul %convert_element_type3A_10, %get3A_13, %dot_general3A {dimension_numbers = #tpu.dot_dimension_numbers<[1], [1], [0], [0], [0, 0, 1, 0], [], []>, transpose_lhs_hint = false} : vector<256x512xbf16>, vector<1536x512xbf16>, vector<256x1536xf32> -> vector<256x1536xf32>
    %get3A_15 = arith.constant 0 : index
    %get3A_16 = arith.constant 0 : index
    %get3A_17 = vector.load %arg5[%get3A_15, %get3A_16] : memref<1x1536xf32, #tpu.memory_space<vmem>>, vector<1x1536xf32>
    %add3A = vector.broadcast %get3A_17 : vector<1x1536xf32> to vector<256x1536xf32>
    %add3A_18 = arith.addf %dot_general3A_14, %add3A : vector<256x1536xf32>
    %reshape3A_19 = vector.shape_cast %add3A_18 : vector<256x1536xf32> to vector<16x16x1536xf32>
    %get3A_20 = arith.constant 0 : index
    %get3A_21 = arith.constant 0 : index
    %get3A_22 = arith.constant 0 : index
    %get3A_23 = vector.load %arg2[%get3A_20, %get3A_21, %get3A_22] : memref<16x16x512xf32, #tpu.memory_space<vmem>>, vector<16x16x512xf32>
    %reshape3A_24 = vector.shape_cast %get3A_23 : vector<16x16x512xf32> to vector<256x512xf32>
    %convert_element_type3A_25 = arith.truncf %reshape3A_24 : vector<256x512xf32> to vector<256x512xbf16>
    %get3A_26 = arith.constant 0 : index
    %get3A_27 = arith.constant 0 : index
    %get3A_28 = vector.load %arg4[%get3A_26, %get3A_27] : memref<1536x512xbf16, #tpu.memory_space<vmem>>, vector<1536x512xbf16>
    %dot_general3A_29 = arith.constant dense<0.000000e+00> : vector<256x1536xf32>
    %dot_general3A_30 = tpu.matmul %convert_element_type3A_25, %get3A_28, %dot_general3A_29 {dimension_numbers = #tpu.dot_dimension_numbers<[1], [1], [0], [0], [0, 0, 1, 0], [], []>, transpose_lhs_hint = false} : vector<256x512xbf16>, vector<1536x512xbf16>, vector<256x1536xf32> -> vector<256x1536xf32>
    %get3A_31 = arith.constant 0 : index
    %get3A_32 = arith.constant 0 : index
    %get3A_33 = vector.load %arg6[%get3A_31, %get3A_32] : memref<1x1536xf32, #tpu.memory_space<vmem>>, vector<1x1536xf32>
    %add3A_34 = vector.broadcast %get3A_33 : vector<1x1536xf32> to vector<256x1536xf32>
    %add3A_35 = arith.addf %dot_general3A_30, %add3A_34 : vector<256x1536xf32>
    %reshape3A_36 = vector.shape_cast %add3A_35 : vector<256x1536xf32> to vector<16x16x1536xf32>
    %get3A_37 = arith.constant 0 : index
    %get3A_38 = arith.constant 0 : index
    %get3A_39 = vector.load %arg17[%get3A_37, %get3A_38] : memref<512x1536xbf16, #tpu.memory_space<vmem>>, vector<512x1536xbf16>
    %get3A_40 = arith.constant 0 : index
    %get3A_41 = arith.constant 0 : index
    %get3A_42 = vector.load %arg18[%get3A_40, %get3A_41] : memref<512x1536xbf16, #tpu.memory_space<vmem>>, vector<512x1536xbf16>
    %get3A_43 = arith.constant 0 : index
    %get3A_44 = arith.constant 0 : index
    %get3A_45 = vector.load %arg9[%get3A_43, %get3A_44] : memref<1x1536xf32, #tpu.memory_space<vmem>>, vector<1x1536xf32>
    %get3A_46 = arith.constant 0 : index
    %get3A_47 = arith.constant 0 : index
    %get3A_48 = vector.load %arg10[%get3A_46, %get3A_47] : memref<1x1536xf32, #tpu.memory_space<vmem>>, vector<1x1536xf32>
    %get3A_49 = arith.constant 0 : index
    %get3A_50 = arith.constant 0 : index
    %get3A_51 = vector.load %arg15[%get3A_49, %get3A_50] : memref<16x512xf32, #tpu.memory_space<vmem>>, vector<16x512xf32>
    %get3A_52 = arith.constant 0 : index
    %get3A_53 = arith.constant 0 : index
    %get3A_54 = vector.load %arg16[%get3A_52, %get3A_53] : memref<16x512xf32, #tpu.memory_space<vmem>>, vector<16x512xf32>
    %slice3A = vector.extract_strided_slice %reshape3A_19 {offsets = [0, 0, 0], sizes = [1, 16, 1536], strides = [1, 1, 1]} : vector<16x16x1536xf32> to vector<1x16x1536xf32>
    %squeeze3A = vector.shape_cast %slice3A : vector<1x16x1536xf32> to vector<16x1536xf32>
    %convert_element_type3A_55 = arith.truncf %get3A_51 : vector<16x512xf32> to vector<16x512xbf16>
    %dot_general3A_56 = arith.constant dense<0.000000e+00> : vector<16x1536xf32>
    %dot_general3A_57 = tpu.matmul %convert_element_type3A_55, %get3A_39, %dot_general3A_56 {dimension_numbers = #tpu.dot_dimension_numbers<[1], [0], [0], [1], [0, 0, 1, 1], [], []>, transpose_lhs_hint = false} : vector<16x512xbf16>, vector<512x1536xbf16>, vector<16x1536xf32> -> vector<16x1536xf32>
    %add3A_58 = vector.broadcast %get3A_45 : vector<1x1536xf32> to vector<16x1536xf32>
    %add3A_59 = arith.addf %dot_general3A_57, %add3A_58 : vector<16x1536xf32>
    %slice3A_60 = vector.extract_strided_slice %squeeze3A {offsets = [0, 0], sizes = [16, 512], strides = [1, 1]} : vector<16x1536xf32> to vector<16x512xf32>
    %slice3A_61 = vector.extract_strided_slice %squeeze3A {offsets = [0, 512], sizes = [16, 512], strides = [1, 1]} : vector<16x1536xf32> to vector<16x512xf32>
    %slice3A_62 = vector.extract_strided_slice %squeeze3A {offsets = [0, 1024], sizes = [16, 512], strides = [1, 1]} : vector<16x1536xf32> to vector<16x512xf32>
    %slice3A_63 = vector.extract_strided_slice %add3A_59 {offsets = [0, 0], sizes = [16, 512], strides = [1, 1]} : vector<16x1536xf32> to vector<16x512xf32>
    %slice3A_64 = vector.extract_strided_slice %add3A_59 {offsets = [0, 512], sizes = [16, 512], strides = [1, 1]} : vector<16x1536xf32> to vector<16x512xf32>
    %slice3A_65 = vector.extract_strided_slice %add3A_59 {offsets = [0, 1024], sizes = [16, 512], strides = [1, 1]} : vector<16x1536xf32> to vector<16x512xf32>
    %add3A_66 = arith.addf %slice3A_60, %slice3A_63 : vector<16x512xf32>
    %logistic3A = arith.negf %add3A_66 : vector<16x512xf32>
    %logistic3A_67 = math.exp %logistic3A : vector<16x512xf32>
    %logistic3A_68 = arith.constant 1.000000e+00 : f32
    %logistic3A_69 = vector.broadcast %logistic3A_68 : f32 to vector<16x512xf32>
    %logistic3A_70 = arith.addf %logistic3A_69, %logistic3A_67 : vector<16x512xf32>
    %logistic3A_71 = arith.divf %logistic3A_69, %logistic3A_70 : vector<16x512xf32>
    %add3A_72 = arith.addf %slice3A_61, %slice3A_64 : vector<16x512xf32>
    %logistic3A_73 = arith.negf %add3A_72 : vector<16x512xf32>
    %logistic3A_74 = math.exp %logistic3A_73 : vector<16x512xf32>
    %logistic3A_75 = arith.constant 1.000000e+00 : f32
    %logistic3A_76 = vector.broadcast %logistic3A_75 : f32 to vector<16x512xf32>
    %logistic3A_77 = arith.addf %logistic3A_76, %logistic3A_74 : vector<16x512xf32>
    %logistic3A_78 = arith.divf %logistic3A_76, %logistic3A_77 : vector<16x512xf32>
    %mul3A = arith.mulf %logistic3A_71, %slice3A_65 : vector<16x512xf32>
    %add3A_79 = arith.addf %slice3A_62, %mul3A : vector<16x512xf32>
    %tanh3A = math.tanh %add3A_79 : vector<16x512xf32>
    %sub3A = arith.constant 1.000000e+00 : f32
    %sub3A_80 = vector.broadcast %sub3A : f32 to vector<16x512xf32>
    %sub3A_81 = arith.subf %sub3A_80, %logistic3A_78 : vector<16x512xf32>
    %mul3A_82 = arith.mulf %sub3A_81, %tanh3A : vector<16x512xf32>
    %mul3A_83 = arith.mulf %logistic3A_78, %get3A_51 : vector<16x512xf32>
    %add3A_84 = arith.addf %mul3A_82, %mul3A_83 : vector<16x512xf32>
    %convert_element_type3A_85 = arith.truncf %add3A_84 : vector<16x512xf32> to vector<16x512xbf16>
    %swap3A = arith.constant 0 : index
    %swap3A_86 = arith.constant 0 : index
    %swap3A_87 = arith.constant 0 : index
    %swap3A_88 = vector.load %arg13[%swap3A, %swap3A_86, %swap3A_87] : memref<16x16x512xbf16, #tpu.memory_space<vmem>>, vector<1x16x512xbf16>
    %swap3A_89 = vector.shape_cast %swap3A_88 : vector<1x16x512xbf16> to vector<16x512xbf16>
    %swap3A_90 = vector.shape_cast %convert_element_type3A_85 : vector<16x512xbf16> to vector<1x16x512xbf16>
    tpu.vector_store %arg13[%swap3A, %swap3A_86, %swap3A_87], %swap3A_90 {strides = array<i32>} : memref<16x16x512xbf16, #tpu.memory_space<vmem>>, vector<1x16x512xbf16>,
    %slice3A_91 = vector.extract_strided_slice %reshape3A_36 {offsets = [15, 0, 0], sizes = [1, 16, 1536], strides = [1, 1, 1]} : vector<16x16x1536xf32> to vector<1x16x1536xf32>
    %squeeze3A_92 = vector.shape_cast %slice3A_91 : vector<1x16x1536xf32> to vector<16x1536xf32>
    %convert_element_type3A_93 = arith.truncf %get3A_54 : vector<16x512xf32> to vector<16x512xbf16>
    %dot_general3A_94 = arith.constant dense<0.000000e+00> : vector<16x1536xf32>
    %dot_general3A_95 = tpu.matmul %convert_element_type3A_93, %get3A_42, %dot_general3A_94 {dimension_numbers = #tpu.dot_dimension_numbers<[1], [0], [0], [1], [0, 0, 1, 1], [], []>, transpose_lhs_hint = false} : vector<16x512xbf16>, vector<512x1536xbf16>, vector<16x1536xf32> -> vector<16x1536xf32>
    %add3A_96 = vector.broadcast %get3A_48 : vector<1x1536xf32> to vector<16x1536xf32>
    %add3A_97 = arith.addf %dot_general3A_95, %add3A_96 : vector<16x1536xf32>
    %slice3A_98 = vector.extract_strided_slice %squeeze3A_92 {offsets = [0, 0], sizes = [16, 512], strides = [1, 1]} : vector<16x1536xf32> to vector<16x512xf32>
    %slice3A_99 = vector.extract_strided_slice %squeeze3A_92 {offsets = [0, 512], sizes = [16, 512], strides = [1, 1]} : vector<16x1536xf32> to vector<16x512xf32>
    %slice3A_100 = vector.extract_strided_slice %squeeze3A_92 {offsets = [0, 1024], sizes = [16, 512], strides = [1, 1]} : vector<16x1536xf32> to vector<16x512xf32>
    %slice3A_101 = vector.extract_strided_slice %add3A_97 {offsets = [0, 0], sizes = [16, 512], strides = [1, 1]} : vector<16x1536xf32> to vector<16x512xf32>
    %slice3A_102 = vector.extract_strided_slice %add3A_97 {offsets = [0, 512], sizes = [16, 512], strides = [1, 1]} : vector<16x1536xf32> to vector<16x512xf32>
    %slice3A_103 = vector.extract_strided_slice %add3A_97 {offsets = [0, 1024], sizes = [16, 512], strides = [1, 1]} : vector<16x1536xf32> to vector<16x512xf32>
    %add3A_104 = arith.addf %slice3A_98, %slice3A_101 : vector<16x512xf32>
    %logistic3A_105 = arith.negf %add3A_104 : vector<16x512xf32>
    %logistic3A_106 = math.exp %logistic3A_105 : vector<16x512xf32>
    %logistic3A_107 = arith.constant 1.000000e+00 : f32
    %logistic3A_108 = vector.broadcast %logistic3A_107 : f32 to vector<16x512xf32>
    %logistic3A_109 = arith.addf %logistic3A_108, %logistic3A_106 : vector<16x512xf32>
    %logistic3A_110 = arith.divf %logistic3A_108, %logistic3A_109 : vector<16x512xf32>
    %add3A_111 = arith.addf %slice3A_99, %slice3A_102 : vector<16x512xf32>
    %logistic3A_112 = arith.negf %add3A_111 : vector<16x512xf32>
    %logistic3A_113 = math.exp %logistic3A_112 : vector<16x512xf32>
    %logistic3A_114 = arith.constant 1.000000e+00 : f32
    %logistic3A_115 = vector.broadcast %logistic3A_114 : f32 to vector<16x512xf32>
    %logistic3A_116 = arith.addf %logistic3A_115, %logistic3A_113 : vector<16x512xf32>
    %logistic3A_117 = arith.divf %logistic3A_115, %logistic3A_116 : vector<16x512xf32>
    %mul3A_118 = arith.mulf %logistic3A_110, %slice3A_103 : vector<16x512xf32>
    %add3A_119 = arith.addf %slice3A_100, %mul3A_118 : vector<16x512xf32>
    %tanh3A_120 = math.tanh %add3A_119 : vector<16x512xf32>
    %sub3A_121 = arith.constant 1.000000e+00 : f32
    %sub3A_122 = vector.broadcast %sub3A_121 : f32 to vector<16x512xf32>
    %sub3A_123 = arith.subf %sub3A_122, %logistic3A_117 : vector<16x512xf32>
    %mul3A_124 = arith.mulf %sub3A_123, %tanh3A_120 : vector<16x512xf32>
    %mul3A_125 = arith.mulf %logistic3A_117, %get3A_54 : vector<16x512xf32>
    %add3A_126 = arith.addf %mul3A_124, %mul3A_125 : vector<16x512xf32>
    %convert_element_type3A_127 = arith.truncf %add3A_126 : vector<16x512xf32> to vector<16x512xbf16>
    %swap3A_128 = arith.constant 15 : index
    %swap3A_129 = arith.constant 0 : index
    %swap3A_130 = arith.constant 0 : index
    %swap3A_131 = vector.load %arg14[%swap3A_128, %swap3A_129, %swap3A_130] : memref<16x16x512xbf16, #tpu.memory_space<vmem>>, vector<1x16x512xbf16>
    %swap3A_132 = vector.shape_cast %swap3A_131 : vector<1x16x512xbf16> to vector<16x512xbf16>
    %swap3A_133 = vector.shape_cast %convert_element_type3A_127 : vector<16x512xbf16> to vector<1x16x512xbf16>
    tpu.vector_store %arg14[%swap3A_128, %swap3A_129, %swap3A_130], %swap3A_133 {strides = array<i32>} : memref<16x16x512xbf16, #tpu.memory_space<vmem>>, vector<1x16x512xbf16>,
    %slice3A_134 = vector.extract_strided_slice %reshape3A_19 {offsets = [1, 0, 0], sizes = [1, 16, 1536], strides = [1, 1, 1]} : vector<16x16x1536xf32> to vector<1x16x1536xf32>
    %squeeze3A_135 = vector.shape_cast %slice3A_134 : vector<1x16x1536xf32> to vector<16x1536xf32>
    %convert_element_type3A_136 = arith.truncf %add3A_84 : vector<16x512xf32> to vector<16x512xbf16>
    %dot_general3A_137 = arith.constant dense<0.000000e+00> : vector<16x1536xf32>
    %dot_general3A_138 = tpu.matmul %convert_element_type3A_136, %get3A_39, %dot_general3A_137 {dimension_numbers = #tpu.dot_dimension_numbers<[1], [0], [0], [1], [0, 0, 1, 1], [], []>, transpose_lhs_hint = false} : vector<16x512xbf16>, vector<512x1536xbf16>, vector<16x1536xf32> -> vector<16x1536xf32>
    %add3A_139 = vector.broadcast %get3A_45 : vector<1x1536xf32> to vector<16x1536xf32>
    %add3A_140 = arith.addf %dot_general3A_138, %add3A_139 : vector<16x1536xf32>
    %slice3A_141 = vector.extract_strided_slice %squeeze3A_135 {offsets = [0, 0], sizes = [16, 512], strides = [1, 1]} : vector<16x1536xf32> to vector<16x512xf32>
    %slice3A_142 = vector.extract_strided_slice %squeeze3A_135 {offsets = [0, 512], sizes = [16, 512], strides = [1, 1]} : vector<16x1536xf32> to vector<16x512xf32>
    %slice3A_143 = vector.extract_strided_slice %squeeze3A_135 {offsets = [0, 1024], sizes = [16, 512], strides = [1, 1]} : vector<16x1536xf32> to vector<16x512xf32>
    %slice3A_144 = vector.extract_strided_slice %add3A_140 {offsets = [0, 0], sizes = [16, 512], strides = [1, 1]} : vector<16x1536xf32> to vector<16x512xf32>
    %slice3A_145 = vector.extract_strided_slice %add3A_140 {offsets = [0, 512], sizes = [16, 512], strides = [1, 1]} : vector<16x1536xf32> to vector<16x512xf32>
    %slice3A_146 = vector.extract_strided_slice %add3A_140 {offsets = [0, 1024], sizes = [16, 512], strides = [1, 1]} : vector<16x1536xf32> to vector<16x512xf32>
    %add3A_147 = arith.addf %slice3A_141, %slice3A_144 : vector<16x512xf32>
    %logistic3A_148 = arith.negf %add3A_147 : vector<16x512xf32>
    %logistic3A_149 = math.exp %logistic3A_148 : vector<16x512xf32>
    %logistic3A_150 = arith.constant 1.000000e+00 : f32
    %logistic3A_151 = vector.broadcast %logistic3A_150 : f32 to vector<16x512xf32>
    %logistic3A_152 = arith.addf %logistic3A_151, %logistic3A_149 : vector<16x512xf32>
    %logistic3A_153 = arith.divf %logistic3A_151, %logistic3A_152 : vector<16x512xf32>
    %add3A_154 = arith.addf %slice3A_142, %slice3A_145 : vector<16x512xf32>
    %logistic3A_155 = arith.negf %add3A_154 : vector<16x512xf32>
    %logistic3A_156 = math.exp %logistic3A_155 : vector<16x512xf32>
    %logistic3A_157 = arith.constant 1.000000e+00 : f32
    %logistic3A_158 = vector.broadcast %logistic3A_157 : f32 to vector<16x512xf32>
    %logistic3A_159 = arith.addf %logistic3A_158, %logistic3A_156 : vector<16x512xf32>
    %logistic3A_160 = arith.divf %logistic3A_158, %logistic3A_159 : vector<16x512xf32>
    %mul3A_161 = arith.mulf %logistic3A_153, %slice3A_146 : vector<16x512xf32>
    %add3A_162 = arith.addf %slice3A_143, %mul3A_161 : vector<16x512xf32>
    %tanh3A_163 = math.tanh %add3A_162 : vector<16x512xf32>
    %sub3A_164 = arith.constant 1.000000e+00 : f32
    %sub3A_165 = vector.broadcast %sub3A_164 : f32 to vector<16x512xf32>
    %sub3A_166 = arith.subf %sub3A_165, %logistic3A_160 : vector<16x512xf32>
    %mul3A_167 = arith.mulf %sub3A_166, %tanh3A_163 : vector<16x512xf32>
    %mul3A_168 = arith.mulf %logistic3A_160, %add3A_84 : vector<16x512xf32>
    %add3A_169 = arith.addf %mul3A_167, %mul3A_168 : vector<16x512xf32>
    %convert_element_type3A_170 = arith.truncf %add3A_169 : vector<16x512xf32> to vector<16x512xbf16>
    %swap3A_171 = arith.constant 1 : index
    %swap3A_172 = arith.constant 0 : index
    %swap3A_173 = arith.constant 0 : index
    %swap3A_174 = vector.load %arg13[%swap3A_171, %swap3A_172, %swap3A_173] : memref<16x16x512xbf16, #tpu.memory_space<vmem>>, vector<1x16x512xbf16>
    %swap3A_175 = vector.shape_cast %swap3A_174 : vector<1x16x512xbf16> to vector<16x512xbf16>
    %swap3A_176 = vector.shape_cast %convert_element_type3A_170 : vector<16x512xbf16> to vector<1x16x512xbf16>
    tpu.vector_store %arg13[%swap3A_171, %swap3A_172, %swap3A_173], %swap3A_176 {strides = array<i32>} : memref<16x16x512xbf16, #tpu.memory_space<vmem>>, vector<1x16x512xbf16>,
    %slice3A_177 = vector.extract_strided_slice %reshape3A_36 {offsets = [14, 0, 0], sizes = [1, 16, 1536], strides = [1, 1, 1]} : vector<16x16x1536xf32> to vector<1x16x1536xf32>
    %squeeze3A_178 = vector.shape_cast %slice3A_177 : vector<1x16x1536xf32> to vector<16x1536xf32>
    %convert_element_type3A_179 = arith.truncf %add3A_126 : vector<16x512xf32> to vector<16x512xbf16>
    %dot_general3A_180 = arith.constant dense<0.000000e+00> : vector<16x1536xf32>
    %dot_general3A_181 = tpu.matmul %convert_element_type3A_179, %get3A_42, %dot_general3A_180 {dimension_numbers = #tpu.dot_dimension_numbers<[1], [0], [0], [1], [0, 0, 1, 1], [], []>, transpose_lhs_hint = false} : vector<16x512xbf16>, vector<512x1536xbf16>, vector<16x1536xf32> -> vector<16x1536xf32>
    %add3A_182 = vector.broadcast %get3A_48 : vector<1x1536xf32> to vector<16x1536xf32>
    %add3A_183 = arith.addf %dot_general3A_181, %add3A_182 : vector<16x1536xf32>
    %slice3A_184 = vector.extract_strided_slice %squeeze3A_178 {offsets = [0, 0], sizes = [16, 512], strides = [1, 1]} : vector<16x1536xf32> to vector<16x512xf32>
    %slice3A_185 = vector.extract_strided_slice %squeeze3A_178 {offsets = [0, 512], sizes = [16, 512], strides = [1, 1]} : vector<16x1536xf32> to vector<16x512xf32>
    %slice3A_186 = vector.extract_strided_slice %squeeze3A_178 {offsets = [0, 1024], sizes = [16, 512], strides = [1, 1]} : vector<16x1536xf32> to vector<16x512xf32>
    %slice3A_187 = vector.extract_strided_slice %add3A_183 {offsets = [0, 0], sizes = [16, 512], strides = [1, 1]} : vector<16x1536xf32> to vector<16x512xf32>
    %slice3A_188 = vector.extract_strided_slice %add3A_183 {offsets = [0, 512], sizes = [16, 512], strides = [1, 1]} : vector<16x1536xf32> to vector<16x512xf32>
    %slice3A_189 = vector.extract_strided_slice %add3A_183 {offsets = [0, 1024], sizes = [16, 512], strides = [1, 1]} : vector<16x1536xf32> to vector<16x512xf32>
    %add3A_190 = arith.addf %slice3A_184, %slice3A_187 : vector<16x512xf32>
    %logistic3A_191 = arith.negf %add3A_190 : vector<16x512xf32>
    %logistic3A_192 = math.exp %logistic3A_191 : vector<16x512xf32>
    %logistic3A_193 = arith.constant 1.000000e+00 : f32
    %logistic3A_194 = vector.broadcast %logistic3A_193 : f32 to vector<16x512xf32>
    %logistic3A_195 = arith.addf %logistic3A_194, %logistic3A_192 : vector<16x512xf32>
    %logistic3A_196 = arith.divf %logistic3A_194, %logistic3A_195 : vector<16x512xf32>
    %add3A_197 = arith.addf %slice3A_185, %slice3A_188 : vector<16x512xf32>
    %logistic3A_198 = arith.negf %add3A_197 : vector<16x512xf32>
    %logistic3A_199 = math.exp %logistic3A_198 : vector<16x512xf32>
    %logistic3A_200 = arith.constant 1.000000e+00 : f32
    %logistic3A_201 = vector.broadcast %logistic3A_200 : f32 to vector<16x512xf32>
    %logistic3A_202 = arith.addf %logistic3A_201, %logistic3A_199 : vector<16x512xf32>
    %logistic3A_203 = arith.divf %logistic3A_201, %logistic3A_202 : vector<16x512xf32>
    %mul3A_204 = arith.mulf %logistic3A_196, %slice3A_189 : vector<16x512xf32>
    %add3A_205 = arith.addf %slice3A_186, %mul3A_204 : vector<16x512xf32>
    %tanh3A_206 = math.tanh %add3A_205 : vector<16x512xf32>
    %sub3A_207 = arith.constant 1.000000e+00 : f32
    %sub3A_208 = vector.broadcast %sub3A_207 : f32 to vector<16x512xf32>
    %sub3A_209 = arith.subf %sub3A_208, %logistic3A_203 : vector<16x512xf32>
    %mul3A_210 = arith.mulf %sub3A_209, %tanh3A_206 : vector<16x512xf32>
    %mul3A_211 = arith.mulf %logistic3A_203, %add3A_126 : vector<16x512xf32>
    %add3A_212 = arith.addf %mul3A_210, %mul3A_211 : vector<16x512xf32>
    %convert_element_type3A_213 = arith.truncf %add3A_212 : vector<16x512xf32> to vector<16x512xbf16>
    %swap3A_214 = arith.constant 14 : index
    %swap3A_215 = arith.constant 0 : index
    %swap3A_216 = arith.constant 0 : index
    %swap3A_217 = vector.load %arg14[%swap3A_214, %swap3A_215, %swap3A_216] : memref<16x16x512xbf16, #tpu.memory_space<vmem>>, vector<1x16x512xbf16>
    %swap3A_218 = vector.shape_cast %swap3A_217 : vector<1x16x512xbf16> to vector<16x512xbf16>
    %swap3A_219 = vector.shape_cast %convert_element_type3A_213 : vector<16x512xbf16> to vector<1x16x512xbf16>
    tpu.vector_store %arg14[%swap3A_214, %swap3A_215, %swap3A_216], %swap3A_219 {strides = array<i32>} : memref<16x16x512xbf16, #tpu.memory_space<vmem>>, vector<1x16x512xbf16>,
    %slice3A_220 = vector.extract_strided_slice %reshape3A_19 {offsets = [2, 0, 0], sizes = [1, 16, 1536], strides = [1, 1, 1]} : vector<16x16x1536xf32> to vector<1x16x1536xf32>
    %squeeze3A_221 = vector.shape_cast %slice3A_220 : vector<1x16x1536xf32> to vector<16x1536xf32>
    %convert_element_type3A_222 = arith.truncf %add3A_169 : vector<16x512xf32> to vector<16x512xbf16>
    %dot_general3A_223 = arith.constant dense<0.000000e+00> : vector<16x1536xf32>
    %dot_general3A_224 = tpu.matmul %convert_element_type3A_222, %get3A_39, %dot_general3A_223 {dimension_numbers = #tpu.dot_dimension_numbers<[1], [0], [0], [1], [0, 0, 1, 1], [], []>, transpose_lhs_hint = false} : vector<16x512xbf16>, vector<512x1536xbf16>, vector<16x1536xf32> -> vector<16x1536xf32>
    %add3A_225 = vector.broadcast %get3A_45 : vector<1x1536xf32> to vector<16x1536xf32>
    %add3A_226 = arith.addf %dot_general3A_224, %add3A_225 : vector<16x1536xf32>
    %slice3A_227 = vector.extract_strided_slice %squeeze3A_221 {offsets = [0, 0], sizes = [16, 512], strides = [1, 1]} : vector<16x1536xf32> to vector<16x512xf32>
    %slice3A_228 = vector.extract_strided_slice %squeeze3A_221 {offsets = [0, 512], sizes = [16, 512], strides = [1, 1]} : vector<16x1536xf32> to vector<16x512xf32>
    %slice3A_229 = vector.extract_strided_slice %squeeze3A_221 {offsets = [0, 1024], sizes = [16, 512], strides = [1, 1]} : vector<16x1536xf32> to vector<16x512xf32>
    %slice3A_230 = vector.extract_strided_slice %add3A_226 {offsets = [0, 0], sizes = [16, 512], strides = [1, 1]} : vector<16x1536xf32> to vector<16x512xf32>
    %slice3A_231 = vector.extract_strided_slice %add3A_226 {offsets = [0, 512], sizes = [16, 512], strides = [1, 1]} : vector<16x1536xf32> to vector<16x512xf32>
    %slice3A_232 = vector.extract_strided_slice %add3A_226 {offsets = [0, 1024], sizes = [16, 512], strides = [1, 1]} : vector<16x1536xf32> to vector<16x512xf32>
    %add3A_233 = arith.addf %slice3A_227, %slice3A_230 : vector<16x512xf32>
    %logistic3A_234 = arith.negf %add3A_233 : vector<16x512xf32>
    %logistic3A_235 = math.exp %logistic3A_234 : vector<16x512xf32>
    %logistic3A_236 = arith.constant 1.000000e+00 : f32
    %logistic3A_237 = vector.broadcast %logistic3A_236 : f32 to vector<16x512xf32>
    %logistic3A_238 = arith.addf %logistic3A_237, %logistic3A_235 : vector<16x512xf32>
    %logistic3A_239 = arith.divf %logistic3A_237, %logistic3A_238 : vector<16x512xf32>
    %add3A_240 = arith.addf %slice3A_228, %slice3A_231 : vector<16x512xf32>
    %logistic3A_241 = arith.negf %add3A_240 : vector<16x512xf32>
    %logistic3A_242 = math.exp %logistic3A_241 : vector<16x512xf32>
    %logistic3A_243 = arith.constant 1.000000e+00 : f32
    %logistic3A_244 = vector.broadcast %logistic3A_243 : f32 to vector<16x512xf32>
    %logistic3A_245 = arith.addf %logistic3A_244, %logistic3A_242 : vector<16x512xf32>
    %logistic3A_246 = arith.divf %logistic3A_244, %logistic3A_245 : vector<16x512xf32>
    %mul3A_247 = arith.mulf %logistic3A_239, %slice3A_232 : vector<16x512xf32>
    %add3A_248 = arith.addf %slice3A_229, %mul3A_247 : vector<16x512xf32>
    %tanh3A_249 = math.tanh %add3A_248 : vector<16x512xf32>
    %sub3A_250 = arith.constant 1.000000e+00 : f32
    %sub3A_251 = vector.broadcast %sub3A_250 : f32 to vector<16x512xf32>
    %sub3A_252 = arith.subf %sub3A_251, %logistic3A_246 : vector<16x512xf32>
    %mul3A_253 = arith.mulf %sub3A_252, %tanh3A_249 : vector<16x512xf32>
    %mul3A_254 = arith.mulf %logistic3A_246, %add3A_169 : vector<16x512xf32>
    %add3A_255 = arith.addf %mul3A_253, %mul3A_254 : vector<16x512xf32>
    %convert_element_type3A_256 = arith.truncf %add3A_255 : vector<16x512xf32> to vector<16x512xbf16>
    %swap3A_257 = arith.constant 2 : index
    %swap3A_258 = arith.constant 0 : index
    %swap3A_259 = arith.constant 0 : index
    %swap3A_260 = vector.load %arg13[%swap3A_257, %swap3A_258, %swap3A_259] : memref<16x16x512xbf16, #tpu.memory_space<vmem>>, vector<1x16x512xbf16>
    %swap3A_261 = vector.shape_cast %swap3A_260 : vector<1x16x512xbf16> to vector<16x512xbf16>
    %swap3A_262 = vector.shape_cast %convert_element_type3A_256 : vector<16x512xbf16> to vector<1x16x512xbf16>
    tpu.vector_store %arg13[%swap3A_257, %swap3A_258, %swap3A_259], %swap3A_262 {strides = array<i32>} : memref<16x16x512xbf16, #tpu.memory_space<vmem>>, vector<1x16x512xbf16>,
    %slice3A_263 = vector.extract_strided_slice %reshape3A_36 {offsets = [13, 0, 0], sizes = [1, 16, 1536], strides = [1, 1, 1]} : vector<16x16x1536xf32> to vector<1x16x1536xf32>
    %squeeze3A_264 = vector.shape_cast %slice3A_263 : vector<1x16x1536xf32> to vector<16x1536xf32>
    %convert_element_type3A_265 = arith.truncf %add3A_212 : vector<16x512xf32> to vector<16x512xbf16>
    %dot_general3A_266 = arith.constant dense<0.000000e+00> : vector<16x1536xf32>
    %dot_general3A_267 = tpu.matmul %convert_element_type3A_265, %get3A_42, %dot_general3A_266 {dimension_numbers = #tpu.dot_dimension_numbers<[1], [0], [0], [1], [0, 0, 1, 1], [], []>, transpose_lhs_hint = false} : vector<16x512xbf16>, vector<512x1536xbf16>, vector<16x1536xf32> -> vector<16x1536xf32>
    %add3A_268 = vector.broadcast %get3A_48 : vector<1x1536xf32> to vector<16x1536xf32>
    %add3A_269 = arith.addf %dot_general3A_267, %add3A_268 : vector<16x1536xf32>
    %slice3A_270 = vector.extract_strided_slice %squeeze3A_264 {offsets = [0, 0], sizes = [16, 512], strides = [1, 1]} : vector<16x1536xf32> to vector<16x512xf32>
    %slice3A_271 = vector.extract_strided_slice %squeeze3A_264 {offsets = [0, 512], sizes = [16, 512], strides = [1, 1]} : vector<16x1536xf32> to vector<16x512xf32>
    %slice3A_272 = vector.extract_strided_slice %squeeze3A_264 {offsets = [0, 1024], sizes = [16, 512], strides = [1, 1]} : vector<16x1536xf32> to vector<16x512xf32>
    %slice3A_273 = vector.extract_strided_slice %add3A_269 {offsets = [0, 0], sizes = [16, 512], strides = [1, 1]} : vector<16x1536xf32> to vector<16x512xf32>
    %slice3A_274 = vector.extract_strided_slice %add3A_269 {offsets = [0, 512], sizes = [16, 512], strides = [1, 1]} : vector<16x1536xf32> to vector<16x512xf32>
    %slice3A_275 = vector.extract_strided_slice %add3A_269 {offsets = [0, 1024], sizes = [16, 512], strides = [1, 1]} : vector<16x1536xf32> to vector<16x512xf32>
    %add3A_276 = arith.addf %slice3A_270, %slice3A_273 : vector<16x512xf32>
    %logistic3A_277 = arith.negf %add3A_276 : vector<16x512xf32>
    %logistic3A_278 = math.exp %logistic3A_277 : vector<16x512xf32>
    %logistic3A_279 = arith.constant 1.000000e+00 : f32
    %logistic3A_280 = vector.broadcast %logistic3A_279 : f32 to vector<16x512xf32>
    %logistic3A_281 = arith.addf %logistic3A_280, %logistic3A_278 : vector<16x512xf32>
    %logistic3A_282 = arith.divf %logistic3A_280, %logistic3A_281 : vector<16x512xf32>
    %add3A_283 = arith.addf %slice3A_271, %slice3A_274 : vector<16x512xf32>
    %logistic3A_284 = arith.negf %add3A_283 : vector<16x512xf32>
    %logistic3A_285 = math.exp %logistic3A_284 : vector<16x512xf32>
    %logistic3A_286 = arith.constant 1.000000e+00 : f32
    %logistic3A_287 = vector.broadcast %logistic3A_286 : f32 to vector<16x512xf32>
    %logistic3A_288 = arith.addf %logistic3A_287, %logistic3A_285 : vector<16x512xf32>
    %logistic3A_289 = arith.divf %logistic3A_287, %logistic3A_288 : vector<16x512xf32>
    %mul3A_290 = arith.mulf %logistic3A_282, %slice3A_275 : vector<16x512xf32>
    %add3A_291 = arith.addf %slice3A_272, %mul3A_290 : vector<16x512xf32>
    %tanh3A_292 = math.tanh %add3A_291 : vector<16x512xf32>
    %sub3A_293 = arith.constant 1.000000e+00 : f32
    %sub3A_294 = vector.broadcast %sub3A_293 : f32 to vector<16x512xf32>
    %sub3A_295 = arith.subf %sub3A_294, %logistic3A_289 : vector<16x512xf32>
    %mul3A_296 = arith.mulf %sub3A_295, %tanh3A_292 : vector<16x512xf32>
    %mul3A_297 = arith.mulf %logistic3A_289, %add3A_212 : vector<16x512xf32>
    %add3A_298 = arith.addf %mul3A_296, %mul3A_297 : vector<16x512xf32>
    %convert_element_type3A_299 = arith.truncf %add3A_298 : vector<16x512xf32> to vector<16x512xbf16>
    %swap3A_300 = arith.constant 13 : index
    %swap3A_301 = arith.constant 0 : index
    %swap3A_302 = arith.constant 0 : index
    %swap3A_303 = vector.load %arg14[%swap3A_300, %swap3A_301, %swap3A_302] : memref<16x16x512xbf16, #tpu.memory_space<vmem>>, vector<1x16x512xbf16>
    %swap3A_304 = vector.shape_cast %swap3A_303 : vector<1x16x512xbf16> to vector<16x512xbf16>
    %swap3A_305 = vector.shape_cast %convert_element_type3A_299 : vector<16x512xbf16> to vector<1x16x512xbf16>
    tpu.vector_store %arg14[%swap3A_300, %swap3A_301, %swap3A_302], %swap3A_305 {strides = array<i32>} : memref<16x16x512xbf16, #tpu.memory_space<vmem>>, vector<1x16x512xbf16>,
    %slice3A_306 = vector.extract_strided_slice %reshape3A_19 {offsets = [3, 0, 0], sizes = [1, 16, 1536], strides = [1, 1, 1]} : vector<16x16x1536xf32> to vector<1x16x1536xf32>
    %squeeze3A_307 = vector.shape_cast %slice3A_306 : vector<1x16x1536xf32> to vector<16x1536xf32>
    %convert_element_type3A_308 = arith.truncf %add3A_255 : vector<16x512xf32> to vector<16x512xbf16>
    %dot_general3A_309 = arith.constant dense<0.000000e+00> : vector<16x1536xf32>
    %dot_general3A_310 = tpu.matmul %convert_element_type3A_308, %get3A_39, %dot_general3A_309 {dimension_numbers = #tpu.dot_dimension_numbers<[1], [0], [0], [1], [0, 0, 1, 1], [], []>, transpose_lhs_hint = false} : vector<16x512xbf16>, vector<512x1536xbf16>, vector<16x1536xf32> -> vector<16x1536xf32>
    %add3A_311 = vector.broadcast %get3A_45 : vector<1x1536xf32> to vector<16x1536xf32>
    %add3A_312 = arith.addf %dot_general3A_310, %add3A_311 : vector<16x1536xf32>
    %slice3A_313 = vector.extract_strided_slice %squeeze3A_307 {offsets = [0, 0], sizes = [16, 512], strides = [1, 1]} : vector<16x1536xf32> to vector<16x512xf32>
    %slice3A_314 = vector.extract_strided_slice %squeeze3A_307 {offsets = [0, 512], sizes = [16, 512], strides = [1, 1]} : vector<16x1536xf32> to vector<16x512xf32>
    %slice3A_315 = vector.extract_strided_slice %squeeze3A_307 {offsets = [0, 1024], sizes = [16, 512], strides = [1, 1]} : vector<16x1536xf32> to vector<16x512xf32>
    %slice3A_316 = vector.extract_strided_slice %add3A_312 {offsets = [0, 0], sizes = [16, 512], strides = [1, 1]} : vector<16x1536xf32> to vector<16x512xf32>
    %slice3A_317 = vector.extract_strided_slice %add3A_312 {offsets = [0, 512], sizes = [16, 512], strides = [1, 1]} : vector<16x1536xf32> to vector<16x512xf32>
    %slice3A_318 = vector.extract_strided_slice %add3A_312 {offsets = [0, 1024], sizes = [16, 512], strides = [1, 1]} : vector<16x1536xf32> to vector<16x512xf32>
    %add3A_319 = arith.addf %slice3A_313, %slice3A_316 : vector<16x512xf32>
    %logistic3A_320 = arith.negf %add3A_319 : vector<16x512xf32>
    %logistic3A_321 = math.exp %logistic3A_320 : vector<16x512xf32>
    %logistic3A_322 = arith.constant 1.000000e+00 : f32
    %logistic3A_323 = vector.broadcast %logistic3A_322 : f32 to vector<16x512xf32>
    %logistic3A_324 = arith.addf %logistic3A_323, %logistic3A_321 : vector<16x512xf32>
    %logistic3A_325 = arith.divf %logistic3A_323, %logistic3A_324 : vector<16x512xf32>
    %add3A_326 = arith.addf %slice3A_314, %slice3A_317 : vector<16x512xf32>
    %logistic3A_327 = arith.negf %add3A_326 : vector<16x512xf32>
    %logistic3A_328 = math.exp %logistic3A_327 : vector<16x512xf32>
    %logistic3A_329 = arith.constant 1.000000e+00 : f32
    %logistic3A_330 = vector.broadcast %logistic3A_329 : f32 to vector<16x512xf32>
    %logistic3A_331 = arith.addf %logistic3A_330, %logistic3A_328 : vector<16x512xf32>
    %logistic3A_332 = arith.divf %logistic3A_330, %logistic3A_331 : vector<16x512xf32>
    %mul3A_333 = arith.mulf %logistic3A_325, %slice3A_318 : vector<16x512xf32>
    %add3A_334 = arith.addf %slice3A_315, %mul3A_333 : vector<16x512xf32>
    %tanh3A_335 = math.tanh %add3A_334 : vector<16x512xf32>
    %sub3A_336 = arith.constant 1.000000e+00 : f32
    %sub3A_337 = vector.broadcast %sub3A_336 : f32 to vector<16x512xf32>
    %sub3A_338 = arith.subf %sub3A_337, %logistic3A_332 : vector<16x512xf32>
    %mul3A_339 = arith.mulf %sub3A_338, %tanh3A_335 : vector<16x512xf32>
    %mul3A_340 = arith.mulf %logistic3A_332, %add3A_255 : vector<16x512xf32>
    %add3A_341 = arith.addf %mul3A_339, %mul3A_340 : vector<16x512xf32>
    %convert_element_type3A_342 = arith.truncf %add3A_341 : vector<16x512xf32> to vector<16x512xbf16>
    %swap3A_343 = arith.constant 3 : index
    %swap3A_344 = arith.constant 0 : index
    %swap3A_345 = arith.constant 0 : index
    %swap3A_346 = vector.load %arg13[%swap3A_343, %swap3A_344, %swap3A_345] : memref<16x16x512xbf16, #tpu.memory_space<vmem>>, vector<1x16x512xbf16>
    %swap3A_347 = vector.shape_cast %swap3A_346 : vector<1x16x512xbf16> to vector<16x512xbf16>
    %swap3A_348 = vector.shape_cast %convert_element_type3A_342 : vector<16x512xbf16> to vector<1x16x512xbf16>
    tpu.vector_store %arg13[%swap3A_343, %swap3A_344, %swap3A_345], %swap3A_348 {strides = array<i32>} : memref<16x16x512xbf16, #tpu.memory_space<vmem>>, vector<1x16x512xbf16>,
    %slice3A_349 = vector.extract_strided_slice %reshape3A_36 {offsets = [12, 0, 0], sizes = [1, 16, 1536], strides = [1, 1, 1]} : vector<16x16x1536xf32> to vector<1x16x1536xf32>
    %squeeze3A_350 = vector.shape_cast %slice3A_349 : vector<1x16x1536xf32> to vector<16x1536xf32>
    %convert_element_type3A_351 = arith.truncf %add3A_298 : vector<16x512xf32> to vector<16x512xbf16>
    %dot_general3A_352 = arith.constant dense<0.000000e+00> : vector<16x1536xf32>
    %dot_general3A_353 = tpu.matmul %convert_element_type3A_351, %get3A_42, %dot_general3A_352 {dimension_numbers = #tpu.dot_dimension_numbers<[1], [0], [0], [1], [0, 0, 1, 1], [], []>, transpose_lhs_hint = false} : vector<16x512xbf16>, vector<512x1536xbf16>, vector<16x1536xf32> -> vector<16x1536xf32>
    %add3A_354 = vector.broadcast %get3A_48 : vector<1x1536xf32> to vector<16x1536xf32>
    %add3A_355 = arith.addf %dot_general3A_353, %add3A_354 : vector<16x1536xf32>
    %slice3A_356 = vector.extract_strided_slice %squeeze3A_350 {offsets = [0, 0], sizes = [16, 512], strides = [1, 1]} : vector<16x1536xf32> to vector<16x512xf32>
    %slice3A_357 = vector.extract_strided_slice %squeeze3A_350 {offsets = [0, 512], sizes = [16, 512], strides = [1, 1]} : vector<16x1536xf32> to vector<16x512xf32>
    %slice3A_358 = vector.extract_strided_slice %squeeze3A_350 {offsets = [0, 1024], sizes = [16, 512], strides = [1, 1]} : vector<16x1536xf32> to vector<16x512xf32>
    %slice3A_359 = vector.extract_strided_slice %add3A_355 {offsets = [0, 0], sizes = [16, 512], strides = [1, 1]} : vector<16x1536xf32> to vector<16x512xf32>
    %slice3A_360 = vector.extract_strided_slice %add3A_355 {offsets = [0, 512], sizes = [16, 512], strides = [1, 1]} : vector<16x1536xf32> to vector<16x512xf32>
    %slice3A_361 = vector.extract_strided_slice %add3A_355 {offsets = [0, 1024], sizes = [16, 512], strides = [1, 1]} : vector<16x1536xf32> to vector<16x512xf32>
    %add3A_362 = arith.addf %slice3A_356, %slice3A_359 : vector<16x512xf32>
    %logistic3A_363 = arith.negf %add3A_362 : vector<16x512xf32>
    %logistic3A_364 = math.exp %logistic3A_363 : vector<16x512xf32>
    %logistic3A_365 = arith.constant 1.000000e+00 : f32
    %logistic3A_366 = vector.broadcast %logistic3A_365 : f32 to vector<16x512xf32>
    %logistic3A_367 = arith.addf %logistic3A_366, %logistic3A_364 : vector<16x512xf32>
    %logistic3A_368 = arith.divf %logistic3A_366, %logistic3A_367 : vector<16x512xf32>
    %add3A_369 = arith.addf %slice3A_357, %slice3A_360 : vector<16x512xf32>
    %logistic3A_370 = arith.negf %add3A_369 : vector<16x512xf32>
    %logistic3A_371 = math.exp %logistic3A_370 : vector<16x512xf32>
    %logistic3A_372 = arith.constant 1.000000e+00 : f32
    %logistic3A_373 = vector.broadcast %logistic3A_372 : f32 to vector<16x512xf32>
    %logistic3A_374 = arith.addf %logistic3A_373, %logistic3A_371 : vector<16x512xf32>
    %logistic3A_375 = arith.divf %logistic3A_373, %logistic3A_374 : vector<16x512xf32>
    %mul3A_376 = arith.mulf %logistic3A_368, %slice3A_361 : vector<16x512xf32>
    %add3A_377 = arith.addf %slice3A_358, %mul3A_376 : vector<16x512xf32>
    %tanh3A_378 = math.tanh %add3A_377 : vector<16x512xf32>
    %sub3A_379 = arith.constant 1.000000e+00 : f32
    %sub3A_380 = vector.broadcast %sub3A_379 : f32 to vector<16x512xf32>
    %sub3A_381 = arith.subf %sub3A_380, %logistic3A_375 : vector<16x512xf32>
    %mul3A_382 = arith.mulf %sub3A_381, %tanh3A_378 : vector<16x512xf32>
    %mul3A_383 = arith.mulf %logistic3A_375, %add3A_298 : vector<16x512xf32>
    %add3A_384 = arith.addf %mul3A_382, %mul3A_383 : vector<16x512xf32>
    %convert_element_type3A_385 = arith.truncf %add3A_384 : vector<16x512xf32> to vector<16x512xbf16>
    %swap3A_386 = arith.constant 12 : index
    %swap3A_387 = arith.constant 0 : index
    %swap3A_388 = arith.constant 0 : index
    %swap3A_389 = vector.load %arg14[%swap3A_386, %swap3A_387, %swap3A_388] : memref<16x16x512xbf16, #tpu.memory_space<vmem>>, vector<1x16x512xbf16>
    %swap3A_390 = vector.shape_cast %swap3A_389 : vector<1x16x512xbf16> to vector<16x512xbf16>
    %swap3A_391 = vector.shape_cast %convert_element_type3A_385 : vector<16x512xbf16> to vector<1x16x512xbf16>
    tpu.vector_store %arg14[%swap3A_386, %swap3A_387, %swap3A_388], %swap3A_391 {strides = array<i32>} : memref<16x16x512xbf16, #tpu.memory_space<vmem>>, vector<1x16x512xbf16>,
    %slice3A_392 = vector.extract_strided_slice %reshape3A_19 {offsets = [4, 0, 0], sizes = [1, 16, 1536], strides = [1, 1, 1]} : vector<16x16x1536xf32> to vector<1x16x1536xf32>
    %squeeze3A_393 = vector.shape_cast %slice3A_392 : vector<1x16x1536xf32> to vector<16x1536xf32>
    %convert_element_type3A_394 = arith.truncf %add3A_341 : vector<16x512xf32> to vector<16x512xbf16>
    %dot_general3A_395 = arith.constant dense<0.000000e+00> : vector<16x1536xf32>
    %dot_general3A_396 = tpu.matmul %convert_element_type3A_394, %get3A_39, %dot_general3A_395 {dimension_numbers = #tpu.dot_dimension_numbers<[1], [0], [0], [1], [0, 0, 1, 1], [], []>, transpose_lhs_hint = false} : vector<16x512xbf16>, vector<512x1536xbf16>, vector<16x1536xf32> -> vector<16x1536xf32>
    %add3A_397 = vector.broadcast %get3A_45 : vector<1x1536xf32> to vector<16x1536xf32>
    %add3A_398 = arith.addf %dot_general3A_396, %add3A_397 : vector<16x1536xf32>
    %slice3A_399 = vector.extract_strided_slice %squeeze3A_393 {offsets = [0, 0], sizes = [16, 512], strides = [1, 1]} : vector<16x1536xf32> to vector<16x512xf32>
    %slice3A_400 = vector.extract_strided_slice %squeeze3A_393 {offsets = [0, 512], sizes = [16, 512], strides = [1, 1]} : vector<16x1536xf32> to vector<16x512xf32>
    %slice3A_401 = vector.extract_strided_slice %squeeze3A_393 {offsets = [0, 1024], sizes = [16, 512], strides = [1, 1]} : vector<16x1536xf32> to vector<16x512xf32>
    %slice3A_402 = vector.extract_strided_slice %add3A_398 {offsets = [0, 0], sizes = [16, 512], strides = [1, 1]} : vector<16x1536xf32> to vector<16x512xf32>
    %slice3A_403 = vector.extract_strided_slice %add3A_398 {offsets = [0, 512], sizes = [16, 512], strides = [1, 1]} : vector<16x1536xf32> to vector<16x512xf32>
    %slice3A_404 = vector.extract_strided_slice %add3A_398 {offsets = [0, 1024], sizes = [16, 512], strides = [1, 1]} : vector<16x1536xf32> to vector<16x512xf32>
    %add3A_405 = arith.addf %slice3A_399, %slice3A_402 : vector<16x512xf32>
    %logistic3A_406 = arith.negf %add3A_405 : vector<16x512xf32>
    %logistic3A_407 = math.exp %logistic3A_406 : vector<16x512xf32>
    %logistic3A_408 = arith.constant 1.000000e+00 : f32
    %logistic3A_409 = vector.broadcast %logistic3A_408 : f32 to vector<16x512xf32>
    %logistic3A_410 = arith.addf %logistic3A_409, %logistic3A_407 : vector<16x512xf32>
    %logistic3A_411 = arith.divf %logistic3A_409, %logistic3A_410 : vector<16x512xf32>
    %add3A_412 = arith.addf %slice3A_400, %slice3A_403 : vector<16x512xf32>
    %logistic3A_413 = arith.negf %add3A_412 : vector<16x512xf32>
    %logistic3A_414 = math.exp %logistic3A_413 : vector<16x512xf32>
    %logistic3A_415 = arith.constant 1.000000e+00 : f32
    %logistic3A_416 = vector.broadcast %logistic3A_415 : f32 to vector<16x512xf32>
    %logistic3A_417 = arith.addf %logistic3A_416, %logistic3A_414 : vector<16x512xf32>
    %logistic3A_418 = arith.divf %logistic3A_416, %logistic3A_417 : vector<16x512xf32>
    %mul3A_419 = arith.mulf %logistic3A_411, %slice3A_404 : vector<16x512xf32>
    %add3A_420 = arith.addf %slice3A_401, %mul3A_419 : vector<16x512xf32>
    %tanh3A_421 = math.tanh %add3A_420 : vector<16x512xf32>
    %sub3A_422 = arith.constant 1.000000e+00 : f32
    %sub3A_423 = vector.broadcast %sub3A_422 : f32 to vector<16x512xf32>
    %sub3A_424 = arith.subf %sub3A_423, %logistic3A_418 : vector<16x512xf32>
    %mul3A_425 = arith.mulf %sub3A_424, %tanh3A_421 : vector<16x512xf32>
    %mul3A_426 = arith.mulf %logistic3A_418, %add3A_341 : vector<16x512xf32>
    %add3A_427 = arith.addf %mul3A_425, %mul3A_426 : vector<16x512xf32>
    %convert_element_type3A_428 = arith.truncf %add3A_427 : vector<16x512xf32> to vector<16x512xbf16>
    %swap3A_429 = arith.constant 4 : index
    %swap3A_430 = arith.constant 0 : index
    %swap3A_431 = arith.constant 0 : index
    %swap3A_432 = vector.load %arg13[%swap3A_429, %swap3A_430, %swap3A_431] : memref<16x16x512xbf16, #tpu.memory_space<vmem>>, vector<1x16x512xbf16>
    %swap3A_433 = vector.shape_cast %swap3A_432 : vector<1x16x512xbf16> to vector<16x512xbf16>
    %swap3A_434 = vector.shape_cast %convert_element_type3A_428 : vector<16x512xbf16> to vector<1x16x512xbf16>
    tpu.vector_store %arg13[%swap3A_429, %swap3A_430, %swap3A_431], %swap3A_434 {strides = array<i32>} : memref<16x16x512xbf16, #tpu.memory_space<vmem>>, vector<1x16x512xbf16>,
    %slice3A_435 = vector.extract_strided_slice %reshape3A_36 {offsets = [11, 0, 0], sizes = [1, 16, 1536], strides = [1, 1, 1]} : vector<16x16x1536xf32> to vector<1x16x1536xf32>
    %squeeze3A_436 = vector.shape_cast %slice3A_435 : vector<1x16x1536xf32> to vector<16x1536xf32>
    %convert_element_type3A_437 = arith.truncf %add3A_384 : vector<16x512xf32> to vector<16x512xbf16>
    %dot_general3A_438 = arith.constant dense<0.000000e+00> : vector<16x1536xf32>
    %dot_general3A_439 = tpu.matmul %convert_element_type3A_437, %get3A_42, %dot_general3A_438 {dimension_numbers = #tpu.dot_dimension_numbers<[1], [0], [0], [1], [0, 0, 1, 1], [], []>, transpose_lhs_hint = false} : vector<16x512xbf16>, vector<512x1536xbf16>, vector<16x1536xf32> -> vector<16x1536xf32>
    %add3A_440 = vector.broadcast %get3A_48 : vector<1x1536xf32> to vector<16x1536xf32>
    %add3A_441 = arith.addf %dot_general3A_439, %add3A_440 : vector<16x1536xf32>
    %slice3A_442 = vector.extract_strided_slice %squeeze3A_436 {offsets = [0, 0], sizes = [16, 512], strides = [1, 1]} : vector<16x1536xf32> to vector<16x512xf32>
    %slice3A_443 = vector.extract_strided_slice %squeeze3A_436 {offsets = [0, 512], sizes = [16, 512], strides = [1, 1]} : vector<16x1536xf32> to vector<16x512xf32>
    %slice3A_444 = vector.extract_strided_slice %squeeze3A_436 {offsets = [0, 1024], sizes = [16, 512], strides = [1, 1]} : vector<16x1536xf32> to vector<16x512xf32>
    %slice3A_445 = vector.extract_strided_slice %add3A_441 {offsets = [0, 0], sizes = [16, 512], strides = [1, 1]} : vector<16x1536xf32> to vector<16x512xf32>
    %slice3A_446 = vector.extract_strided_slice %add3A_441 {offsets = [0, 512], sizes = [16, 512], strides = [1, 1]} : vector<16x1536xf32> to vector<16x512xf32>
    %slice3A_447 = vector.extract_strided_slice %add3A_441 {offsets = [0, 1024], sizes = [16, 512], strides = [1, 1]} : vector<16x1536xf32> to vector<16x512xf32>
    %add3A_448 = arith.addf %slice3A_442, %slice3A_445 : vector<16x512xf32>
    %logistic3A_449 = arith.negf %add3A_448 : vector<16x512xf32>
    %logistic3A_450 = math.exp %logistic3A_449 : vector<16x512xf32>
    %logistic3A_451 = arith.constant 1.000000e+00 : f32
    %logistic3A_452 = vector.broadcast %logistic3A_451 : f32 to vector<16x512xf32>
    %logistic3A_453 = arith.addf %logistic3A_452, %logistic3A_450 : vector<16x512xf32>
    %logistic3A_454 = arith.divf %logistic3A_452, %logistic3A_453 : vector<16x512xf32>
    %add3A_455 = arith.addf %slice3A_443, %slice3A_446 : vector<16x512xf32>
    %logistic3A_456 = arith.negf %add3A_455 : vector<16x512xf32>
    %logistic3A_457 = math.exp %logistic3A_456 : vector<16x512xf32>
    %logistic3A_458 = arith.constant 1.000000e+00 : f32
    %logistic3A_459 = vector.broadcast %logistic3A_458 : f32 to vector<16x512xf32>
    %logistic3A_460 = arith.addf %logistic3A_459, %logistic3A_457 : vector<16x512xf32>
    %logistic3A_461 = arith.divf %logistic3A_459, %logistic3A_460 : vector<16x512xf32>
    %mul3A_462 = arith.mulf %logistic3A_454, %slice3A_447 : vector<16x512xf32>
    %add3A_463 = arith.addf %slice3A_444, %mul3A_462 : vector<16x512xf32>
    %tanh3A_464 = math.tanh %add3A_463 : vector<16x512xf32>
    %sub3A_465 = arith.constant 1.000000e+00 : f32
    %sub3A_466 = vector.broadcast %sub3A_465 : f32 to vector<16x512xf32>
    %sub3A_467 = arith.subf %sub3A_466, %logistic3A_461 : vector<16x512xf32>
    %mul3A_468 = arith.mulf %sub3A_467, %tanh3A_464 : vector<16x512xf32>
    %mul3A_469 = arith.mulf %logistic3A_461, %add3A_384 : vector<16x512xf32>
    %add3A_470 = arith.addf %mul3A_468, %mul3A_469 : vector<16x512xf32>
    %convert_element_type3A_471 = arith.truncf %add3A_470 : vector<16x512xf32> to vector<16x512xbf16>
    %swap3A_472 = arith.constant 11 : index
    %swap3A_473 = arith.constant 0 : index
    %swap3A_474 = arith.constant 0 : index
    %swap3A_475 = vector.load %arg14[%swap3A_472, %swap3A_473, %swap3A_474] : memref<16x16x512xbf16, #tpu.memory_space<vmem>>, vector<1x16x512xbf16>
    %swap3A_476 = vector.shape_cast %swap3A_475 : vector<1x16x512xbf16> to vector<16x512xbf16>
    %swap3A_477 = vector.shape_cast %convert_element_type3A_471 : vector<16x512xbf16> to vector<1x16x512xbf16>
    tpu.vector_store %arg14[%swap3A_472, %swap3A_473, %swap3A_474], %swap3A_477 {strides = array<i32>} : memref<16x16x512xbf16, #tpu.memory_space<vmem>>, vector<1x16x512xbf16>,
    %slice3A_478 = vector.extract_strided_slice %reshape3A_19 {offsets = [5, 0, 0], sizes = [1, 16, 1536], strides = [1, 1, 1]} : vector<16x16x1536xf32> to vector<1x16x1536xf32>
    %squeeze3A_479 = vector.shape_cast %slice3A_478 : vector<1x16x1536xf32> to vector<16x1536xf32>
    %convert_element_type3A_480 = arith.truncf %add3A_427 : vector<16x512xf32> to vector<16x512xbf16>
    %dot_general3A_481 = arith.constant dense<0.000000e+00> : vector<16x1536xf32>
    %dot_general3A_482 = tpu.matmul %convert_element_type3A_480, %get3A_39, %dot_general3A_481 {dimension_numbers = #tpu.dot_dimension_numbers<[1], [0], [0], [1], [0, 0, 1, 1], [], []>, transpose_lhs_hint = false} : vector<16x512xbf16>, vector<512x1536xbf16>, vector<16x1536xf32> -> vector<16x1536xf32>
    %add3A_483 = vector.broadcast %get3A_45 : vector<1x1536xf32> to vector<16x1536xf32>
    %add3A_484 = arith.addf %dot_general3A_482, %add3A_483 : vector<16x1536xf32>
    %slice3A_485 = vector.extract_strided_slice %squeeze3A_479 {offsets = [0, 0], sizes = [16, 512], strides = [1, 1]} : vector<16x1536xf32> to vector<16x512xf32>
    %slice3A_486 = vector.extract_strided_slice %squeeze3A_479 {offsets = [0, 512], sizes = [16, 512], strides = [1, 1]} : vector<16x1536xf32> to vector<16x512xf32>
    %slice3A_487 = vector.extract_strided_slice %squeeze3A_479 {offsets = [0, 1024], sizes = [16, 512], strides = [1, 1]} : vector<16x1536xf32> to vector<16x512xf32>
    %slice3A_488 = vector.extract_strided_slice %add3A_484 {offsets = [0, 0], sizes = [16, 512], strides = [1, 1]} : vector<16x1536xf32> to vector<16x512xf32>
    %slice3A_489 = vector.extract_strided_slice %add3A_484 {offsets = [0, 512], sizes = [16, 512], strides = [1, 1]} : vector<16x1536xf32> to vector<16x512xf32>
    %slice3A_490 = vector.extract_strided_slice %add3A_484 {offsets = [0, 1024], sizes = [16, 512], strides = [1, 1]} : vector<16x1536xf32> to vector<16x512xf32>
    %add3A_491 = arith.addf %slice3A_485, %slice3A_488 : vector<16x512xf32>
    %logistic3A_492 = arith.negf %add3A_491 : vector<16x512xf32>
    %logistic3A_493 = math.exp %logistic3A_492 : vector<16x512xf32>
    %logistic3A_494 = arith.constant 1.000000e+00 : f32
    %logistic3A_495 = vector.broadcast %logistic3A_494 : f32 to vector<16x512xf32>
    %logistic3A_496 = arith.addf %logistic3A_495, %logistic3A_493 : vector<16x512xf32>
    %logistic3A_497 = arith.divf %logistic3A_495, %logistic3A_496 : vector<16x512xf32>
    %add3A_498 = arith.addf %slice3A_486, %slice3A_489 : vector<16x512xf32>
    %logistic3A_499 = arith.negf %add3A_498 : vector<16x512xf32>
    %logistic3A_500 = math.exp %logistic3A_499 : vector<16x512xf32>
    %logistic3A_501 = arith.constant 1.000000e+00 : f32
    %logistic3A_502 = vector.broadcast %logistic3A_501 : f32 to vector<16x512xf32>
    %logistic3A_503 = arith.addf %logistic3A_502, %logistic3A_500 : vector<16x512xf32>
    %logistic3A_504 = arith.divf %logistic3A_502, %logistic3A_503 : vector<16x512xf32>
    %mul3A_505 = arith.mulf %logistic3A_497, %slice3A_490 : vector<16x512xf32>
    %add3A_506 = arith.addf %slice3A_487, %mul3A_505 : vector<16x512xf32>
    %tanh3A_507 = math.tanh %add3A_506 : vector<16x512xf32>
    %sub3A_508 = arith.constant 1.000000e+00 : f32
    %sub3A_509 = vector.broadcast %sub3A_508 : f32 to vector<16x512xf32>
    %sub3A_510 = arith.subf %sub3A_509, %logistic3A_504 : vector<16x512xf32>
    %mul3A_511 = arith.mulf %sub3A_510, %tanh3A_507 : vector<16x512xf32>
    %mul3A_512 = arith.mulf %logistic3A_504, %add3A_427 : vector<16x512xf32>
    %add3A_513 = arith.addf %mul3A_511, %mul3A_512 : vector<16x512xf32>
    %convert_element_type3A_514 = arith.truncf %add3A_513 : vector<16x512xf32> to vector<16x512xbf16>
    %swap3A_515 = arith.constant 5 : index
    %swap3A_516 = arith.constant 0 : index
    %swap3A_517 = arith.constant 0 : index
    %swap3A_518 = vector.load %arg13[%swap3A_515, %swap3A_516, %swap3A_517] : memref<16x16x512xbf16, #tpu.memory_space<vmem>>, vector<1x16x512xbf16>
    %swap3A_519 = vector.shape_cast %swap3A_518 : vector<1x16x512xbf16> to vector<16x512xbf16>
    %swap3A_520 = vector.shape_cast %convert_element_type3A_514 : vector<16x512xbf16> to vector<1x16x512xbf16>
    tpu.vector_store %arg13[%swap3A_515, %swap3A_516, %swap3A_517], %swap3A_520 {strides = array<i32>} : memref<16x16x512xbf16, #tpu.memory_space<vmem>>, vector<1x16x512xbf16>,
    %slice3A_521 = vector.extract_strided_slice %reshape3A_36 {offsets = [10, 0, 0], sizes = [1, 16, 1536], strides = [1, 1, 1]} : vector<16x16x1536xf32> to vector<1x16x1536xf32>
    %squeeze3A_522 = vector.shape_cast %slice3A_521 : vector<1x16x1536xf32> to vector<16x1536xf32>
    %convert_element_type3A_523 = arith.truncf %add3A_470 : vector<16x512xf32> to vector<16x512xbf16>
    %dot_general3A_524 = arith.constant dense<0.000000e+00> : vector<16x1536xf32>
    %dot_general3A_525 = tpu.matmul %convert_element_type3A_523, %get3A_42, %dot_general3A_524 {dimension_numbers = #tpu.dot_dimension_numbers<[1], [0], [0], [1], [0, 0, 1, 1], [], []>, transpose_lhs_hint = false} : vector<16x512xbf16>, vector<512x1536xbf16>, vector<16x1536xf32> -> vector<16x1536xf32>
    %add3A_526 = vector.broadcast %get3A_48 : vector<1x1536xf32> to vector<16x1536xf32>
    %add3A_527 = arith.addf %dot_general3A_525, %add3A_526 : vector<16x1536xf32>
    %slice3A_528 = vector.extract_strided_slice %squeeze3A_522 {offsets = [0, 0], sizes = [16, 512], strides = [1, 1]} : vector<16x1536xf32> to vector<16x512xf32>
    %slice3A_529 = vector.extract_strided_slice %squeeze3A_522 {offsets = [0, 512], sizes = [16, 512], strides = [1, 1]} : vector<16x1536xf32> to vector<16x512xf32>
    %slice3A_530 = vector.extract_strided_slice %squeeze3A_522 {offsets = [0, 1024], sizes = [16, 512], strides = [1, 1]} : vector<16x1536xf32> to vector<16x512xf32>
    %slice3A_531 = vector.extract_strided_slice %add3A_527 {offsets = [0, 0], sizes = [16, 512], strides = [1, 1]} : vector<16x1536xf32> to vector<16x512xf32>
    %slice3A_532 = vector.extract_strided_slice %add3A_527 {offsets = [0, 512], sizes = [16, 512], strides = [1, 1]} : vector<16x1536xf32> to vector<16x512xf32>
    %slice3A_533 = vector.extract_strided_slice %add3A_527 {offsets = [0, 1024], sizes = [16, 512], strides = [1, 1]} : vector<16x1536xf32> to vector<16x512xf32>
    %add3A_534 = arith.addf %slice3A_528, %slice3A_531 : vector<16x512xf32>
    %logistic3A_535 = arith.negf %add3A_534 : vector<16x512xf32>
    %logistic3A_536 = math.exp %logistic3A_535 : vector<16x512xf32>
    %logistic3A_537 = arith.constant 1.000000e+00 : f32
    %logistic3A_538 = vector.broadcast %logistic3A_537 : f32 to vector<16x512xf32>
    %logistic3A_539 = arith.addf %logistic3A_538, %logistic3A_536 : vector<16x512xf32>
    %logistic3A_540 = arith.divf %logistic3A_538, %logistic3A_539 : vector<16x512xf32>
    %add3A_541 = arith.addf %slice3A_529, %slice3A_532 : vector<16x512xf32>
    %logistic3A_542 = arith.negf %add3A_541 : vector<16x512xf32>
    %logistic3A_543 = math.exp %logistic3A_542 : vector<16x512xf32>
    %logistic3A_544 = arith.constant 1.000000e+00 : f32
    %logistic3A_545 = vector.broadcast %logistic3A_544 : f32 to vector<16x512xf32>
    %logistic3A_546 = arith.addf %logistic3A_545, %logistic3A_543 : vector<16x512xf32>
    %logistic3A_547 = arith.divf %logistic3A_545, %logistic3A_546 : vector<16x512xf32>
    %mul3A_548 = arith.mulf %logistic3A_540, %slice3A_533 : vector<16x512xf32>
    %add3A_549 = arith.addf %slice3A_530, %mul3A_548 : vector<16x512xf32>
    %tanh3A_550 = math.tanh %add3A_549 : vector<16x512xf32>
    %sub3A_551 = arith.constant 1.000000e+00 : f32
    %sub3A_552 = vector.broadcast %sub3A_551 : f32 to vector<16x512xf32>
    %sub3A_553 = arith.subf %sub3A_552, %logistic3A_547 : vector<16x512xf32>
    %mul3A_554 = arith.mulf %sub3A_553, %tanh3A_550 : vector<16x512xf32>
    %mul3A_555 = arith.mulf %logistic3A_547, %add3A_470 : vector<16x512xf32>
    %add3A_556 = arith.addf %mul3A_554, %mul3A_555 : vector<16x512xf32>
    %convert_element_type3A_557 = arith.truncf %add3A_556 : vector<16x512xf32> to vector<16x512xbf16>
    %swap3A_558 = arith.constant 10 : index
    %swap3A_559 = arith.constant 0 : index
    %swap3A_560 = arith.constant 0 : index
    %swap3A_561 = vector.load %arg14[%swap3A_558, %swap3A_559, %swap3A_560] : memref<16x16x512xbf16, #tpu.memory_space<vmem>>, vector<1x16x512xbf16>
    %swap3A_562 = vector.shape_cast %swap3A_561 : vector<1x16x512xbf16> to vector<16x512xbf16>
    %swap3A_563 = vector.shape_cast %convert_element_type3A_557 : vector<16x512xbf16> to vector<1x16x512xbf16>
    tpu.vector_store %arg14[%swap3A_558, %swap3A_559, %swap3A_560], %swap3A_563 {strides = array<i32>} : memref<16x16x512xbf16, #tpu.memory_space<vmem>>, vector<1x16x512xbf16>,
    %slice3A_564 = vector.extract_strided_slice %reshape3A_19 {offsets = [6, 0, 0], sizes = [1, 16, 1536], strides = [1, 1, 1]} : vector<16x16x1536xf32> to vector<1x16x1536xf32>
    %squeeze3A_565 = vector.shape_cast %slice3A_564 : vector<1x16x1536xf32> to vector<16x1536xf32>
    %convert_element_type3A_566 = arith.truncf %add3A_513 : vector<16x512xf32> to vector<16x512xbf16>
    %dot_general3A_567 = arith.constant dense<0.000000e+00> : vector<16x1536xf32>
    %dot_general3A_568 = tpu.matmul %convert_element_type3A_566, %get3A_39, %dot_general3A_567 {dimension_numbers = #tpu.dot_dimension_numbers<[1], [0], [0], [1], [0, 0, 1, 1], [], []>, transpose_lhs_hint = false} : vector<16x512xbf16>, vector<512x1536xbf16>, vector<16x1536xf32> -> vector<16x1536xf32>
    %add3A_569 = vector.broadcast %get3A_45 : vector<1x1536xf32> to vector<16x1536xf32>
    %add3A_570 = arith.addf %dot_general3A_568, %add3A_569 : vector<16x1536xf32>
    %slice3A_571 = vector.extract_strided_slice %squeeze3A_565 {offsets = [0, 0], sizes = [16, 512], strides = [1, 1]} : vector<16x1536xf32> to vector<16x512xf32>
    %slice3A_572 = vector.extract_strided_slice %squeeze3A_565 {offsets = [0, 512], sizes = [16, 512], strides = [1, 1]} : vector<16x1536xf32> to vector<16x512xf32>
    %slice3A_573 = vector.extract_strided_slice %squeeze3A_565 {offsets = [0, 1024], sizes = [16, 512], strides = [1, 1]} : vector<16x1536xf32> to vector<16x512xf32>
    %slice3A_574 = vector.extract_strided_slice %add3A_570 {offsets = [0, 0], sizes = [16, 512], strides = [1, 1]} : vector<16x1536xf32> to vector<16x512xf32>
    %slice3A_575 = vector.extract_strided_slice %add3A_570 {offsets = [0, 512], sizes = [16, 512], strides = [1, 1]} : vector<16x1536xf32> to vector<16x512xf32>
    %slice3A_576 = vector.extract_strided_slice %add3A_570 {offsets = [0, 1024], sizes = [16, 512], strides = [1, 1]} : vector<16x1536xf32> to vector<16x512xf32>
    %add3A_577 = arith.addf %slice3A_571, %slice3A_574 : vector<16x512xf32>
    %logistic3A_578 = arith.negf %add3A_577 : vector<16x512xf32>
    %logistic3A_579 = math.exp %logistic3A_578 : vector<16x512xf32>
    %logistic3A_580 = arith.constant 1.000000e+00 : f32
    %logistic3A_581 = vector.broadcast %logistic3A_580 : f32 to vector<16x512xf32>
    %logistic3A_582 = arith.addf %logistic3A_581, %logistic3A_579 : vector<16x512xf32>
    %logistic3A_583 = arith.divf %logistic3A_581, %logistic3A_582 : vector<16x512xf32>
    %add3A_584 = arith.addf %slice3A_572, %slice3A_575 : vector<16x512xf32>
    %logistic3A_585 = arith.negf %add3A_584 : vector<16x512xf32>
    %logistic3A_586 = math.exp %logistic3A_585 : vector<16x512xf32>
    %logistic3A_587 = arith.constant 1.000000e+00 : f32
    %logistic3A_588 = vector.broadcast %logistic3A_587 : f32 to vector<16x512xf32>
    %logistic3A_589 = arith.addf %logistic3A_588, %logistic3A_586 : vector<16x512xf32>
    %logistic3A_590 = arith.divf %logistic3A_588, %logistic3A_589 : vector<16x512xf32>
    %mul3A_591 = arith.mulf %logistic3A_583, %slice3A_576 : vector<16x512xf32>
    %add3A_592 = arith.addf %slice3A_573, %mul3A_591 : vector<16x512xf32>
    %tanh3A_593 = math.tanh %add3A_592 : vector<16x512xf32>
    %sub3A_594 = arith.constant 1.000000e+00 : f32
    %sub3A_595 = vector.broadcast %sub3A_594 : f32 to vector<16x512xf32>
    %sub3A_596 = arith.subf %sub3A_595, %logistic3A_590 : vector<16x512xf32>
    %mul3A_597 = arith.mulf %sub3A_596, %tanh3A_593 : vector<16x512xf32>
    %mul3A_598 = arith.mulf %logistic3A_590, %add3A_513 : vector<16x512xf32>
    %add3A_599 = arith.addf %mul3A_597, %mul3A_598 : vector<16x512xf32>
    %convert_element_type3A_600 = arith.truncf %add3A_599 : vector<16x512xf32> to vector<16x512xbf16>
    %swap3A_601 = arith.constant 6 : index
    %swap3A_602 = arith.constant 0 : index
    %swap3A_603 = arith.constant 0 : index
    %swap3A_604 = vector.load %arg13[%swap3A_601, %swap3A_602, %swap3A_603] : memref<16x16x512xbf16, #tpu.memory_space<vmem>>, vector<1x16x512xbf16>
    %swap3A_605 = vector.shape_cast %swap3A_604 : vector<1x16x512xbf16> to vector<16x512xbf16>
    %swap3A_606 = vector.shape_cast %convert_element_type3A_600 : vector<16x512xbf16> to vector<1x16x512xbf16>
    tpu.vector_store %arg13[%swap3A_601, %swap3A_602, %swap3A_603], %swap3A_606 {strides = array<i32>} : memref<16x16x512xbf16, #tpu.memory_space<vmem>>, vector<1x16x512xbf16>,
    %slice3A_607 = vector.extract_strided_slice %reshape3A_36 {offsets = [9, 0, 0], sizes = [1, 16, 1536], strides = [1, 1, 1]} : vector<16x16x1536xf32> to vector<1x16x1536xf32>
    %squeeze3A_608 = vector.shape_cast %slice3A_607 : vector<1x16x1536xf32> to vector<16x1536xf32>
    %convert_element_type3A_609 = arith.truncf %add3A_556 : vector<16x512xf32> to vector<16x512xbf16>
    %dot_general3A_610 = arith.constant dense<0.000000e+00> : vector<16x1536xf32>
    %dot_general3A_611 = tpu.matmul %convert_element_type3A_609, %get3A_42, %dot_general3A_610 {dimension_numbers = #tpu.dot_dimension_numbers<[1], [0], [0], [1], [0, 0, 1, 1], [], []>, transpose_lhs_hint = false} : vector<16x512xbf16>, vector<512x1536xbf16>, vector<16x1536xf32> -> vector<16x1536xf32>
    %add3A_612 = vector.broadcast %get3A_48 : vector<1x1536xf32> to vector<16x1536xf32>
    %add3A_613 = arith.addf %dot_general3A_611, %add3A_612 : vector<16x1536xf32>
    %slice3A_614 = vector.extract_strided_slice %squeeze3A_608 {offsets = [0, 0], sizes = [16, 512], strides = [1, 1]} : vector<16x1536xf32> to vector<16x512xf32>
    %slice3A_615 = vector.extract_strided_slice %squeeze3A_608 {offsets = [0, 512], sizes = [16, 512], strides = [1, 1]} : vector<16x1536xf32> to vector<16x512xf32>
    %slice3A_616 = vector.extract_strided_slice %squeeze3A_608 {offsets = [0, 1024], sizes = [16, 512], strides = [1, 1]} : vector<16x1536xf32> to vector<16x512xf32>
    %slice3A_617 = vector.extract_strided_slice %add3A_613 {offsets = [0, 0], sizes = [16, 512], strides = [1, 1]} : vector<16x1536xf32> to vector<16x512xf32>
    %slice3A_618 = vector.extract_strided_slice %add3A_613 {offsets = [0, 512], sizes = [16, 512], strides = [1, 1]} : vector<16x1536xf32> to vector<16x512xf32>
    %slice3A_619 = vector.extract_strided_slice %add3A_613 {offsets = [0, 1024], sizes = [16, 512], strides = [1, 1]} : vector<16x1536xf32> to vector<16x512xf32>
    %add3A_620 = arith.addf %slice3A_614, %slice3A_617 : vector<16x512xf32>
    %logistic3A_621 = arith.negf %add3A_620 : vector<16x512xf32>
    %logistic3A_622 = math.exp %logistic3A_621 : vector<16x512xf32>
    %logistic3A_623 = arith.constant 1.000000e+00 : f32
    %logistic3A_624 = vector.broadcast %logistic3A_623 : f32 to vector<16x512xf32>
    %logistic3A_625 = arith.addf %logistic3A_624, %logistic3A_622 : vector<16x512xf32>
    %logistic3A_626 = arith.divf %logistic3A_624, %logistic3A_625 : vector<16x512xf32>
    %add3A_627 = arith.addf %slice3A_615, %slice3A_618 : vector<16x512xf32>
    %logistic3A_628 = arith.negf %add3A_627 : vector<16x512xf32>
    %logistic3A_629 = math.exp %logistic3A_628 : vector<16x512xf32>
    %logistic3A_630 = arith.constant 1.000000e+00 : f32
    %logistic3A_631 = vector.broadcast %logistic3A_630 : f32 to vector<16x512xf32>
    %logistic3A_632 = arith.addf %logistic3A_631, %logistic3A_629 : vector<16x512xf32>
    %logistic3A_633 = arith.divf %logistic3A_631, %logistic3A_632 : vector<16x512xf32>
    %mul3A_634 = arith.mulf %logistic3A_626, %slice3A_619 : vector<16x512xf32>
    %add3A_635 = arith.addf %slice3A_616, %mul3A_634 : vector<16x512xf32>
    %tanh3A_636 = math.tanh %add3A_635 : vector<16x512xf32>
    %sub3A_637 = arith.constant 1.000000e+00 : f32
    %sub3A_638 = vector.broadcast %sub3A_637 : f32 to vector<16x512xf32>
    %sub3A_639 = arith.subf %sub3A_638, %logistic3A_633 : vector<16x512xf32>
    %mul3A_640 = arith.mulf %sub3A_639, %tanh3A_636 : vector<16x512xf32>
    %mul3A_641 = arith.mulf %logistic3A_633, %add3A_556 : vector<16x512xf32>
    %add3A_642 = arith.addf %mul3A_640, %mul3A_641 : vector<16x512xf32>
    %convert_element_type3A_643 = arith.truncf %add3A_642 : vector<16x512xf32> to vector<16x512xbf16>
    %swap3A_644 = arith.constant 9 : index
    %swap3A_645 = arith.constant 0 : index
    %swap3A_646 = arith.constant 0 : index
    %swap3A_647 = vector.load %arg14[%swap3A_644, %swap3A_645, %swap3A_646] : memref<16x16x512xbf16, #tpu.memory_space<vmem>>, vector<1x16x512xbf16>
    %swap3A_648 = vector.shape_cast %swap3A_647 : vector<1x16x512xbf16> to vector<16x512xbf16>
    %swap3A_649 = vector.shape_cast %convert_element_type3A_643 : vector<16x512xbf16> to vector<1x16x512xbf16>
    tpu.vector_store %arg14[%swap3A_644, %swap3A_645, %swap3A_646], %swap3A_649 {strides = array<i32>} : memref<16x16x512xbf16, #tpu.memory_space<vmem>>, vector<1x16x512xbf16>,
    %slice3A_650 = vector.extract_strided_slice %reshape3A_19 {offsets = [7, 0, 0], sizes = [1, 16, 1536], strides = [1, 1, 1]} : vector<16x16x1536xf32> to vector<1x16x1536xf32>
    %squeeze3A_651 = vector.shape_cast %slice3A_650 : vector<1x16x1536xf32> to vector<16x1536xf32>
    %convert_element_type3A_652 = arith.truncf %add3A_599 : vector<16x512xf32> to vector<16x512xbf16>
    %dot_general3A_653 = arith.constant dense<0.000000e+00> : vector<16x1536xf32>
    %dot_general3A_654 = tpu.matmul %convert_element_type3A_652, %get3A_39, %dot_general3A_653 {dimension_numbers = #tpu.dot_dimension_numbers<[1], [0], [0], [1], [0, 0, 1, 1], [], []>, transpose_lhs_hint = false} : vector<16x512xbf16>, vector<512x1536xbf16>, vector<16x1536xf32> -> vector<16x1536xf32>
    %add3A_655 = vector.broadcast %get3A_45 : vector<1x1536xf32> to vector<16x1536xf32>
    %add3A_656 = arith.addf %dot_general3A_654, %add3A_655 : vector<16x1536xf32>
    %slice3A_657 = vector.extract_strided_slice %squeeze3A_651 {offsets = [0, 0], sizes = [16, 512], strides = [1, 1]} : vector<16x1536xf32> to vector<16x512xf32>
    %slice3A_658 = vector.extract_strided_slice %squeeze3A_651 {offsets = [0, 512], sizes = [16, 512], strides = [1, 1]} : vector<16x1536xf32> to vector<16x512xf32>
    %slice3A_659 = vector.extract_strided_slice %squeeze3A_651 {offsets = [0, 1024], sizes = [16, 512], strides = [1, 1]} : vector<16x1536xf32> to vector<16x512xf32>
    %slice3A_660 = vector.extract_strided_slice %add3A_656 {offsets = [0, 0], sizes = [16, 512], strides = [1, 1]} : vector<16x1536xf32> to vector<16x512xf32>
    %slice3A_661 = vector.extract_strided_slice %add3A_656 {offsets = [0, 512], sizes = [16, 512], strides = [1, 1]} : vector<16x1536xf32> to vector<16x512xf32>
    %slice3A_662 = vector.extract_strided_slice %add3A_656 {offsets = [0, 1024], sizes = [16, 512], strides = [1, 1]} : vector<16x1536xf32> to vector<16x512xf32>
    %add3A_663 = arith.addf %slice3A_657, %slice3A_660 : vector<16x512xf32>
    %logistic3A_664 = arith.negf %add3A_663 : vector<16x512xf32>
    %logistic3A_665 = math.exp %logistic3A_664 : vector<16x512xf32>
    %logistic3A_666 = arith.constant 1.000000e+00 : f32
    %logistic3A_667 = vector.broadcast %logistic3A_666 : f32 to vector<16x512xf32>
    %logistic3A_668 = arith.addf %logistic3A_667, %logistic3A_665 : vector<16x512xf32>
    %logistic3A_669 = arith.divf %logistic3A_667, %logistic3A_668 : vector<16x512xf32>
    %add3A_670 = arith.addf %slice3A_658, %slice3A_661 : vector<16x512xf32>
    %logistic3A_671 = arith.negf %add3A_670 : vector<16x512xf32>
    %logistic3A_672 = math.exp %logistic3A_671 : vector<16x512xf32>
    %logistic3A_673 = arith.constant 1.000000e+00 : f32
    %logistic3A_674 = vector.broadcast %logistic3A_673 : f32 to vector<16x512xf32>
    %logistic3A_675 = arith.addf %logistic3A_674, %logistic3A_672 : vector<16x512xf32>
    %logistic3A_676 = arith.divf %logistic3A_674, %logistic3A_675 : vector<16x512xf32>
    %mul3A_677 = arith.mulf %logistic3A_669, %slice3A_662 : vector<16x512xf32>
    %add3A_678 = arith.addf %slice3A_659, %mul3A_677 : vector<16x512xf32>
    %tanh3A_679 = math.tanh %add3A_678 : vector<16x512xf32>
    %sub3A_680 = arith.constant 1.000000e+00 : f32
    %sub3A_681 = vector.broadcast %sub3A_680 : f32 to vector<16x512xf32>
    %sub3A_682 = arith.subf %sub3A_681, %logistic3A_676 : vector<16x512xf32>
    %mul3A_683 = arith.mulf %sub3A_682, %tanh3A_679 : vector<16x512xf32>
    %mul3A_684 = arith.mulf %logistic3A_676, %add3A_599 : vector<16x512xf32>
    %add3A_685 = arith.addf %mul3A_683, %mul3A_684 : vector<16x512xf32>
    %convert_element_type3A_686 = arith.truncf %add3A_685 : vector<16x512xf32> to vector<16x512xbf16>
    %swap3A_687 = arith.constant 7 : index
    %swap3A_688 = arith.constant 0 : index
    %swap3A_689 = arith.constant 0 : index
    %swap3A_690 = vector.load %arg13[%swap3A_687, %swap3A_688, %swap3A_689] : memref<16x16x512xbf16, #tpu.memory_space<vmem>>, vector<1x16x512xbf16>
    %swap3A_691 = vector.shape_cast %swap3A_690 : vector<1x16x512xbf16> to vector<16x512xbf16>
    %swap3A_692 = vector.shape_cast %convert_element_type3A_686 : vector<16x512xbf16> to vector<1x16x512xbf16>
    tpu.vector_store %arg13[%swap3A_687, %swap3A_688, %swap3A_689], %swap3A_692 {strides = array<i32>} : memref<16x16x512xbf16, #tpu.memory_space<vmem>>, vector<1x16x512xbf16>,
    %slice3A_693 = vector.extract_strided_slice %reshape3A_36 {offsets = [8, 0, 0], sizes = [1, 16, 1536], strides = [1, 1, 1]} : vector<16x16x1536xf32> to vector<1x16x1536xf32>
    %squeeze3A_694 = vector.shape_cast %slice3A_693 : vector<1x16x1536xf32> to vector<16x1536xf32>
    %convert_element_type3A_695 = arith.truncf %add3A_642 : vector<16x512xf32> to vector<16x512xbf16>
    %dot_general3A_696 = arith.constant dense<0.000000e+00> : vector<16x1536xf32>
    %dot_general3A_697 = tpu.matmul %convert_element_type3A_695, %get3A_42, %dot_general3A_696 {dimension_numbers = #tpu.dot_dimension_numbers<[1], [0], [0], [1], [0, 0, 1, 1], [], []>, transpose_lhs_hint = false} : vector<16x512xbf16>, vector<512x1536xbf16>, vector<16x1536xf32> -> vector<16x1536xf32>
    %add3A_698 = vector.broadcast %get3A_48 : vector<1x1536xf32> to vector<16x1536xf32>
    %add3A_699 = arith.addf %dot_general3A_697, %add3A_698 : vector<16x1536xf32>
    %slice3A_700 = vector.extract_strided_slice %squeeze3A_694 {offsets = [0, 0], sizes = [16, 512], strides = [1, 1]} : vector<16x1536xf32> to vector<16x512xf32>
    %slice3A_701 = vector.extract_strided_slice %squeeze3A_694 {offsets = [0, 512], sizes = [16, 512], strides = [1, 1]} : vector<16x1536xf32> to vector<16x512xf32>
    %slice3A_702 = vector.extract_strided_slice %squeeze3A_694 {offsets = [0, 1024], sizes = [16, 512], strides = [1, 1]} : vector<16x1536xf32> to vector<16x512xf32>
    %slice3A_703 = vector.extract_strided_slice %add3A_699 {offsets = [0, 0], sizes = [16, 512], strides = [1, 1]} : vector<16x1536xf32> to vector<16x512xf32>
    %slice3A_704 = vector.extract_strided_slice %add3A_699 {offsets = [0, 512], sizes = [16, 512], strides = [1, 1]} : vector<16x1536xf32> to vector<16x512xf32>
    %slice3A_705 = vector.extract_strided_slice %add3A_699 {offsets = [0, 1024], sizes = [16, 512], strides = [1, 1]} : vector<16x1536xf32> to vector<16x512xf32>
    %add3A_706 = arith.addf %slice3A_700, %slice3A_703 : vector<16x512xf32>
    %logistic3A_707 = arith.negf %add3A_706 : vector<16x512xf32>
    %logistic3A_708 = math.exp %logistic3A_707 : vector<16x512xf32>
    %logistic3A_709 = arith.constant 1.000000e+00 : f32
    %logistic3A_710 = vector.broadcast %logistic3A_709 : f32 to vector<16x512xf32>
    %logistic3A_711 = arith.addf %logistic3A_710, %logistic3A_708 : vector<16x512xf32>
    %logistic3A_712 = arith.divf %logistic3A_710, %logistic3A_711 : vector<16x512xf32>
    %add3A_713 = arith.addf %slice3A_701, %slice3A_704 : vector<16x512xf32>
    %logistic3A_714 = arith.negf %add3A_713 : vector<16x512xf32>
    %logistic3A_715 = math.exp %logistic3A_714 : vector<16x512xf32>
    %logistic3A_716 = arith.constant 1.000000e+00 : f32
    %logistic3A_717 = vector.broadcast %logistic3A_716 : f32 to vector<16x512xf32>
    %logistic3A_718 = arith.addf %logistic3A_717, %logistic3A_715 : vector<16x512xf32>
    %logistic3A_719 = arith.divf %logistic3A_717, %logistic3A_718 : vector<16x512xf32>
    %mul3A_720 = arith.mulf %logistic3A_712, %slice3A_705 : vector<16x512xf32>
    %add3A_721 = arith.addf %slice3A_702, %mul3A_720 : vector<16x512xf32>
    %tanh3A_722 = math.tanh %add3A_721 : vector<16x512xf32>
    %sub3A_723 = arith.constant 1.000000e+00 : f32
    %sub3A_724 = vector.broadcast %sub3A_723 : f32 to vector<16x512xf32>
    %sub3A_725 = arith.subf %sub3A_724, %logistic3A_719 : vector<16x512xf32>
    %mul3A_726 = arith.mulf %sub3A_725, %tanh3A_722 : vector<16x512xf32>
    %mul3A_727 = arith.mulf %logistic3A_719, %add3A_642 : vector<16x512xf32>
    %add3A_728 = arith.addf %mul3A_726, %mul3A_727 : vector<16x512xf32>
    %convert_element_type3A_729 = arith.truncf %add3A_728 : vector<16x512xf32> to vector<16x512xbf16>
    %swap3A_730 = arith.constant 8 : index
    %swap3A_731 = arith.constant 0 : index
    %swap3A_732 = arith.constant 0 : index
    %swap3A_733 = vector.load %arg14[%swap3A_730, %swap3A_731, %swap3A_732] : memref<16x16x512xbf16, #tpu.memory_space<vmem>>, vector<1x16x512xbf16>
    %swap3A_734 = vector.shape_cast %swap3A_733 : vector<1x16x512xbf16> to vector<16x512xbf16>
    %swap3A_735 = vector.shape_cast %convert_element_type3A_729 : vector<16x512xbf16> to vector<1x16x512xbf16>
    tpu.vector_store %arg14[%swap3A_730, %swap3A_731, %swap3A_732], %swap3A_735 {strides = array<i32>} : memref<16x16x512xbf16, #tpu.memory_space<vmem>>, vector<1x16x512xbf16>,
    %slice3A_736 = vector.extract_strided_slice %reshape3A_19 {offsets = [8, 0, 0], sizes = [1, 16, 1536], strides = [1, 1, 1]} : vector<16x16x1536xf32> to vector<1x16x1536xf32>
    %squeeze3A_737 = vector.shape_cast %slice3A_736 : vector<1x16x1536xf32> to vector<16x1536xf32>
    %convert_element_type3A_738 = arith.truncf %add3A_685 : vector<16x512xf32> to vector<16x512xbf16>
    %dot_general3A_739 = arith.constant dense<0.000000e+00> : vector<16x1536xf32>
    %dot_general3A_740 = tpu.matmul %convert_element_type3A_738, %get3A_39, %dot_general3A_739 {dimension_numbers = #tpu.dot_dimension_numbers<[1], [0], [0], [1], [0, 0, 1, 1], [], []>, transpose_lhs_hint = false} : vector<16x512xbf16>, vector<512x1536xbf16>, vector<16x1536xf32> -> vector<16x1536xf32>
    %add3A_741 = vector.broadcast %get3A_45 : vector<1x1536xf32> to vector<16x1536xf32>
    %add3A_742 = arith.addf %dot_general3A_740, %add3A_741 : vector<16x1536xf32>
    %slice3A_743 = vector.extract_strided_slice %squeeze3A_737 {offsets = [0, 0], sizes = [16, 512], strides = [1, 1]} : vector<16x1536xf32> to vector<16x512xf32>
    %slice3A_744 = vector.extract_strided_slice %squeeze3A_737 {offsets = [0, 512], sizes = [16, 512], strides = [1, 1]} : vector<16x1536xf32> to vector<16x512xf32>
    %slice3A_745 = vector.extract_strided_slice %squeeze3A_737 {offsets = [0, 1024], sizes = [16, 512], strides = [1, 1]} : vector<16x1536xf32> to vector<16x512xf32>
    %slice3A_746 = vector.extract_strided_slice %add3A_742 {offsets = [0, 0], sizes = [16, 512], strides = [1, 1]} : vector<16x1536xf32> to vector<16x512xf32>
    %slice3A_747 = vector.extract_strided_slice %add3A_742 {offsets = [0, 512], sizes = [16, 512], strides = [1, 1]} : vector<16x1536xf32> to vector<16x512xf32>
    %slice3A_748 = vector.extract_strided_slice %add3A_742 {offsets = [0, 1024], sizes = [16, 512], strides = [1, 1]} : vector<16x1536xf32> to vector<16x512xf32>
    %add3A_749 = arith.addf %slice3A_743, %slice3A_746 : vector<16x512xf32>
    %logistic3A_750 = arith.negf %add3A_749 : vector<16x512xf32>
    %logistic3A_751 = math.exp %logistic3A_750 : vector<16x512xf32>
    %logistic3A_752 = arith.constant 1.000000e+00 : f32
    %logistic3A_753 = vector.broadcast %logistic3A_752 : f32 to vector<16x512xf32>
    %logistic3A_754 = arith.addf %logistic3A_753, %logistic3A_751 : vector<16x512xf32>
    %logistic3A_755 = arith.divf %logistic3A_753, %logistic3A_754 : vector<16x512xf32>
    %add3A_756 = arith.addf %slice3A_744, %slice3A_747 : vector<16x512xf32>
    %logistic3A_757 = arith.negf %add3A_756 : vector<16x512xf32>
    %logistic3A_758 = math.exp %logistic3A_757 : vector<16x512xf32>
    %logistic3A_759 = arith.constant 1.000000e+00 : f32
    %logistic3A_760 = vector.broadcast %logistic3A_759 : f32 to vector<16x512xf32>
    %logistic3A_761 = arith.addf %logistic3A_760, %logistic3A_758 : vector<16x512xf32>
    %logistic3A_762 = arith.divf %logistic3A_760, %logistic3A_761 : vector<16x512xf32>
    %mul3A_763 = arith.mulf %logistic3A_755, %slice3A_748 : vector<16x512xf32>
    %add3A_764 = arith.addf %slice3A_745, %mul3A_763 : vector<16x512xf32>
    %tanh3A_765 = math.tanh %add3A_764 : vector<16x512xf32>
    %sub3A_766 = arith.constant 1.000000e+00 : f32
    %sub3A_767 = vector.broadcast %sub3A_766 : f32 to vector<16x512xf32>
    %sub3A_768 = arith.subf %sub3A_767, %logistic3A_762 : vector<16x512xf32>
    %mul3A_769 = arith.mulf %sub3A_768, %tanh3A_765 : vector<16x512xf32>
    %mul3A_770 = arith.mulf %logistic3A_762, %add3A_685 : vector<16x512xf32>
    %add3A_771 = arith.addf %mul3A_769, %mul3A_770 : vector<16x512xf32>
    %convert_element_type3A_772 = arith.truncf %add3A_771 : vector<16x512xf32> to vector<16x512xbf16>
    %swap3A_773 = arith.constant 8 : index
    %swap3A_774 = arith.constant 0 : index
    %swap3A_775 = arith.constant 0 : index
    %swap3A_776 = vector.load %arg13[%swap3A_773, %swap3A_774, %swap3A_775] : memref<16x16x512xbf16, #tpu.memory_space<vmem>>, vector<1x16x512xbf16>
    %swap3A_777 = vector.shape_cast %swap3A_776 : vector<1x16x512xbf16> to vector<16x512xbf16>
    %swap3A_778 = vector.shape_cast %convert_element_type3A_772 : vector<16x512xbf16> to vector<1x16x512xbf16>
    tpu.vector_store %arg13[%swap3A_773, %swap3A_774, %swap3A_775], %swap3A_778 {strides = array<i32>} : memref<16x16x512xbf16, #tpu.memory_space<vmem>>, vector<1x16x512xbf16>,
    %slice3A_779 = vector.extract_strided_slice %reshape3A_36 {offsets = [7, 0, 0], sizes = [1, 16, 1536], strides = [1, 1, 1]} : vector<16x16x1536xf32> to vector<1x16x1536xf32>
    %squeeze3A_780 = vector.shape_cast %slice3A_779 : vector<1x16x1536xf32> to vector<16x1536xf32>
    %convert_element_type3A_781 = arith.truncf %add3A_728 : vector<16x512xf32> to vector<16x512xbf16>
    %dot_general3A_782 = arith.constant dense<0.000000e+00> : vector<16x1536xf32>
    %dot_general3A_783 = tpu.matmul %convert_element_type3A_781, %get3A_42, %dot_general3A_782 {dimension_numbers = #tpu.dot_dimension_numbers<[1], [0], [0], [1], [0, 0, 1, 1], [], []>, transpose_lhs_hint = false} : vector<16x512xbf16>, vector<512x1536xbf16>, vector<16x1536xf32> -> vector<16x1536xf32>
    %add3A_784 = vector.broadcast %get3A_48 : vector<1x1536xf32> to vector<16x1536xf32>
    %add3A_785 = arith.addf %dot_general3A_783, %add3A_784 : vector<16x1536xf32>
    %slice3A_786 = vector.extract_strided_slice %squeeze3A_780 {offsets = [0, 0], sizes = [16, 512], strides = [1, 1]} : vector<16x1536xf32> to vector<16x512xf32>
    %slice3A_787 = vector.extract_strided_slice %squeeze3A_780 {offsets = [0, 512], sizes = [16, 512], strides = [1, 1]} : vector<16x1536xf32> to vector<16x512xf32>
    %slice3A_788 = vector.extract_strided_slice %squeeze3A_780 {offsets = [0, 1024], sizes = [16, 512], strides = [1, 1]} : vector<16x1536xf32> to vector<16x512xf32>
    %slice3A_789 = vector.extract_strided_slice %add3A_785 {offsets = [0, 0], sizes = [16, 512], strides = [1, 1]} : vector<16x1536xf32> to vector<16x512xf32>
    %slice3A_790 = vector.extract_strided_slice %add3A_785 {offsets = [0, 512], sizes = [16, 512], strides = [1, 1]} : vector<16x1536xf32> to vector<16x512xf32>
    %slice3A_791 = vector.extract_strided_slice %add3A_785 {offsets = [0, 1024], sizes = [16, 512], strides = [1, 1]} : vector<16x1536xf32> to vector<16x512xf32>
    %add3A_792 = arith.addf %slice3A_786, %slice3A_789 : vector<16x512xf32>
    %logistic3A_793 = arith.negf %add3A_792 : vector<16x512xf32>
    %logistic3A_794 = math.exp %logistic3A_793 : vector<16x512xf32>
    %logistic3A_795 = arith.constant 1.000000e+00 : f32
    %logistic3A_796 = vector.broadcast %logistic3A_795 : f32 to vector<16x512xf32>
    %logistic3A_797 = arith.addf %logistic3A_796, %logistic3A_794 : vector<16x512xf32>
    %logistic3A_798 = arith.divf %logistic3A_796, %logistic3A_797 : vector<16x512xf32>
    %add3A_799 = arith.addf %slice3A_787, %slice3A_790 : vector<16x512xf32>
    %logistic3A_800 = arith.negf %add3A_799 : vector<16x512xf32>
    %logistic3A_801 = math.exp %logistic3A_800 : vector<16x512xf32>
    %logistic3A_802 = arith.constant 1.000000e+00 : f32
    %logistic3A_803 = vector.broadcast %logistic3A_802 : f32 to vector<16x512xf32>
    %logistic3A_804 = arith.addf %logistic3A_803, %logistic3A_801 : vector<16x512xf32>
    %logistic3A_805 = arith.divf %logistic3A_803, %logistic3A_804 : vector<16x512xf32>
    %mul3A_806 = arith.mulf %logistic3A_798, %slice3A_791 : vector<16x512xf32>
    %add3A_807 = arith.addf %slice3A_788, %mul3A_806 : vector<16x512xf32>
    %tanh3A_808 = math.tanh %add3A_807 : vector<16x512xf32>
    %sub3A_809 = arith.constant 1.000000e+00 : f32
    %sub3A_810 = vector.broadcast %sub3A_809 : f32 to vector<16x512xf32>
    %sub3A_811 = arith.subf %sub3A_810, %logistic3A_805 : vector<16x512xf32>
    %mul3A_812 = arith.mulf %sub3A_811, %tanh3A_808 : vector<16x512xf32>
    %mul3A_813 = arith.mulf %logistic3A_805, %add3A_728 : vector<16x512xf32>
    %add3A_814 = arith.addf %mul3A_812, %mul3A_813 : vector<16x512xf32>
    %convert_element_type3A_815 = arith.truncf %add3A_814 : vector<16x512xf32> to vector<16x512xbf16>
    %swap3A_816 = arith.constant 7 : index
    %swap3A_817 = arith.constant 0 : index
    %swap3A_818 = arith.constant 0 : index
    %swap3A_819 = vector.load %arg14[%swap3A_816, %swap3A_817, %swap3A_818] : memref<16x16x512xbf16, #tpu.memory_space<vmem>>, vector<1x16x512xbf16>
    %swap3A_820 = vector.shape_cast %swap3A_819 : vector<1x16x512xbf16> to vector<16x512xbf16>
    %swap3A_821 = vector.shape_cast %convert_element_type3A_815 : vector<16x512xbf16> to vector<1x16x512xbf16>
    tpu.vector_store %arg14[%swap3A_816, %swap3A_817, %swap3A_818], %swap3A_821 {strides = array<i32>} : memref<16x16x512xbf16, #tpu.memory_space<vmem>>, vector<1x16x512xbf16>,
    %slice3A_822 = vector.extract_strided_slice %reshape3A_19 {offsets = [9, 0, 0], sizes = [1, 16, 1536], strides = [1, 1, 1]} : vector<16x16x1536xf32> to vector<1x16x1536xf32>
    %squeeze3A_823 = vector.shape_cast %slice3A_822 : vector<1x16x1536xf32> to vector<16x1536xf32>
    %convert_element_type3A_824 = arith.truncf %add3A_771 : vector<16x512xf32> to vector<16x512xbf16>
    %dot_general3A_825 = arith.constant dense<0.000000e+00> : vector<16x1536xf32>
    %dot_general3A_826 = tpu.matmul %convert_element_type3A_824, %get3A_39, %dot_general3A_825 {dimension_numbers = #tpu.dot_dimension_numbers<[1], [0], [0], [1], [0, 0, 1, 1], [], []>, transpose_lhs_hint = false} : vector<16x512xbf16>, vector<512x1536xbf16>, vector<16x1536xf32> -> vector<16x1536xf32>
    %add3A_827 = vector.broadcast %get3A_45 : vector<1x1536xf32> to vector<16x1536xf32>
    %add3A_828 = arith.addf %dot_general3A_826, %add3A_827 : vector<16x1536xf32>
    %slice3A_829 = vector.extract_strided_slice %squeeze3A_823 {offsets = [0, 0], sizes = [16, 512], strides = [1, 1]} : vector<16x1536xf32> to vector<16x512xf32>
    %slice3A_830 = vector.extract_strided_slice %squeeze3A_823 {offsets = [0, 512], sizes = [16, 512], strides = [1, 1]} : vector<16x1536xf32> to vector<16x512xf32>
    %slice3A_831 = vector.extract_strided_slice %squeeze3A_823 {offsets = [0, 1024], sizes = [16, 512], strides = [1, 1]} : vector<16x1536xf32> to vector<16x512xf32>
    %slice3A_832 = vector.extract_strided_slice %add3A_828 {offsets = [0, 0], sizes = [16, 512], strides = [1, 1]} : vector<16x1536xf32> to vector<16x512xf32>
    %slice3A_833 = vector.extract_strided_slice %add3A_828 {offsets = [0, 512], sizes = [16, 512], strides = [1, 1]} : vector<16x1536xf32> to vector<16x512xf32>
    %slice3A_834 = vector.extract_strided_slice %add3A_828 {offsets = [0, 1024], sizes = [16, 512], strides = [1, 1]} : vector<16x1536xf32> to vector<16x512xf32>
    %add3A_835 = arith.addf %slice3A_829, %slice3A_832 : vector<16x512xf32>
    %logistic3A_836 = arith.negf %add3A_835 : vector<16x512xf32>
    %logistic3A_837 = math.exp %logistic3A_836 : vector<16x512xf32>
    %logistic3A_838 = arith.constant 1.000000e+00 : f32
    %logistic3A_839 = vector.broadcast %logistic3A_838 : f32 to vector<16x512xf32>
    %logistic3A_840 = arith.addf %logistic3A_839, %logistic3A_837 : vector<16x512xf32>
    %logistic3A_841 = arith.divf %logistic3A_839, %logistic3A_840 : vector<16x512xf32>
    %add3A_842 = arith.addf %slice3A_830, %slice3A_833 : vector<16x512xf32>
    %logistic3A_843 = arith.negf %add3A_842 : vector<16x512xf32>
    %logistic3A_844 = math.exp %logistic3A_843 : vector<16x512xf32>
    %logistic3A_845 = arith.constant 1.000000e+00 : f32
    %logistic3A_846 = vector.broadcast %logistic3A_845 : f32 to vector<16x512xf32>
    %logistic3A_847 = arith.addf %logistic3A_846, %logistic3A_844 : vector<16x512xf32>
    %logistic3A_848 = arith.divf %logistic3A_846, %logistic3A_847 : vector<16x512xf32>
    %mul3A_849 = arith.mulf %logistic3A_841, %slice3A_834 : vector<16x512xf32>
    %add3A_850 = arith.addf %slice3A_831, %mul3A_849 : vector<16x512xf32>
    %tanh3A_851 = math.tanh %add3A_850 : vector<16x512xf32>
    %sub3A_852 = arith.constant 1.000000e+00 : f32
    %sub3A_853 = vector.broadcast %sub3A_852 : f32 to vector<16x512xf32>
    %sub3A_854 = arith.subf %sub3A_853, %logistic3A_848 : vector<16x512xf32>
    %mul3A_855 = arith.mulf %sub3A_854, %tanh3A_851 : vector<16x512xf32>
    %mul3A_856 = arith.mulf %logistic3A_848, %add3A_771 : vector<16x512xf32>
    %add3A_857 = arith.addf %mul3A_855, %mul3A_856 : vector<16x512xf32>
    %convert_element_type3A_858 = arith.truncf %add3A_857 : vector<16x512xf32> to vector<16x512xbf16>
    %swap3A_859 = arith.constant 9 : index
    %swap3A_860 = arith.constant 0 : index
    %swap3A_861 = arith.constant 0 : index
    %swap3A_862 = vector.load %arg13[%swap3A_859, %swap3A_860, %swap3A_861] : memref<16x16x512xbf16, #tpu.memory_space<vmem>>, vector<1x16x512xbf16>
    %swap3A_863 = vector.shape_cast %swap3A_862 : vector<1x16x512xbf16> to vector<16x512xbf16>
    %swap3A_864 = vector.shape_cast %convert_element_type3A_858 : vector<16x512xbf16> to vector<1x16x512xbf16>
    tpu.vector_store %arg13[%swap3A_859, %swap3A_860, %swap3A_861], %swap3A_864 {strides = array<i32>} : memref<16x16x512xbf16, #tpu.memory_space<vmem>>, vector<1x16x512xbf16>,
    %slice3A_865 = vector.extract_strided_slice %reshape3A_36 {offsets = [6, 0, 0], sizes = [1, 16, 1536], strides = [1, 1, 1]} : vector<16x16x1536xf32> to vector<1x16x1536xf32>
    %squeeze3A_866 = vector.shape_cast %slice3A_865 : vector<1x16x1536xf32> to vector<16x1536xf32>
    %convert_element_type3A_867 = arith.truncf %add3A_814 : vector<16x512xf32> to vector<16x512xbf16>
    %dot_general3A_868 = arith.constant dense<0.000000e+00> : vector<16x1536xf32>
    %dot_general3A_869 = tpu.matmul %convert_element_type3A_867, %get3A_42, %dot_general3A_868 {dimension_numbers = #tpu.dot_dimension_numbers<[1], [0], [0], [1], [0, 0, 1, 1], [], []>, transpose_lhs_hint = false} : vector<16x512xbf16>, vector<512x1536xbf16>, vector<16x1536xf32> -> vector<16x1536xf32>
    %add3A_870 = vector.broadcast %get3A_48 : vector<1x1536xf32> to vector<16x1536xf32>
    %add3A_871 = arith.addf %dot_general3A_869, %add3A_870 : vector<16x1536xf32>
    %slice3A_872 = vector.extract_strided_slice %squeeze3A_866 {offsets = [0, 0], sizes = [16, 512], strides = [1, 1]} : vector<16x1536xf32> to vector<16x512xf32>
    %slice3A_873 = vector.extract_strided_slice %squeeze3A_866 {offsets = [0, 512], sizes = [16, 512], strides = [1, 1]} : vector<16x1536xf32> to vector<16x512xf32>
    %slice3A_874 = vector.extract_strided_slice %squeeze3A_866 {offsets = [0, 1024], sizes = [16, 512], strides = [1, 1]} : vector<16x1536xf32> to vector<16x512xf32>
    %slice3A_875 = vector.extract_strided_slice %add3A_871 {offsets = [0, 0], sizes = [16, 512], strides = [1, 1]} : vector<16x1536xf32> to vector<16x512xf32>
    %slice3A_876 = vector.extract_strided_slice %add3A_871 {offsets = [0, 512], sizes = [16, 512], strides = [1, 1]} : vector<16x1536xf32> to vector<16x512xf32>
    %slice3A_877 = vector.extract_strided_slice %add3A_871 {offsets = [0, 1024], sizes = [16, 512], strides = [1, 1]} : vector<16x1536xf32> to vector<16x512xf32>
    %add3A_878 = arith.addf %slice3A_872, %slice3A_875 : vector<16x512xf32>
    %logistic3A_879 = arith.negf %add3A_878 : vector<16x512xf32>
    %logistic3A_880 = math.exp %logistic3A_879 : vector<16x512xf32>
    %logistic3A_881 = arith.constant 1.000000e+00 : f32
    %logistic3A_882 = vector.broadcast %logistic3A_881 : f32 to vector<16x512xf32>
    %logistic3A_883 = arith.addf %logistic3A_882, %logistic3A_880 : vector<16x512xf32>
    %logistic3A_884 = arith.divf %logistic3A_882, %logistic3A_883 : vector<16x512xf32>
    %add3A_885 = arith.addf %slice3A_873, %slice3A_876 : vector<16x512xf32>
    %logistic3A_886 = arith.negf %add3A_885 : vector<16x512xf32>
    %logistic3A_887 = math.exp %logistic3A_886 : vector<16x512xf32>
    %logistic3A_888 = arith.constant 1.000000e+00 : f32
    %logistic3A_889 = vector.broadcast %logistic3A_888 : f32 to vector<16x512xf32>
    %logistic3A_890 = arith.addf %logistic3A_889, %logistic3A_887 : vector<16x512xf32>
    %logistic3A_891 = arith.divf %logistic3A_889, %logistic3A_890 : vector<16x512xf32>
    %mul3A_892 = arith.mulf %logistic3A_884, %slice3A_877 : vector<16x512xf32>
    %add3A_893 = arith.addf %slice3A_874, %mul3A_892 : vector<16x512xf32>
    %tanh3A_894 = math.tanh %add3A_893 : vector<16x512xf32>
    %sub3A_895 = arith.constant 1.000000e+00 : f32
    %sub3A_896 = vector.broadcast %sub3A_895 : f32 to vector<16x512xf32>
    %sub3A_897 = arith.subf %sub3A_896, %logistic3A_891 : vector<16x512xf32>
    %mul3A_898 = arith.mulf %sub3A_897, %tanh3A_894 : vector<16x512xf32>
    %mul3A_899 = arith.mulf %logistic3A_891, %add3A_814 : vector<16x512xf32>
    %add3A_900 = arith.addf %mul3A_898, %mul3A_899 : vector<16x512xf32>
    %convert_element_type3A_901 = arith.truncf %add3A_900 : vector<16x512xf32> to vector<16x512xbf16>
    %swap3A_902 = arith.constant 6 : index
    %swap3A_903 = arith.constant 0 : index
    %swap3A_904 = arith.constant 0 : index
    %swap3A_905 = vector.load %arg14[%swap3A_902, %swap3A_903, %swap3A_904] : memref<16x16x512xbf16, #tpu.memory_space<vmem>>, vector<1x16x512xbf16>
    %swap3A_906 = vector.shape_cast %swap3A_905 : vector<1x16x512xbf16> to vector<16x512xbf16>
    %swap3A_907 = vector.shape_cast %convert_element_type3A_901 : vector<16x512xbf16> to vector<1x16x512xbf16>
    tpu.vector_store %arg14[%swap3A_902, %swap3A_903, %swap3A_904], %swap3A_907 {strides = array<i32>} : memref<16x16x512xbf16, #tpu.memory_space<vmem>>, vector<1x16x512xbf16>,
    %slice3A_908 = vector.extract_strided_slice %reshape3A_19 {offsets = [10, 0, 0], sizes = [1, 16, 1536], strides = [1, 1, 1]} : vector<16x16x1536xf32> to vector<1x16x1536xf32>
    %squeeze3A_909 = vector.shape_cast %slice3A_908 : vector<1x16x1536xf32> to vector<16x1536xf32>
    %convert_element_type3A_910 = arith.truncf %add3A_857 : vector<16x512xf32> to vector<16x512xbf16>
    %dot_general3A_911 = arith.constant dense<0.000000e+00> : vector<16x1536xf32>
    %dot_general3A_912 = tpu.matmul %convert_element_type3A_910, %get3A_39, %dot_general3A_911 {dimension_numbers = #tpu.dot_dimension_numbers<[1], [0], [0], [1], [0, 0, 1, 1], [], []>, transpose_lhs_hint = false} : vector<16x512xbf16>, vector<512x1536xbf16>, vector<16x1536xf32> -> vector<16x1536xf32>
    %add3A_913 = vector.broadcast %get3A_45 : vector<1x1536xf32> to vector<16x1536xf32>
    %add3A_914 = arith.addf %dot_general3A_912, %add3A_913 : vector<16x1536xf32>
    %slice3A_915 = vector.extract_strided_slice %squeeze3A_909 {offsets = [0, 0], sizes = [16, 512], strides = [1, 1]} : vector<16x1536xf32> to vector<16x512xf32>
    %slice3A_916 = vector.extract_strided_slice %squeeze3A_909 {offsets = [0, 512], sizes = [16, 512], strides = [1, 1]} : vector<16x1536xf32> to vector<16x512xf32>
    %slice3A_917 = vector.extract_strided_slice %squeeze3A_909 {offsets = [0, 1024], sizes = [16, 512], strides = [1, 1]} : vector<16x1536xf32> to vector<16x512xf32>
    %slice3A_918 = vector.extract_strided_slice %add3A_914 {offsets = [0, 0], sizes = [16, 512], strides = [1, 1]} : vector<16x1536xf32> to vector<16x512xf32>
    %slice3A_919 = vector.extract_strided_slice %add3A_914 {offsets = [0, 512], sizes = [16, 512], strides = [1, 1]} : vector<16x1536xf32> to vector<16x512xf32>
    %slice3A_920 = vector.extract_strided_slice %add3A_914 {offsets = [0, 1024], sizes = [16, 512], strides = [1, 1]} : vector<16x1536xf32> to vector<16x512xf32>
    %add3A_921 = arith.addf %slice3A_915, %slice3A_918 : vector<16x512xf32>
    %logistic3A_922 = arith.negf %add3A_921 : vector<16x512xf32>
    %logistic3A_923 = math.exp %logistic3A_922 : vector<16x512xf32>
    %logistic3A_924 = arith.constant 1.000000e+00 : f32
    %logistic3A_925 = vector.broadcast %logistic3A_924 : f32 to vector<16x512xf32>
    %logistic3A_926 = arith.addf %logistic3A_925, %logistic3A_923 : vector<16x512xf32>
    %logistic3A_927 = arith.divf %logistic3A_925, %logistic3A_926 : vector<16x512xf32>
    %add3A_928 = arith.addf %slice3A_916, %slice3A_919 : vector<16x512xf32>
    %logistic3A_929 = arith.negf %add3A_928 : vector<16x512xf32>
    %logistic3A_930 = math.exp %logistic3A_929 : vector<16x512xf32>
    %logistic3A_931 = arith.constant 1.000000e+00 : f32
    %logistic3A_932 = vector.broadcast %logistic3A_931 : f32 to vector<16x512xf32>
    %logistic3A_933 = arith.addf %logistic3A_932, %logistic3A_930 : vector<16x512xf32>
    %logistic3A_934 = arith.divf %logistic3A_932, %logistic3A_933 : vector<16x512xf32>
    %mul3A_935 = arith.mulf %logistic3A_927, %slice3A_920 : vector<16x512xf32>
    %add3A_936 = arith.addf %slice3A_917, %mul3A_935 : vector<16x512xf32>
    %tanh3A_937 = math.tanh %add3A_936 : vector<16x512xf32>
    %sub3A_938 = arith.constant 1.000000e+00 : f32
    %sub3A_939 = vector.broadcast %sub3A_938 : f32 to vector<16x512xf32>
    %sub3A_940 = arith.subf %sub3A_939, %logistic3A_934 : vector<16x512xf32>
    %mul3A_941 = arith.mulf %sub3A_940, %tanh3A_937 : vector<16x512xf32>
    %mul3A_942 = arith.mulf %logistic3A_934, %add3A_857 : vector<16x512xf32>
    %add3A_943 = arith.addf %mul3A_941, %mul3A_942 : vector<16x512xf32>
    %convert_element_type3A_944 = arith.truncf %add3A_943 : vector<16x512xf32> to vector<16x512xbf16>
    %swap3A_945 = arith.constant 10 : index
    %swap3A_946 = arith.constant 0 : index
    %swap3A_947 = arith.constant 0 : index
    %swap3A_948 = vector.load %arg13[%swap3A_945, %swap3A_946, %swap3A_947] : memref<16x16x512xbf16, #tpu.memory_space<vmem>>, vector<1x16x512xbf16>
    %swap3A_949 = vector.shape_cast %swap3A_948 : vector<1x16x512xbf16> to vector<16x512xbf16>
    %swap3A_950 = vector.shape_cast %convert_element_type3A_944 : vector<16x512xbf16> to vector<1x16x512xbf16>
    tpu.vector_store %arg13[%swap3A_945, %swap3A_946, %swap3A_947], %swap3A_950 {strides = array<i32>} : memref<16x16x512xbf16, #tpu.memory_space<vmem>>, vector<1x16x512xbf16>,
    %slice3A_951 = vector.extract_strided_slice %reshape3A_36 {offsets = [5, 0, 0], sizes = [1, 16, 1536], strides = [1, 1, 1]} : vector<16x16x1536xf32> to vector<1x16x1536xf32>
    %squeeze3A_952 = vector.shape_cast %slice3A_951 : vector<1x16x1536xf32> to vector<16x1536xf32>
    %convert_element_type3A_953 = arith.truncf %add3A_900 : vector<16x512xf32> to vector<16x512xbf16>
    %dot_general3A_954 = arith.constant dense<0.000000e+00> : vector<16x1536xf32>
    %dot_general3A_955 = tpu.matmul %convert_element_type3A_953, %get3A_42, %dot_general3A_954 {dimension_numbers = #tpu.dot_dimension_numbers<[1], [0], [0], [1], [0, 0, 1, 1], [], []>, transpose_lhs_hint = false} : vector<16x512xbf16>, vector<512x1536xbf16>, vector<16x1536xf32> -> vector<16x1536xf32>
    %add3A_956 = vector.broadcast %get3A_48 : vector<1x1536xf32> to vector<16x1536xf32>
    %add3A_957 = arith.addf %dot_general3A_955, %add3A_956 : vector<16x1536xf32>
    %slice3A_958 = vector.extract_strided_slice %squeeze3A_952 {offsets = [0, 0], sizes = [16, 512], strides = [1, 1]} : vector<16x1536xf32> to vector<16x512xf32>
    %slice3A_959 = vector.extract_strided_slice %squeeze3A_952 {offsets = [0, 512], sizes = [16, 512], strides = [1, 1]} : vector<16x1536xf32> to vector<16x512xf32>
    %slice3A_960 = vector.extract_strided_slice %squeeze3A_952 {offsets = [0, 1024], sizes = [16, 512], strides = [1, 1]} : vector<16x1536xf32> to vector<16x512xf32>
    %slice3A_961 = vector.extract_strided_slice %add3A_957 {offsets = [0, 0], sizes = [16, 512], strides = [1, 1]} : vector<16x1536xf32> to vector<16x512xf32>
    %slice3A_962 = vector.extract_strided_slice %add3A_957 {offsets = [0, 512], sizes = [16, 512], strides = [1, 1]} : vector<16x1536xf32> to vector<16x512xf32>
    %slice3A_963 = vector.extract_strided_slice %add3A_957 {offsets = [0, 1024], sizes = [16, 512], strides = [1, 1]} : vector<16x1536xf32> to vector<16x512xf32>
    %add3A_964 = arith.addf %slice3A_958, %slice3A_961 : vector<16x512xf32>
    %logistic3A_965 = arith.negf %add3A_964 : vector<16x512xf32>
    %logistic3A_966 = math.exp %logistic3A_965 : vector<16x512xf32>
    %logistic3A_967 = arith.constant 1.000000e+00 : f32
    %logistic3A_968 = vector.broadcast %logistic3A_967 : f32 to vector<16x512xf32>
    %logistic3A_969 = arith.addf %logistic3A_968, %logistic3A_966 : vector<16x512xf32>
    %logistic3A_970 = arith.divf %logistic3A_968, %logistic3A_969 : vector<16x512xf32>
    %add3A_971 = arith.addf %slice3A_959, %slice3A_962 : vector<16x512xf32>
    %logistic3A_972 = arith.negf %add3A_971 : vector<16x512xf32>
    %logistic3A_973 = math.exp %logistic3A_972 : vector<16x512xf32>
    %logistic3A_974 = arith.constant 1.000000e+00 : f32
    %logistic3A_975 = vector.broadcast %logistic3A_974 : f32 to vector<16x512xf32>
    %logistic3A_976 = arith.addf %logistic3A_975, %logistic3A_973 : vector<16x512xf32>
    %logistic3A_977 = arith.divf %logistic3A_975, %logistic3A_976 : vector<16x512xf32>
    %mul3A_978 = arith.mulf %logistic3A_970, %slice3A_963 : vector<16x512xf32>
    %add3A_979 = arith.addf %slice3A_960, %mul3A_978 : vector<16x512xf32>
    %tanh3A_980 = math.tanh %add3A_979 : vector<16x512xf32>
    %sub3A_981 = arith.constant 1.000000e+00 : f32
    %sub3A_982 = vector.broadcast %sub3A_981 : f32 to vector<16x512xf32>
    %sub3A_983 = arith.subf %sub3A_982, %logistic3A_977 : vector<16x512xf32>
    %mul3A_984 = arith.mulf %sub3A_983, %tanh3A_980 : vector<16x512xf32>
    %mul3A_985 = arith.mulf %logistic3A_977, %add3A_900 : vector<16x512xf32>
    %add3A_986 = arith.addf %mul3A_984, %mul3A_985 : vector<16x512xf32>
    %convert_element_type3A_987 = arith.truncf %add3A_986 : vector<16x512xf32> to vector<16x512xbf16>
    %swap3A_988 = arith.constant 5 : index
    %swap3A_989 = arith.constant 0 : index
    %swap3A_990 = arith.constant 0 : index
    %swap3A_991 = vector.load %arg14[%swap3A_988, %swap3A_989, %swap3A_990] : memref<16x16x512xbf16, #tpu.memory_space<vmem>>, vector<1x16x512xbf16>
    %swap3A_992 = vector.shape_cast %swap3A_991 : vector<1x16x512xbf16> to vector<16x512xbf16>
    %swap3A_993 = vector.shape_cast %convert_element_type3A_987 : vector<16x512xbf16> to vector<1x16x512xbf16>
    tpu.vector_store %arg14[%swap3A_988, %swap3A_989, %swap3A_990], %swap3A_993 {strides = array<i32>} : memref<16x16x512xbf16, #tpu.memory_space<vmem>>, vector<1x16x512xbf16>,
    %slice3A_994 = vector.extract_strided_slice %reshape3A_19 {offsets = [11, 0, 0], sizes = [1, 16, 1536], strides = [1, 1, 1]} : vector<16x16x1536xf32> to vector<1x16x1536xf32>
    %squeeze3A_995 = vector.shape_cast %slice3A_994 : vector<1x16x1536xf32> to vector<16x1536xf32>
    %convert_element_type3A_996 = arith.truncf %add3A_943 : vector<16x512xf32> to vector<16x512xbf16>
    %dot_general3A_997 = arith.constant dense<0.000000e+00> : vector<16x1536xf32>
    %dot_general3A_998 = tpu.matmul %convert_element_type3A_996, %get3A_39, %dot_general3A_997 {dimension_numbers = #tpu.dot_dimension_numbers<[1], [0], [0], [1], [0, 0, 1, 1], [], []>, transpose_lhs_hint = false} : vector<16x512xbf16>, vector<512x1536xbf16>, vector<16x1536xf32> -> vector<16x1536xf32>
    %add3A_999 = vector.broadcast %get3A_45 : vector<1x1536xf32> to vector<16x1536xf32>
    %add3A_1000 = arith.addf %dot_general3A_998, %add3A_999 : vector<16x1536xf32>
    %slice3A_1001 = vector.extract_strided_slice %squeeze3A_995 {offsets = [0, 0], sizes = [16, 512], strides = [1, 1]} : vector<16x1536xf32> to vector<16x512xf32>
    %slice3A_1002 = vector.extract_strided_slice %squeeze3A_995 {offsets = [0, 512], sizes = [16, 512], strides = [1, 1]} : vector<16x1536xf32> to vector<16x512xf32>
    %slice3A_1003 = vector.extract_strided_slice %squeeze3A_995 {offsets = [0, 1024], sizes = [16, 512], strides = [1, 1]} : vector<16x1536xf32> to vector<16x512xf32>
    %slice3A_1004 = vector.extract_strided_slice %add3A_1000 {offsets = [0, 0], sizes = [16, 512], strides = [1, 1]} : vector<16x1536xf32> to vector<16x512xf32>
    %slice3A_1005 = vector.extract_strided_slice %add3A_1000 {offsets = [0, 512], sizes = [16, 512], strides = [1, 1]} : vector<16x1536xf32> to vector<16x512xf32>
    %slice3A_1006 = vector.extract_strided_slice %add3A_1000 {offsets = [0, 1024], sizes = [16, 512], strides = [1, 1]} : vector<16x1536xf32> to vector<16x512xf32>
    %add3A_1007 = arith.addf %slice3A_1001, %slice3A_1004 : vector<16x512xf32>
    %logistic3A_1008 = arith.negf %add3A_1007 : vector<16x512xf32>
    %logistic3A_1009 = math.exp %logistic3A_1008 : vector<16x512xf32>
    %logistic3A_1010 = arith.constant 1.000000e+00 : f32
    %logistic3A_1011 = vector.broadcast %logistic3A_1010 : f32 to vector<16x512xf32>
    %logistic3A_1012 = arith.addf %logistic3A_1011, %logistic3A_1009 : vector<16x512xf32>
    %logistic3A_1013 = arith.divf %logistic3A_1011, %logistic3A_1012 : vector<16x512xf32>
    %add3A_1014 = arith.addf %slice3A_1002, %slice3A_1005 : vector<16x512xf32>
    %logistic3A_1015 = arith.negf %add3A_1014 : vector<16x512xf32>
    %logistic3A_1016 = math.exp %logistic3A_1015 : vector<16x512xf32>
    %logistic3A_1017 = arith.constant 1.000000e+00 : f32
    %logistic3A_1018 = vector.broadcast %logistic3A_1017 : f32 to vector<16x512xf32>
    %logistic3A_1019 = arith.addf %logistic3A_1018, %logistic3A_1016 : vector<16x512xf32>
    %logistic3A_1020 = arith.divf %logistic3A_1018, %logistic3A_1019 : vector<16x512xf32>
    %mul3A_1021 = arith.mulf %logistic3A_1013, %slice3A_1006 : vector<16x512xf32>
    %add3A_1022 = arith.addf %slice3A_1003, %mul3A_1021 : vector<16x512xf32>
    %tanh3A_1023 = math.tanh %add3A_1022 : vector<16x512xf32>
    %sub3A_1024 = arith.constant 1.000000e+00 : f32
    %sub3A_1025 = vector.broadcast %sub3A_1024 : f32 to vector<16x512xf32>
    %sub3A_1026 = arith.subf %sub3A_1025, %logistic3A_1020 : vector<16x512xf32>
    %mul3A_1027 = arith.mulf %sub3A_1026, %tanh3A_1023 : vector<16x512xf32>
    %mul3A_1028 = arith.mulf %logistic3A_1020, %add3A_943 : vector<16x512xf32>
    %add3A_1029 = arith.addf %mul3A_1027, %mul3A_1028 : vector<16x512xf32>
    %convert_element_type3A_1030 = arith.truncf %add3A_1029 : vector<16x512xf32> to vector<16x512xbf16>
    %swap3A_1031 = arith.constant 11 : index
    %swap3A_1032 = arith.constant 0 : index
    %swap3A_1033 = arith.constant 0 : index
    %swap3A_1034 = vector.load %arg13[%swap3A_1031, %swap3A_1032, %swap3A_1033] : memref<16x16x512xbf16, #tpu.memory_space<vmem>>, vector<1x16x512xbf16>
    %swap3A_1035 = vector.shape_cast %swap3A_1034 : vector<1x16x512xbf16> to vector<16x512xbf16>
    %swap3A_1036 = vector.shape_cast %convert_element_type3A_1030 : vector<16x512xbf16> to vector<1x16x512xbf16>
    tpu.vector_store %arg13[%swap3A_1031, %swap3A_1032, %swap3A_1033], %swap3A_1036 {strides = array<i32>} : memref<16x16x512xbf16, #tpu.memory_space<vmem>>, vector<1x16x512xbf16>,
    %slice3A_1037 = vector.extract_strided_slice %reshape3A_36 {offsets = [4, 0, 0], sizes = [1, 16, 1536], strides = [1, 1, 1]} : vector<16x16x1536xf32> to vector<1x16x1536xf32>
    %squeeze3A_1038 = vector.shape_cast %slice3A_1037 : vector<1x16x1536xf32> to vector<16x1536xf32>
    %convert_element_type3A_1039 = arith.truncf %add3A_986 : vector<16x512xf32> to vector<16x512xbf16>
    %dot_general3A_1040 = arith.constant dense<0.000000e+00> : vector<16x1536xf32>
    %dot_general3A_1041 = tpu.matmul %convert_element_type3A_1039, %get3A_42, %dot_general3A_1040 {dimension_numbers = #tpu.dot_dimension_numbers<[1], [0], [0], [1], [0, 0, 1, 1], [], []>, transpose_lhs_hint = false} : vector<16x512xbf16>, vector<512x1536xbf16>, vector<16x1536xf32> -> vector<16x1536xf32>
    %add3A_1042 = vector.broadcast %get3A_48 : vector<1x1536xf32> to vector<16x1536xf32>
    %add3A_1043 = arith.addf %dot_general3A_1041, %add3A_1042 : vector<16x1536xf32>
    %slice3A_1044 = vector.extract_strided_slice %squeeze3A_1038 {offsets = [0, 0], sizes = [16, 512], strides = [1, 1]} : vector<16x1536xf32> to vector<16x512xf32>
    %slice3A_1045 = vector.extract_strided_slice %squeeze3A_1038 {offsets = [0, 512], sizes = [16, 512], strides = [1, 1]} : vector<16x1536xf32> to vector<16x512xf32>
    %slice3A_1046 = vector.extract_strided_slice %squeeze3A_1038 {offsets = [0, 1024], sizes = [16, 512], strides = [1, 1]} : vector<16x1536xf32> to vector<16x512xf32>
    %slice3A_1047 = vector.extract_strided_slice %add3A_1043 {offsets = [0, 0], sizes = [16, 512], strides = [1, 1]} : vector<16x1536xf32> to vector<16x512xf32>
    %slice3A_1048 = vector.extract_strided_slice %add3A_1043 {offsets = [0, 512], sizes = [16, 512], strides = [1, 1]} : vector<16x1536xf32> to vector<16x512xf32>
    %slice3A_1049 = vector.extract_strided_slice %add3A_1043 {offsets = [0, 1024], sizes = [16, 512], strides = [1, 1]} : vector<16x1536xf32> to vector<16x512xf32>
    %add3A_1050 = arith.addf %slice3A_1044, %slice3A_1047 : vector<16x512xf32>
    %logistic3A_1051 = arith.negf %add3A_1050 : vector<16x512xf32>
    %logistic3A_1052 = math.exp %logistic3A_1051 : vector<16x512xf32>
    %logistic3A_1053 = arith.constant 1.000000e+00 : f32
    %logistic3A_1054 = vector.broadcast %logistic3A_1053 : f32 to vector<16x512xf32>
    %logistic3A_1055 = arith.addf %logistic3A_1054, %logistic3A_1052 : vector<16x512xf32>
    %logistic3A_1056 = arith.divf %logistic3A_1054, %logistic3A_1055 : vector<16x512xf32>
    %add3A_1057 = arith.addf %slice3A_1045, %slice3A_1048 : vector<16x512xf32>
    %logistic3A_1058 = arith.negf %add3A_1057 : vector<16x512xf32>
    %logistic3A_1059 = math.exp %logistic3A_1058 : vector<16x512xf32>
    %logistic3A_1060 = arith.constant 1.000000e+00 : f32
    %logistic3A_1061 = vector.broadcast %logistic3A_1060 : f32 to vector<16x512xf32>
    %logistic3A_1062 = arith.addf %logistic3A_1061, %logistic3A_1059 : vector<16x512xf32>
    %logistic3A_1063 = arith.divf %logistic3A_1061, %logistic3A_1062 : vector<16x512xf32>
    %mul3A_1064 = arith.mulf %logistic3A_1056, %slice3A_1049 : vector<16x512xf32>
    %add3A_1065 = arith.addf %slice3A_1046, %mul3A_1064 : vector<16x512xf32>
    %tanh3A_1066 = math.tanh %add3A_1065 : vector<16x512xf32>
    %sub3A_1067 = arith.constant 1.000000e+00 : f32
    %sub3A_1068 = vector.broadcast %sub3A_1067 : f32 to vector<16x512xf32>
    %sub3A_1069 = arith.subf %sub3A_1068, %logistic3A_1063 : vector<16x512xf32>
    %mul3A_1070 = arith.mulf %sub3A_1069, %tanh3A_1066 : vector<16x512xf32>
    %mul3A_1071 = arith.mulf %logistic3A_1063, %add3A_986 : vector<16x512xf32>
    %add3A_1072 = arith.addf %mul3A_1070, %mul3A_1071 : vector<16x512xf32>
    %convert_element_type3A_1073 = arith.truncf %add3A_1072 : vector<16x512xf32> to vector<16x512xbf16>
    %swap3A_1074 = arith.constant 4 : index
    %swap3A_1075 = arith.constant 0 : index
    %swap3A_1076 = arith.constant 0 : index
    %swap3A_1077 = vector.load %arg14[%swap3A_1074, %swap3A_1075, %swap3A_1076] : memref<16x16x512xbf16, #tpu.memory_space<vmem>>, vector<1x16x512xbf16>
    %swap3A_1078 = vector.shape_cast %swap3A_1077 : vector<1x16x512xbf16> to vector<16x512xbf16>
    %swap3A_1079 = vector.shape_cast %convert_element_type3A_1073 : vector<16x512xbf16> to vector<1x16x512xbf16>
    tpu.vector_store %arg14[%swap3A_1074, %swap3A_1075, %swap3A_1076], %swap3A_1079 {strides = array<i32>} : memref<16x16x512xbf16, #tpu.memory_space<vmem>>, vector<1x16x512xbf16>,
    %slice3A_1080 = vector.extract_strided_slice %reshape3A_19 {offsets = [12, 0, 0], sizes = [1, 16, 1536], strides = [1, 1, 1]} : vector<16x16x1536xf32> to vector<1x16x1536xf32>
    %squeeze3A_1081 = vector.shape_cast %slice3A_1080 : vector<1x16x1536xf32> to vector<16x1536xf32>
    %convert_element_type3A_1082 = arith.truncf %add3A_1029 : vector<16x512xf32> to vector<16x512xbf16>
    %dot_general3A_1083 = arith.constant dense<0.000000e+00> : vector<16x1536xf32>
    %dot_general3A_1084 = tpu.matmul %convert_element_type3A_1082, %get3A_39, %dot_general3A_1083 {dimension_numbers = #tpu.dot_dimension_numbers<[1], [0], [0], [1], [0, 0, 1, 1], [], []>, transpose_lhs_hint = false} : vector<16x512xbf16>, vector<512x1536xbf16>, vector<16x1536xf32> -> vector<16x1536xf32>
    %add3A_1085 = vector.broadcast %get3A_45 : vector<1x1536xf32> to vector<16x1536xf32>
    %add3A_1086 = arith.addf %dot_general3A_1084, %add3A_1085 : vector<16x1536xf32>
    %slice3A_1087 = vector.extract_strided_slice %squeeze3A_1081 {offsets = [0, 0], sizes = [16, 512], strides = [1, 1]} : vector<16x1536xf32> to vector<16x512xf32>
    %slice3A_1088 = vector.extract_strided_slice %squeeze3A_1081 {offsets = [0, 512], sizes = [16, 512], strides = [1, 1]} : vector<16x1536xf32> to vector<16x512xf32>
    %slice3A_1089 = vector.extract_strided_slice %squeeze3A_1081 {offsets = [0, 1024], sizes = [16, 512], strides = [1, 1]} : vector<16x1536xf32> to vector<16x512xf32>
    %slice3A_1090 = vector.extract_strided_slice %add3A_1086 {offsets = [0, 0], sizes = [16, 512], strides = [1, 1]} : vector<16x1536xf32> to vector<16x512xf32>
    %slice3A_1091 = vector.extract_strided_slice %add3A_1086 {offsets = [0, 512], sizes = [16, 512], strides = [1, 1]} : vector<16x1536xf32> to vector<16x512xf32>
    %slice3A_1092 = vector.extract_strided_slice %add3A_1086 {offsets = [0, 1024], sizes = [16, 512], strides = [1, 1]} : vector<16x1536xf32> to vector<16x512xf32>
    %add3A_1093 = arith.addf %slice3A_1087, %slice3A_1090 : vector<16x512xf32>
    %logistic3A_1094 = arith.negf %add3A_1093 : vector<16x512xf32>
    %logistic3A_1095 = math.exp %logistic3A_1094 : vector<16x512xf32>
    %logistic3A_1096 = arith.constant 1.000000e+00 : f32
    %logistic3A_1097 = vector.broadcast %logistic3A_1096 : f32 to vector<16x512xf32>
    %logistic3A_1098 = arith.addf %logistic3A_1097, %logistic3A_1095 : vector<16x512xf32>
    %logistic3A_1099 = arith.divf %logistic3A_1097, %logistic3A_1098 : vector<16x512xf32>
    %add3A_1100 = arith.addf %slice3A_1088, %slice3A_1091 : vector<16x512xf32>
    %logistic3A_1101 = arith.negf %add3A_1100 : vector<16x512xf32>
    %logistic3A_1102 = math.exp %logistic3A_1101 : vector<16x512xf32>
    %logistic3A_1103 = arith.constant 1.000000e+00 : f32
    %logistic3A_1104 = vector.broadcast %logistic3A_1103 : f32 to vector<16x512xf32>
    %logistic3A_1105 = arith.addf %logistic3A_1104, %logistic3A_1102 : vector<16x512xf32>
    %logistic3A_1106 = arith.divf %logistic3A_1104, %logistic3A_1105 : vector<16x512xf32>
    %mul3A_1107 = arith.mulf %logistic3A_1099, %slice3A_1092 : vector<16x512xf32>
    %add3A_1108 = arith.addf %slice3A_1089, %mul3A_1107 : vector<16x512xf32>
    %tanh3A_1109 = math.tanh %add3A_1108 : vector<16x512xf32>
    %sub3A_1110 = arith.constant 1.000000e+00 : f32
    %sub3A_1111 = vector.broadcast %sub3A_1110 : f32 to vector<16x512xf32>
    %sub3A_1112 = arith.subf %sub3A_1111, %logistic3A_1106 : vector<16x512xf32>
    %mul3A_1113 = arith.mulf %sub3A_1112, %tanh3A_1109 : vector<16x512xf32>
    %mul3A_1114 = arith.mulf %logistic3A_1106, %add3A_1029 : vector<16x512xf32>
    %add3A_1115 = arith.addf %mul3A_1113, %mul3A_1114 : vector<16x512xf32>
    %convert_element_type3A_1116 = arith.truncf %add3A_1115 : vector<16x512xf32> to vector<16x512xbf16>
    %swap3A_1117 = arith.constant 12 : index
    %swap3A_1118 = arith.constant 0 : index
    %swap3A_1119 = arith.constant 0 : index
    %swap3A_1120 = vector.load %arg13[%swap3A_1117, %swap3A_1118, %swap3A_1119] : memref<16x16x512xbf16, #tpu.memory_space<vmem>>, vector<1x16x512xbf16>
    %swap3A_1121 = vector.shape_cast %swap3A_1120 : vector<1x16x512xbf16> to vector<16x512xbf16>
    %swap3A_1122 = vector.shape_cast %convert_element_type3A_1116 : vector<16x512xbf16> to vector<1x16x512xbf16>
    tpu.vector_store %arg13[%swap3A_1117, %swap3A_1118, %swap3A_1119], %swap3A_1122 {strides = array<i32>} : memref<16x16x512xbf16, #tpu.memory_space<vmem>>, vector<1x16x512xbf16>,
    %slice3A_1123 = vector.extract_strided_slice %reshape3A_36 {offsets = [3, 0, 0], sizes = [1, 16, 1536], strides = [1, 1, 1]} : vector<16x16x1536xf32> to vector<1x16x1536xf32>
    %squeeze3A_1124 = vector.shape_cast %slice3A_1123 : vector<1x16x1536xf32> to vector<16x1536xf32>
    %convert_element_type3A_1125 = arith.truncf %add3A_1072 : vector<16x512xf32> to vector<16x512xbf16>
    %dot_general3A_1126 = arith.constant dense<0.000000e+00> : vector<16x1536xf32>
    %dot_general3A_1127 = tpu.matmul %convert_element_type3A_1125, %get3A_42, %dot_general3A_1126 {dimension_numbers = #tpu.dot_dimension_numbers<[1], [0], [0], [1], [0, 0, 1, 1], [], []>, transpose_lhs_hint = false} : vector<16x512xbf16>, vector<512x1536xbf16>, vector<16x1536xf32> -> vector<16x1536xf32>
    %add3A_1128 = vector.broadcast %get3A_48 : vector<1x1536xf32> to vector<16x1536xf32>
    %add3A_1129 = arith.addf %dot_general3A_1127, %add3A_1128 : vector<16x1536xf32>
    %slice3A_1130 = vector.extract_strided_slice %squeeze3A_1124 {offsets = [0, 0], sizes = [16, 512], strides = [1, 1]} : vector<16x1536xf32> to vector<16x512xf32>
    %slice3A_1131 = vector.extract_strided_slice %squeeze3A_1124 {offsets = [0, 512], sizes = [16, 512], strides = [1, 1]} : vector<16x1536xf32> to vector<16x512xf32>
    %slice3A_1132 = vector.extract_strided_slice %squeeze3A_1124 {offsets = [0, 1024], sizes = [16, 512], strides = [1, 1]} : vector<16x1536xf32> to vector<16x512xf32>
    %slice3A_1133 = vector.extract_strided_slice %add3A_1129 {offsets = [0, 0], sizes = [16, 512], strides = [1, 1]} : vector<16x1536xf32> to vector<16x512xf32>
    %slice3A_1134 = vector.extract_strided_slice %add3A_1129 {offsets = [0, 512], sizes = [16, 512], strides = [1, 1]} : vector<16x1536xf32> to vector<16x512xf32>
    %slice3A_1135 = vector.extract_strided_slice %add3A_1129 {offsets = [0, 1024], sizes = [16, 512], strides = [1, 1]} : vector<16x1536xf32> to vector<16x512xf32>
    %add3A_1136 = arith.addf %slice3A_1130, %slice3A_1133 : vector<16x512xf32>
    %logistic3A_1137 = arith.negf %add3A_1136 : vector<16x512xf32>
    %logistic3A_1138 = math.exp %logistic3A_1137 : vector<16x512xf32>
    %logistic3A_1139 = arith.constant 1.000000e+00 : f32
    %logistic3A_1140 = vector.broadcast %logistic3A_1139 : f32 to vector<16x512xf32>
    %logistic3A_1141 = arith.addf %logistic3A_1140, %logistic3A_1138 : vector<16x512xf32>
    %logistic3A_1142 = arith.divf %logistic3A_1140, %logistic3A_1141 : vector<16x512xf32>
    %add3A_1143 = arith.addf %slice3A_1131, %slice3A_1134 : vector<16x512xf32>
    %logistic3A_1144 = arith.negf %add3A_1143 : vector<16x512xf32>
    %logistic3A_1145 = math.exp %logistic3A_1144 : vector<16x512xf32>
    %logistic3A_1146 = arith.constant 1.000000e+00 : f32
    %logistic3A_1147 = vector.broadcast %logistic3A_1146 : f32 to vector<16x512xf32>
    %logistic3A_1148 = arith.addf %logistic3A_1147, %logistic3A_1145 : vector<16x512xf32>
    %logistic3A_1149 = arith.divf %logistic3A_1147, %logistic3A_1148 : vector<16x512xf32>
    %mul3A_1150 = arith.mulf %logistic3A_1142, %slice3A_1135 : vector<16x512xf32>
    %add3A_1151 = arith.addf %slice3A_1132, %mul3A_1150 : vector<16x512xf32>
    %tanh3A_1152 = math.tanh %add3A_1151 : vector<16x512xf32>
    %sub3A_1153 = arith.constant 1.000000e+00 : f32
    %sub3A_1154 = vector.broadcast %sub3A_1153 : f32 to vector<16x512xf32>
    %sub3A_1155 = arith.subf %sub3A_1154, %logistic3A_1149 : vector<16x512xf32>
    %mul3A_1156 = arith.mulf %sub3A_1155, %tanh3A_1152 : vector<16x512xf32>
    %mul3A_1157 = arith.mulf %logistic3A_1149, %add3A_1072 : vector<16x512xf32>
    %add3A_1158 = arith.addf %mul3A_1156, %mul3A_1157 : vector<16x512xf32>
    %convert_element_type3A_1159 = arith.truncf %add3A_1158 : vector<16x512xf32> to vector<16x512xbf16>
    %swap3A_1160 = arith.constant 3 : index
    %swap3A_1161 = arith.constant 0 : index
    %swap3A_1162 = arith.constant 0 : index
    %swap3A_1163 = vector.load %arg14[%swap3A_1160, %swap3A_1161, %swap3A_1162] : memref<16x16x512xbf16, #tpu.memory_space<vmem>>, vector<1x16x512xbf16>
    %swap3A_1164 = vector.shape_cast %swap3A_1163 : vector<1x16x512xbf16> to vector<16x512xbf16>
    %swap3A_1165 = vector.shape_cast %convert_element_type3A_1159 : vector<16x512xbf16> to vector<1x16x512xbf16>
    tpu.vector_store %arg14[%swap3A_1160, %swap3A_1161, %swap3A_1162], %swap3A_1165 {strides = array<i32>} : memref<16x16x512xbf16, #tpu.memory_space<vmem>>, vector<1x16x512xbf16>,
    %slice3A_1166 = vector.extract_strided_slice %reshape3A_19 {offsets = [13, 0, 0], sizes = [1, 16, 1536], strides = [1, 1, 1]} : vector<16x16x1536xf32> to vector<1x16x1536xf32>
    %squeeze3A_1167 = vector.shape_cast %slice3A_1166 : vector<1x16x1536xf32> to vector<16x1536xf32>
    %convert_element_type3A_1168 = arith.truncf %add3A_1115 : vector<16x512xf32> to vector<16x512xbf16>
    %dot_general3A_1169 = arith.constant dense<0.000000e+00> : vector<16x1536xf32>
    %dot_general3A_1170 = tpu.matmul %convert_element_type3A_1168, %get3A_39, %dot_general3A_1169 {dimension_numbers = #tpu.dot_dimension_numbers<[1], [0], [0], [1], [0, 0, 1, 1], [], []>, transpose_lhs_hint = false} : vector<16x512xbf16>, vector<512x1536xbf16>, vector<16x1536xf32> -> vector<16x1536xf32>
    %add3A_1171 = vector.broadcast %get3A_45 : vector<1x1536xf32> to vector<16x1536xf32>
    %add3A_1172 = arith.addf %dot_general3A_1170, %add3A_1171 : vector<16x1536xf32>
    %slice3A_1173 = vector.extract_strided_slice %squeeze3A_1167 {offsets = [0, 0], sizes = [16, 512], strides = [1, 1]} : vector<16x1536xf32> to vector<16x512xf32>
    %slice3A_1174 = vector.extract_strided_slice %squeeze3A_1167 {offsets = [0, 512], sizes = [16, 512], strides = [1, 1]} : vector<16x1536xf32> to vector<16x512xf32>
    %slice3A_1175 = vector.extract_strided_slice %squeeze3A_1167 {offsets = [0, 1024], sizes = [16, 512], strides = [1, 1]} : vector<16x1536xf32> to vector<16x512xf32>
    %slice3A_1176 = vector.extract_strided_slice %add3A_1172 {offsets = [0, 0], sizes = [16, 512], strides = [1, 1]} : vector<16x1536xf32> to vector<16x512xf32>
    %slice3A_1177 = vector.extract_strided_slice %add3A_1172 {offsets = [0, 512], sizes = [16, 512], strides = [1, 1]} : vector<16x1536xf32> to vector<16x512xf32>
    %slice3A_1178 = vector.extract_strided_slice %add3A_1172 {offsets = [0, 1024], sizes = [16, 512], strides = [1, 1]} : vector<16x1536xf32> to vector<16x512xf32>
    %add3A_1179 = arith.addf %slice3A_1173, %slice3A_1176 : vector<16x512xf32>
    %logistic3A_1180 = arith.negf %add3A_1179 : vector<16x512xf32>
    %logistic3A_1181 = math.exp %logistic3A_1180 : vector<16x512xf32>
    %logistic3A_1182 = arith.constant 1.000000e+00 : f32
    %logistic3A_1183 = vector.broadcast %logistic3A_1182 : f32 to vector<16x512xf32>
    %logistic3A_1184 = arith.addf %logistic3A_1183, %logistic3A_1181 : vector<16x512xf32>
    %logistic3A_1185 = arith.divf %logistic3A_1183, %logistic3A_1184 : vector<16x512xf32>
    %add3A_1186 = arith.addf %slice3A_1174, %slice3A_1177 : vector<16x512xf32>
    %logistic3A_1187 = arith.negf %add3A_1186 : vector<16x512xf32>
    %logistic3A_1188 = math.exp %logistic3A_1187 : vector<16x512xf32>
    %logistic3A_1189 = arith.constant 1.000000e+00 : f32
    %logistic3A_1190 = vector.broadcast %logistic3A_1189 : f32 to vector<16x512xf32>
    %logistic3A_1191 = arith.addf %logistic3A_1190, %logistic3A_1188 : vector<16x512xf32>
    %logistic3A_1192 = arith.divf %logistic3A_1190, %logistic3A_1191 : vector<16x512xf32>
    %mul3A_1193 = arith.mulf %logistic3A_1185, %slice3A_1178 : vector<16x512xf32>
    %add3A_1194 = arith.addf %slice3A_1175, %mul3A_1193 : vector<16x512xf32>
    %tanh3A_1195 = math.tanh %add3A_1194 : vector<16x512xf32>
    %sub3A_1196 = arith.constant 1.000000e+00 : f32
    %sub3A_1197 = vector.broadcast %sub3A_1196 : f32 to vector<16x512xf32>
    %sub3A_1198 = arith.subf %sub3A_1197, %logistic3A_1192 : vector<16x512xf32>
    %mul3A_1199 = arith.mulf %sub3A_1198, %tanh3A_1195 : vector<16x512xf32>
    %mul3A_1200 = arith.mulf %logistic3A_1192, %add3A_1115 : vector<16x512xf32>
    %add3A_1201 = arith.addf %mul3A_1199, %mul3A_1200 : vector<16x512xf32>
    %convert_element_type3A_1202 = arith.truncf %add3A_1201 : vector<16x512xf32> to vector<16x512xbf16>
    %swap3A_1203 = arith.constant 13 : index
    %swap3A_1204 = arith.constant 0 : index
    %swap3A_1205 = arith.constant 0 : index
    %swap3A_1206 = vector.load %arg13[%swap3A_1203, %swap3A_1204, %swap3A_1205] : memref<16x16x512xbf16, #tpu.memory_space<vmem>>, vector<1x16x512xbf16>
    %swap3A_1207 = vector.shape_cast %swap3A_1206 : vector<1x16x512xbf16> to vector<16x512xbf16>
    %swap3A_1208 = vector.shape_cast %convert_element_type3A_1202 : vector<16x512xbf16> to vector<1x16x512xbf16>
    tpu.vector_store %arg13[%swap3A_1203, %swap3A_1204, %swap3A_1205], %swap3A_1208 {strides = array<i32>} : memref<16x16x512xbf16, #tpu.memory_space<vmem>>, vector<1x16x512xbf16>,
    %slice3A_1209 = vector.extract_strided_slice %reshape3A_36 {offsets = [2, 0, 0], sizes = [1, 16, 1536], strides = [1, 1, 1]} : vector<16x16x1536xf32> to vector<1x16x1536xf32>
    %squeeze3A_1210 = vector.shape_cast %slice3A_1209 : vector<1x16x1536xf32> to vector<16x1536xf32>
    %convert_element_type3A_1211 = arith.truncf %add3A_1158 : vector<16x512xf32> to vector<16x512xbf16>
    %dot_general3A_1212 = arith.constant dense<0.000000e+00> : vector<16x1536xf32>
    %dot_general3A_1213 = tpu.matmul %convert_element_type3A_1211, %get3A_42, %dot_general3A_1212 {dimension_numbers = #tpu.dot_dimension_numbers<[1], [0], [0], [1], [0, 0, 1, 1], [], []>, transpose_lhs_hint = false} : vector<16x512xbf16>, vector<512x1536xbf16>, vector<16x1536xf32> -> vector<16x1536xf32>
    %add3A_1214 = vector.broadcast %get3A_48 : vector<1x1536xf32> to vector<16x1536xf32>
    %add3A_1215 = arith.addf %dot_general3A_1213, %add3A_1214 : vector<16x1536xf32>
    %slice3A_1216 = vector.extract_strided_slice %squeeze3A_1210 {offsets = [0, 0], sizes = [16, 512], strides = [1, 1]} : vector<16x1536xf32> to vector<16x512xf32>
    %slice3A_1217 = vector.extract_strided_slice %squeeze3A_1210 {offsets = [0, 512], sizes = [16, 512], strides = [1, 1]} : vector<16x1536xf32> to vector<16x512xf32>
    %slice3A_1218 = vector.extract_strided_slice %squeeze3A_1210 {offsets = [0, 1024], sizes = [16, 512], strides = [1, 1]} : vector<16x1536xf32> to vector<16x512xf32>
    %slice3A_1219 = vector.extract_strided_slice %add3A_1215 {offsets = [0, 0], sizes = [16, 512], strides = [1, 1]} : vector<16x1536xf32> to vector<16x512xf32>
    %slice3A_1220 = vector.extract_strided_slice %add3A_1215 {offsets = [0, 512], sizes = [16, 512], strides = [1, 1]} : vector<16x1536xf32> to vector<16x512xf32>
    %slice3A_1221 = vector.extract_strided_slice %add3A_1215 {offsets = [0, 1024], sizes = [16, 512], strides = [1, 1]} : vector<16x1536xf32> to vector<16x512xf32>
    %add3A_1222 = arith.addf %slice3A_1216, %slice3A_1219 : vector<16x512xf32>
    %logistic3A_1223 = arith.negf %add3A_1222 : vector<16x512xf32>
    %logistic3A_1224 = math.exp %logistic3A_1223 : vector<16x512xf32>
    %logistic3A_1225 = arith.constant 1.000000e+00 : f32
    %logistic3A_1226 = vector.broadcast %logistic3A_1225 : f32 to vector<16x512xf32>
    %logistic3A_1227 = arith.addf %logistic3A_1226, %logistic3A_1224 : vector<16x512xf32>
    %logistic3A_1228 = arith.divf %logistic3A_1226, %logistic3A_1227 : vector<16x512xf32>
    %add3A_1229 = arith.addf %slice3A_1217, %slice3A_1220 : vector<16x512xf32>
    %logistic3A_1230 = arith.negf %add3A_1229 : vector<16x512xf32>
    %logistic3A_1231 = math.exp %logistic3A_1230 : vector<16x512xf32>
    %logistic3A_1232 = arith.constant 1.000000e+00 : f32
    %logistic3A_1233 = vector.broadcast %logistic3A_1232 : f32 to vector<16x512xf32>
    %logistic3A_1234 = arith.addf %logistic3A_1233, %logistic3A_1231 : vector<16x512xf32>
    %logistic3A_1235 = arith.divf %logistic3A_1233, %logistic3A_1234 : vector<16x512xf32>
    %mul3A_1236 = arith.mulf %logistic3A_1228, %slice3A_1221 : vector<16x512xf32>
    %add3A_1237 = arith.addf %slice3A_1218, %mul3A_1236 : vector<16x512xf32>
    %tanh3A_1238 = math.tanh %add3A_1237 : vector<16x512xf32>
    %sub3A_1239 = arith.constant 1.000000e+00 : f32
    %sub3A_1240 = vector.broadcast %sub3A_1239 : f32 to vector<16x512xf32>
    %sub3A_1241 = arith.subf %sub3A_1240, %logistic3A_1235 : vector<16x512xf32>
    %mul3A_1242 = arith.mulf %sub3A_1241, %tanh3A_1238 : vector<16x512xf32>
    %mul3A_1243 = arith.mulf %logistic3A_1235, %add3A_1158 : vector<16x512xf32>
    %add3A_1244 = arith.addf %mul3A_1242, %mul3A_1243 : vector<16x512xf32>
    %convert_element_type3A_1245 = arith.truncf %add3A_1244 : vector<16x512xf32> to vector<16x512xbf16>
    %swap3A_1246 = arith.constant 2 : index
    %swap3A_1247 = arith.constant 0 : index
    %swap3A_1248 = arith.constant 0 : index
    %swap3A_1249 = vector.load %arg14[%swap3A_1246, %swap3A_1247, %swap3A_1248] : memref<16x16x512xbf16, #tpu.memory_space<vmem>>, vector<1x16x512xbf16>
    %swap3A_1250 = vector.shape_cast %swap3A_1249 : vector<1x16x512xbf16> to vector<16x512xbf16>
    %swap3A_1251 = vector.shape_cast %convert_element_type3A_1245 : vector<16x512xbf16> to vector<1x16x512xbf16>
    tpu.vector_store %arg14[%swap3A_1246, %swap3A_1247, %swap3A_1248], %swap3A_1251 {strides = array<i32>} : memref<16x16x512xbf16, #tpu.memory_space<vmem>>, vector<1x16x512xbf16>,
    %slice3A_1252 = vector.extract_strided_slice %reshape3A_19 {offsets = [14, 0, 0], sizes = [1, 16, 1536], strides = [1, 1, 1]} : vector<16x16x1536xf32> to vector<1x16x1536xf32>
    %squeeze3A_1253 = vector.shape_cast %slice3A_1252 : vector<1x16x1536xf32> to vector<16x1536xf32>
    %convert_element_type3A_1254 = arith.truncf %add3A_1201 : vector<16x512xf32> to vector<16x512xbf16>
    %dot_general3A_1255 = arith.constant dense<0.000000e+00> : vector<16x1536xf32>
    %dot_general3A_1256 = tpu.matmul %convert_element_type3A_1254, %get3A_39, %dot_general3A_1255 {dimension_numbers = #tpu.dot_dimension_numbers<[1], [0], [0], [1], [0, 0, 1, 1], [], []>, transpose_lhs_hint = false} : vector<16x512xbf16>, vector<512x1536xbf16>, vector<16x1536xf32> -> vector<16x1536xf32>
    %add3A_1257 = vector.broadcast %get3A_45 : vector<1x1536xf32> to vector<16x1536xf32>
    %add3A_1258 = arith.addf %dot_general3A_1256, %add3A_1257 : vector<16x1536xf32>
    %slice3A_1259 = vector.extract_strided_slice %squeeze3A_1253 {offsets = [0, 0], sizes = [16, 512], strides = [1, 1]} : vector<16x1536xf32> to vector<16x512xf32>
    %slice3A_1260 = vector.extract_strided_slice %squeeze3A_1253 {offsets = [0, 512], sizes = [16, 512], strides = [1, 1]} : vector<16x1536xf32> to vector<16x512xf32>
    %slice3A_1261 = vector.extract_strided_slice %squeeze3A_1253 {offsets = [0, 1024], sizes = [16, 512], strides = [1, 1]} : vector<16x1536xf32> to vector<16x512xf32>
    %slice3A_1262 = vector.extract_strided_slice %add3A_1258 {offsets = [0, 0], sizes = [16, 512], strides = [1, 1]} : vector<16x1536xf32> to vector<16x512xf32>
    %slice3A_1263 = vector.extract_strided_slice %add3A_1258 {offsets = [0, 512], sizes = [16, 512], strides = [1, 1]} : vector<16x1536xf32> to vector<16x512xf32>
    %slice3A_1264 = vector.extract_strided_slice %add3A_1258 {offsets = [0, 1024], sizes = [16, 512], strides = [1, 1]} : vector<16x1536xf32> to vector<16x512xf32>
    %add3A_1265 = arith.addf %slice3A_1259, %slice3A_1262 : vector<16x512xf32>
    %logistic3A_1266 = arith.negf %add3A_1265 : vector<16x512xf32>
    %logistic3A_1267 = math.exp %logistic3A_1266 : vector<16x512xf32>
    %logistic3A_1268 = arith.constant 1.000000e+00 : f32
    %logistic3A_1269 = vector.broadcast %logistic3A_1268 : f32 to vector<16x512xf32>
    %logistic3A_1270 = arith.addf %logistic3A_1269, %logistic3A_1267 : vector<16x512xf32>
    %logistic3A_1271 = arith.divf %logistic3A_1269, %logistic3A_1270 : vector<16x512xf32>
    %add3A_1272 = arith.addf %slice3A_1260, %slice3A_1263 : vector<16x512xf32>
    %logistic3A_1273 = arith.negf %add3A_1272 : vector<16x512xf32>
    %logistic3A_1274 = math.exp %logistic3A_1273 : vector<16x512xf32>
    %logistic3A_1275 = arith.constant 1.000000e+00 : f32
    %logistic3A_1276 = vector.broadcast %logistic3A_1275 : f32 to vector<16x512xf32>
    %logistic3A_1277 = arith.addf %logistic3A_1276, %logistic3A_1274 : vector<16x512xf32>
    %logistic3A_1278 = arith.divf %logistic3A_1276, %logistic3A_1277 : vector<16x512xf32>
    %mul3A_1279 = arith.mulf %logistic3A_1271, %slice3A_1264 : vector<16x512xf32>
    %add3A_1280 = arith.addf %slice3A_1261, %mul3A_1279 : vector<16x512xf32>
    %tanh3A_1281 = math.tanh %add3A_1280 : vector<16x512xf32>
    %sub3A_1282 = arith.constant 1.000000e+00 : f32
    %sub3A_1283 = vector.broadcast %sub3A_1282 : f32 to vector<16x512xf32>
    %sub3A_1284 = arith.subf %sub3A_1283, %logistic3A_1278 : vector<16x512xf32>
    %mul3A_1285 = arith.mulf %sub3A_1284, %tanh3A_1281 : vector<16x512xf32>
    %mul3A_1286 = arith.mulf %logistic3A_1278, %add3A_1201 : vector<16x512xf32>
    %add3A_1287 = arith.addf %mul3A_1285, %mul3A_1286 : vector<16x512xf32>
    %convert_element_type3A_1288 = arith.truncf %add3A_1287 : vector<16x512xf32> to vector<16x512xbf16>
    %swap3A_1289 = arith.constant 14 : index
    %swap3A_1290 = arith.constant 0 : index
    %swap3A_1291 = arith.constant 0 : index
    %swap3A_1292 = vector.load %arg13[%swap3A_1289, %swap3A_1290, %swap3A_1291] : memref<16x16x512xbf16, #tpu.memory_space<vmem>>, vector<1x16x512xbf16>
    %swap3A_1293 = vector.shape_cast %swap3A_1292 : vector<1x16x512xbf16> to vector<16x512xbf16>
    %swap3A_1294 = vector.shape_cast %convert_element_type3A_1288 : vector<16x512xbf16> to vector<1x16x512xbf16>
    tpu.vector_store %arg13[%swap3A_1289, %swap3A_1290, %swap3A_1291], %swap3A_1294 {strides = array<i32>} : memref<16x16x512xbf16, #tpu.memory_space<vmem>>, vector<1x16x512xbf16>,
    %slice3A_1295 = vector.extract_strided_slice %reshape3A_36 {offsets = [1, 0, 0], sizes = [1, 16, 1536], strides = [1, 1, 1]} : vector<16x16x1536xf32> to vector<1x16x1536xf32>
    %squeeze3A_1296 = vector.shape_cast %slice3A_1295 : vector<1x16x1536xf32> to vector<16x1536xf32>
    %convert_element_type3A_1297 = arith.truncf %add3A_1244 : vector<16x512xf32> to vector<16x512xbf16>
    %dot_general3A_1298 = arith.constant dense<0.000000e+00> : vector<16x1536xf32>
    %dot_general3A_1299 = tpu.matmul %convert_element_type3A_1297, %get3A_42, %dot_general3A_1298 {dimension_numbers = #tpu.dot_dimension_numbers<[1], [0], [0], [1], [0, 0, 1, 1], [], []>, transpose_lhs_hint = false} : vector<16x512xbf16>, vector<512x1536xbf16>, vector<16x1536xf32> -> vector<16x1536xf32>
    %add3A_1300 = vector.broadcast %get3A_48 : vector<1x1536xf32> to vector<16x1536xf32>
    %add3A_1301 = arith.addf %dot_general3A_1299, %add3A_1300 : vector<16x1536xf32>
    %slice3A_1302 = vector.extract_strided_slice %squeeze3A_1296 {offsets = [0, 0], sizes = [16, 512], strides = [1, 1]} : vector<16x1536xf32> to vector<16x512xf32>
    %slice3A_1303 = vector.extract_strided_slice %squeeze3A_1296 {offsets = [0, 512], sizes = [16, 512], strides = [1, 1]} : vector<16x1536xf32> to vector<16x512xf32>
    %slice3A_1304 = vector.extract_strided_slice %squeeze3A_1296 {offsets = [0, 1024], sizes = [16, 512], strides = [1, 1]} : vector<16x1536xf32> to vector<16x512xf32>
    %slice3A_1305 = vector.extract_strided_slice %add3A_1301 {offsets = [0, 0], sizes = [16, 512], strides = [1, 1]} : vector<16x1536xf32> to vector<16x512xf32>
    %slice3A_1306 = vector.extract_strided_slice %add3A_1301 {offsets = [0, 512], sizes = [16, 512], strides = [1, 1]} : vector<16x1536xf32> to vector<16x512xf32>
    %slice3A_1307 = vector.extract_strided_slice %add3A_1301 {offsets = [0, 1024], sizes = [16, 512], strides = [1, 1]} : vector<16x1536xf32> to vector<16x512xf32>
    %add3A_1308 = arith.addf %slice3A_1302, %slice3A_1305 : vector<16x512xf32>
    %logistic3A_1309 = arith.negf %add3A_1308 : vector<16x512xf32>
    %logistic3A_1310 = math.exp %logistic3A_1309 : vector<16x512xf32>
    %logistic3A_1311 = arith.constant 1.000000e+00 : f32
    %logistic3A_1312 = vector.broadcast %logistic3A_1311 : f32 to vector<16x512xf32>
    %logistic3A_1313 = arith.addf %logistic3A_1312, %logistic3A_1310 : vector<16x512xf32>
    %logistic3A_1314 = arith.divf %logistic3A_1312, %logistic3A_1313 : vector<16x512xf32>
    %add3A_1315 = arith.addf %slice3A_1303, %slice3A_1306 : vector<16x512xf32>
    %logistic3A_1316 = arith.negf %add3A_1315 : vector<16x512xf32>
    %logistic3A_1317 = math.exp %logistic3A_1316 : vector<16x512xf32>
    %logistic3A_1318 = arith.constant 1.000000e+00 : f32
    %logistic3A_1319 = vector.broadcast %logistic3A_1318 : f32 to vector<16x512xf32>
    %logistic3A_1320 = arith.addf %logistic3A_1319, %logistic3A_1317 : vector<16x512xf32>
    %logistic3A_1321 = arith.divf %logistic3A_1319, %logistic3A_1320 : vector<16x512xf32>
    %mul3A_1322 = arith.mulf %logistic3A_1314, %slice3A_1307 : vector<16x512xf32>
    %add3A_1323 = arith.addf %slice3A_1304, %mul3A_1322 : vector<16x512xf32>
    %tanh3A_1324 = math.tanh %add3A_1323 : vector<16x512xf32>
    %sub3A_1325 = arith.constant 1.000000e+00 : f32
    %sub3A_1326 = vector.broadcast %sub3A_1325 : f32 to vector<16x512xf32>
    %sub3A_1327 = arith.subf %sub3A_1326, %logistic3A_1321 : vector<16x512xf32>
    %mul3A_1328 = arith.mulf %sub3A_1327, %tanh3A_1324 : vector<16x512xf32>
    %mul3A_1329 = arith.mulf %logistic3A_1321, %add3A_1244 : vector<16x512xf32>
    %add3A_1330 = arith.addf %mul3A_1328, %mul3A_1329 : vector<16x512xf32>
    %convert_element_type3A_1331 = arith.truncf %add3A_1330 : vector<16x512xf32> to vector<16x512xbf16>
    %swap3A_1332 = arith.constant 1 : index
    %swap3A_1333 = arith.constant 0 : index
    %swap3A_1334 = arith.constant 0 : index
    %swap3A_1335 = vector.load %arg14[%swap3A_1332, %swap3A_1333, %swap3A_1334] : memref<16x16x512xbf16, #tpu.memory_space<vmem>>, vector<1x16x512xbf16>
    %swap3A_1336 = vector.shape_cast %swap3A_1335 : vector<1x16x512xbf16> to vector<16x512xbf16>
    %swap3A_1337 = vector.shape_cast %convert_element_type3A_1331 : vector<16x512xbf16> to vector<1x16x512xbf16>
    tpu.vector_store %arg14[%swap3A_1332, %swap3A_1333, %swap3A_1334], %swap3A_1337 {strides = array<i32>} : memref<16x16x512xbf16, #tpu.memory_space<vmem>>, vector<1x16x512xbf16>,
    %slice3A_1338 = vector.extract_strided_slice %reshape3A_19 {offsets = [15, 0, 0], sizes = [1, 16, 1536], strides = [1, 1, 1]} : vector<16x16x1536xf32> to vector<1x16x1536xf32>
    %squeeze3A_1339 = vector.shape_cast %slice3A_1338 : vector<1x16x1536xf32> to vector<16x1536xf32>
    %convert_element_type3A_1340 = arith.truncf %add3A_1287 : vector<16x512xf32> to vector<16x512xbf16>
    %dot_general3A_1341 = arith.constant dense<0.000000e+00> : vector<16x1536xf32>
    %dot_general3A_1342 = tpu.matmul %convert_element_type3A_1340, %get3A_39, %dot_general3A_1341 {dimension_numbers = #tpu.dot_dimension_numbers<[1], [0], [0], [1], [0, 0, 1, 1], [], []>, transpose_lhs_hint = false} : vector<16x512xbf16>, vector<512x1536xbf16>, vector<16x1536xf32> -> vector<16x1536xf32>
    %add3A_1343 = vector.broadcast %get3A_45 : vector<1x1536xf32> to vector<16x1536xf32>
    %add3A_1344 = arith.addf %dot_general3A_1342, %add3A_1343 : vector<16x1536xf32>
    %slice3A_1345 = vector.extract_strided_slice %squeeze3A_1339 {offsets = [0, 0], sizes = [16, 512], strides = [1, 1]} : vector<16x1536xf32> to vector<16x512xf32>
    %slice3A_1346 = vector.extract_strided_slice %squeeze3A_1339 {offsets = [0, 512], sizes = [16, 512], strides = [1, 1]} : vector<16x1536xf32> to vector<16x512xf32>
    %slice3A_1347 = vector.extract_strided_slice %squeeze3A_1339 {offsets = [0, 1024], sizes = [16, 512], strides = [1, 1]} : vector<16x1536xf32> to vector<16x512xf32>
    %slice3A_1348 = vector.extract_strided_slice %add3A_1344 {offsets = [0, 0], sizes = [16, 512], strides = [1, 1]} : vector<16x1536xf32> to vector<16x512xf32>
    %slice3A_1349 = vector.extract_strided_slice %add3A_1344 {offsets = [0, 512], sizes = [16, 512], strides = [1, 1]} : vector<16x1536xf32> to vector<16x512xf32>
    %slice3A_1350 = vector.extract_strided_slice %add3A_1344 {offsets = [0, 1024], sizes = [16, 512], strides = [1, 1]} : vector<16x1536xf32> to vector<16x512xf32>
    %add3A_1351 = arith.addf %slice3A_1345, %slice3A_1348 : vector<16x512xf32>
    %logistic3A_1352 = arith.negf %add3A_1351 : vector<16x512xf32>
    %logistic3A_1353 = math.exp %logistic3A_1352 : vector<16x512xf32>
    %logistic3A_1354 = arith.constant 1.000000e+00 : f32
    %logistic3A_1355 = vector.broadcast %logistic3A_1354 : f32 to vector<16x512xf32>
    %logistic3A_1356 = arith.addf %logistic3A_1355, %logistic3A_1353 : vector<16x512xf32>
    %logistic3A_1357 = arith.divf %logistic3A_1355, %logistic3A_1356 : vector<16x512xf32>
    %add3A_1358 = arith.addf %slice3A_1346, %slice3A_1349 : vector<16x512xf32>
    %logistic3A_1359 = arith.negf %add3A_1358 : vector<16x512xf32>
    %logistic3A_1360 = math.exp %logistic3A_1359 : vector<16x512xf32>
    %logistic3A_1361 = arith.constant 1.000000e+00 : f32
    %logistic3A_1362 = vector.broadcast %logistic3A_1361 : f32 to vector<16x512xf32>
    %logistic3A_1363 = arith.addf %logistic3A_1362, %logistic3A_1360 : vector<16x512xf32>
    %logistic3A_1364 = arith.divf %logistic3A_1362, %logistic3A_1363 : vector<16x512xf32>
    %mul3A_1365 = arith.mulf %logistic3A_1357, %slice3A_1350 : vector<16x512xf32>
    %add3A_1366 = arith.addf %slice3A_1347, %mul3A_1365 : vector<16x512xf32>
    %tanh3A_1367 = math.tanh %add3A_1366 : vector<16x512xf32>
    %sub3A_1368 = arith.constant 1.000000e+00 : f32
    %sub3A_1369 = vector.broadcast %sub3A_1368 : f32 to vector<16x512xf32>
    %sub3A_1370 = arith.subf %sub3A_1369, %logistic3A_1364 : vector<16x512xf32>
    %mul3A_1371 = arith.mulf %sub3A_1370, %tanh3A_1367 : vector<16x512xf32>
    %mul3A_1372 = arith.mulf %logistic3A_1364, %add3A_1287 : vector<16x512xf32>
    %add3A_1373 = arith.addf %mul3A_1371, %mul3A_1372 : vector<16x512xf32>
    %convert_element_type3A_1374 = arith.truncf %add3A_1373 : vector<16x512xf32> to vector<16x512xbf16>
    %swap3A_1375 = arith.constant 15 : index
    %swap3A_1376 = arith.constant 0 : index
    %swap3A_1377 = arith.constant 0 : index
    %swap3A_1378 = vector.load %arg13[%swap3A_1375, %swap3A_1376, %swap3A_1377] : memref<16x16x512xbf16, #tpu.memory_space<vmem>>, vector<1x16x512xbf16>
    %swap3A_1379 = vector.shape_cast %swap3A_1378 : vector<1x16x512xbf16> to vector<16x512xbf16>
    %swap3A_1380 = vector.shape_cast %convert_element_type3A_1374 : vector<16x512xbf16> to vector<1x16x512xbf16>
    tpu.vector_store %arg13[%swap3A_1375, %swap3A_1376, %swap3A_1377], %swap3A_1380 {strides = array<i32>} : memref<16x16x512xbf16, #tpu.memory_space<vmem>>, vector<1x16x512xbf16>,
    %slice3A_1381 = vector.extract_strided_slice %reshape3A_36 {offsets = [0, 0, 0], sizes = [1, 16, 1536], strides = [1, 1, 1]} : vector<16x16x1536xf32> to vector<1x16x1536xf32>
    %squeeze3A_1382 = vector.shape_cast %slice3A_1381 : vector<1x16x1536xf32> to vector<16x1536xf32>
    %convert_element_type3A_1383 = arith.truncf %add3A_1330 : vector<16x512xf32> to vector<16x512xbf16>
    %dot_general3A_1384 = arith.constant dense<0.000000e+00> : vector<16x1536xf32>
    %dot_general3A_1385 = tpu.matmul %convert_element_type3A_1383, %get3A_42, %dot_general3A_1384 {dimension_numbers = #tpu.dot_dimension_numbers<[1], [0], [0], [1], [0, 0, 1, 1], [], []>, transpose_lhs_hint = false} : vector<16x512xbf16>, vector<512x1536xbf16>, vector<16x1536xf32> -> vector<16x1536xf32>
    %add3A_1386 = vector.broadcast %get3A_48 : vector<1x1536xf32> to vector<16x1536xf32>
    %add3A_1387 = arith.addf %dot_general3A_1385, %add3A_1386 : vector<16x1536xf32>
    %slice3A_1388 = vector.extract_strided_slice %squeeze3A_1382 {offsets = [0, 0], sizes = [16, 512], strides = [1, 1]} : vector<16x1536xf32> to vector<16x512xf32>
    %slice3A_1389 = vector.extract_strided_slice %squeeze3A_1382 {offsets = [0, 512], sizes = [16, 512], strides = [1, 1]} : vector<16x1536xf32> to vector<16x512xf32>
    %slice3A_1390 = vector.extract_strided_slice %squeeze3A_1382 {offsets = [0, 1024], sizes = [16, 512], strides = [1, 1]} : vector<16x1536xf32> to vector<16x512xf32>
    %slice3A_1391 = vector.extract_strided_slice %add3A_1387 {offsets = [0, 0], sizes = [16, 512], strides = [1, 1]} : vector<16x1536xf32> to vector<16x512xf32>
    %slice3A_1392 = vector.extract_strided_slice %add3A_1387 {offsets = [0, 512], sizes = [16, 512], strides = [1, 1]} : vector<16x1536xf32> to vector<16x512xf32>
    %slice3A_1393 = vector.extract_strided_slice %add3A_1387 {offsets = [0, 1024], sizes = [16, 512], strides = [1, 1]} : vector<16x1536xf32> to vector<16x512xf32>
    %add3A_1394 = arith.addf %slice3A_1388, %slice3A_1391 : vector<16x512xf32>
    %logistic3A_1395 = arith.negf %add3A_1394 : vector<16x512xf32>
    %logistic3A_1396 = math.exp %logistic3A_1395 : vector<16x512xf32>
    %logistic3A_1397 = arith.constant 1.000000e+00 : f32
    %logistic3A_1398 = vector.broadcast %logistic3A_1397 : f32 to vector<16x512xf32>
    %logistic3A_1399 = arith.addf %logistic3A_1398, %logistic3A_1396 : vector<16x512xf32>
    %logistic3A_1400 = arith.divf %logistic3A_1398, %logistic3A_1399 : vector<16x512xf32>
    %add3A_1401 = arith.addf %slice3A_1389, %slice3A_1392 : vector<16x512xf32>
    %logistic3A_1402 = arith.negf %add3A_1401 : vector<16x512xf32>
    %logistic3A_1403 = math.exp %logistic3A_1402 : vector<16x512xf32>
    %logistic3A_1404 = arith.constant 1.000000e+00 : f32
    %logistic3A_1405 = vector.broadcast %logistic3A_1404 : f32 to vector<16x512xf32>
    %logistic3A_1406 = arith.addf %logistic3A_1405, %logistic3A_1403 : vector<16x512xf32>
    %logistic3A_1407 = arith.divf %logistic3A_1405, %logistic3A_1406 : vector<16x512xf32>
    %mul3A_1408 = arith.mulf %logistic3A_1400, %slice3A_1393 : vector<16x512xf32>
    %add3A_1409 = arith.addf %slice3A_1390, %mul3A_1408 : vector<16x512xf32>
    %tanh3A_1410 = math.tanh %add3A_1409 : vector<16x512xf32>
    %sub3A_1411 = arith.constant 1.000000e+00 : f32
    %sub3A_1412 = vector.broadcast %sub3A_1411 : f32 to vector<16x512xf32>
    %sub3A_1413 = arith.subf %sub3A_1412, %logistic3A_1407 : vector<16x512xf32>
    %mul3A_1414 = arith.mulf %sub3A_1413, %tanh3A_1410 : vector<16x512xf32>
    %mul3A_1415 = arith.mulf %logistic3A_1407, %add3A_1330 : vector<16x512xf32>
    %add3A_1416 = arith.addf %mul3A_1414, %mul3A_1415 : vector<16x512xf32>
    %convert_element_type3A_1417 = arith.truncf %add3A_1416 : vector<16x512xf32> to vector<16x512xbf16>
    %swap3A_1418 = arith.constant 0 : index
    %swap3A_1419 = arith.constant 0 : index
    %swap3A_1420 = arith.constant 0 : index
    %swap3A_1421 = vector.load %arg14[%swap3A_1418, %swap3A_1419, %swap3A_1420] : memref<16x16x512xbf16, #tpu.memory_space<vmem>>, vector<1x16x512xbf16>
    %swap3A_1422 = vector.shape_cast %swap3A_1421 : vector<1x16x512xbf16> to vector<16x512xbf16>
    %swap3A_1423 = vector.shape_cast %convert_element_type3A_1417 : vector<16x512xbf16> to vector<1x16x512xbf16>
    tpu.vector_store %arg14[%swap3A_1418, %swap3A_1419, %swap3A_1420], %swap3A_1423 {strides = array<i32>} : memref<16x16x512xbf16, #tpu.memory_space<vmem>>, vector<1x16x512xbf16>,
    %swap3A_1424 = arith.constant 0 : index
    %swap3A_1425 = arith.constant 0 : index
    %swap3A_1426 = vector.load %arg15[%swap3A_1424, %swap3A_1425] : memref<16x512xf32, #tpu.memory_space<vmem>>, vector<16x512xf32>
    tpu.vector_store %arg15[%swap3A_1424, %swap3A_1425], %add3A_1373 {strides = array<i32>} : memref<16x512xf32, #tpu.memory_space<vmem>>, vector<16x512xf32>,
    %swap3A_1427 = arith.constant 0 : index
    %swap3A_1428 = arith.constant 0 : index
    %swap3A_1429 = vector.load %arg16[%swap3A_1427, %swap3A_1428] : memref<16x512xf32, #tpu.memory_space<vmem>>, vector<16x512xf32>
    tpu.vector_store %arg16[%swap3A_1427, %swap3A_1428], %add3A_1416 {strides = array<i32>} : memref<16x512xf32, #tpu.memory_space<vmem>>, vector<16x512xf32>,
    return
  }
  func.func @transform_0(%arg0: i32) -> (i32, i32, i32) {
    %c0_i32 = arith.constant 0 : i32
    %c0_i32_0 = arith.constant 0 : i32
    %c0_i32_1 = arith.constant 0 : i32
    return %arg0, %c0_i32, %c0_i32_0 : i32, i32, i32
  }
  func.func @transform_1(%arg0: i32) -> (i32, i32, i32) {
    %sub3A = arith.constant 7 : i32
    %sub3A_0 = arith.subi %sub3A, %arg0 : i32
    %c0_i32 = arith.constant 0 : i32
    %c0_i32_1 = arith.constant 0 : i32
    %c0_i32_2 = arith.constant 0 : i32
    return %sub3A_0, %c0_i32, %c0_i32_1 : i32, i32, i32
  }
  func.func @transform_2(%arg0: i32) -> (i32, i32) {
    %c0_i32 = arith.constant 0 : i32
    %c0_i32_0 = arith.constant 0 : i32
    %c0_i32_1 = arith.constant 0 : i32
    return %c0_i32, %c0_i32_0 : i32, i32
  }
  func.func @transform_3(%arg0: i32) -> (i32, i32) {
    %c0_i32 = arith.constant 0 : i32
    %c0_i32_0 = arith.constant 0 : i32
    %c0_i32_1 = arith.constant 0 : i32
    return %c0_i32, %c0_i32_0 : i32, i32
  }
  func.func @transform_4(%arg0: i32) -> (i32, i32) {
    %c0_i32 = arith.constant 0 : i32
    %c0_i32_0 = arith.constant 0 : i32
    %c0_i32_1 = arith.constant 0 : i32
    return %c0_i32, %c0_i32_0 : i32, i32
  }
  func.func @transform_5(%arg0: i32) -> (i32, i32) {
    %c0_i32 = arith.constant 0 : i32
    %c0_i32_0 = arith.constant 0 : i32
    %c0_i32_1 = arith.constant 0 : i32
    return %c0_i32, %c0_i32_0 : i32, i32
  }
  func.func @transform_6(%arg0: i32) -> (i32, i32) {
    %c0_i32 = arith.constant 0 : i32
    %c0_i32_0 = arith.constant 0 : i32
    %c0_i32_1 = arith.constant 0 : i32
    return %c0_i32, %c0_i32_0 : i32, i32
  }
  func.func @transform_7(%arg0: i32) -> (i32, i32) {
    %c0_i32 = arith.constant 0 : i32
    %c0_i32_0 = arith.constant 0 : i32
    %c0_i32_1 = arith.constant 0 : i32
    return %c0_i32, %c0_i32_0 : i32, i32
  }
  func.func @transform_8(%arg0: i32) -> (i32, i32) {
    %c0_i32 = arith.constant 0 : i32
    %c0_i32_0 = arith.constant 0 : i32
    %c0_i32_1 = arith.constant 0 : i32
    return %c0_i32, %c0_i32_0 : i32, i32
  }
  func.func @transform_9(%arg0: i32) -> (i32, i32) {
    %c0_i32 = arith.constant 0 : i32
    %c0_i32_0 = arith.constant 0 : i32
    %c0_i32_1 = arith.constant 0 : i32
    return %c0_i32, %c0_i32_0 : i32, i32
  }
  func.func @transform_10(%arg0: i32) -> (i32, i32) {
    %c0_i32 = arith.constant 0 : i32
    %c0_i32_0 = arith.constant 0 : i32
    %c0_i32_1 = arith.constant 0 : i32
    return %c0_i32, %c0_i32_0 : i32, i32
  }
  func.func @transform_11(%arg0: i32) -> (i32, i32) {
    %c0_i32 = arith.constant 0 : i32
    %c0_i32_0 = arith.constant 0 : i32
    %c0_i32_1 = arith.constant 0 : i32
    return %c0_i32, %c0_i32_0 : i32, i32
  }
  func.func @transform_12(%arg0: i32) -> (i32, i32, i32) {
    %c0_i32 = arith.constant 0 : i32
    %c0_i32_0 = arith.constant 0 : i32
    %c0_i32_1 = arith.constant 0 : i32
    return %arg0, %c0_i32, %c0_i32_0 : i32, i32, i32
  }
  func.func @transform_13(%arg0: i32) -> (i32, i32, i32) {
    %sub3A = arith.constant 7 : i32
    %sub3A_0 = arith.subi %sub3A, %arg0 : i32
    %c0_i32 = arith.constant 0 : i32
    %c0_i32_1 = arith.constant 0 : i32
    %c0_i32_2 = arith.constant 0 : i32
    return %sub3A_0, %c0_i32, %c0_i32_1 : i32, i32, i32
  }
}

module attributes {stable_mosaic.version = 14 : i64} {
  func.func @_gru_scan_l1_kernel(%arg0: i32, %arg1: memref<16x16x512xbf16, #tpu.memory_space<vmem>>, %arg2: memref<16x16x512xbf16, #tpu.memory_space<vmem>>, %arg3: memref<16x16x512xbf16, #tpu.memory_space<vmem>>, %arg4: memref<16x16x512xbf16, #tpu.memory_space<vmem>>, %arg5: memref<1536x1024xbf16, #tpu.memory_space<vmem>>, %arg6: memref<1536x1024xbf16, #tpu.memory_space<vmem>>, %arg7: memref<1x1536xf32, #tpu.memory_space<vmem>>, %arg8: memref<1x1536xf32, #tpu.memory_space<vmem>>, %arg9: memref<1536x512xf32, #tpu.memory_space<vmem>>, %arg10: memref<1536x512xf32, #tpu.memory_space<vmem>>, %arg11: memref<1x1536xf32, #tpu.memory_space<vmem>>, %arg12: memref<1x1536xf32, #tpu.memory_space<vmem>>, %arg13: memref<16x512xf32, #tpu.memory_space<vmem>>, %arg14: memref<16x512xf32, #tpu.memory_space<vmem>>, %arg15: memref<16x16x512xf32, #tpu.memory_space<vmem>>, %arg16: memref<16x16x512xf32, #tpu.memory_space<vmem>>, %arg17: memref<16x512xf32, #tpu.memory_space<vmem>>, %arg18: memref<16x512xf32, #tpu.memory_space<vmem>>, %arg19: memref<512x1536xbf16, #tpu.memory_space<vmem>>, %arg20: memref<512x1536xbf16, #tpu.memory_space<vmem>>) attributes {dimension_semantics = [#tpu.dimension_semantics<arbitrary>], iteration_bounds = array<i64: 8>, scalar_prefetch = 0 : i64, scratch_operands = 4 : i64, tpu.core_type = #tpu.core_type<tc>, window_params = [{transform_indices = @transform_0, window_bounds = array<i64: 16, 16, 512>}, {transform_indices = @transform_1, window_bounds = array<i64: 16, 16, 512>}, {transform_indices = @transform_2, window_bounds = array<i64: 16, 16, 512>}, {transform_indices = @transform_3, window_bounds = array<i64: 16, 16, 512>}, {pipeline_mode = #tpu.pipeline_mode<synchronous>, transform_indices = @transform_4, window_bounds = array<i64: 1536, 1024>}, {pipeline_mode = #tpu.pipeline_mode<synchronous>, transform_indices = @transform_5, window_bounds = array<i64: 1536, 1024>}, {pipeline_mode = #tpu.pipeline_mode<synchronous>, transform_indices = @transform_6, window_bounds = array<i64: 1, 1536>}, {pipeline_mode = #tpu.pipeline_mode<synchronous>, transform_indices = @transform_7, window_bounds = array<i64: 1, 1536>}, {pipeline_mode = #tpu.pipeline_mode<synchronous>, transform_indices = @transform_8, window_bounds = array<i64: 1536, 512>}, {pipeline_mode = #tpu.pipeline_mode<synchronous>, transform_indices = @transform_9, window_bounds = array<i64: 1536, 512>}, {pipeline_mode = #tpu.pipeline_mode<synchronous>, transform_indices = @transform_10, window_bounds = array<i64: 1, 1536>}, {pipeline_mode = #tpu.pipeline_mode<synchronous>, transform_indices = @transform_11, window_bounds = array<i64: 1, 1536>}, {pipeline_mode = #tpu.pipeline_mode<synchronous>, transform_indices = @transform_12, window_bounds = array<i64: 16, 512>}, {pipeline_mode = #tpu.pipeline_mode<synchronous>, transform_indices = @transform_13, window_bounds = array<i64: 16, 512>}, {transform_indices = @transform_14, window_bounds = array<i64: 16, 16, 512>}, {transform_indices = @transform_15, window_bounds = array<i64: 16, 16, 512>}]} {
    %eq3A = arith.constant 0 : i32
    %eq3A_0 = arith.cmpi eq, %arg0, %eq3A : i32
    %convert_element_type3A = arith.extui %eq3A_0 : i1 to i32
    %cond3A = arith.constant 0 : i32
    %cond3A_1 = arith.cmpi ne, %convert_element_type3A, %cond3A : i32
    scf.if %cond3A_1 {
      %get3A_1416 = arith.constant 0 : index
      %get3A_1417 = arith.constant 0 : index
      %get3A_1418 = vector.load %arg13[%get3A_1416, %get3A_1417] : memref<16x512xf32, #tpu.memory_space<vmem>>, vector<16x512xf32>
      %swap3A_1419 = arith.constant 0 : index
      %swap3A_1420 = arith.constant 0 : index
      %swap3A_1421 = vector.load %arg17[%swap3A_1419, %swap3A_1420] : memref<16x512xf32, #tpu.memory_space<vmem>>, vector<16x512xf32>
      tpu.vector_store %arg17[%swap3A_1419, %swap3A_1420], %get3A_1418 {strides = array<i32>} : memref<16x512xf32, #tpu.memory_space<vmem>>, vector<16x512xf32>,
      %get3A_1422 = arith.constant 0 : index
      %get3A_1423 = arith.constant 0 : index
      %get3A_1424 = vector.load %arg14[%get3A_1422, %get3A_1423] : memref<16x512xf32, #tpu.memory_space<vmem>>, vector<16x512xf32>
      %swap3A_1425 = arith.constant 0 : index
      %swap3A_1426 = arith.constant 0 : index
      %swap3A_1427 = vector.load %arg18[%swap3A_1425, %swap3A_1426] : memref<16x512xf32, #tpu.memory_space<vmem>>, vector<16x512xf32>
      tpu.vector_store %arg18[%swap3A_1425, %swap3A_1426], %get3A_1424 {strides = array<i32>} : memref<16x512xf32, #tpu.memory_space<vmem>>, vector<16x512xf32>,
    } else {
    }
    %eq3A_2 = arith.constant 0 : i32
    %eq3A_3 = arith.cmpi eq, %arg0, %eq3A_2 : i32
    %convert_element_type3A_4 = arith.extui %eq3A_3 : i1 to i32
    %cond3A_5 = arith.constant 0 : i32
    %cond3A_6 = arith.cmpi ne, %convert_element_type3A_4, %cond3A_5 : i32
    scf.if %cond3A_6 {
      %get3A_1416 = arith.constant 0 : index
      %get3A_1417 = arith.constant 0 : index
      %get3A_1418 = vector.load %arg9[%get3A_1416, %get3A_1417] : memref<1536x512xf32, #tpu.memory_space<vmem>>, vector<1536x512xf32>
      %transpose3A = tpu.transpose %get3A_1418, [1, 0] : vector<1536x512xf32> -> vector<512x1536xf32>
      %convert_element_type3A_1419 = arith.truncf %transpose3A : vector<512x1536xf32> to vector<512x1536xbf16>
      %swap3A_1420 = arith.constant 0 : index
      %swap3A_1421 = arith.constant 0 : index
      %swap3A_1422 = vector.load %arg19[%swap3A_1420, %swap3A_1421] : memref<512x1536xbf16, #tpu.memory_space<vmem>>, vector<512x1536xbf16>
      tpu.vector_store %arg19[%swap3A_1420, %swap3A_1421], %convert_element_type3A_1419 {strides = array<i32>} : memref<512x1536xbf16, #tpu.memory_space<vmem>>, vector<512x1536xbf16>,
      %get3A_1423 = arith.constant 0 : index
      %get3A_1424 = arith.constant 0 : index
      %get3A_1425 = vector.load %arg10[%get3A_1423, %get3A_1424] : memref<1536x512xf32, #tpu.memory_space<vmem>>, vector<1536x512xf32>
      %transpose3A_1426 = tpu.transpose %get3A_1425, [1, 0] : vector<1536x512xf32> -> vector<512x1536xf32>
      %convert_element_type3A_1427 = arith.truncf %transpose3A_1426 : vector<512x1536xf32> to vector<512x1536xbf16>
      %swap3A_1428 = arith.constant 0 : index
      %swap3A_1429 = arith.constant 0 : index
      %swap3A_1430 = vector.load %arg20[%swap3A_1428, %swap3A_1429] : memref<512x1536xbf16, #tpu.memory_space<vmem>>, vector<512x1536xbf16>
      tpu.vector_store %arg20[%swap3A_1428, %swap3A_1429], %convert_element_type3A_1427 {strides = array<i32>} : memref<512x1536xbf16, #tpu.memory_space<vmem>>, vector<512x1536xbf16>,
    } else {
    }
    %get3A = arith.constant 0 : index
    %get3A_7 = arith.constant 0 : index
    %get3A_8 = vector.load %arg5[%get3A, %get3A_7] : memref<1536x1024xbf16, #tpu.memory_space<vmem>>, vector<1536x1024xbf16>
    %get3A_9 = arith.constant 0 : index
    %get3A_10 = arith.constant 0 : index
    %get3A_11 = vector.load %arg6[%get3A_9, %get3A_10] : memref<1536x1024xbf16, #tpu.memory_space<vmem>>, vector<1536x1024xbf16>
    %get3A_12 = arith.constant 0 : index
    %get3A_13 = arith.constant 0 : index
    %get3A_14 = arith.constant 0 : index
    %get3A_15 = vector.load %arg1[%get3A_12, %get3A_13, %get3A_14] : memref<16x16x512xbf16, #tpu.memory_space<vmem>>, vector<16x16x512xbf16>
    %reshape3A = vector.shape_cast %get3A_15 : vector<16x16x512xbf16> to vector<256x512xbf16>
    %slice3A = vector.extract_strided_slice %get3A_8 {offsets = [0, 0], sizes = [1536, 512], strides = [1, 1]} : vector<1536x1024xbf16> to vector<1536x512xbf16>
    %dot_general3A = arith.constant dense<0.000000e+00> : vector<256x1536xf32>
    %dot_general3A_16 = tpu.matmul %reshape3A, %slice3A, %dot_general3A {dimension_numbers = #tpu.dot_dimension_numbers<[1], [1], [0], [0], [0, 0, 1, 0], [], []>, transpose_lhs_hint = false} : vector<256x512xbf16>, vector<1536x512xbf16>, vector<256x1536xf32> -> vector<256x1536xf32>
    %get3A_17 = arith.constant 0 : index
    %get3A_18 = arith.constant 0 : index
    %get3A_19 = arith.constant 0 : index
    %get3A_20 = vector.load %arg2[%get3A_17, %get3A_18, %get3A_19] : memref<16x16x512xbf16, #tpu.memory_space<vmem>>, vector<16x16x512xbf16>
    %reshape3A_21 = vector.shape_cast %get3A_20 : vector<16x16x512xbf16> to vector<256x512xbf16>
    %slice3A_22 = vector.extract_strided_slice %get3A_8 {offsets = [0, 512], sizes = [1536, 512], strides = [1, 1]} : vector<1536x1024xbf16> to vector<1536x512xbf16>
    %dot_general3A_23 = arith.constant dense<0.000000e+00> : vector<256x1536xf32>
    %dot_general3A_24 = tpu.matmul %reshape3A_21, %slice3A_22, %dot_general3A_23 {dimension_numbers = #tpu.dot_dimension_numbers<[1], [1], [0], [0], [0, 0, 1, 0], [], []>, transpose_lhs_hint = false} : vector<256x512xbf16>, vector<1536x512xbf16>, vector<256x1536xf32> -> vector<256x1536xf32>
    %add3A = arith.addf %dot_general3A_16, %dot_general3A_24 : vector<256x1536xf32>
    %get3A_25 = arith.constant 0 : index
    %get3A_26 = arith.constant 0 : index
    %get3A_27 = vector.load %arg7[%get3A_25, %get3A_26] : memref<1x1536xf32, #tpu.memory_space<vmem>>, vector<1x1536xf32>
    %add3A_28 = vector.broadcast %get3A_27 : vector<1x1536xf32> to vector<256x1536xf32>
    %add3A_29 = arith.addf %add3A, %add3A_28 : vector<256x1536xf32>
    %reshape3A_30 = vector.shape_cast %add3A_29 : vector<256x1536xf32> to vector<16x16x1536xf32>
    %get3A_31 = arith.constant 0 : index
    %get3A_32 = arith.constant 0 : index
    %get3A_33 = arith.constant 0 : index
    %get3A_34 = vector.load %arg3[%get3A_31, %get3A_32, %get3A_33] : memref<16x16x512xbf16, #tpu.memory_space<vmem>>, vector<16x16x512xbf16>
    %reshape3A_35 = vector.shape_cast %get3A_34 : vector<16x16x512xbf16> to vector<256x512xbf16>
    %slice3A_36 = vector.extract_strided_slice %get3A_11 {offsets = [0, 0], sizes = [1536, 512], strides = [1, 1]} : vector<1536x1024xbf16> to vector<1536x512xbf16>
    %dot_general3A_37 = arith.constant dense<0.000000e+00> : vector<256x1536xf32>
    %dot_general3A_38 = tpu.matmul %reshape3A_35, %slice3A_36, %dot_general3A_37 {dimension_numbers = #tpu.dot_dimension_numbers<[1], [1], [0], [0], [0, 0, 1, 0], [], []>, transpose_lhs_hint = false} : vector<256x512xbf16>, vector<1536x512xbf16>, vector<256x1536xf32> -> vector<256x1536xf32>
    %get3A_39 = arith.constant 0 : index
    %get3A_40 = arith.constant 0 : index
    %get3A_41 = arith.constant 0 : index
    %get3A_42 = vector.load %arg4[%get3A_39, %get3A_40, %get3A_41] : memref<16x16x512xbf16, #tpu.memory_space<vmem>>, vector<16x16x512xbf16>
    %reshape3A_43 = vector.shape_cast %get3A_42 : vector<16x16x512xbf16> to vector<256x512xbf16>
    %slice3A_44 = vector.extract_strided_slice %get3A_11 {offsets = [0, 512], sizes = [1536, 512], strides = [1, 1]} : vector<1536x1024xbf16> to vector<1536x512xbf16>
    %dot_general3A_45 = arith.constant dense<0.000000e+00> : vector<256x1536xf32>
    %dot_general3A_46 = tpu.matmul %reshape3A_43, %slice3A_44, %dot_general3A_45 {dimension_numbers = #tpu.dot_dimension_numbers<[1], [1], [0], [0], [0, 0, 1, 0], [], []>, transpose_lhs_hint = false} : vector<256x512xbf16>, vector<1536x512xbf16>, vector<256x1536xf32> -> vector<256x1536xf32>
    %add3A_47 = arith.addf %dot_general3A_38, %dot_general3A_46 : vector<256x1536xf32>
    %get3A_48 = arith.constant 0 : index
    %get3A_49 = arith.constant 0 : index
    %get3A_50 = vector.load %arg8[%get3A_48, %get3A_49] : memref<1x1536xf32, #tpu.memory_space<vmem>>, vector<1x1536xf32>
    %add3A_51 = vector.broadcast %get3A_50 : vector<1x1536xf32> to vector<256x1536xf32>
    %add3A_52 = arith.addf %add3A_47, %add3A_51 : vector<256x1536xf32>
    %reshape3A_53 = vector.shape_cast %add3A_52 : vector<256x1536xf32> to vector<16x16x1536xf32>
    %get3A_54 = arith.constant 0 : index
    %get3A_55 = arith.constant 0 : index
    %get3A_56 = vector.load %arg19[%get3A_54, %get3A_55] : memref<512x1536xbf16, #tpu.memory_space<vmem>>, vector<512x1536xbf16>
    %get3A_57 = arith.constant 0 : index
    %get3A_58 = arith.constant 0 : index
    %get3A_59 = vector.load %arg20[%get3A_57, %get3A_58] : memref<512x1536xbf16, #tpu.memory_space<vmem>>, vector<512x1536xbf16>
    %get3A_60 = arith.constant 0 : index
    %get3A_61 = arith.constant 0 : index
    %get3A_62 = vector.load %arg11[%get3A_60, %get3A_61] : memref<1x1536xf32, #tpu.memory_space<vmem>>, vector<1x1536xf32>
    %get3A_63 = arith.constant 0 : index
    %get3A_64 = arith.constant 0 : index
    %get3A_65 = vector.load %arg12[%get3A_63, %get3A_64] : memref<1x1536xf32, #tpu.memory_space<vmem>>, vector<1x1536xf32>
    %get3A_66 = arith.constant 0 : index
    %get3A_67 = arith.constant 0 : index
    %get3A_68 = vector.load %arg17[%get3A_66, %get3A_67] : memref<16x512xf32, #tpu.memory_space<vmem>>, vector<16x512xf32>
    %get3A_69 = arith.constant 0 : index
    %get3A_70 = arith.constant 0 : index
    %get3A_71 = vector.load %arg18[%get3A_69, %get3A_70] : memref<16x512xf32, #tpu.memory_space<vmem>>, vector<16x512xf32>
    %slice3A_72 = vector.extract_strided_slice %reshape3A_30 {offsets = [0, 0, 0], sizes = [1, 16, 1536], strides = [1, 1, 1]} : vector<16x16x1536xf32> to vector<1x16x1536xf32>
    %squeeze3A = vector.shape_cast %slice3A_72 : vector<1x16x1536xf32> to vector<16x1536xf32>
    %convert_element_type3A_73 = arith.truncf %get3A_68 : vector<16x512xf32> to vector<16x512xbf16>
    %dot_general3A_74 = arith.constant dense<0.000000e+00> : vector<16x1536xf32>
    %dot_general3A_75 = tpu.matmul %convert_element_type3A_73, %get3A_56, %dot_general3A_74 {dimension_numbers = #tpu.dot_dimension_numbers<[1], [0], [0], [1], [0, 0, 1, 1], [], []>, transpose_lhs_hint = false} : vector<16x512xbf16>, vector<512x1536xbf16>, vector<16x1536xf32> -> vector<16x1536xf32>
    %add3A_76 = vector.broadcast %get3A_62 : vector<1x1536xf32> to vector<16x1536xf32>
    %add3A_77 = arith.addf %dot_general3A_75, %add3A_76 : vector<16x1536xf32>
    %slice3A_78 = vector.extract_strided_slice %squeeze3A {offsets = [0, 0], sizes = [16, 512], strides = [1, 1]} : vector<16x1536xf32> to vector<16x512xf32>
    %slice3A_79 = vector.extract_strided_slice %squeeze3A {offsets = [0, 512], sizes = [16, 512], strides = [1, 1]} : vector<16x1536xf32> to vector<16x512xf32>
    %slice3A_80 = vector.extract_strided_slice %squeeze3A {offsets = [0, 1024], sizes = [16, 512], strides = [1, 1]} : vector<16x1536xf32> to vector<16x512xf32>
    %slice3A_81 = vector.extract_strided_slice %add3A_77 {offsets = [0, 0], sizes = [16, 512], strides = [1, 1]} : vector<16x1536xf32> to vector<16x512xf32>
    %slice3A_82 = vector.extract_strided_slice %add3A_77 {offsets = [0, 512], sizes = [16, 512], strides = [1, 1]} : vector<16x1536xf32> to vector<16x512xf32>
    %slice3A_83 = vector.extract_strided_slice %add3A_77 {offsets = [0, 1024], sizes = [16, 512], strides = [1, 1]} : vector<16x1536xf32> to vector<16x512xf32>
    %add3A_84 = arith.addf %slice3A_78, %slice3A_81 : vector<16x512xf32>
    %logistic3A = arith.negf %add3A_84 : vector<16x512xf32>
    %logistic3A_85 = math.exp %logistic3A : vector<16x512xf32>
    %logistic3A_86 = arith.constant 1.000000e+00 : f32
    %logistic3A_87 = vector.broadcast %logistic3A_86 : f32 to vector<16x512xf32>
    %logistic3A_88 = arith.addf %logistic3A_87, %logistic3A_85 : vector<16x512xf32>
    %logistic3A_89 = arith.divf %logistic3A_87, %logistic3A_88 : vector<16x512xf32>
    %add3A_90 = arith.addf %slice3A_79, %slice3A_82 : vector<16x512xf32>
    %logistic3A_91 = arith.negf %add3A_90 : vector<16x512xf32>
    %logistic3A_92 = math.exp %logistic3A_91 : vector<16x512xf32>
    %logistic3A_93 = arith.constant 1.000000e+00 : f32
    %logistic3A_94 = vector.broadcast %logistic3A_93 : f32 to vector<16x512xf32>
    %logistic3A_95 = arith.addf %logistic3A_94, %logistic3A_92 : vector<16x512xf32>
    %logistic3A_96 = arith.divf %logistic3A_94, %logistic3A_95 : vector<16x512xf32>
    %mul3A = arith.mulf %logistic3A_89, %slice3A_83 : vector<16x512xf32>
    %add3A_97 = arith.addf %slice3A_80, %mul3A : vector<16x512xf32>
    %tanh3A = math.tanh %add3A_97 : vector<16x512xf32>
    %sub3A = arith.constant 1.000000e+00 : f32
    %sub3A_98 = vector.broadcast %sub3A : f32 to vector<16x512xf32>
    %sub3A_99 = arith.subf %sub3A_98, %logistic3A_96 : vector<16x512xf32>
    %mul3A_100 = arith.mulf %sub3A_99, %tanh3A : vector<16x512xf32>
    %mul3A_101 = arith.mulf %logistic3A_96, %get3A_68 : vector<16x512xf32>
    %add3A_102 = arith.addf %mul3A_100, %mul3A_101 : vector<16x512xf32>
    %swap3A = arith.constant 0 : index
    %swap3A_103 = arith.constant 0 : index
    %swap3A_104 = arith.constant 0 : index
    %swap3A_105 = vector.load %arg15[%swap3A, %swap3A_103, %swap3A_104] : memref<16x16x512xf32, #tpu.memory_space<vmem>>, vector<16x1x512xf32>
    %swap3A_106 = vector.shape_cast %swap3A_105 : vector<16x1x512xf32> to vector<16x512xf32>
    %swap3A_107 = vector.shape_cast %add3A_102 : vector<16x512xf32> to vector<16x1x512xf32>
    tpu.vector_store %arg15[%swap3A, %swap3A_103, %swap3A_104], %swap3A_107 {strides = array<i32>} : memref<16x16x512xf32, #tpu.memory_space<vmem>>, vector<16x1x512xf32>,
    %slice3A_108 = vector.extract_strided_slice %reshape3A_53 {offsets = [15, 0, 0], sizes = [1, 16, 1536], strides = [1, 1, 1]} : vector<16x16x1536xf32> to vector<1x16x1536xf32>
    %squeeze3A_109 = vector.shape_cast %slice3A_108 : vector<1x16x1536xf32> to vector<16x1536xf32>
    %convert_element_type3A_110 = arith.truncf %get3A_71 : vector<16x512xf32> to vector<16x512xbf16>
    %dot_general3A_111 = arith.constant dense<0.000000e+00> : vector<16x1536xf32>
    %dot_general3A_112 = tpu.matmul %convert_element_type3A_110, %get3A_59, %dot_general3A_111 {dimension_numbers = #tpu.dot_dimension_numbers<[1], [0], [0], [1], [0, 0, 1, 1], [], []>, transpose_lhs_hint = false} : vector<16x512xbf16>, vector<512x1536xbf16>, vector<16x1536xf32> -> vector<16x1536xf32>
    %add3A_113 = vector.broadcast %get3A_65 : vector<1x1536xf32> to vector<16x1536xf32>
    %add3A_114 = arith.addf %dot_general3A_112, %add3A_113 : vector<16x1536xf32>
    %slice3A_115 = vector.extract_strided_slice %squeeze3A_109 {offsets = [0, 0], sizes = [16, 512], strides = [1, 1]} : vector<16x1536xf32> to vector<16x512xf32>
    %slice3A_116 = vector.extract_strided_slice %squeeze3A_109 {offsets = [0, 512], sizes = [16, 512], strides = [1, 1]} : vector<16x1536xf32> to vector<16x512xf32>
    %slice3A_117 = vector.extract_strided_slice %squeeze3A_109 {offsets = [0, 1024], sizes = [16, 512], strides = [1, 1]} : vector<16x1536xf32> to vector<16x512xf32>
    %slice3A_118 = vector.extract_strided_slice %add3A_114 {offsets = [0, 0], sizes = [16, 512], strides = [1, 1]} : vector<16x1536xf32> to vector<16x512xf32>
    %slice3A_119 = vector.extract_strided_slice %add3A_114 {offsets = [0, 512], sizes = [16, 512], strides = [1, 1]} : vector<16x1536xf32> to vector<16x512xf32>
    %slice3A_120 = vector.extract_strided_slice %add3A_114 {offsets = [0, 1024], sizes = [16, 512], strides = [1, 1]} : vector<16x1536xf32> to vector<16x512xf32>
    %add3A_121 = arith.addf %slice3A_115, %slice3A_118 : vector<16x512xf32>
    %logistic3A_122 = arith.negf %add3A_121 : vector<16x512xf32>
    %logistic3A_123 = math.exp %logistic3A_122 : vector<16x512xf32>
    %logistic3A_124 = arith.constant 1.000000e+00 : f32
    %logistic3A_125 = vector.broadcast %logistic3A_124 : f32 to vector<16x512xf32>
    %logistic3A_126 = arith.addf %logistic3A_125, %logistic3A_123 : vector<16x512xf32>
    %logistic3A_127 = arith.divf %logistic3A_125, %logistic3A_126 : vector<16x512xf32>
    %add3A_128 = arith.addf %slice3A_116, %slice3A_119 : vector<16x512xf32>
    %logistic3A_129 = arith.negf %add3A_128 : vector<16x512xf32>
    %logistic3A_130 = math.exp %logistic3A_129 : vector<16x512xf32>
    %logistic3A_131 = arith.constant 1.000000e+00 : f32
    %logistic3A_132 = vector.broadcast %logistic3A_131 : f32 to vector<16x512xf32>
    %logistic3A_133 = arith.addf %logistic3A_132, %logistic3A_130 : vector<16x512xf32>
    %logistic3A_134 = arith.divf %logistic3A_132, %logistic3A_133 : vector<16x512xf32>
    %mul3A_135 = arith.mulf %logistic3A_127, %slice3A_120 : vector<16x512xf32>
    %add3A_136 = arith.addf %slice3A_117, %mul3A_135 : vector<16x512xf32>
    %tanh3A_137 = math.tanh %add3A_136 : vector<16x512xf32>
    %sub3A_138 = arith.constant 1.000000e+00 : f32
    %sub3A_139 = vector.broadcast %sub3A_138 : f32 to vector<16x512xf32>
    %sub3A_140 = arith.subf %sub3A_139, %logistic3A_134 : vector<16x512xf32>
    %mul3A_141 = arith.mulf %sub3A_140, %tanh3A_137 : vector<16x512xf32>
    %mul3A_142 = arith.mulf %logistic3A_134, %get3A_71 : vector<16x512xf32>
    %add3A_143 = arith.addf %mul3A_141, %mul3A_142 : vector<16x512xf32>
    %swap3A_144 = arith.constant 0 : index
    %swap3A_145 = arith.constant 15 : index
    %swap3A_146 = arith.constant 0 : index
    %swap3A_147 = vector.load %arg16[%swap3A_144, %swap3A_145, %swap3A_146] : memref<16x16x512xf32, #tpu.memory_space<vmem>>, vector<16x1x512xf32>
    %swap3A_148 = vector.shape_cast %swap3A_147 : vector<16x1x512xf32> to vector<16x512xf32>
    %swap3A_149 = vector.shape_cast %add3A_143 : vector<16x512xf32> to vector<16x1x512xf32>
    tpu.vector_store %arg16[%swap3A_144, %swap3A_145, %swap3A_146], %swap3A_149 {strides = array<i32>} : memref<16x16x512xf32, #tpu.memory_space<vmem>>, vector<16x1x512xf32>,
    %slice3A_150 = vector.extract_strided_slice %reshape3A_30 {offsets = [1, 0, 0], sizes = [1, 16, 1536], strides = [1, 1, 1]} : vector<16x16x1536xf32> to vector<1x16x1536xf32>
    %squeeze3A_151 = vector.shape_cast %slice3A_150 : vector<1x16x1536xf32> to vector<16x1536xf32>
    %convert_element_type3A_152 = arith.truncf %add3A_102 : vector<16x512xf32> to vector<16x512xbf16>
    %dot_general3A_153 = arith.constant dense<0.000000e+00> : vector<16x1536xf32>
    %dot_general3A_154 = tpu.matmul %convert_element_type3A_152, %get3A_56, %dot_general3A_153 {dimension_numbers = #tpu.dot_dimension_numbers<[1], [0], [0], [1], [0, 0, 1, 1], [], []>, transpose_lhs_hint = false} : vector<16x512xbf16>, vector<512x1536xbf16>, vector<16x1536xf32> -> vector<16x1536xf32>
    %add3A_155 = vector.broadcast %get3A_62 : vector<1x1536xf32> to vector<16x1536xf32>
    %add3A_156 = arith.addf %dot_general3A_154, %add3A_155 : vector<16x1536xf32>
    %slice3A_157 = vector.extract_strided_slice %squeeze3A_151 {offsets = [0, 0], sizes = [16, 512], strides = [1, 1]} : vector<16x1536xf32> to vector<16x512xf32>
    %slice3A_158 = vector.extract_strided_slice %squeeze3A_151 {offsets = [0, 512], sizes = [16, 512], strides = [1, 1]} : vector<16x1536xf32> to vector<16x512xf32>
    %slice3A_159 = vector.extract_strided_slice %squeeze3A_151 {offsets = [0, 1024], sizes = [16, 512], strides = [1, 1]} : vector<16x1536xf32> to vector<16x512xf32>
    %slice3A_160 = vector.extract_strided_slice %add3A_156 {offsets = [0, 0], sizes = [16, 512], strides = [1, 1]} : vector<16x1536xf32> to vector<16x512xf32>
    %slice3A_161 = vector.extract_strided_slice %add3A_156 {offsets = [0, 512], sizes = [16, 512], strides = [1, 1]} : vector<16x1536xf32> to vector<16x512xf32>
    %slice3A_162 = vector.extract_strided_slice %add3A_156 {offsets = [0, 1024], sizes = [16, 512], strides = [1, 1]} : vector<16x1536xf32> to vector<16x512xf32>
    %add3A_163 = arith.addf %slice3A_157, %slice3A_160 : vector<16x512xf32>
    %logistic3A_164 = arith.negf %add3A_163 : vector<16x512xf32>
    %logistic3A_165 = math.exp %logistic3A_164 : vector<16x512xf32>
    %logistic3A_166 = arith.constant 1.000000e+00 : f32
    %logistic3A_167 = vector.broadcast %logistic3A_166 : f32 to vector<16x512xf32>
    %logistic3A_168 = arith.addf %logistic3A_167, %logistic3A_165 : vector<16x512xf32>
    %logistic3A_169 = arith.divf %logistic3A_167, %logistic3A_168 : vector<16x512xf32>
    %add3A_170 = arith.addf %slice3A_158, %slice3A_161 : vector<16x512xf32>
    %logistic3A_171 = arith.negf %add3A_170 : vector<16x512xf32>
    %logistic3A_172 = math.exp %logistic3A_171 : vector<16x512xf32>
    %logistic3A_173 = arith.constant 1.000000e+00 : f32
    %logistic3A_174 = vector.broadcast %logistic3A_173 : f32 to vector<16x512xf32>
    %logistic3A_175 = arith.addf %logistic3A_174, %logistic3A_172 : vector<16x512xf32>
    %logistic3A_176 = arith.divf %logistic3A_174, %logistic3A_175 : vector<16x512xf32>
    %mul3A_177 = arith.mulf %logistic3A_169, %slice3A_162 : vector<16x512xf32>
    %add3A_178 = arith.addf %slice3A_159, %mul3A_177 : vector<16x512xf32>
    %tanh3A_179 = math.tanh %add3A_178 : vector<16x512xf32>
    %sub3A_180 = arith.constant 1.000000e+00 : f32
    %sub3A_181 = vector.broadcast %sub3A_180 : f32 to vector<16x512xf32>
    %sub3A_182 = arith.subf %sub3A_181, %logistic3A_176 : vector<16x512xf32>
    %mul3A_183 = arith.mulf %sub3A_182, %tanh3A_179 : vector<16x512xf32>
    %mul3A_184 = arith.mulf %logistic3A_176, %add3A_102 : vector<16x512xf32>
    %add3A_185 = arith.addf %mul3A_183, %mul3A_184 : vector<16x512xf32>
    %swap3A_186 = arith.constant 0 : index
    %swap3A_187 = arith.constant 1 : index
    %swap3A_188 = arith.constant 0 : index
    %swap3A_189 = vector.load %arg15[%swap3A_186, %swap3A_187, %swap3A_188] : memref<16x16x512xf32, #tpu.memory_space<vmem>>, vector<16x1x512xf32>
    %swap3A_190 = vector.shape_cast %swap3A_189 : vector<16x1x512xf32> to vector<16x512xf32>
    %swap3A_191 = vector.shape_cast %add3A_185 : vector<16x512xf32> to vector<16x1x512xf32>
    tpu.vector_store %arg15[%swap3A_186, %swap3A_187, %swap3A_188], %swap3A_191 {strides = array<i32>} : memref<16x16x512xf32, #tpu.memory_space<vmem>>, vector<16x1x512xf32>,
    %slice3A_192 = vector.extract_strided_slice %reshape3A_53 {offsets = [14, 0, 0], sizes = [1, 16, 1536], strides = [1, 1, 1]} : vector<16x16x1536xf32> to vector<1x16x1536xf32>
    %squeeze3A_193 = vector.shape_cast %slice3A_192 : vector<1x16x1536xf32> to vector<16x1536xf32>
    %convert_element_type3A_194 = arith.truncf %add3A_143 : vector<16x512xf32> to vector<16x512xbf16>
    %dot_general3A_195 = arith.constant dense<0.000000e+00> : vector<16x1536xf32>
    %dot_general3A_196 = tpu.matmul %convert_element_type3A_194, %get3A_59, %dot_general3A_195 {dimension_numbers = #tpu.dot_dimension_numbers<[1], [0], [0], [1], [0, 0, 1, 1], [], []>, transpose_lhs_hint = false} : vector<16x512xbf16>, vector<512x1536xbf16>, vector<16x1536xf32> -> vector<16x1536xf32>
    %add3A_197 = vector.broadcast %get3A_65 : vector<1x1536xf32> to vector<16x1536xf32>
    %add3A_198 = arith.addf %dot_general3A_196, %add3A_197 : vector<16x1536xf32>
    %slice3A_199 = vector.extract_strided_slice %squeeze3A_193 {offsets = [0, 0], sizes = [16, 512], strides = [1, 1]} : vector<16x1536xf32> to vector<16x512xf32>
    %slice3A_200 = vector.extract_strided_slice %squeeze3A_193 {offsets = [0, 512], sizes = [16, 512], strides = [1, 1]} : vector<16x1536xf32> to vector<16x512xf32>
    %slice3A_201 = vector.extract_strided_slice %squeeze3A_193 {offsets = [0, 1024], sizes = [16, 512], strides = [1, 1]} : vector<16x1536xf32> to vector<16x512xf32>
    %slice3A_202 = vector.extract_strided_slice %add3A_198 {offsets = [0, 0], sizes = [16, 512], strides = [1, 1]} : vector<16x1536xf32> to vector<16x512xf32>
    %slice3A_203 = vector.extract_strided_slice %add3A_198 {offsets = [0, 512], sizes = [16, 512], strides = [1, 1]} : vector<16x1536xf32> to vector<16x512xf32>
    %slice3A_204 = vector.extract_strided_slice %add3A_198 {offsets = [0, 1024], sizes = [16, 512], strides = [1, 1]} : vector<16x1536xf32> to vector<16x512xf32>
    %add3A_205 = arith.addf %slice3A_199, %slice3A_202 : vector<16x512xf32>
    %logistic3A_206 = arith.negf %add3A_205 : vector<16x512xf32>
    %logistic3A_207 = math.exp %logistic3A_206 : vector<16x512xf32>
    %logistic3A_208 = arith.constant 1.000000e+00 : f32
    %logistic3A_209 = vector.broadcast %logistic3A_208 : f32 to vector<16x512xf32>
    %logistic3A_210 = arith.addf %logistic3A_209, %logistic3A_207 : vector<16x512xf32>
    %logistic3A_211 = arith.divf %logistic3A_209, %logistic3A_210 : vector<16x512xf32>
    %add3A_212 = arith.addf %slice3A_200, %slice3A_203 : vector<16x512xf32>
    %logistic3A_213 = arith.negf %add3A_212 : vector<16x512xf32>
    %logistic3A_214 = math.exp %logistic3A_213 : vector<16x512xf32>
    %logistic3A_215 = arith.constant 1.000000e+00 : f32
    %logistic3A_216 = vector.broadcast %logistic3A_215 : f32 to vector<16x512xf32>
    %logistic3A_217 = arith.addf %logistic3A_216, %logistic3A_214 : vector<16x512xf32>
    %logistic3A_218 = arith.divf %logistic3A_216, %logistic3A_217 : vector<16x512xf32>
    %mul3A_219 = arith.mulf %logistic3A_211, %slice3A_204 : vector<16x512xf32>
    %add3A_220 = arith.addf %slice3A_201, %mul3A_219 : vector<16x512xf32>
    %tanh3A_221 = math.tanh %add3A_220 : vector<16x512xf32>
    %sub3A_222 = arith.constant 1.000000e+00 : f32
    %sub3A_223 = vector.broadcast %sub3A_222 : f32 to vector<16x512xf32>
    %sub3A_224 = arith.subf %sub3A_223, %logistic3A_218 : vector<16x512xf32>
    %mul3A_225 = arith.mulf %sub3A_224, %tanh3A_221 : vector<16x512xf32>
    %mul3A_226 = arith.mulf %logistic3A_218, %add3A_143 : vector<16x512xf32>
    %add3A_227 = arith.addf %mul3A_225, %mul3A_226 : vector<16x512xf32>
    %swap3A_228 = arith.constant 0 : index
    %swap3A_229 = arith.constant 14 : index
    %swap3A_230 = arith.constant 0 : index
    %swap3A_231 = vector.load %arg16[%swap3A_228, %swap3A_229, %swap3A_230] : memref<16x16x512xf32, #tpu.memory_space<vmem>>, vector<16x1x512xf32>
    %swap3A_232 = vector.shape_cast %swap3A_231 : vector<16x1x512xf32> to vector<16x512xf32>
    %swap3A_233 = vector.shape_cast %add3A_227 : vector<16x512xf32> to vector<16x1x512xf32>
    tpu.vector_store %arg16[%swap3A_228, %swap3A_229, %swap3A_230], %swap3A_233 {strides = array<i32>} : memref<16x16x512xf32, #tpu.memory_space<vmem>>, vector<16x1x512xf32>,
    %slice3A_234 = vector.extract_strided_slice %reshape3A_30 {offsets = [2, 0, 0], sizes = [1, 16, 1536], strides = [1, 1, 1]} : vector<16x16x1536xf32> to vector<1x16x1536xf32>
    %squeeze3A_235 = vector.shape_cast %slice3A_234 : vector<1x16x1536xf32> to vector<16x1536xf32>
    %convert_element_type3A_236 = arith.truncf %add3A_185 : vector<16x512xf32> to vector<16x512xbf16>
    %dot_general3A_237 = arith.constant dense<0.000000e+00> : vector<16x1536xf32>
    %dot_general3A_238 = tpu.matmul %convert_element_type3A_236, %get3A_56, %dot_general3A_237 {dimension_numbers = #tpu.dot_dimension_numbers<[1], [0], [0], [1], [0, 0, 1, 1], [], []>, transpose_lhs_hint = false} : vector<16x512xbf16>, vector<512x1536xbf16>, vector<16x1536xf32> -> vector<16x1536xf32>
    %add3A_239 = vector.broadcast %get3A_62 : vector<1x1536xf32> to vector<16x1536xf32>
    %add3A_240 = arith.addf %dot_general3A_238, %add3A_239 : vector<16x1536xf32>
    %slice3A_241 = vector.extract_strided_slice %squeeze3A_235 {offsets = [0, 0], sizes = [16, 512], strides = [1, 1]} : vector<16x1536xf32> to vector<16x512xf32>
    %slice3A_242 = vector.extract_strided_slice %squeeze3A_235 {offsets = [0, 512], sizes = [16, 512], strides = [1, 1]} : vector<16x1536xf32> to vector<16x512xf32>
    %slice3A_243 = vector.extract_strided_slice %squeeze3A_235 {offsets = [0, 1024], sizes = [16, 512], strides = [1, 1]} : vector<16x1536xf32> to vector<16x512xf32>
    %slice3A_244 = vector.extract_strided_slice %add3A_240 {offsets = [0, 0], sizes = [16, 512], strides = [1, 1]} : vector<16x1536xf32> to vector<16x512xf32>
    %slice3A_245 = vector.extract_strided_slice %add3A_240 {offsets = [0, 512], sizes = [16, 512], strides = [1, 1]} : vector<16x1536xf32> to vector<16x512xf32>
    %slice3A_246 = vector.extract_strided_slice %add3A_240 {offsets = [0, 1024], sizes = [16, 512], strides = [1, 1]} : vector<16x1536xf32> to vector<16x512xf32>
    %add3A_247 = arith.addf %slice3A_241, %slice3A_244 : vector<16x512xf32>
    %logistic3A_248 = arith.negf %add3A_247 : vector<16x512xf32>
    %logistic3A_249 = math.exp %logistic3A_248 : vector<16x512xf32>
    %logistic3A_250 = arith.constant 1.000000e+00 : f32
    %logistic3A_251 = vector.broadcast %logistic3A_250 : f32 to vector<16x512xf32>
    %logistic3A_252 = arith.addf %logistic3A_251, %logistic3A_249 : vector<16x512xf32>
    %logistic3A_253 = arith.divf %logistic3A_251, %logistic3A_252 : vector<16x512xf32>
    %add3A_254 = arith.addf %slice3A_242, %slice3A_245 : vector<16x512xf32>
    %logistic3A_255 = arith.negf %add3A_254 : vector<16x512xf32>
    %logistic3A_256 = math.exp %logistic3A_255 : vector<16x512xf32>
    %logistic3A_257 = arith.constant 1.000000e+00 : f32
    %logistic3A_258 = vector.broadcast %logistic3A_257 : f32 to vector<16x512xf32>
    %logistic3A_259 = arith.addf %logistic3A_258, %logistic3A_256 : vector<16x512xf32>
    %logistic3A_260 = arith.divf %logistic3A_258, %logistic3A_259 : vector<16x512xf32>
    %mul3A_261 = arith.mulf %logistic3A_253, %slice3A_246 : vector<16x512xf32>
    %add3A_262 = arith.addf %slice3A_243, %mul3A_261 : vector<16x512xf32>
    %tanh3A_263 = math.tanh %add3A_262 : vector<16x512xf32>
    %sub3A_264 = arith.constant 1.000000e+00 : f32
    %sub3A_265 = vector.broadcast %sub3A_264 : f32 to vector<16x512xf32>
    %sub3A_266 = arith.subf %sub3A_265, %logistic3A_260 : vector<16x512xf32>
    %mul3A_267 = arith.mulf %sub3A_266, %tanh3A_263 : vector<16x512xf32>
    %mul3A_268 = arith.mulf %logistic3A_260, %add3A_185 : vector<16x512xf32>
    %add3A_269 = arith.addf %mul3A_267, %mul3A_268 : vector<16x512xf32>
    %swap3A_270 = arith.constant 0 : index
    %swap3A_271 = arith.constant 2 : index
    %swap3A_272 = arith.constant 0 : index
    %swap3A_273 = vector.load %arg15[%swap3A_270, %swap3A_271, %swap3A_272] : memref<16x16x512xf32, #tpu.memory_space<vmem>>, vector<16x1x512xf32>
    %swap3A_274 = vector.shape_cast %swap3A_273 : vector<16x1x512xf32> to vector<16x512xf32>
    %swap3A_275 = vector.shape_cast %add3A_269 : vector<16x512xf32> to vector<16x1x512xf32>
    tpu.vector_store %arg15[%swap3A_270, %swap3A_271, %swap3A_272], %swap3A_275 {strides = array<i32>} : memref<16x16x512xf32, #tpu.memory_space<vmem>>, vector<16x1x512xf32>,
    %slice3A_276 = vector.extract_strided_slice %reshape3A_53 {offsets = [13, 0, 0], sizes = [1, 16, 1536], strides = [1, 1, 1]} : vector<16x16x1536xf32> to vector<1x16x1536xf32>
    %squeeze3A_277 = vector.shape_cast %slice3A_276 : vector<1x16x1536xf32> to vector<16x1536xf32>
    %convert_element_type3A_278 = arith.truncf %add3A_227 : vector<16x512xf32> to vector<16x512xbf16>
    %dot_general3A_279 = arith.constant dense<0.000000e+00> : vector<16x1536xf32>
    %dot_general3A_280 = tpu.matmul %convert_element_type3A_278, %get3A_59, %dot_general3A_279 {dimension_numbers = #tpu.dot_dimension_numbers<[1], [0], [0], [1], [0, 0, 1, 1], [], []>, transpose_lhs_hint = false} : vector<16x512xbf16>, vector<512x1536xbf16>, vector<16x1536xf32> -> vector<16x1536xf32>
    %add3A_281 = vector.broadcast %get3A_65 : vector<1x1536xf32> to vector<16x1536xf32>
    %add3A_282 = arith.addf %dot_general3A_280, %add3A_281 : vector<16x1536xf32>
    %slice3A_283 = vector.extract_strided_slice %squeeze3A_277 {offsets = [0, 0], sizes = [16, 512], strides = [1, 1]} : vector<16x1536xf32> to vector<16x512xf32>
    %slice3A_284 = vector.extract_strided_slice %squeeze3A_277 {offsets = [0, 512], sizes = [16, 512], strides = [1, 1]} : vector<16x1536xf32> to vector<16x512xf32>
    %slice3A_285 = vector.extract_strided_slice %squeeze3A_277 {offsets = [0, 1024], sizes = [16, 512], strides = [1, 1]} : vector<16x1536xf32> to vector<16x512xf32>
    %slice3A_286 = vector.extract_strided_slice %add3A_282 {offsets = [0, 0], sizes = [16, 512], strides = [1, 1]} : vector<16x1536xf32> to vector<16x512xf32>
    %slice3A_287 = vector.extract_strided_slice %add3A_282 {offsets = [0, 512], sizes = [16, 512], strides = [1, 1]} : vector<16x1536xf32> to vector<16x512xf32>
    %slice3A_288 = vector.extract_strided_slice %add3A_282 {offsets = [0, 1024], sizes = [16, 512], strides = [1, 1]} : vector<16x1536xf32> to vector<16x512xf32>
    %add3A_289 = arith.addf %slice3A_283, %slice3A_286 : vector<16x512xf32>
    %logistic3A_290 = arith.negf %add3A_289 : vector<16x512xf32>
    %logistic3A_291 = math.exp %logistic3A_290 : vector<16x512xf32>
    %logistic3A_292 = arith.constant 1.000000e+00 : f32
    %logistic3A_293 = vector.broadcast %logistic3A_292 : f32 to vector<16x512xf32>
    %logistic3A_294 = arith.addf %logistic3A_293, %logistic3A_291 : vector<16x512xf32>
    %logistic3A_295 = arith.divf %logistic3A_293, %logistic3A_294 : vector<16x512xf32>
    %add3A_296 = arith.addf %slice3A_284, %slice3A_287 : vector<16x512xf32>
    %logistic3A_297 = arith.negf %add3A_296 : vector<16x512xf32>
    %logistic3A_298 = math.exp %logistic3A_297 : vector<16x512xf32>
    %logistic3A_299 = arith.constant 1.000000e+00 : f32
    %logistic3A_300 = vector.broadcast %logistic3A_299 : f32 to vector<16x512xf32>
    %logistic3A_301 = arith.addf %logistic3A_300, %logistic3A_298 : vector<16x512xf32>
    %logistic3A_302 = arith.divf %logistic3A_300, %logistic3A_301 : vector<16x512xf32>
    %mul3A_303 = arith.mulf %logistic3A_295, %slice3A_288 : vector<16x512xf32>
    %add3A_304 = arith.addf %slice3A_285, %mul3A_303 : vector<16x512xf32>
    %tanh3A_305 = math.tanh %add3A_304 : vector<16x512xf32>
    %sub3A_306 = arith.constant 1.000000e+00 : f32
    %sub3A_307 = vector.broadcast %sub3A_306 : f32 to vector<16x512xf32>
    %sub3A_308 = arith.subf %sub3A_307, %logistic3A_302 : vector<16x512xf32>
    %mul3A_309 = arith.mulf %sub3A_308, %tanh3A_305 : vector<16x512xf32>
    %mul3A_310 = arith.mulf %logistic3A_302, %add3A_227 : vector<16x512xf32>
    %add3A_311 = arith.addf %mul3A_309, %mul3A_310 : vector<16x512xf32>
    %swap3A_312 = arith.constant 0 : index
    %swap3A_313 = arith.constant 13 : index
    %swap3A_314 = arith.constant 0 : index
    %swap3A_315 = vector.load %arg16[%swap3A_312, %swap3A_313, %swap3A_314] : memref<16x16x512xf32, #tpu.memory_space<vmem>>, vector<16x1x512xf32>
    %swap3A_316 = vector.shape_cast %swap3A_315 : vector<16x1x512xf32> to vector<16x512xf32>
    %swap3A_317 = vector.shape_cast %add3A_311 : vector<16x512xf32> to vector<16x1x512xf32>
    tpu.vector_store %arg16[%swap3A_312, %swap3A_313, %swap3A_314], %swap3A_317 {strides = array<i32>} : memref<16x16x512xf32, #tpu.memory_space<vmem>>, vector<16x1x512xf32>,
    %slice3A_318 = vector.extract_strided_slice %reshape3A_30 {offsets = [3, 0, 0], sizes = [1, 16, 1536], strides = [1, 1, 1]} : vector<16x16x1536xf32> to vector<1x16x1536xf32>
    %squeeze3A_319 = vector.shape_cast %slice3A_318 : vector<1x16x1536xf32> to vector<16x1536xf32>
    %convert_element_type3A_320 = arith.truncf %add3A_269 : vector<16x512xf32> to vector<16x512xbf16>
    %dot_general3A_321 = arith.constant dense<0.000000e+00> : vector<16x1536xf32>
    %dot_general3A_322 = tpu.matmul %convert_element_type3A_320, %get3A_56, %dot_general3A_321 {dimension_numbers = #tpu.dot_dimension_numbers<[1], [0], [0], [1], [0, 0, 1, 1], [], []>, transpose_lhs_hint = false} : vector<16x512xbf16>, vector<512x1536xbf16>, vector<16x1536xf32> -> vector<16x1536xf32>
    %add3A_323 = vector.broadcast %get3A_62 : vector<1x1536xf32> to vector<16x1536xf32>
    %add3A_324 = arith.addf %dot_general3A_322, %add3A_323 : vector<16x1536xf32>
    %slice3A_325 = vector.extract_strided_slice %squeeze3A_319 {offsets = [0, 0], sizes = [16, 512], strides = [1, 1]} : vector<16x1536xf32> to vector<16x512xf32>
    %slice3A_326 = vector.extract_strided_slice %squeeze3A_319 {offsets = [0, 512], sizes = [16, 512], strides = [1, 1]} : vector<16x1536xf32> to vector<16x512xf32>
    %slice3A_327 = vector.extract_strided_slice %squeeze3A_319 {offsets = [0, 1024], sizes = [16, 512], strides = [1, 1]} : vector<16x1536xf32> to vector<16x512xf32>
    %slice3A_328 = vector.extract_strided_slice %add3A_324 {offsets = [0, 0], sizes = [16, 512], strides = [1, 1]} : vector<16x1536xf32> to vector<16x512xf32>
    %slice3A_329 = vector.extract_strided_slice %add3A_324 {offsets = [0, 512], sizes = [16, 512], strides = [1, 1]} : vector<16x1536xf32> to vector<16x512xf32>
    %slice3A_330 = vector.extract_strided_slice %add3A_324 {offsets = [0, 1024], sizes = [16, 512], strides = [1, 1]} : vector<16x1536xf32> to vector<16x512xf32>
    %add3A_331 = arith.addf %slice3A_325, %slice3A_328 : vector<16x512xf32>
    %logistic3A_332 = arith.negf %add3A_331 : vector<16x512xf32>
    %logistic3A_333 = math.exp %logistic3A_332 : vector<16x512xf32>
    %logistic3A_334 = arith.constant 1.000000e+00 : f32
    %logistic3A_335 = vector.broadcast %logistic3A_334 : f32 to vector<16x512xf32>
    %logistic3A_336 = arith.addf %logistic3A_335, %logistic3A_333 : vector<16x512xf32>
    %logistic3A_337 = arith.divf %logistic3A_335, %logistic3A_336 : vector<16x512xf32>
    %add3A_338 = arith.addf %slice3A_326, %slice3A_329 : vector<16x512xf32>
    %logistic3A_339 = arith.negf %add3A_338 : vector<16x512xf32>
    %logistic3A_340 = math.exp %logistic3A_339 : vector<16x512xf32>
    %logistic3A_341 = arith.constant 1.000000e+00 : f32
    %logistic3A_342 = vector.broadcast %logistic3A_341 : f32 to vector<16x512xf32>
    %logistic3A_343 = arith.addf %logistic3A_342, %logistic3A_340 : vector<16x512xf32>
    %logistic3A_344 = arith.divf %logistic3A_342, %logistic3A_343 : vector<16x512xf32>
    %mul3A_345 = arith.mulf %logistic3A_337, %slice3A_330 : vector<16x512xf32>
    %add3A_346 = arith.addf %slice3A_327, %mul3A_345 : vector<16x512xf32>
    %tanh3A_347 = math.tanh %add3A_346 : vector<16x512xf32>
    %sub3A_348 = arith.constant 1.000000e+00 : f32
    %sub3A_349 = vector.broadcast %sub3A_348 : f32 to vector<16x512xf32>
    %sub3A_350 = arith.subf %sub3A_349, %logistic3A_344 : vector<16x512xf32>
    %mul3A_351 = arith.mulf %sub3A_350, %tanh3A_347 : vector<16x512xf32>
    %mul3A_352 = arith.mulf %logistic3A_344, %add3A_269 : vector<16x512xf32>
    %add3A_353 = arith.addf %mul3A_351, %mul3A_352 : vector<16x512xf32>
    %swap3A_354 = arith.constant 0 : index
    %swap3A_355 = arith.constant 3 : index
    %swap3A_356 = arith.constant 0 : index
    %swap3A_357 = vector.load %arg15[%swap3A_354, %swap3A_355, %swap3A_356] : memref<16x16x512xf32, #tpu.memory_space<vmem>>, vector<16x1x512xf32>
    %swap3A_358 = vector.shape_cast %swap3A_357 : vector<16x1x512xf32> to vector<16x512xf32>
    %swap3A_359 = vector.shape_cast %add3A_353 : vector<16x512xf32> to vector<16x1x512xf32>
    tpu.vector_store %arg15[%swap3A_354, %swap3A_355, %swap3A_356], %swap3A_359 {strides = array<i32>} : memref<16x16x512xf32, #tpu.memory_space<vmem>>, vector<16x1x512xf32>,
    %slice3A_360 = vector.extract_strided_slice %reshape3A_53 {offsets = [12, 0, 0], sizes = [1, 16, 1536], strides = [1, 1, 1]} : vector<16x16x1536xf32> to vector<1x16x1536xf32>
    %squeeze3A_361 = vector.shape_cast %slice3A_360 : vector<1x16x1536xf32> to vector<16x1536xf32>
    %convert_element_type3A_362 = arith.truncf %add3A_311 : vector<16x512xf32> to vector<16x512xbf16>
    %dot_general3A_363 = arith.constant dense<0.000000e+00> : vector<16x1536xf32>
    %dot_general3A_364 = tpu.matmul %convert_element_type3A_362, %get3A_59, %dot_general3A_363 {dimension_numbers = #tpu.dot_dimension_numbers<[1], [0], [0], [1], [0, 0, 1, 1], [], []>, transpose_lhs_hint = false} : vector<16x512xbf16>, vector<512x1536xbf16>, vector<16x1536xf32> -> vector<16x1536xf32>
    %add3A_365 = vector.broadcast %get3A_65 : vector<1x1536xf32> to vector<16x1536xf32>
    %add3A_366 = arith.addf %dot_general3A_364, %add3A_365 : vector<16x1536xf32>
    %slice3A_367 = vector.extract_strided_slice %squeeze3A_361 {offsets = [0, 0], sizes = [16, 512], strides = [1, 1]} : vector<16x1536xf32> to vector<16x512xf32>
    %slice3A_368 = vector.extract_strided_slice %squeeze3A_361 {offsets = [0, 512], sizes = [16, 512], strides = [1, 1]} : vector<16x1536xf32> to vector<16x512xf32>
    %slice3A_369 = vector.extract_strided_slice %squeeze3A_361 {offsets = [0, 1024], sizes = [16, 512], strides = [1, 1]} : vector<16x1536xf32> to vector<16x512xf32>
    %slice3A_370 = vector.extract_strided_slice %add3A_366 {offsets = [0, 0], sizes = [16, 512], strides = [1, 1]} : vector<16x1536xf32> to vector<16x512xf32>
    %slice3A_371 = vector.extract_strided_slice %add3A_366 {offsets = [0, 512], sizes = [16, 512], strides = [1, 1]} : vector<16x1536xf32> to vector<16x512xf32>
    %slice3A_372 = vector.extract_strided_slice %add3A_366 {offsets = [0, 1024], sizes = [16, 512], strides = [1, 1]} : vector<16x1536xf32> to vector<16x512xf32>
    %add3A_373 = arith.addf %slice3A_367, %slice3A_370 : vector<16x512xf32>
    %logistic3A_374 = arith.negf %add3A_373 : vector<16x512xf32>
    %logistic3A_375 = math.exp %logistic3A_374 : vector<16x512xf32>
    %logistic3A_376 = arith.constant 1.000000e+00 : f32
    %logistic3A_377 = vector.broadcast %logistic3A_376 : f32 to vector<16x512xf32>
    %logistic3A_378 = arith.addf %logistic3A_377, %logistic3A_375 : vector<16x512xf32>
    %logistic3A_379 = arith.divf %logistic3A_377, %logistic3A_378 : vector<16x512xf32>
    %add3A_380 = arith.addf %slice3A_368, %slice3A_371 : vector<16x512xf32>
    %logistic3A_381 = arith.negf %add3A_380 : vector<16x512xf32>
    %logistic3A_382 = math.exp %logistic3A_381 : vector<16x512xf32>
    %logistic3A_383 = arith.constant 1.000000e+00 : f32
    %logistic3A_384 = vector.broadcast %logistic3A_383 : f32 to vector<16x512xf32>
    %logistic3A_385 = arith.addf %logistic3A_384, %logistic3A_382 : vector<16x512xf32>
    %logistic3A_386 = arith.divf %logistic3A_384, %logistic3A_385 : vector<16x512xf32>
    %mul3A_387 = arith.mulf %logistic3A_379, %slice3A_372 : vector<16x512xf32>
    %add3A_388 = arith.addf %slice3A_369, %mul3A_387 : vector<16x512xf32>
    %tanh3A_389 = math.tanh %add3A_388 : vector<16x512xf32>
    %sub3A_390 = arith.constant 1.000000e+00 : f32
    %sub3A_391 = vector.broadcast %sub3A_390 : f32 to vector<16x512xf32>
    %sub3A_392 = arith.subf %sub3A_391, %logistic3A_386 : vector<16x512xf32>
    %mul3A_393 = arith.mulf %sub3A_392, %tanh3A_389 : vector<16x512xf32>
    %mul3A_394 = arith.mulf %logistic3A_386, %add3A_311 : vector<16x512xf32>
    %add3A_395 = arith.addf %mul3A_393, %mul3A_394 : vector<16x512xf32>
    %swap3A_396 = arith.constant 0 : index
    %swap3A_397 = arith.constant 12 : index
    %swap3A_398 = arith.constant 0 : index
    %swap3A_399 = vector.load %arg16[%swap3A_396, %swap3A_397, %swap3A_398] : memref<16x16x512xf32, #tpu.memory_space<vmem>>, vector<16x1x512xf32>
    %swap3A_400 = vector.shape_cast %swap3A_399 : vector<16x1x512xf32> to vector<16x512xf32>
    %swap3A_401 = vector.shape_cast %add3A_395 : vector<16x512xf32> to vector<16x1x512xf32>
    tpu.vector_store %arg16[%swap3A_396, %swap3A_397, %swap3A_398], %swap3A_401 {strides = array<i32>} : memref<16x16x512xf32, #tpu.memory_space<vmem>>, vector<16x1x512xf32>,
    %slice3A_402 = vector.extract_strided_slice %reshape3A_30 {offsets = [4, 0, 0], sizes = [1, 16, 1536], strides = [1, 1, 1]} : vector<16x16x1536xf32> to vector<1x16x1536xf32>
    %squeeze3A_403 = vector.shape_cast %slice3A_402 : vector<1x16x1536xf32> to vector<16x1536xf32>
    %convert_element_type3A_404 = arith.truncf %add3A_353 : vector<16x512xf32> to vector<16x512xbf16>
    %dot_general3A_405 = arith.constant dense<0.000000e+00> : vector<16x1536xf32>
    %dot_general3A_406 = tpu.matmul %convert_element_type3A_404, %get3A_56, %dot_general3A_405 {dimension_numbers = #tpu.dot_dimension_numbers<[1], [0], [0], [1], [0, 0, 1, 1], [], []>, transpose_lhs_hint = false} : vector<16x512xbf16>, vector<512x1536xbf16>, vector<16x1536xf32> -> vector<16x1536xf32>
    %add3A_407 = vector.broadcast %get3A_62 : vector<1x1536xf32> to vector<16x1536xf32>
    %add3A_408 = arith.addf %dot_general3A_406, %add3A_407 : vector<16x1536xf32>
    %slice3A_409 = vector.extract_strided_slice %squeeze3A_403 {offsets = [0, 0], sizes = [16, 512], strides = [1, 1]} : vector<16x1536xf32> to vector<16x512xf32>
    %slice3A_410 = vector.extract_strided_slice %squeeze3A_403 {offsets = [0, 512], sizes = [16, 512], strides = [1, 1]} : vector<16x1536xf32> to vector<16x512xf32>
    %slice3A_411 = vector.extract_strided_slice %squeeze3A_403 {offsets = [0, 1024], sizes = [16, 512], strides = [1, 1]} : vector<16x1536xf32> to vector<16x512xf32>
    %slice3A_412 = vector.extract_strided_slice %add3A_408 {offsets = [0, 0], sizes = [16, 512], strides = [1, 1]} : vector<16x1536xf32> to vector<16x512xf32>
    %slice3A_413 = vector.extract_strided_slice %add3A_408 {offsets = [0, 512], sizes = [16, 512], strides = [1, 1]} : vector<16x1536xf32> to vector<16x512xf32>
    %slice3A_414 = vector.extract_strided_slice %add3A_408 {offsets = [0, 1024], sizes = [16, 512], strides = [1, 1]} : vector<16x1536xf32> to vector<16x512xf32>
    %add3A_415 = arith.addf %slice3A_409, %slice3A_412 : vector<16x512xf32>
    %logistic3A_416 = arith.negf %add3A_415 : vector<16x512xf32>
    %logistic3A_417 = math.exp %logistic3A_416 : vector<16x512xf32>
    %logistic3A_418 = arith.constant 1.000000e+00 : f32
    %logistic3A_419 = vector.broadcast %logistic3A_418 : f32 to vector<16x512xf32>
    %logistic3A_420 = arith.addf %logistic3A_419, %logistic3A_417 : vector<16x512xf32>
    %logistic3A_421 = arith.divf %logistic3A_419, %logistic3A_420 : vector<16x512xf32>
    %add3A_422 = arith.addf %slice3A_410, %slice3A_413 : vector<16x512xf32>
    %logistic3A_423 = arith.negf %add3A_422 : vector<16x512xf32>
    %logistic3A_424 = math.exp %logistic3A_423 : vector<16x512xf32>
    %logistic3A_425 = arith.constant 1.000000e+00 : f32
    %logistic3A_426 = vector.broadcast %logistic3A_425 : f32 to vector<16x512xf32>
    %logistic3A_427 = arith.addf %logistic3A_426, %logistic3A_424 : vector<16x512xf32>
    %logistic3A_428 = arith.divf %logistic3A_426, %logistic3A_427 : vector<16x512xf32>
    %mul3A_429 = arith.mulf %logistic3A_421, %slice3A_414 : vector<16x512xf32>
    %add3A_430 = arith.addf %slice3A_411, %mul3A_429 : vector<16x512xf32>
    %tanh3A_431 = math.tanh %add3A_430 : vector<16x512xf32>
    %sub3A_432 = arith.constant 1.000000e+00 : f32
    %sub3A_433 = vector.broadcast %sub3A_432 : f32 to vector<16x512xf32>
    %sub3A_434 = arith.subf %sub3A_433, %logistic3A_428 : vector<16x512xf32>
    %mul3A_435 = arith.mulf %sub3A_434, %tanh3A_431 : vector<16x512xf32>
    %mul3A_436 = arith.mulf %logistic3A_428, %add3A_353 : vector<16x512xf32>
    %add3A_437 = arith.addf %mul3A_435, %mul3A_436 : vector<16x512xf32>
    %swap3A_438 = arith.constant 0 : index
    %swap3A_439 = arith.constant 4 : index
    %swap3A_440 = arith.constant 0 : index
    %swap3A_441 = vector.load %arg15[%swap3A_438, %swap3A_439, %swap3A_440] : memref<16x16x512xf32, #tpu.memory_space<vmem>>, vector<16x1x512xf32>
    %swap3A_442 = vector.shape_cast %swap3A_441 : vector<16x1x512xf32> to vector<16x512xf32>
    %swap3A_443 = vector.shape_cast %add3A_437 : vector<16x512xf32> to vector<16x1x512xf32>
    tpu.vector_store %arg15[%swap3A_438, %swap3A_439, %swap3A_440], %swap3A_443 {strides = array<i32>} : memref<16x16x512xf32, #tpu.memory_space<vmem>>, vector<16x1x512xf32>,
    %slice3A_444 = vector.extract_strided_slice %reshape3A_53 {offsets = [11, 0, 0], sizes = [1, 16, 1536], strides = [1, 1, 1]} : vector<16x16x1536xf32> to vector<1x16x1536xf32>
    %squeeze3A_445 = vector.shape_cast %slice3A_444 : vector<1x16x1536xf32> to vector<16x1536xf32>
    %convert_element_type3A_446 = arith.truncf %add3A_395 : vector<16x512xf32> to vector<16x512xbf16>
    %dot_general3A_447 = arith.constant dense<0.000000e+00> : vector<16x1536xf32>
    %dot_general3A_448 = tpu.matmul %convert_element_type3A_446, %get3A_59, %dot_general3A_447 {dimension_numbers = #tpu.dot_dimension_numbers<[1], [0], [0], [1], [0, 0, 1, 1], [], []>, transpose_lhs_hint = false} : vector<16x512xbf16>, vector<512x1536xbf16>, vector<16x1536xf32> -> vector<16x1536xf32>
    %add3A_449 = vector.broadcast %get3A_65 : vector<1x1536xf32> to vector<16x1536xf32>
    %add3A_450 = arith.addf %dot_general3A_448, %add3A_449 : vector<16x1536xf32>
    %slice3A_451 = vector.extract_strided_slice %squeeze3A_445 {offsets = [0, 0], sizes = [16, 512], strides = [1, 1]} : vector<16x1536xf32> to vector<16x512xf32>
    %slice3A_452 = vector.extract_strided_slice %squeeze3A_445 {offsets = [0, 512], sizes = [16, 512], strides = [1, 1]} : vector<16x1536xf32> to vector<16x512xf32>
    %slice3A_453 = vector.extract_strided_slice %squeeze3A_445 {offsets = [0, 1024], sizes = [16, 512], strides = [1, 1]} : vector<16x1536xf32> to vector<16x512xf32>
    %slice3A_454 = vector.extract_strided_slice %add3A_450 {offsets = [0, 0], sizes = [16, 512], strides = [1, 1]} : vector<16x1536xf32> to vector<16x512xf32>
    %slice3A_455 = vector.extract_strided_slice %add3A_450 {offsets = [0, 512], sizes = [16, 512], strides = [1, 1]} : vector<16x1536xf32> to vector<16x512xf32>
    %slice3A_456 = vector.extract_strided_slice %add3A_450 {offsets = [0, 1024], sizes = [16, 512], strides = [1, 1]} : vector<16x1536xf32> to vector<16x512xf32>
    %add3A_457 = arith.addf %slice3A_451, %slice3A_454 : vector<16x512xf32>
    %logistic3A_458 = arith.negf %add3A_457 : vector<16x512xf32>
    %logistic3A_459 = math.exp %logistic3A_458 : vector<16x512xf32>
    %logistic3A_460 = arith.constant 1.000000e+00 : f32
    %logistic3A_461 = vector.broadcast %logistic3A_460 : f32 to vector<16x512xf32>
    %logistic3A_462 = arith.addf %logistic3A_461, %logistic3A_459 : vector<16x512xf32>
    %logistic3A_463 = arith.divf %logistic3A_461, %logistic3A_462 : vector<16x512xf32>
    %add3A_464 = arith.addf %slice3A_452, %slice3A_455 : vector<16x512xf32>
    %logistic3A_465 = arith.negf %add3A_464 : vector<16x512xf32>
    %logistic3A_466 = math.exp %logistic3A_465 : vector<16x512xf32>
    %logistic3A_467 = arith.constant 1.000000e+00 : f32
    %logistic3A_468 = vector.broadcast %logistic3A_467 : f32 to vector<16x512xf32>
    %logistic3A_469 = arith.addf %logistic3A_468, %logistic3A_466 : vector<16x512xf32>
    %logistic3A_470 = arith.divf %logistic3A_468, %logistic3A_469 : vector<16x512xf32>
    %mul3A_471 = arith.mulf %logistic3A_463, %slice3A_456 : vector<16x512xf32>
    %add3A_472 = arith.addf %slice3A_453, %mul3A_471 : vector<16x512xf32>
    %tanh3A_473 = math.tanh %add3A_472 : vector<16x512xf32>
    %sub3A_474 = arith.constant 1.000000e+00 : f32
    %sub3A_475 = vector.broadcast %sub3A_474 : f32 to vector<16x512xf32>
    %sub3A_476 = arith.subf %sub3A_475, %logistic3A_470 : vector<16x512xf32>
    %mul3A_477 = arith.mulf %sub3A_476, %tanh3A_473 : vector<16x512xf32>
    %mul3A_478 = arith.mulf %logistic3A_470, %add3A_395 : vector<16x512xf32>
    %add3A_479 = arith.addf %mul3A_477, %mul3A_478 : vector<16x512xf32>
    %swap3A_480 = arith.constant 0 : index
    %swap3A_481 = arith.constant 11 : index
    %swap3A_482 = arith.constant 0 : index
    %swap3A_483 = vector.load %arg16[%swap3A_480, %swap3A_481, %swap3A_482] : memref<16x16x512xf32, #tpu.memory_space<vmem>>, vector<16x1x512xf32>
    %swap3A_484 = vector.shape_cast %swap3A_483 : vector<16x1x512xf32> to vector<16x512xf32>
    %swap3A_485 = vector.shape_cast %add3A_479 : vector<16x512xf32> to vector<16x1x512xf32>
    tpu.vector_store %arg16[%swap3A_480, %swap3A_481, %swap3A_482], %swap3A_485 {strides = array<i32>} : memref<16x16x512xf32, #tpu.memory_space<vmem>>, vector<16x1x512xf32>,
    %slice3A_486 = vector.extract_strided_slice %reshape3A_30 {offsets = [5, 0, 0], sizes = [1, 16, 1536], strides = [1, 1, 1]} : vector<16x16x1536xf32> to vector<1x16x1536xf32>
    %squeeze3A_487 = vector.shape_cast %slice3A_486 : vector<1x16x1536xf32> to vector<16x1536xf32>
    %convert_element_type3A_488 = arith.truncf %add3A_437 : vector<16x512xf32> to vector<16x512xbf16>
    %dot_general3A_489 = arith.constant dense<0.000000e+00> : vector<16x1536xf32>
    %dot_general3A_490 = tpu.matmul %convert_element_type3A_488, %get3A_56, %dot_general3A_489 {dimension_numbers = #tpu.dot_dimension_numbers<[1], [0], [0], [1], [0, 0, 1, 1], [], []>, transpose_lhs_hint = false} : vector<16x512xbf16>, vector<512x1536xbf16>, vector<16x1536xf32> -> vector<16x1536xf32>
    %add3A_491 = vector.broadcast %get3A_62 : vector<1x1536xf32> to vector<16x1536xf32>
    %add3A_492 = arith.addf %dot_general3A_490, %add3A_491 : vector<16x1536xf32>
    %slice3A_493 = vector.extract_strided_slice %squeeze3A_487 {offsets = [0, 0], sizes = [16, 512], strides = [1, 1]} : vector<16x1536xf32> to vector<16x512xf32>
    %slice3A_494 = vector.extract_strided_slice %squeeze3A_487 {offsets = [0, 512], sizes = [16, 512], strides = [1, 1]} : vector<16x1536xf32> to vector<16x512xf32>
    %slice3A_495 = vector.extract_strided_slice %squeeze3A_487 {offsets = [0, 1024], sizes = [16, 512], strides = [1, 1]} : vector<16x1536xf32> to vector<16x512xf32>
    %slice3A_496 = vector.extract_strided_slice %add3A_492 {offsets = [0, 0], sizes = [16, 512], strides = [1, 1]} : vector<16x1536xf32> to vector<16x512xf32>
    %slice3A_497 = vector.extract_strided_slice %add3A_492 {offsets = [0, 512], sizes = [16, 512], strides = [1, 1]} : vector<16x1536xf32> to vector<16x512xf32>
    %slice3A_498 = vector.extract_strided_slice %add3A_492 {offsets = [0, 1024], sizes = [16, 512], strides = [1, 1]} : vector<16x1536xf32> to vector<16x512xf32>
    %add3A_499 = arith.addf %slice3A_493, %slice3A_496 : vector<16x512xf32>
    %logistic3A_500 = arith.negf %add3A_499 : vector<16x512xf32>
    %logistic3A_501 = math.exp %logistic3A_500 : vector<16x512xf32>
    %logistic3A_502 = arith.constant 1.000000e+00 : f32
    %logistic3A_503 = vector.broadcast %logistic3A_502 : f32 to vector<16x512xf32>
    %logistic3A_504 = arith.addf %logistic3A_503, %logistic3A_501 : vector<16x512xf32>
    %logistic3A_505 = arith.divf %logistic3A_503, %logistic3A_504 : vector<16x512xf32>
    %add3A_506 = arith.addf %slice3A_494, %slice3A_497 : vector<16x512xf32>
    %logistic3A_507 = arith.negf %add3A_506 : vector<16x512xf32>
    %logistic3A_508 = math.exp %logistic3A_507 : vector<16x512xf32>
    %logistic3A_509 = arith.constant 1.000000e+00 : f32
    %logistic3A_510 = vector.broadcast %logistic3A_509 : f32 to vector<16x512xf32>
    %logistic3A_511 = arith.addf %logistic3A_510, %logistic3A_508 : vector<16x512xf32>
    %logistic3A_512 = arith.divf %logistic3A_510, %logistic3A_511 : vector<16x512xf32>
    %mul3A_513 = arith.mulf %logistic3A_505, %slice3A_498 : vector<16x512xf32>
    %add3A_514 = arith.addf %slice3A_495, %mul3A_513 : vector<16x512xf32>
    %tanh3A_515 = math.tanh %add3A_514 : vector<16x512xf32>
    %sub3A_516 = arith.constant 1.000000e+00 : f32
    %sub3A_517 = vector.broadcast %sub3A_516 : f32 to vector<16x512xf32>
    %sub3A_518 = arith.subf %sub3A_517, %logistic3A_512 : vector<16x512xf32>
    %mul3A_519 = arith.mulf %sub3A_518, %tanh3A_515 : vector<16x512xf32>
    %mul3A_520 = arith.mulf %logistic3A_512, %add3A_437 : vector<16x512xf32>
    %add3A_521 = arith.addf %mul3A_519, %mul3A_520 : vector<16x512xf32>
    %swap3A_522 = arith.constant 0 : index
    %swap3A_523 = arith.constant 5 : index
    %swap3A_524 = arith.constant 0 : index
    %swap3A_525 = vector.load %arg15[%swap3A_522, %swap3A_523, %swap3A_524] : memref<16x16x512xf32, #tpu.memory_space<vmem>>, vector<16x1x512xf32>
    %swap3A_526 = vector.shape_cast %swap3A_525 : vector<16x1x512xf32> to vector<16x512xf32>
    %swap3A_527 = vector.shape_cast %add3A_521 : vector<16x512xf32> to vector<16x1x512xf32>
    tpu.vector_store %arg15[%swap3A_522, %swap3A_523, %swap3A_524], %swap3A_527 {strides = array<i32>} : memref<16x16x512xf32, #tpu.memory_space<vmem>>, vector<16x1x512xf32>,
    %slice3A_528 = vector.extract_strided_slice %reshape3A_53 {offsets = [10, 0, 0], sizes = [1, 16, 1536], strides = [1, 1, 1]} : vector<16x16x1536xf32> to vector<1x16x1536xf32>
    %squeeze3A_529 = vector.shape_cast %slice3A_528 : vector<1x16x1536xf32> to vector<16x1536xf32>
    %convert_element_type3A_530 = arith.truncf %add3A_479 : vector<16x512xf32> to vector<16x512xbf16>
    %dot_general3A_531 = arith.constant dense<0.000000e+00> : vector<16x1536xf32>
    %dot_general3A_532 = tpu.matmul %convert_element_type3A_530, %get3A_59, %dot_general3A_531 {dimension_numbers = #tpu.dot_dimension_numbers<[1], [0], [0], [1], [0, 0, 1, 1], [], []>, transpose_lhs_hint = false} : vector<16x512xbf16>, vector<512x1536xbf16>, vector<16x1536xf32> -> vector<16x1536xf32>
    %add3A_533 = vector.broadcast %get3A_65 : vector<1x1536xf32> to vector<16x1536xf32>
    %add3A_534 = arith.addf %dot_general3A_532, %add3A_533 : vector<16x1536xf32>
    %slice3A_535 = vector.extract_strided_slice %squeeze3A_529 {offsets = [0, 0], sizes = [16, 512], strides = [1, 1]} : vector<16x1536xf32> to vector<16x512xf32>
    %slice3A_536 = vector.extract_strided_slice %squeeze3A_529 {offsets = [0, 512], sizes = [16, 512], strides = [1, 1]} : vector<16x1536xf32> to vector<16x512xf32>
    %slice3A_537 = vector.extract_strided_slice %squeeze3A_529 {offsets = [0, 1024], sizes = [16, 512], strides = [1, 1]} : vector<16x1536xf32> to vector<16x512xf32>
    %slice3A_538 = vector.extract_strided_slice %add3A_534 {offsets = [0, 0], sizes = [16, 512], strides = [1, 1]} : vector<16x1536xf32> to vector<16x512xf32>
    %slice3A_539 = vector.extract_strided_slice %add3A_534 {offsets = [0, 512], sizes = [16, 512], strides = [1, 1]} : vector<16x1536xf32> to vector<16x512xf32>
    %slice3A_540 = vector.extract_strided_slice %add3A_534 {offsets = [0, 1024], sizes = [16, 512], strides = [1, 1]} : vector<16x1536xf32> to vector<16x512xf32>
    %add3A_541 = arith.addf %slice3A_535, %slice3A_538 : vector<16x512xf32>
    %logistic3A_542 = arith.negf %add3A_541 : vector<16x512xf32>
    %logistic3A_543 = math.exp %logistic3A_542 : vector<16x512xf32>
    %logistic3A_544 = arith.constant 1.000000e+00 : f32
    %logistic3A_545 = vector.broadcast %logistic3A_544 : f32 to vector<16x512xf32>
    %logistic3A_546 = arith.addf %logistic3A_545, %logistic3A_543 : vector<16x512xf32>
    %logistic3A_547 = arith.divf %logistic3A_545, %logistic3A_546 : vector<16x512xf32>
    %add3A_548 = arith.addf %slice3A_536, %slice3A_539 : vector<16x512xf32>
    %logistic3A_549 = arith.negf %add3A_548 : vector<16x512xf32>
    %logistic3A_550 = math.exp %logistic3A_549 : vector<16x512xf32>
    %logistic3A_551 = arith.constant 1.000000e+00 : f32
    %logistic3A_552 = vector.broadcast %logistic3A_551 : f32 to vector<16x512xf32>
    %logistic3A_553 = arith.addf %logistic3A_552, %logistic3A_550 : vector<16x512xf32>
    %logistic3A_554 = arith.divf %logistic3A_552, %logistic3A_553 : vector<16x512xf32>
    %mul3A_555 = arith.mulf %logistic3A_547, %slice3A_540 : vector<16x512xf32>
    %add3A_556 = arith.addf %slice3A_537, %mul3A_555 : vector<16x512xf32>
    %tanh3A_557 = math.tanh %add3A_556 : vector<16x512xf32>
    %sub3A_558 = arith.constant 1.000000e+00 : f32
    %sub3A_559 = vector.broadcast %sub3A_558 : f32 to vector<16x512xf32>
    %sub3A_560 = arith.subf %sub3A_559, %logistic3A_554 : vector<16x512xf32>
    %mul3A_561 = arith.mulf %sub3A_560, %tanh3A_557 : vector<16x512xf32>
    %mul3A_562 = arith.mulf %logistic3A_554, %add3A_479 : vector<16x512xf32>
    %add3A_563 = arith.addf %mul3A_561, %mul3A_562 : vector<16x512xf32>
    %swap3A_564 = arith.constant 0 : index
    %swap3A_565 = arith.constant 10 : index
    %swap3A_566 = arith.constant 0 : index
    %swap3A_567 = vector.load %arg16[%swap3A_564, %swap3A_565, %swap3A_566] : memref<16x16x512xf32, #tpu.memory_space<vmem>>, vector<16x1x512xf32>
    %swap3A_568 = vector.shape_cast %swap3A_567 : vector<16x1x512xf32> to vector<16x512xf32>
    %swap3A_569 = vector.shape_cast %add3A_563 : vector<16x512xf32> to vector<16x1x512xf32>
    tpu.vector_store %arg16[%swap3A_564, %swap3A_565, %swap3A_566], %swap3A_569 {strides = array<i32>} : memref<16x16x512xf32, #tpu.memory_space<vmem>>, vector<16x1x512xf32>,
    %slice3A_570 = vector.extract_strided_slice %reshape3A_30 {offsets = [6, 0, 0], sizes = [1, 16, 1536], strides = [1, 1, 1]} : vector<16x16x1536xf32> to vector<1x16x1536xf32>
    %squeeze3A_571 = vector.shape_cast %slice3A_570 : vector<1x16x1536xf32> to vector<16x1536xf32>
    %convert_element_type3A_572 = arith.truncf %add3A_521 : vector<16x512xf32> to vector<16x512xbf16>
    %dot_general3A_573 = arith.constant dense<0.000000e+00> : vector<16x1536xf32>
    %dot_general3A_574 = tpu.matmul %convert_element_type3A_572, %get3A_56, %dot_general3A_573 {dimension_numbers = #tpu.dot_dimension_numbers<[1], [0], [0], [1], [0, 0, 1, 1], [], []>, transpose_lhs_hint = false} : vector<16x512xbf16>, vector<512x1536xbf16>, vector<16x1536xf32> -> vector<16x1536xf32>
    %add3A_575 = vector.broadcast %get3A_62 : vector<1x1536xf32> to vector<16x1536xf32>
    %add3A_576 = arith.addf %dot_general3A_574, %add3A_575 : vector<16x1536xf32>
    %slice3A_577 = vector.extract_strided_slice %squeeze3A_571 {offsets = [0, 0], sizes = [16, 512], strides = [1, 1]} : vector<16x1536xf32> to vector<16x512xf32>
    %slice3A_578 = vector.extract_strided_slice %squeeze3A_571 {offsets = [0, 512], sizes = [16, 512], strides = [1, 1]} : vector<16x1536xf32> to vector<16x512xf32>
    %slice3A_579 = vector.extract_strided_slice %squeeze3A_571 {offsets = [0, 1024], sizes = [16, 512], strides = [1, 1]} : vector<16x1536xf32> to vector<16x512xf32>
    %slice3A_580 = vector.extract_strided_slice %add3A_576 {offsets = [0, 0], sizes = [16, 512], strides = [1, 1]} : vector<16x1536xf32> to vector<16x512xf32>
    %slice3A_581 = vector.extract_strided_slice %add3A_576 {offsets = [0, 512], sizes = [16, 512], strides = [1, 1]} : vector<16x1536xf32> to vector<16x512xf32>
    %slice3A_582 = vector.extract_strided_slice %add3A_576 {offsets = [0, 1024], sizes = [16, 512], strides = [1, 1]} : vector<16x1536xf32> to vector<16x512xf32>
    %add3A_583 = arith.addf %slice3A_577, %slice3A_580 : vector<16x512xf32>
    %logistic3A_584 = arith.negf %add3A_583 : vector<16x512xf32>
    %logistic3A_585 = math.exp %logistic3A_584 : vector<16x512xf32>
    %logistic3A_586 = arith.constant 1.000000e+00 : f32
    %logistic3A_587 = vector.broadcast %logistic3A_586 : f32 to vector<16x512xf32>
    %logistic3A_588 = arith.addf %logistic3A_587, %logistic3A_585 : vector<16x512xf32>
    %logistic3A_589 = arith.divf %logistic3A_587, %logistic3A_588 : vector<16x512xf32>
    %add3A_590 = arith.addf %slice3A_578, %slice3A_581 : vector<16x512xf32>
    %logistic3A_591 = arith.negf %add3A_590 : vector<16x512xf32>
    %logistic3A_592 = math.exp %logistic3A_591 : vector<16x512xf32>
    %logistic3A_593 = arith.constant 1.000000e+00 : f32
    %logistic3A_594 = vector.broadcast %logistic3A_593 : f32 to vector<16x512xf32>
    %logistic3A_595 = arith.addf %logistic3A_594, %logistic3A_592 : vector<16x512xf32>
    %logistic3A_596 = arith.divf %logistic3A_594, %logistic3A_595 : vector<16x512xf32>
    %mul3A_597 = arith.mulf %logistic3A_589, %slice3A_582 : vector<16x512xf32>
    %add3A_598 = arith.addf %slice3A_579, %mul3A_597 : vector<16x512xf32>
    %tanh3A_599 = math.tanh %add3A_598 : vector<16x512xf32>
    %sub3A_600 = arith.constant 1.000000e+00 : f32
    %sub3A_601 = vector.broadcast %sub3A_600 : f32 to vector<16x512xf32>
    %sub3A_602 = arith.subf %sub3A_601, %logistic3A_596 : vector<16x512xf32>
    %mul3A_603 = arith.mulf %sub3A_602, %tanh3A_599 : vector<16x512xf32>
    %mul3A_604 = arith.mulf %logistic3A_596, %add3A_521 : vector<16x512xf32>
    %add3A_605 = arith.addf %mul3A_603, %mul3A_604 : vector<16x512xf32>
    %swap3A_606 = arith.constant 0 : index
    %swap3A_607 = arith.constant 6 : index
    %swap3A_608 = arith.constant 0 : index
    %swap3A_609 = vector.load %arg15[%swap3A_606, %swap3A_607, %swap3A_608] : memref<16x16x512xf32, #tpu.memory_space<vmem>>, vector<16x1x512xf32>
    %swap3A_610 = vector.shape_cast %swap3A_609 : vector<16x1x512xf32> to vector<16x512xf32>
    %swap3A_611 = vector.shape_cast %add3A_605 : vector<16x512xf32> to vector<16x1x512xf32>
    tpu.vector_store %arg15[%swap3A_606, %swap3A_607, %swap3A_608], %swap3A_611 {strides = array<i32>} : memref<16x16x512xf32, #tpu.memory_space<vmem>>, vector<16x1x512xf32>,
    %slice3A_612 = vector.extract_strided_slice %reshape3A_53 {offsets = [9, 0, 0], sizes = [1, 16, 1536], strides = [1, 1, 1]} : vector<16x16x1536xf32> to vector<1x16x1536xf32>
    %squeeze3A_613 = vector.shape_cast %slice3A_612 : vector<1x16x1536xf32> to vector<16x1536xf32>
    %convert_element_type3A_614 = arith.truncf %add3A_563 : vector<16x512xf32> to vector<16x512xbf16>
    %dot_general3A_615 = arith.constant dense<0.000000e+00> : vector<16x1536xf32>
    %dot_general3A_616 = tpu.matmul %convert_element_type3A_614, %get3A_59, %dot_general3A_615 {dimension_numbers = #tpu.dot_dimension_numbers<[1], [0], [0], [1], [0, 0, 1, 1], [], []>, transpose_lhs_hint = false} : vector<16x512xbf16>, vector<512x1536xbf16>, vector<16x1536xf32> -> vector<16x1536xf32>
    %add3A_617 = vector.broadcast %get3A_65 : vector<1x1536xf32> to vector<16x1536xf32>
    %add3A_618 = arith.addf %dot_general3A_616, %add3A_617 : vector<16x1536xf32>
    %slice3A_619 = vector.extract_strided_slice %squeeze3A_613 {offsets = [0, 0], sizes = [16, 512], strides = [1, 1]} : vector<16x1536xf32> to vector<16x512xf32>
    %slice3A_620 = vector.extract_strided_slice %squeeze3A_613 {offsets = [0, 512], sizes = [16, 512], strides = [1, 1]} : vector<16x1536xf32> to vector<16x512xf32>
    %slice3A_621 = vector.extract_strided_slice %squeeze3A_613 {offsets = [0, 1024], sizes = [16, 512], strides = [1, 1]} : vector<16x1536xf32> to vector<16x512xf32>
    %slice3A_622 = vector.extract_strided_slice %add3A_618 {offsets = [0, 0], sizes = [16, 512], strides = [1, 1]} : vector<16x1536xf32> to vector<16x512xf32>
    %slice3A_623 = vector.extract_strided_slice %add3A_618 {offsets = [0, 512], sizes = [16, 512], strides = [1, 1]} : vector<16x1536xf32> to vector<16x512xf32>
    %slice3A_624 = vector.extract_strided_slice %add3A_618 {offsets = [0, 1024], sizes = [16, 512], strides = [1, 1]} : vector<16x1536xf32> to vector<16x512xf32>
    %add3A_625 = arith.addf %slice3A_619, %slice3A_622 : vector<16x512xf32>
    %logistic3A_626 = arith.negf %add3A_625 : vector<16x512xf32>
    %logistic3A_627 = math.exp %logistic3A_626 : vector<16x512xf32>
    %logistic3A_628 = arith.constant 1.000000e+00 : f32
    %logistic3A_629 = vector.broadcast %logistic3A_628 : f32 to vector<16x512xf32>
    %logistic3A_630 = arith.addf %logistic3A_629, %logistic3A_627 : vector<16x512xf32>
    %logistic3A_631 = arith.divf %logistic3A_629, %logistic3A_630 : vector<16x512xf32>
    %add3A_632 = arith.addf %slice3A_620, %slice3A_623 : vector<16x512xf32>
    %logistic3A_633 = arith.negf %add3A_632 : vector<16x512xf32>
    %logistic3A_634 = math.exp %logistic3A_633 : vector<16x512xf32>
    %logistic3A_635 = arith.constant 1.000000e+00 : f32
    %logistic3A_636 = vector.broadcast %logistic3A_635 : f32 to vector<16x512xf32>
    %logistic3A_637 = arith.addf %logistic3A_636, %logistic3A_634 : vector<16x512xf32>
    %logistic3A_638 = arith.divf %logistic3A_636, %logistic3A_637 : vector<16x512xf32>
    %mul3A_639 = arith.mulf %logistic3A_631, %slice3A_624 : vector<16x512xf32>
    %add3A_640 = arith.addf %slice3A_621, %mul3A_639 : vector<16x512xf32>
    %tanh3A_641 = math.tanh %add3A_640 : vector<16x512xf32>
    %sub3A_642 = arith.constant 1.000000e+00 : f32
    %sub3A_643 = vector.broadcast %sub3A_642 : f32 to vector<16x512xf32>
    %sub3A_644 = arith.subf %sub3A_643, %logistic3A_638 : vector<16x512xf32>
    %mul3A_645 = arith.mulf %sub3A_644, %tanh3A_641 : vector<16x512xf32>
    %mul3A_646 = arith.mulf %logistic3A_638, %add3A_563 : vector<16x512xf32>
    %add3A_647 = arith.addf %mul3A_645, %mul3A_646 : vector<16x512xf32>
    %swap3A_648 = arith.constant 0 : index
    %swap3A_649 = arith.constant 9 : index
    %swap3A_650 = arith.constant 0 : index
    %swap3A_651 = vector.load %arg16[%swap3A_648, %swap3A_649, %swap3A_650] : memref<16x16x512xf32, #tpu.memory_space<vmem>>, vector<16x1x512xf32>
    %swap3A_652 = vector.shape_cast %swap3A_651 : vector<16x1x512xf32> to vector<16x512xf32>
    %swap3A_653 = vector.shape_cast %add3A_647 : vector<16x512xf32> to vector<16x1x512xf32>
    tpu.vector_store %arg16[%swap3A_648, %swap3A_649, %swap3A_650], %swap3A_653 {strides = array<i32>} : memref<16x16x512xf32, #tpu.memory_space<vmem>>, vector<16x1x512xf32>,
    %slice3A_654 = vector.extract_strided_slice %reshape3A_30 {offsets = [7, 0, 0], sizes = [1, 16, 1536], strides = [1, 1, 1]} : vector<16x16x1536xf32> to vector<1x16x1536xf32>
    %squeeze3A_655 = vector.shape_cast %slice3A_654 : vector<1x16x1536xf32> to vector<16x1536xf32>
    %convert_element_type3A_656 = arith.truncf %add3A_605 : vector<16x512xf32> to vector<16x512xbf16>
    %dot_general3A_657 = arith.constant dense<0.000000e+00> : vector<16x1536xf32>
    %dot_general3A_658 = tpu.matmul %convert_element_type3A_656, %get3A_56, %dot_general3A_657 {dimension_numbers = #tpu.dot_dimension_numbers<[1], [0], [0], [1], [0, 0, 1, 1], [], []>, transpose_lhs_hint = false} : vector<16x512xbf16>, vector<512x1536xbf16>, vector<16x1536xf32> -> vector<16x1536xf32>
    %add3A_659 = vector.broadcast %get3A_62 : vector<1x1536xf32> to vector<16x1536xf32>
    %add3A_660 = arith.addf %dot_general3A_658, %add3A_659 : vector<16x1536xf32>
    %slice3A_661 = vector.extract_strided_slice %squeeze3A_655 {offsets = [0, 0], sizes = [16, 512], strides = [1, 1]} : vector<16x1536xf32> to vector<16x512xf32>
    %slice3A_662 = vector.extract_strided_slice %squeeze3A_655 {offsets = [0, 512], sizes = [16, 512], strides = [1, 1]} : vector<16x1536xf32> to vector<16x512xf32>
    %slice3A_663 = vector.extract_strided_slice %squeeze3A_655 {offsets = [0, 1024], sizes = [16, 512], strides = [1, 1]} : vector<16x1536xf32> to vector<16x512xf32>
    %slice3A_664 = vector.extract_strided_slice %add3A_660 {offsets = [0, 0], sizes = [16, 512], strides = [1, 1]} : vector<16x1536xf32> to vector<16x512xf32>
    %slice3A_665 = vector.extract_strided_slice %add3A_660 {offsets = [0, 512], sizes = [16, 512], strides = [1, 1]} : vector<16x1536xf32> to vector<16x512xf32>
    %slice3A_666 = vector.extract_strided_slice %add3A_660 {offsets = [0, 1024], sizes = [16, 512], strides = [1, 1]} : vector<16x1536xf32> to vector<16x512xf32>
    %add3A_667 = arith.addf %slice3A_661, %slice3A_664 : vector<16x512xf32>
    %logistic3A_668 = arith.negf %add3A_667 : vector<16x512xf32>
    %logistic3A_669 = math.exp %logistic3A_668 : vector<16x512xf32>
    %logistic3A_670 = arith.constant 1.000000e+00 : f32
    %logistic3A_671 = vector.broadcast %logistic3A_670 : f32 to vector<16x512xf32>
    %logistic3A_672 = arith.addf %logistic3A_671, %logistic3A_669 : vector<16x512xf32>
    %logistic3A_673 = arith.divf %logistic3A_671, %logistic3A_672 : vector<16x512xf32>
    %add3A_674 = arith.addf %slice3A_662, %slice3A_665 : vector<16x512xf32>
    %logistic3A_675 = arith.negf %add3A_674 : vector<16x512xf32>
    %logistic3A_676 = math.exp %logistic3A_675 : vector<16x512xf32>
    %logistic3A_677 = arith.constant 1.000000e+00 : f32
    %logistic3A_678 = vector.broadcast %logistic3A_677 : f32 to vector<16x512xf32>
    %logistic3A_679 = arith.addf %logistic3A_678, %logistic3A_676 : vector<16x512xf32>
    %logistic3A_680 = arith.divf %logistic3A_678, %logistic3A_679 : vector<16x512xf32>
    %mul3A_681 = arith.mulf %logistic3A_673, %slice3A_666 : vector<16x512xf32>
    %add3A_682 = arith.addf %slice3A_663, %mul3A_681 : vector<16x512xf32>
    %tanh3A_683 = math.tanh %add3A_682 : vector<16x512xf32>
    %sub3A_684 = arith.constant 1.000000e+00 : f32
    %sub3A_685 = vector.broadcast %sub3A_684 : f32 to vector<16x512xf32>
    %sub3A_686 = arith.subf %sub3A_685, %logistic3A_680 : vector<16x512xf32>
    %mul3A_687 = arith.mulf %sub3A_686, %tanh3A_683 : vector<16x512xf32>
    %mul3A_688 = arith.mulf %logistic3A_680, %add3A_605 : vector<16x512xf32>
    %add3A_689 = arith.addf %mul3A_687, %mul3A_688 : vector<16x512xf32>
    %swap3A_690 = arith.constant 0 : index
    %swap3A_691 = arith.constant 7 : index
    %swap3A_692 = arith.constant 0 : index
    %swap3A_693 = vector.load %arg15[%swap3A_690, %swap3A_691, %swap3A_692] : memref<16x16x512xf32, #tpu.memory_space<vmem>>, vector<16x1x512xf32>
    %swap3A_694 = vector.shape_cast %swap3A_693 : vector<16x1x512xf32> to vector<16x512xf32>
    %swap3A_695 = vector.shape_cast %add3A_689 : vector<16x512xf32> to vector<16x1x512xf32>
    tpu.vector_store %arg15[%swap3A_690, %swap3A_691, %swap3A_692], %swap3A_695 {strides = array<i32>} : memref<16x16x512xf32, #tpu.memory_space<vmem>>, vector<16x1x512xf32>,
    %slice3A_696 = vector.extract_strided_slice %reshape3A_53 {offsets = [8, 0, 0], sizes = [1, 16, 1536], strides = [1, 1, 1]} : vector<16x16x1536xf32> to vector<1x16x1536xf32>
    %squeeze3A_697 = vector.shape_cast %slice3A_696 : vector<1x16x1536xf32> to vector<16x1536xf32>
    %convert_element_type3A_698 = arith.truncf %add3A_647 : vector<16x512xf32> to vector<16x512xbf16>
    %dot_general3A_699 = arith.constant dense<0.000000e+00> : vector<16x1536xf32>
    %dot_general3A_700 = tpu.matmul %convert_element_type3A_698, %get3A_59, %dot_general3A_699 {dimension_numbers = #tpu.dot_dimension_numbers<[1], [0], [0], [1], [0, 0, 1, 1], [], []>, transpose_lhs_hint = false} : vector<16x512xbf16>, vector<512x1536xbf16>, vector<16x1536xf32> -> vector<16x1536xf32>
    %add3A_701 = vector.broadcast %get3A_65 : vector<1x1536xf32> to vector<16x1536xf32>
    %add3A_702 = arith.addf %dot_general3A_700, %add3A_701 : vector<16x1536xf32>
    %slice3A_703 = vector.extract_strided_slice %squeeze3A_697 {offsets = [0, 0], sizes = [16, 512], strides = [1, 1]} : vector<16x1536xf32> to vector<16x512xf32>
    %slice3A_704 = vector.extract_strided_slice %squeeze3A_697 {offsets = [0, 512], sizes = [16, 512], strides = [1, 1]} : vector<16x1536xf32> to vector<16x512xf32>
    %slice3A_705 = vector.extract_strided_slice %squeeze3A_697 {offsets = [0, 1024], sizes = [16, 512], strides = [1, 1]} : vector<16x1536xf32> to vector<16x512xf32>
    %slice3A_706 = vector.extract_strided_slice %add3A_702 {offsets = [0, 0], sizes = [16, 512], strides = [1, 1]} : vector<16x1536xf32> to vector<16x512xf32>
    %slice3A_707 = vector.extract_strided_slice %add3A_702 {offsets = [0, 512], sizes = [16, 512], strides = [1, 1]} : vector<16x1536xf32> to vector<16x512xf32>
    %slice3A_708 = vector.extract_strided_slice %add3A_702 {offsets = [0, 1024], sizes = [16, 512], strides = [1, 1]} : vector<16x1536xf32> to vector<16x512xf32>
    %add3A_709 = arith.addf %slice3A_703, %slice3A_706 : vector<16x512xf32>
    %logistic3A_710 = arith.negf %add3A_709 : vector<16x512xf32>
    %logistic3A_711 = math.exp %logistic3A_710 : vector<16x512xf32>
    %logistic3A_712 = arith.constant 1.000000e+00 : f32
    %logistic3A_713 = vector.broadcast %logistic3A_712 : f32 to vector<16x512xf32>
    %logistic3A_714 = arith.addf %logistic3A_713, %logistic3A_711 : vector<16x512xf32>
    %logistic3A_715 = arith.divf %logistic3A_713, %logistic3A_714 : vector<16x512xf32>
    %add3A_716 = arith.addf %slice3A_704, %slice3A_707 : vector<16x512xf32>
    %logistic3A_717 = arith.negf %add3A_716 : vector<16x512xf32>
    %logistic3A_718 = math.exp %logistic3A_717 : vector<16x512xf32>
    %logistic3A_719 = arith.constant 1.000000e+00 : f32
    %logistic3A_720 = vector.broadcast %logistic3A_719 : f32 to vector<16x512xf32>
    %logistic3A_721 = arith.addf %logistic3A_720, %logistic3A_718 : vector<16x512xf32>
    %logistic3A_722 = arith.divf %logistic3A_720, %logistic3A_721 : vector<16x512xf32>
    %mul3A_723 = arith.mulf %logistic3A_715, %slice3A_708 : vector<16x512xf32>
    %add3A_724 = arith.addf %slice3A_705, %mul3A_723 : vector<16x512xf32>
    %tanh3A_725 = math.tanh %add3A_724 : vector<16x512xf32>
    %sub3A_726 = arith.constant 1.000000e+00 : f32
    %sub3A_727 = vector.broadcast %sub3A_726 : f32 to vector<16x512xf32>
    %sub3A_728 = arith.subf %sub3A_727, %logistic3A_722 : vector<16x512xf32>
    %mul3A_729 = arith.mulf %sub3A_728, %tanh3A_725 : vector<16x512xf32>
    %mul3A_730 = arith.mulf %logistic3A_722, %add3A_647 : vector<16x512xf32>
    %add3A_731 = arith.addf %mul3A_729, %mul3A_730 : vector<16x512xf32>
    %swap3A_732 = arith.constant 0 : index
    %swap3A_733 = arith.constant 8 : index
    %swap3A_734 = arith.constant 0 : index
    %swap3A_735 = vector.load %arg16[%swap3A_732, %swap3A_733, %swap3A_734] : memref<16x16x512xf32, #tpu.memory_space<vmem>>, vector<16x1x512xf32>
    %swap3A_736 = vector.shape_cast %swap3A_735 : vector<16x1x512xf32> to vector<16x512xf32>
    %swap3A_737 = vector.shape_cast %add3A_731 : vector<16x512xf32> to vector<16x1x512xf32>
    tpu.vector_store %arg16[%swap3A_732, %swap3A_733, %swap3A_734], %swap3A_737 {strides = array<i32>} : memref<16x16x512xf32, #tpu.memory_space<vmem>>, vector<16x1x512xf32>,
    %slice3A_738 = vector.extract_strided_slice %reshape3A_30 {offsets = [8, 0, 0], sizes = [1, 16, 1536], strides = [1, 1, 1]} : vector<16x16x1536xf32> to vector<1x16x1536xf32>
    %squeeze3A_739 = vector.shape_cast %slice3A_738 : vector<1x16x1536xf32> to vector<16x1536xf32>
    %convert_element_type3A_740 = arith.truncf %add3A_689 : vector<16x512xf32> to vector<16x512xbf16>
    %dot_general3A_741 = arith.constant dense<0.000000e+00> : vector<16x1536xf32>
    %dot_general3A_742 = tpu.matmul %convert_element_type3A_740, %get3A_56, %dot_general3A_741 {dimension_numbers = #tpu.dot_dimension_numbers<[1], [0], [0], [1], [0, 0, 1, 1], [], []>, transpose_lhs_hint = false} : vector<16x512xbf16>, vector<512x1536xbf16>, vector<16x1536xf32> -> vector<16x1536xf32>
    %add3A_743 = vector.broadcast %get3A_62 : vector<1x1536xf32> to vector<16x1536xf32>
    %add3A_744 = arith.addf %dot_general3A_742, %add3A_743 : vector<16x1536xf32>
    %slice3A_745 = vector.extract_strided_slice %squeeze3A_739 {offsets = [0, 0], sizes = [16, 512], strides = [1, 1]} : vector<16x1536xf32> to vector<16x512xf32>
    %slice3A_746 = vector.extract_strided_slice %squeeze3A_739 {offsets = [0, 512], sizes = [16, 512], strides = [1, 1]} : vector<16x1536xf32> to vector<16x512xf32>
    %slice3A_747 = vector.extract_strided_slice %squeeze3A_739 {offsets = [0, 1024], sizes = [16, 512], strides = [1, 1]} : vector<16x1536xf32> to vector<16x512xf32>
    %slice3A_748 = vector.extract_strided_slice %add3A_744 {offsets = [0, 0], sizes = [16, 512], strides = [1, 1]} : vector<16x1536xf32> to vector<16x512xf32>
    %slice3A_749 = vector.extract_strided_slice %add3A_744 {offsets = [0, 512], sizes = [16, 512], strides = [1, 1]} : vector<16x1536xf32> to vector<16x512xf32>
    %slice3A_750 = vector.extract_strided_slice %add3A_744 {offsets = [0, 1024], sizes = [16, 512], strides = [1, 1]} : vector<16x1536xf32> to vector<16x512xf32>
    %add3A_751 = arith.addf %slice3A_745, %slice3A_748 : vector<16x512xf32>
    %logistic3A_752 = arith.negf %add3A_751 : vector<16x512xf32>
    %logistic3A_753 = math.exp %logistic3A_752 : vector<16x512xf32>
    %logistic3A_754 = arith.constant 1.000000e+00 : f32
    %logistic3A_755 = vector.broadcast %logistic3A_754 : f32 to vector<16x512xf32>
    %logistic3A_756 = arith.addf %logistic3A_755, %logistic3A_753 : vector<16x512xf32>
    %logistic3A_757 = arith.divf %logistic3A_755, %logistic3A_756 : vector<16x512xf32>
    %add3A_758 = arith.addf %slice3A_746, %slice3A_749 : vector<16x512xf32>
    %logistic3A_759 = arith.negf %add3A_758 : vector<16x512xf32>
    %logistic3A_760 = math.exp %logistic3A_759 : vector<16x512xf32>
    %logistic3A_761 = arith.constant 1.000000e+00 : f32
    %logistic3A_762 = vector.broadcast %logistic3A_761 : f32 to vector<16x512xf32>
    %logistic3A_763 = arith.addf %logistic3A_762, %logistic3A_760 : vector<16x512xf32>
    %logistic3A_764 = arith.divf %logistic3A_762, %logistic3A_763 : vector<16x512xf32>
    %mul3A_765 = arith.mulf %logistic3A_757, %slice3A_750 : vector<16x512xf32>
    %add3A_766 = arith.addf %slice3A_747, %mul3A_765 : vector<16x512xf32>
    %tanh3A_767 = math.tanh %add3A_766 : vector<16x512xf32>
    %sub3A_768 = arith.constant 1.000000e+00 : f32
    %sub3A_769 = vector.broadcast %sub3A_768 : f32 to vector<16x512xf32>
    %sub3A_770 = arith.subf %sub3A_769, %logistic3A_764 : vector<16x512xf32>
    %mul3A_771 = arith.mulf %sub3A_770, %tanh3A_767 : vector<16x512xf32>
    %mul3A_772 = arith.mulf %logistic3A_764, %add3A_689 : vector<16x512xf32>
    %add3A_773 = arith.addf %mul3A_771, %mul3A_772 : vector<16x512xf32>
    %swap3A_774 = arith.constant 0 : index
    %swap3A_775 = arith.constant 8 : index
    %swap3A_776 = arith.constant 0 : index
    %swap3A_777 = vector.load %arg15[%swap3A_774, %swap3A_775, %swap3A_776] : memref<16x16x512xf32, #tpu.memory_space<vmem>>, vector<16x1x512xf32>
    %swap3A_778 = vector.shape_cast %swap3A_777 : vector<16x1x512xf32> to vector<16x512xf32>
    %swap3A_779 = vector.shape_cast %add3A_773 : vector<16x512xf32> to vector<16x1x512xf32>
    tpu.vector_store %arg15[%swap3A_774, %swap3A_775, %swap3A_776], %swap3A_779 {strides = array<i32>} : memref<16x16x512xf32, #tpu.memory_space<vmem>>, vector<16x1x512xf32>,
    %slice3A_780 = vector.extract_strided_slice %reshape3A_53 {offsets = [7, 0, 0], sizes = [1, 16, 1536], strides = [1, 1, 1]} : vector<16x16x1536xf32> to vector<1x16x1536xf32>
    %squeeze3A_781 = vector.shape_cast %slice3A_780 : vector<1x16x1536xf32> to vector<16x1536xf32>
    %convert_element_type3A_782 = arith.truncf %add3A_731 : vector<16x512xf32> to vector<16x512xbf16>
    %dot_general3A_783 = arith.constant dense<0.000000e+00> : vector<16x1536xf32>
    %dot_general3A_784 = tpu.matmul %convert_element_type3A_782, %get3A_59, %dot_general3A_783 {dimension_numbers = #tpu.dot_dimension_numbers<[1], [0], [0], [1], [0, 0, 1, 1], [], []>, transpose_lhs_hint = false} : vector<16x512xbf16>, vector<512x1536xbf16>, vector<16x1536xf32> -> vector<16x1536xf32>
    %add3A_785 = vector.broadcast %get3A_65 : vector<1x1536xf32> to vector<16x1536xf32>
    %add3A_786 = arith.addf %dot_general3A_784, %add3A_785 : vector<16x1536xf32>
    %slice3A_787 = vector.extract_strided_slice %squeeze3A_781 {offsets = [0, 0], sizes = [16, 512], strides = [1, 1]} : vector<16x1536xf32> to vector<16x512xf32>
    %slice3A_788 = vector.extract_strided_slice %squeeze3A_781 {offsets = [0, 512], sizes = [16, 512], strides = [1, 1]} : vector<16x1536xf32> to vector<16x512xf32>
    %slice3A_789 = vector.extract_strided_slice %squeeze3A_781 {offsets = [0, 1024], sizes = [16, 512], strides = [1, 1]} : vector<16x1536xf32> to vector<16x512xf32>
    %slice3A_790 = vector.extract_strided_slice %add3A_786 {offsets = [0, 0], sizes = [16, 512], strides = [1, 1]} : vector<16x1536xf32> to vector<16x512xf32>
    %slice3A_791 = vector.extract_strided_slice %add3A_786 {offsets = [0, 512], sizes = [16, 512], strides = [1, 1]} : vector<16x1536xf32> to vector<16x512xf32>
    %slice3A_792 = vector.extract_strided_slice %add3A_786 {offsets = [0, 1024], sizes = [16, 512], strides = [1, 1]} : vector<16x1536xf32> to vector<16x512xf32>
    %add3A_793 = arith.addf %slice3A_787, %slice3A_790 : vector<16x512xf32>
    %logistic3A_794 = arith.negf %add3A_793 : vector<16x512xf32>
    %logistic3A_795 = math.exp %logistic3A_794 : vector<16x512xf32>
    %logistic3A_796 = arith.constant 1.000000e+00 : f32
    %logistic3A_797 = vector.broadcast %logistic3A_796 : f32 to vector<16x512xf32>
    %logistic3A_798 = arith.addf %logistic3A_797, %logistic3A_795 : vector<16x512xf32>
    %logistic3A_799 = arith.divf %logistic3A_797, %logistic3A_798 : vector<16x512xf32>
    %add3A_800 = arith.addf %slice3A_788, %slice3A_791 : vector<16x512xf32>
    %logistic3A_801 = arith.negf %add3A_800 : vector<16x512xf32>
    %logistic3A_802 = math.exp %logistic3A_801 : vector<16x512xf32>
    %logistic3A_803 = arith.constant 1.000000e+00 : f32
    %logistic3A_804 = vector.broadcast %logistic3A_803 : f32 to vector<16x512xf32>
    %logistic3A_805 = arith.addf %logistic3A_804, %logistic3A_802 : vector<16x512xf32>
    %logistic3A_806 = arith.divf %logistic3A_804, %logistic3A_805 : vector<16x512xf32>
    %mul3A_807 = arith.mulf %logistic3A_799, %slice3A_792 : vector<16x512xf32>
    %add3A_808 = arith.addf %slice3A_789, %mul3A_807 : vector<16x512xf32>
    %tanh3A_809 = math.tanh %add3A_808 : vector<16x512xf32>
    %sub3A_810 = arith.constant 1.000000e+00 : f32
    %sub3A_811 = vector.broadcast %sub3A_810 : f32 to vector<16x512xf32>
    %sub3A_812 = arith.subf %sub3A_811, %logistic3A_806 : vector<16x512xf32>
    %mul3A_813 = arith.mulf %sub3A_812, %tanh3A_809 : vector<16x512xf32>
    %mul3A_814 = arith.mulf %logistic3A_806, %add3A_731 : vector<16x512xf32>
    %add3A_815 = arith.addf %mul3A_813, %mul3A_814 : vector<16x512xf32>
    %swap3A_816 = arith.constant 0 : index
    %swap3A_817 = arith.constant 7 : index
    %swap3A_818 = arith.constant 0 : index
    %swap3A_819 = vector.load %arg16[%swap3A_816, %swap3A_817, %swap3A_818] : memref<16x16x512xf32, #tpu.memory_space<vmem>>, vector<16x1x512xf32>
    %swap3A_820 = vector.shape_cast %swap3A_819 : vector<16x1x512xf32> to vector<16x512xf32>
    %swap3A_821 = vector.shape_cast %add3A_815 : vector<16x512xf32> to vector<16x1x512xf32>
    tpu.vector_store %arg16[%swap3A_816, %swap3A_817, %swap3A_818], %swap3A_821 {strides = array<i32>} : memref<16x16x512xf32, #tpu.memory_space<vmem>>, vector<16x1x512xf32>,
    %slice3A_822 = vector.extract_strided_slice %reshape3A_30 {offsets = [9, 0, 0], sizes = [1, 16, 1536], strides = [1, 1, 1]} : vector<16x16x1536xf32> to vector<1x16x1536xf32>
    %squeeze3A_823 = vector.shape_cast %slice3A_822 : vector<1x16x1536xf32> to vector<16x1536xf32>
    %convert_element_type3A_824 = arith.truncf %add3A_773 : vector<16x512xf32> to vector<16x512xbf16>
    %dot_general3A_825 = arith.constant dense<0.000000e+00> : vector<16x1536xf32>
    %dot_general3A_826 = tpu.matmul %convert_element_type3A_824, %get3A_56, %dot_general3A_825 {dimension_numbers = #tpu.dot_dimension_numbers<[1], [0], [0], [1], [0, 0, 1, 1], [], []>, transpose_lhs_hint = false} : vector<16x512xbf16>, vector<512x1536xbf16>, vector<16x1536xf32> -> vector<16x1536xf32>
    %add3A_827 = vector.broadcast %get3A_62 : vector<1x1536xf32> to vector<16x1536xf32>
    %add3A_828 = arith.addf %dot_general3A_826, %add3A_827 : vector<16x1536xf32>
    %slice3A_829 = vector.extract_strided_slice %squeeze3A_823 {offsets = [0, 0], sizes = [16, 512], strides = [1, 1]} : vector<16x1536xf32> to vector<16x512xf32>
    %slice3A_830 = vector.extract_strided_slice %squeeze3A_823 {offsets = [0, 512], sizes = [16, 512], strides = [1, 1]} : vector<16x1536xf32> to vector<16x512xf32>
    %slice3A_831 = vector.extract_strided_slice %squeeze3A_823 {offsets = [0, 1024], sizes = [16, 512], strides = [1, 1]} : vector<16x1536xf32> to vector<16x512xf32>
    %slice3A_832 = vector.extract_strided_slice %add3A_828 {offsets = [0, 0], sizes = [16, 512], strides = [1, 1]} : vector<16x1536xf32> to vector<16x512xf32>
    %slice3A_833 = vector.extract_strided_slice %add3A_828 {offsets = [0, 512], sizes = [16, 512], strides = [1, 1]} : vector<16x1536xf32> to vector<16x512xf32>
    %slice3A_834 = vector.extract_strided_slice %add3A_828 {offsets = [0, 1024], sizes = [16, 512], strides = [1, 1]} : vector<16x1536xf32> to vector<16x512xf32>
    %add3A_835 = arith.addf %slice3A_829, %slice3A_832 : vector<16x512xf32>
    %logistic3A_836 = arith.negf %add3A_835 : vector<16x512xf32>
    %logistic3A_837 = math.exp %logistic3A_836 : vector<16x512xf32>
    %logistic3A_838 = arith.constant 1.000000e+00 : f32
    %logistic3A_839 = vector.broadcast %logistic3A_838 : f32 to vector<16x512xf32>
    %logistic3A_840 = arith.addf %logistic3A_839, %logistic3A_837 : vector<16x512xf32>
    %logistic3A_841 = arith.divf %logistic3A_839, %logistic3A_840 : vector<16x512xf32>
    %add3A_842 = arith.addf %slice3A_830, %slice3A_833 : vector<16x512xf32>
    %logistic3A_843 = arith.negf %add3A_842 : vector<16x512xf32>
    %logistic3A_844 = math.exp %logistic3A_843 : vector<16x512xf32>
    %logistic3A_845 = arith.constant 1.000000e+00 : f32
    %logistic3A_846 = vector.broadcast %logistic3A_845 : f32 to vector<16x512xf32>
    %logistic3A_847 = arith.addf %logistic3A_846, %logistic3A_844 : vector<16x512xf32>
    %logistic3A_848 = arith.divf %logistic3A_846, %logistic3A_847 : vector<16x512xf32>
    %mul3A_849 = arith.mulf %logistic3A_841, %slice3A_834 : vector<16x512xf32>
    %add3A_850 = arith.addf %slice3A_831, %mul3A_849 : vector<16x512xf32>
    %tanh3A_851 = math.tanh %add3A_850 : vector<16x512xf32>
    %sub3A_852 = arith.constant 1.000000e+00 : f32
    %sub3A_853 = vector.broadcast %sub3A_852 : f32 to vector<16x512xf32>
    %sub3A_854 = arith.subf %sub3A_853, %logistic3A_848 : vector<16x512xf32>
    %mul3A_855 = arith.mulf %sub3A_854, %tanh3A_851 : vector<16x512xf32>
    %mul3A_856 = arith.mulf %logistic3A_848, %add3A_773 : vector<16x512xf32>
    %add3A_857 = arith.addf %mul3A_855, %mul3A_856 : vector<16x512xf32>
    %swap3A_858 = arith.constant 0 : index
    %swap3A_859 = arith.constant 9 : index
    %swap3A_860 = arith.constant 0 : index
    %swap3A_861 = vector.load %arg15[%swap3A_858, %swap3A_859, %swap3A_860] : memref<16x16x512xf32, #tpu.memory_space<vmem>>, vector<16x1x512xf32>
    %swap3A_862 = vector.shape_cast %swap3A_861 : vector<16x1x512xf32> to vector<16x512xf32>
    %swap3A_863 = vector.shape_cast %add3A_857 : vector<16x512xf32> to vector<16x1x512xf32>
    tpu.vector_store %arg15[%swap3A_858, %swap3A_859, %swap3A_860], %swap3A_863 {strides = array<i32>} : memref<16x16x512xf32, #tpu.memory_space<vmem>>, vector<16x1x512xf32>,
    %slice3A_864 = vector.extract_strided_slice %reshape3A_53 {offsets = [6, 0, 0], sizes = [1, 16, 1536], strides = [1, 1, 1]} : vector<16x16x1536xf32> to vector<1x16x1536xf32>
    %squeeze3A_865 = vector.shape_cast %slice3A_864 : vector<1x16x1536xf32> to vector<16x1536xf32>
    %convert_element_type3A_866 = arith.truncf %add3A_815 : vector<16x512xf32> to vector<16x512xbf16>
    %dot_general3A_867 = arith.constant dense<0.000000e+00> : vector<16x1536xf32>
    %dot_general3A_868 = tpu.matmul %convert_element_type3A_866, %get3A_59, %dot_general3A_867 {dimension_numbers = #tpu.dot_dimension_numbers<[1], [0], [0], [1], [0, 0, 1, 1], [], []>, transpose_lhs_hint = false} : vector<16x512xbf16>, vector<512x1536xbf16>, vector<16x1536xf32> -> vector<16x1536xf32>
    %add3A_869 = vector.broadcast %get3A_65 : vector<1x1536xf32> to vector<16x1536xf32>
    %add3A_870 = arith.addf %dot_general3A_868, %add3A_869 : vector<16x1536xf32>
    %slice3A_871 = vector.extract_strided_slice %squeeze3A_865 {offsets = [0, 0], sizes = [16, 512], strides = [1, 1]} : vector<16x1536xf32> to vector<16x512xf32>
    %slice3A_872 = vector.extract_strided_slice %squeeze3A_865 {offsets = [0, 512], sizes = [16, 512], strides = [1, 1]} : vector<16x1536xf32> to vector<16x512xf32>
    %slice3A_873 = vector.extract_strided_slice %squeeze3A_865 {offsets = [0, 1024], sizes = [16, 512], strides = [1, 1]} : vector<16x1536xf32> to vector<16x512xf32>
    %slice3A_874 = vector.extract_strided_slice %add3A_870 {offsets = [0, 0], sizes = [16, 512], strides = [1, 1]} : vector<16x1536xf32> to vector<16x512xf32>
    %slice3A_875 = vector.extract_strided_slice %add3A_870 {offsets = [0, 512], sizes = [16, 512], strides = [1, 1]} : vector<16x1536xf32> to vector<16x512xf32>
    %slice3A_876 = vector.extract_strided_slice %add3A_870 {offsets = [0, 1024], sizes = [16, 512], strides = [1, 1]} : vector<16x1536xf32> to vector<16x512xf32>
    %add3A_877 = arith.addf %slice3A_871, %slice3A_874 : vector<16x512xf32>
    %logistic3A_878 = arith.negf %add3A_877 : vector<16x512xf32>
    %logistic3A_879 = math.exp %logistic3A_878 : vector<16x512xf32>
    %logistic3A_880 = arith.constant 1.000000e+00 : f32
    %logistic3A_881 = vector.broadcast %logistic3A_880 : f32 to vector<16x512xf32>
    %logistic3A_882 = arith.addf %logistic3A_881, %logistic3A_879 : vector<16x512xf32>
    %logistic3A_883 = arith.divf %logistic3A_881, %logistic3A_882 : vector<16x512xf32>
    %add3A_884 = arith.addf %slice3A_872, %slice3A_875 : vector<16x512xf32>
    %logistic3A_885 = arith.negf %add3A_884 : vector<16x512xf32>
    %logistic3A_886 = math.exp %logistic3A_885 : vector<16x512xf32>
    %logistic3A_887 = arith.constant 1.000000e+00 : f32
    %logistic3A_888 = vector.broadcast %logistic3A_887 : f32 to vector<16x512xf32>
    %logistic3A_889 = arith.addf %logistic3A_888, %logistic3A_886 : vector<16x512xf32>
    %logistic3A_890 = arith.divf %logistic3A_888, %logistic3A_889 : vector<16x512xf32>
    %mul3A_891 = arith.mulf %logistic3A_883, %slice3A_876 : vector<16x512xf32>
    %add3A_892 = arith.addf %slice3A_873, %mul3A_891 : vector<16x512xf32>
    %tanh3A_893 = math.tanh %add3A_892 : vector<16x512xf32>
    %sub3A_894 = arith.constant 1.000000e+00 : f32
    %sub3A_895 = vector.broadcast %sub3A_894 : f32 to vector<16x512xf32>
    %sub3A_896 = arith.subf %sub3A_895, %logistic3A_890 : vector<16x512xf32>
    %mul3A_897 = arith.mulf %sub3A_896, %tanh3A_893 : vector<16x512xf32>
    %mul3A_898 = arith.mulf %logistic3A_890, %add3A_815 : vector<16x512xf32>
    %add3A_899 = arith.addf %mul3A_897, %mul3A_898 : vector<16x512xf32>
    %swap3A_900 = arith.constant 0 : index
    %swap3A_901 = arith.constant 6 : index
    %swap3A_902 = arith.constant 0 : index
    %swap3A_903 = vector.load %arg16[%swap3A_900, %swap3A_901, %swap3A_902] : memref<16x16x512xf32, #tpu.memory_space<vmem>>, vector<16x1x512xf32>
    %swap3A_904 = vector.shape_cast %swap3A_903 : vector<16x1x512xf32> to vector<16x512xf32>
    %swap3A_905 = vector.shape_cast %add3A_899 : vector<16x512xf32> to vector<16x1x512xf32>
    tpu.vector_store %arg16[%swap3A_900, %swap3A_901, %swap3A_902], %swap3A_905 {strides = array<i32>} : memref<16x16x512xf32, #tpu.memory_space<vmem>>, vector<16x1x512xf32>,
    %slice3A_906 = vector.extract_strided_slice %reshape3A_30 {offsets = [10, 0, 0], sizes = [1, 16, 1536], strides = [1, 1, 1]} : vector<16x16x1536xf32> to vector<1x16x1536xf32>
    %squeeze3A_907 = vector.shape_cast %slice3A_906 : vector<1x16x1536xf32> to vector<16x1536xf32>
    %convert_element_type3A_908 = arith.truncf %add3A_857 : vector<16x512xf32> to vector<16x512xbf16>
    %dot_general3A_909 = arith.constant dense<0.000000e+00> : vector<16x1536xf32>
    %dot_general3A_910 = tpu.matmul %convert_element_type3A_908, %get3A_56, %dot_general3A_909 {dimension_numbers = #tpu.dot_dimension_numbers<[1], [0], [0], [1], [0, 0, 1, 1], [], []>, transpose_lhs_hint = false} : vector<16x512xbf16>, vector<512x1536xbf16>, vector<16x1536xf32> -> vector<16x1536xf32>
    %add3A_911 = vector.broadcast %get3A_62 : vector<1x1536xf32> to vector<16x1536xf32>
    %add3A_912 = arith.addf %dot_general3A_910, %add3A_911 : vector<16x1536xf32>
    %slice3A_913 = vector.extract_strided_slice %squeeze3A_907 {offsets = [0, 0], sizes = [16, 512], strides = [1, 1]} : vector<16x1536xf32> to vector<16x512xf32>
    %slice3A_914 = vector.extract_strided_slice %squeeze3A_907 {offsets = [0, 512], sizes = [16, 512], strides = [1, 1]} : vector<16x1536xf32> to vector<16x512xf32>
    %slice3A_915 = vector.extract_strided_slice %squeeze3A_907 {offsets = [0, 1024], sizes = [16, 512], strides = [1, 1]} : vector<16x1536xf32> to vector<16x512xf32>
    %slice3A_916 = vector.extract_strided_slice %add3A_912 {offsets = [0, 0], sizes = [16, 512], strides = [1, 1]} : vector<16x1536xf32> to vector<16x512xf32>
    %slice3A_917 = vector.extract_strided_slice %add3A_912 {offsets = [0, 512], sizes = [16, 512], strides = [1, 1]} : vector<16x1536xf32> to vector<16x512xf32>
    %slice3A_918 = vector.extract_strided_slice %add3A_912 {offsets = [0, 1024], sizes = [16, 512], strides = [1, 1]} : vector<16x1536xf32> to vector<16x512xf32>
    %add3A_919 = arith.addf %slice3A_913, %slice3A_916 : vector<16x512xf32>
    %logistic3A_920 = arith.negf %add3A_919 : vector<16x512xf32>
    %logistic3A_921 = math.exp %logistic3A_920 : vector<16x512xf32>
    %logistic3A_922 = arith.constant 1.000000e+00 : f32
    %logistic3A_923 = vector.broadcast %logistic3A_922 : f32 to vector<16x512xf32>
    %logistic3A_924 = arith.addf %logistic3A_923, %logistic3A_921 : vector<16x512xf32>
    %logistic3A_925 = arith.divf %logistic3A_923, %logistic3A_924 : vector<16x512xf32>
    %add3A_926 = arith.addf %slice3A_914, %slice3A_917 : vector<16x512xf32>
    %logistic3A_927 = arith.negf %add3A_926 : vector<16x512xf32>
    %logistic3A_928 = math.exp %logistic3A_927 : vector<16x512xf32>
    %logistic3A_929 = arith.constant 1.000000e+00 : f32
    %logistic3A_930 = vector.broadcast %logistic3A_929 : f32 to vector<16x512xf32>
    %logistic3A_931 = arith.addf %logistic3A_930, %logistic3A_928 : vector<16x512xf32>
    %logistic3A_932 = arith.divf %logistic3A_930, %logistic3A_931 : vector<16x512xf32>
    %mul3A_933 = arith.mulf %logistic3A_925, %slice3A_918 : vector<16x512xf32>
    %add3A_934 = arith.addf %slice3A_915, %mul3A_933 : vector<16x512xf32>
    %tanh3A_935 = math.tanh %add3A_934 : vector<16x512xf32>
    %sub3A_936 = arith.constant 1.000000e+00 : f32
    %sub3A_937 = vector.broadcast %sub3A_936 : f32 to vector<16x512xf32>
    %sub3A_938 = arith.subf %sub3A_937, %logistic3A_932 : vector<16x512xf32>
    %mul3A_939 = arith.mulf %sub3A_938, %tanh3A_935 : vector<16x512xf32>
    %mul3A_940 = arith.mulf %logistic3A_932, %add3A_857 : vector<16x512xf32>
    %add3A_941 = arith.addf %mul3A_939, %mul3A_940 : vector<16x512xf32>
    %swap3A_942 = arith.constant 0 : index
    %swap3A_943 = arith.constant 10 : index
    %swap3A_944 = arith.constant 0 : index
    %swap3A_945 = vector.load %arg15[%swap3A_942, %swap3A_943, %swap3A_944] : memref<16x16x512xf32, #tpu.memory_space<vmem>>, vector<16x1x512xf32>
    %swap3A_946 = vector.shape_cast %swap3A_945 : vector<16x1x512xf32> to vector<16x512xf32>
    %swap3A_947 = vector.shape_cast %add3A_941 : vector<16x512xf32> to vector<16x1x512xf32>
    tpu.vector_store %arg15[%swap3A_942, %swap3A_943, %swap3A_944], %swap3A_947 {strides = array<i32>} : memref<16x16x512xf32, #tpu.memory_space<vmem>>, vector<16x1x512xf32>,
    %slice3A_948 = vector.extract_strided_slice %reshape3A_53 {offsets = [5, 0, 0], sizes = [1, 16, 1536], strides = [1, 1, 1]} : vector<16x16x1536xf32> to vector<1x16x1536xf32>
    %squeeze3A_949 = vector.shape_cast %slice3A_948 : vector<1x16x1536xf32> to vector<16x1536xf32>
    %convert_element_type3A_950 = arith.truncf %add3A_899 : vector<16x512xf32> to vector<16x512xbf16>
    %dot_general3A_951 = arith.constant dense<0.000000e+00> : vector<16x1536xf32>
    %dot_general3A_952 = tpu.matmul %convert_element_type3A_950, %get3A_59, %dot_general3A_951 {dimension_numbers = #tpu.dot_dimension_numbers<[1], [0], [0], [1], [0, 0, 1, 1], [], []>, transpose_lhs_hint = false} : vector<16x512xbf16>, vector<512x1536xbf16>, vector<16x1536xf32> -> vector<16x1536xf32>
    %add3A_953 = vector.broadcast %get3A_65 : vector<1x1536xf32> to vector<16x1536xf32>
    %add3A_954 = arith.addf %dot_general3A_952, %add3A_953 : vector<16x1536xf32>
    %slice3A_955 = vector.extract_strided_slice %squeeze3A_949 {offsets = [0, 0], sizes = [16, 512], strides = [1, 1]} : vector<16x1536xf32> to vector<16x512xf32>
    %slice3A_956 = vector.extract_strided_slice %squeeze3A_949 {offsets = [0, 512], sizes = [16, 512], strides = [1, 1]} : vector<16x1536xf32> to vector<16x512xf32>
    %slice3A_957 = vector.extract_strided_slice %squeeze3A_949 {offsets = [0, 1024], sizes = [16, 512], strides = [1, 1]} : vector<16x1536xf32> to vector<16x512xf32>
    %slice3A_958 = vector.extract_strided_slice %add3A_954 {offsets = [0, 0], sizes = [16, 512], strides = [1, 1]} : vector<16x1536xf32> to vector<16x512xf32>
    %slice3A_959 = vector.extract_strided_slice %add3A_954 {offsets = [0, 512], sizes = [16, 512], strides = [1, 1]} : vector<16x1536xf32> to vector<16x512xf32>
    %slice3A_960 = vector.extract_strided_slice %add3A_954 {offsets = [0, 1024], sizes = [16, 512], strides = [1, 1]} : vector<16x1536xf32> to vector<16x512xf32>
    %add3A_961 = arith.addf %slice3A_955, %slice3A_958 : vector<16x512xf32>
    %logistic3A_962 = arith.negf %add3A_961 : vector<16x512xf32>
    %logistic3A_963 = math.exp %logistic3A_962 : vector<16x512xf32>
    %logistic3A_964 = arith.constant 1.000000e+00 : f32
    %logistic3A_965 = vector.broadcast %logistic3A_964 : f32 to vector<16x512xf32>
    %logistic3A_966 = arith.addf %logistic3A_965, %logistic3A_963 : vector<16x512xf32>
    %logistic3A_967 = arith.divf %logistic3A_965, %logistic3A_966 : vector<16x512xf32>
    %add3A_968 = arith.addf %slice3A_956, %slice3A_959 : vector<16x512xf32>
    %logistic3A_969 = arith.negf %add3A_968 : vector<16x512xf32>
    %logistic3A_970 = math.exp %logistic3A_969 : vector<16x512xf32>
    %logistic3A_971 = arith.constant 1.000000e+00 : f32
    %logistic3A_972 = vector.broadcast %logistic3A_971 : f32 to vector<16x512xf32>
    %logistic3A_973 = arith.addf %logistic3A_972, %logistic3A_970 : vector<16x512xf32>
    %logistic3A_974 = arith.divf %logistic3A_972, %logistic3A_973 : vector<16x512xf32>
    %mul3A_975 = arith.mulf %logistic3A_967, %slice3A_960 : vector<16x512xf32>
    %add3A_976 = arith.addf %slice3A_957, %mul3A_975 : vector<16x512xf32>
    %tanh3A_977 = math.tanh %add3A_976 : vector<16x512xf32>
    %sub3A_978 = arith.constant 1.000000e+00 : f32
    %sub3A_979 = vector.broadcast %sub3A_978 : f32 to vector<16x512xf32>
    %sub3A_980 = arith.subf %sub3A_979, %logistic3A_974 : vector<16x512xf32>
    %mul3A_981 = arith.mulf %sub3A_980, %tanh3A_977 : vector<16x512xf32>
    %mul3A_982 = arith.mulf %logistic3A_974, %add3A_899 : vector<16x512xf32>
    %add3A_983 = arith.addf %mul3A_981, %mul3A_982 : vector<16x512xf32>
    %swap3A_984 = arith.constant 0 : index
    %swap3A_985 = arith.constant 5 : index
    %swap3A_986 = arith.constant 0 : index
    %swap3A_987 = vector.load %arg16[%swap3A_984, %swap3A_985, %swap3A_986] : memref<16x16x512xf32, #tpu.memory_space<vmem>>, vector<16x1x512xf32>
    %swap3A_988 = vector.shape_cast %swap3A_987 : vector<16x1x512xf32> to vector<16x512xf32>
    %swap3A_989 = vector.shape_cast %add3A_983 : vector<16x512xf32> to vector<16x1x512xf32>
    tpu.vector_store %arg16[%swap3A_984, %swap3A_985, %swap3A_986], %swap3A_989 {strides = array<i32>} : memref<16x16x512xf32, #tpu.memory_space<vmem>>, vector<16x1x512xf32>,
    %slice3A_990 = vector.extract_strided_slice %reshape3A_30 {offsets = [11, 0, 0], sizes = [1, 16, 1536], strides = [1, 1, 1]} : vector<16x16x1536xf32> to vector<1x16x1536xf32>
    %squeeze3A_991 = vector.shape_cast %slice3A_990 : vector<1x16x1536xf32> to vector<16x1536xf32>
    %convert_element_type3A_992 = arith.truncf %add3A_941 : vector<16x512xf32> to vector<16x512xbf16>
    %dot_general3A_993 = arith.constant dense<0.000000e+00> : vector<16x1536xf32>
    %dot_general3A_994 = tpu.matmul %convert_element_type3A_992, %get3A_56, %dot_general3A_993 {dimension_numbers = #tpu.dot_dimension_numbers<[1], [0], [0], [1], [0, 0, 1, 1], [], []>, transpose_lhs_hint = false} : vector<16x512xbf16>, vector<512x1536xbf16>, vector<16x1536xf32> -> vector<16x1536xf32>
    %add3A_995 = vector.broadcast %get3A_62 : vector<1x1536xf32> to vector<16x1536xf32>
    %add3A_996 = arith.addf %dot_general3A_994, %add3A_995 : vector<16x1536xf32>
    %slice3A_997 = vector.extract_strided_slice %squeeze3A_991 {offsets = [0, 0], sizes = [16, 512], strides = [1, 1]} : vector<16x1536xf32> to vector<16x512xf32>
    %slice3A_998 = vector.extract_strided_slice %squeeze3A_991 {offsets = [0, 512], sizes = [16, 512], strides = [1, 1]} : vector<16x1536xf32> to vector<16x512xf32>
    %slice3A_999 = vector.extract_strided_slice %squeeze3A_991 {offsets = [0, 1024], sizes = [16, 512], strides = [1, 1]} : vector<16x1536xf32> to vector<16x512xf32>
    %slice3A_1000 = vector.extract_strided_slice %add3A_996 {offsets = [0, 0], sizes = [16, 512], strides = [1, 1]} : vector<16x1536xf32> to vector<16x512xf32>
    %slice3A_1001 = vector.extract_strided_slice %add3A_996 {offsets = [0, 512], sizes = [16, 512], strides = [1, 1]} : vector<16x1536xf32> to vector<16x512xf32>
    %slice3A_1002 = vector.extract_strided_slice %add3A_996 {offsets = [0, 1024], sizes = [16, 512], strides = [1, 1]} : vector<16x1536xf32> to vector<16x512xf32>
    %add3A_1003 = arith.addf %slice3A_997, %slice3A_1000 : vector<16x512xf32>
    %logistic3A_1004 = arith.negf %add3A_1003 : vector<16x512xf32>
    %logistic3A_1005 = math.exp %logistic3A_1004 : vector<16x512xf32>
    %logistic3A_1006 = arith.constant 1.000000e+00 : f32
    %logistic3A_1007 = vector.broadcast %logistic3A_1006 : f32 to vector<16x512xf32>
    %logistic3A_1008 = arith.addf %logistic3A_1007, %logistic3A_1005 : vector<16x512xf32>
    %logistic3A_1009 = arith.divf %logistic3A_1007, %logistic3A_1008 : vector<16x512xf32>
    %add3A_1010 = arith.addf %slice3A_998, %slice3A_1001 : vector<16x512xf32>
    %logistic3A_1011 = arith.negf %add3A_1010 : vector<16x512xf32>
    %logistic3A_1012 = math.exp %logistic3A_1011 : vector<16x512xf32>
    %logistic3A_1013 = arith.constant 1.000000e+00 : f32
    %logistic3A_1014 = vector.broadcast %logistic3A_1013 : f32 to vector<16x512xf32>
    %logistic3A_1015 = arith.addf %logistic3A_1014, %logistic3A_1012 : vector<16x512xf32>
    %logistic3A_1016 = arith.divf %logistic3A_1014, %logistic3A_1015 : vector<16x512xf32>
    %mul3A_1017 = arith.mulf %logistic3A_1009, %slice3A_1002 : vector<16x512xf32>
    %add3A_1018 = arith.addf %slice3A_999, %mul3A_1017 : vector<16x512xf32>
    %tanh3A_1019 = math.tanh %add3A_1018 : vector<16x512xf32>
    %sub3A_1020 = arith.constant 1.000000e+00 : f32
    %sub3A_1021 = vector.broadcast %sub3A_1020 : f32 to vector<16x512xf32>
    %sub3A_1022 = arith.subf %sub3A_1021, %logistic3A_1016 : vector<16x512xf32>
    %mul3A_1023 = arith.mulf %sub3A_1022, %tanh3A_1019 : vector<16x512xf32>
    %mul3A_1024 = arith.mulf %logistic3A_1016, %add3A_941 : vector<16x512xf32>
    %add3A_1025 = arith.addf %mul3A_1023, %mul3A_1024 : vector<16x512xf32>
    %swap3A_1026 = arith.constant 0 : index
    %swap3A_1027 = arith.constant 11 : index
    %swap3A_1028 = arith.constant 0 : index
    %swap3A_1029 = vector.load %arg15[%swap3A_1026, %swap3A_1027, %swap3A_1028] : memref<16x16x512xf32, #tpu.memory_space<vmem>>, vector<16x1x512xf32>
    %swap3A_1030 = vector.shape_cast %swap3A_1029 : vector<16x1x512xf32> to vector<16x512xf32>
    %swap3A_1031 = vector.shape_cast %add3A_1025 : vector<16x512xf32> to vector<16x1x512xf32>
    tpu.vector_store %arg15[%swap3A_1026, %swap3A_1027, %swap3A_1028], %swap3A_1031 {strides = array<i32>} : memref<16x16x512xf32, #tpu.memory_space<vmem>>, vector<16x1x512xf32>,
    %slice3A_1032 = vector.extract_strided_slice %reshape3A_53 {offsets = [4, 0, 0], sizes = [1, 16, 1536], strides = [1, 1, 1]} : vector<16x16x1536xf32> to vector<1x16x1536xf32>
    %squeeze3A_1033 = vector.shape_cast %slice3A_1032 : vector<1x16x1536xf32> to vector<16x1536xf32>
    %convert_element_type3A_1034 = arith.truncf %add3A_983 : vector<16x512xf32> to vector<16x512xbf16>
    %dot_general3A_1035 = arith.constant dense<0.000000e+00> : vector<16x1536xf32>
    %dot_general3A_1036 = tpu.matmul %convert_element_type3A_1034, %get3A_59, %dot_general3A_1035 {dimension_numbers = #tpu.dot_dimension_numbers<[1], [0], [0], [1], [0, 0, 1, 1], [], []>, transpose_lhs_hint = false} : vector<16x512xbf16>, vector<512x1536xbf16>, vector<16x1536xf32> -> vector<16x1536xf32>
    %add3A_1037 = vector.broadcast %get3A_65 : vector<1x1536xf32> to vector<16x1536xf32>
    %add3A_1038 = arith.addf %dot_general3A_1036, %add3A_1037 : vector<16x1536xf32>
    %slice3A_1039 = vector.extract_strided_slice %squeeze3A_1033 {offsets = [0, 0], sizes = [16, 512], strides = [1, 1]} : vector<16x1536xf32> to vector<16x512xf32>
    %slice3A_1040 = vector.extract_strided_slice %squeeze3A_1033 {offsets = [0, 512], sizes = [16, 512], strides = [1, 1]} : vector<16x1536xf32> to vector<16x512xf32>
    %slice3A_1041 = vector.extract_strided_slice %squeeze3A_1033 {offsets = [0, 1024], sizes = [16, 512], strides = [1, 1]} : vector<16x1536xf32> to vector<16x512xf32>
    %slice3A_1042 = vector.extract_strided_slice %add3A_1038 {offsets = [0, 0], sizes = [16, 512], strides = [1, 1]} : vector<16x1536xf32> to vector<16x512xf32>
    %slice3A_1043 = vector.extract_strided_slice %add3A_1038 {offsets = [0, 512], sizes = [16, 512], strides = [1, 1]} : vector<16x1536xf32> to vector<16x512xf32>
    %slice3A_1044 = vector.extract_strided_slice %add3A_1038 {offsets = [0, 1024], sizes = [16, 512], strides = [1, 1]} : vector<16x1536xf32> to vector<16x512xf32>
    %add3A_1045 = arith.addf %slice3A_1039, %slice3A_1042 : vector<16x512xf32>
    %logistic3A_1046 = arith.negf %add3A_1045 : vector<16x512xf32>
    %logistic3A_1047 = math.exp %logistic3A_1046 : vector<16x512xf32>
    %logistic3A_1048 = arith.constant 1.000000e+00 : f32
    %logistic3A_1049 = vector.broadcast %logistic3A_1048 : f32 to vector<16x512xf32>
    %logistic3A_1050 = arith.addf %logistic3A_1049, %logistic3A_1047 : vector<16x512xf32>
    %logistic3A_1051 = arith.divf %logistic3A_1049, %logistic3A_1050 : vector<16x512xf32>
    %add3A_1052 = arith.addf %slice3A_1040, %slice3A_1043 : vector<16x512xf32>
    %logistic3A_1053 = arith.negf %add3A_1052 : vector<16x512xf32>
    %logistic3A_1054 = math.exp %logistic3A_1053 : vector<16x512xf32>
    %logistic3A_1055 = arith.constant 1.000000e+00 : f32
    %logistic3A_1056 = vector.broadcast %logistic3A_1055 : f32 to vector<16x512xf32>
    %logistic3A_1057 = arith.addf %logistic3A_1056, %logistic3A_1054 : vector<16x512xf32>
    %logistic3A_1058 = arith.divf %logistic3A_1056, %logistic3A_1057 : vector<16x512xf32>
    %mul3A_1059 = arith.mulf %logistic3A_1051, %slice3A_1044 : vector<16x512xf32>
    %add3A_1060 = arith.addf %slice3A_1041, %mul3A_1059 : vector<16x512xf32>
    %tanh3A_1061 = math.tanh %add3A_1060 : vector<16x512xf32>
    %sub3A_1062 = arith.constant 1.000000e+00 : f32
    %sub3A_1063 = vector.broadcast %sub3A_1062 : f32 to vector<16x512xf32>
    %sub3A_1064 = arith.subf %sub3A_1063, %logistic3A_1058 : vector<16x512xf32>
    %mul3A_1065 = arith.mulf %sub3A_1064, %tanh3A_1061 : vector<16x512xf32>
    %mul3A_1066 = arith.mulf %logistic3A_1058, %add3A_983 : vector<16x512xf32>
    %add3A_1067 = arith.addf %mul3A_1065, %mul3A_1066 : vector<16x512xf32>
    %swap3A_1068 = arith.constant 0 : index
    %swap3A_1069 = arith.constant 4 : index
    %swap3A_1070 = arith.constant 0 : index
    %swap3A_1071 = vector.load %arg16[%swap3A_1068, %swap3A_1069, %swap3A_1070] : memref<16x16x512xf32, #tpu.memory_space<vmem>>, vector<16x1x512xf32>
    %swap3A_1072 = vector.shape_cast %swap3A_1071 : vector<16x1x512xf32> to vector<16x512xf32>
    %swap3A_1073 = vector.shape_cast %add3A_1067 : vector<16x512xf32> to vector<16x1x512xf32>
    tpu.vector_store %arg16[%swap3A_1068, %swap3A_1069, %swap3A_1070], %swap3A_1073 {strides = array<i32>} : memref<16x16x512xf32, #tpu.memory_space<vmem>>, vector<16x1x512xf32>,
    %slice3A_1074 = vector.extract_strided_slice %reshape3A_30 {offsets = [12, 0, 0], sizes = [1, 16, 1536], strides = [1, 1, 1]} : vector<16x16x1536xf32> to vector<1x16x1536xf32>
    %squeeze3A_1075 = vector.shape_cast %slice3A_1074 : vector<1x16x1536xf32> to vector<16x1536xf32>
    %convert_element_type3A_1076 = arith.truncf %add3A_1025 : vector<16x512xf32> to vector<16x512xbf16>
    %dot_general3A_1077 = arith.constant dense<0.000000e+00> : vector<16x1536xf32>
    %dot_general3A_1078 = tpu.matmul %convert_element_type3A_1076, %get3A_56, %dot_general3A_1077 {dimension_numbers = #tpu.dot_dimension_numbers<[1], [0], [0], [1], [0, 0, 1, 1], [], []>, transpose_lhs_hint = false} : vector<16x512xbf16>, vector<512x1536xbf16>, vector<16x1536xf32> -> vector<16x1536xf32>
    %add3A_1079 = vector.broadcast %get3A_62 : vector<1x1536xf32> to vector<16x1536xf32>
    %add3A_1080 = arith.addf %dot_general3A_1078, %add3A_1079 : vector<16x1536xf32>
    %slice3A_1081 = vector.extract_strided_slice %squeeze3A_1075 {offsets = [0, 0], sizes = [16, 512], strides = [1, 1]} : vector<16x1536xf32> to vector<16x512xf32>
    %slice3A_1082 = vector.extract_strided_slice %squeeze3A_1075 {offsets = [0, 512], sizes = [16, 512], strides = [1, 1]} : vector<16x1536xf32> to vector<16x512xf32>
    %slice3A_1083 = vector.extract_strided_slice %squeeze3A_1075 {offsets = [0, 1024], sizes = [16, 512], strides = [1, 1]} : vector<16x1536xf32> to vector<16x512xf32>
    %slice3A_1084 = vector.extract_strided_slice %add3A_1080 {offsets = [0, 0], sizes = [16, 512], strides = [1, 1]} : vector<16x1536xf32> to vector<16x512xf32>
    %slice3A_1085 = vector.extract_strided_slice %add3A_1080 {offsets = [0, 512], sizes = [16, 512], strides = [1, 1]} : vector<16x1536xf32> to vector<16x512xf32>
    %slice3A_1086 = vector.extract_strided_slice %add3A_1080 {offsets = [0, 1024], sizes = [16, 512], strides = [1, 1]} : vector<16x1536xf32> to vector<16x512xf32>
    %add3A_1087 = arith.addf %slice3A_1081, %slice3A_1084 : vector<16x512xf32>
    %logistic3A_1088 = arith.negf %add3A_1087 : vector<16x512xf32>
    %logistic3A_1089 = math.exp %logistic3A_1088 : vector<16x512xf32>
    %logistic3A_1090 = arith.constant 1.000000e+00 : f32
    %logistic3A_1091 = vector.broadcast %logistic3A_1090 : f32 to vector<16x512xf32>
    %logistic3A_1092 = arith.addf %logistic3A_1091, %logistic3A_1089 : vector<16x512xf32>
    %logistic3A_1093 = arith.divf %logistic3A_1091, %logistic3A_1092 : vector<16x512xf32>
    %add3A_1094 = arith.addf %slice3A_1082, %slice3A_1085 : vector<16x512xf32>
    %logistic3A_1095 = arith.negf %add3A_1094 : vector<16x512xf32>
    %logistic3A_1096 = math.exp %logistic3A_1095 : vector<16x512xf32>
    %logistic3A_1097 = arith.constant 1.000000e+00 : f32
    %logistic3A_1098 = vector.broadcast %logistic3A_1097 : f32 to vector<16x512xf32>
    %logistic3A_1099 = arith.addf %logistic3A_1098, %logistic3A_1096 : vector<16x512xf32>
    %logistic3A_1100 = arith.divf %logistic3A_1098, %logistic3A_1099 : vector<16x512xf32>
    %mul3A_1101 = arith.mulf %logistic3A_1093, %slice3A_1086 : vector<16x512xf32>
    %add3A_1102 = arith.addf %slice3A_1083, %mul3A_1101 : vector<16x512xf32>
    %tanh3A_1103 = math.tanh %add3A_1102 : vector<16x512xf32>
    %sub3A_1104 = arith.constant 1.000000e+00 : f32
    %sub3A_1105 = vector.broadcast %sub3A_1104 : f32 to vector<16x512xf32>
    %sub3A_1106 = arith.subf %sub3A_1105, %logistic3A_1100 : vector<16x512xf32>
    %mul3A_1107 = arith.mulf %sub3A_1106, %tanh3A_1103 : vector<16x512xf32>
    %mul3A_1108 = arith.mulf %logistic3A_1100, %add3A_1025 : vector<16x512xf32>
    %add3A_1109 = arith.addf %mul3A_1107, %mul3A_1108 : vector<16x512xf32>
    %swap3A_1110 = arith.constant 0 : index
    %swap3A_1111 = arith.constant 12 : index
    %swap3A_1112 = arith.constant 0 : index
    %swap3A_1113 = vector.load %arg15[%swap3A_1110, %swap3A_1111, %swap3A_1112] : memref<16x16x512xf32, #tpu.memory_space<vmem>>, vector<16x1x512xf32>
    %swap3A_1114 = vector.shape_cast %swap3A_1113 : vector<16x1x512xf32> to vector<16x512xf32>
    %swap3A_1115 = vector.shape_cast %add3A_1109 : vector<16x512xf32> to vector<16x1x512xf32>
    tpu.vector_store %arg15[%swap3A_1110, %swap3A_1111, %swap3A_1112], %swap3A_1115 {strides = array<i32>} : memref<16x16x512xf32, #tpu.memory_space<vmem>>, vector<16x1x512xf32>,
    %slice3A_1116 = vector.extract_strided_slice %reshape3A_53 {offsets = [3, 0, 0], sizes = [1, 16, 1536], strides = [1, 1, 1]} : vector<16x16x1536xf32> to vector<1x16x1536xf32>
    %squeeze3A_1117 = vector.shape_cast %slice3A_1116 : vector<1x16x1536xf32> to vector<16x1536xf32>
    %convert_element_type3A_1118 = arith.truncf %add3A_1067 : vector<16x512xf32> to vector<16x512xbf16>
    %dot_general3A_1119 = arith.constant dense<0.000000e+00> : vector<16x1536xf32>
    %dot_general3A_1120 = tpu.matmul %convert_element_type3A_1118, %get3A_59, %dot_general3A_1119 {dimension_numbers = #tpu.dot_dimension_numbers<[1], [0], [0], [1], [0, 0, 1, 1], [], []>, transpose_lhs_hint = false} : vector<16x512xbf16>, vector<512x1536xbf16>, vector<16x1536xf32> -> vector<16x1536xf32>
    %add3A_1121 = vector.broadcast %get3A_65 : vector<1x1536xf32> to vector<16x1536xf32>
    %add3A_1122 = arith.addf %dot_general3A_1120, %add3A_1121 : vector<16x1536xf32>
    %slice3A_1123 = vector.extract_strided_slice %squeeze3A_1117 {offsets = [0, 0], sizes = [16, 512], strides = [1, 1]} : vector<16x1536xf32> to vector<16x512xf32>
    %slice3A_1124 = vector.extract_strided_slice %squeeze3A_1117 {offsets = [0, 512], sizes = [16, 512], strides = [1, 1]} : vector<16x1536xf32> to vector<16x512xf32>
    %slice3A_1125 = vector.extract_strided_slice %squeeze3A_1117 {offsets = [0, 1024], sizes = [16, 512], strides = [1, 1]} : vector<16x1536xf32> to vector<16x512xf32>
    %slice3A_1126 = vector.extract_strided_slice %add3A_1122 {offsets = [0, 0], sizes = [16, 512], strides = [1, 1]} : vector<16x1536xf32> to vector<16x512xf32>
    %slice3A_1127 = vector.extract_strided_slice %add3A_1122 {offsets = [0, 512], sizes = [16, 512], strides = [1, 1]} : vector<16x1536xf32> to vector<16x512xf32>
    %slice3A_1128 = vector.extract_strided_slice %add3A_1122 {offsets = [0, 1024], sizes = [16, 512], strides = [1, 1]} : vector<16x1536xf32> to vector<16x512xf32>
    %add3A_1129 = arith.addf %slice3A_1123, %slice3A_1126 : vector<16x512xf32>
    %logistic3A_1130 = arith.negf %add3A_1129 : vector<16x512xf32>
    %logistic3A_1131 = math.exp %logistic3A_1130 : vector<16x512xf32>
    %logistic3A_1132 = arith.constant 1.000000e+00 : f32
    %logistic3A_1133 = vector.broadcast %logistic3A_1132 : f32 to vector<16x512xf32>
    %logistic3A_1134 = arith.addf %logistic3A_1133, %logistic3A_1131 : vector<16x512xf32>
    %logistic3A_1135 = arith.divf %logistic3A_1133, %logistic3A_1134 : vector<16x512xf32>
    %add3A_1136 = arith.addf %slice3A_1124, %slice3A_1127 : vector<16x512xf32>
    %logistic3A_1137 = arith.negf %add3A_1136 : vector<16x512xf32>
    %logistic3A_1138 = math.exp %logistic3A_1137 : vector<16x512xf32>
    %logistic3A_1139 = arith.constant 1.000000e+00 : f32
    %logistic3A_1140 = vector.broadcast %logistic3A_1139 : f32 to vector<16x512xf32>
    %logistic3A_1141 = arith.addf %logistic3A_1140, %logistic3A_1138 : vector<16x512xf32>
    %logistic3A_1142 = arith.divf %logistic3A_1140, %logistic3A_1141 : vector<16x512xf32>
    %mul3A_1143 = arith.mulf %logistic3A_1135, %slice3A_1128 : vector<16x512xf32>
    %add3A_1144 = arith.addf %slice3A_1125, %mul3A_1143 : vector<16x512xf32>
    %tanh3A_1145 = math.tanh %add3A_1144 : vector<16x512xf32>
    %sub3A_1146 = arith.constant 1.000000e+00 : f32
    %sub3A_1147 = vector.broadcast %sub3A_1146 : f32 to vector<16x512xf32>
    %sub3A_1148 = arith.subf %sub3A_1147, %logistic3A_1142 : vector<16x512xf32>
    %mul3A_1149 = arith.mulf %sub3A_1148, %tanh3A_1145 : vector<16x512xf32>
    %mul3A_1150 = arith.mulf %logistic3A_1142, %add3A_1067 : vector<16x512xf32>
    %add3A_1151 = arith.addf %mul3A_1149, %mul3A_1150 : vector<16x512xf32>
    %swap3A_1152 = arith.constant 0 : index
    %swap3A_1153 = arith.constant 3 : index
    %swap3A_1154 = arith.constant 0 : index
    %swap3A_1155 = vector.load %arg16[%swap3A_1152, %swap3A_1153, %swap3A_1154] : memref<16x16x512xf32, #tpu.memory_space<vmem>>, vector<16x1x512xf32>
    %swap3A_1156 = vector.shape_cast %swap3A_1155 : vector<16x1x512xf32> to vector<16x512xf32>
    %swap3A_1157 = vector.shape_cast %add3A_1151 : vector<16x512xf32> to vector<16x1x512xf32>
    tpu.vector_store %arg16[%swap3A_1152, %swap3A_1153, %swap3A_1154], %swap3A_1157 {strides = array<i32>} : memref<16x16x512xf32, #tpu.memory_space<vmem>>, vector<16x1x512xf32>,
    %slice3A_1158 = vector.extract_strided_slice %reshape3A_30 {offsets = [13, 0, 0], sizes = [1, 16, 1536], strides = [1, 1, 1]} : vector<16x16x1536xf32> to vector<1x16x1536xf32>
    %squeeze3A_1159 = vector.shape_cast %slice3A_1158 : vector<1x16x1536xf32> to vector<16x1536xf32>
    %convert_element_type3A_1160 = arith.truncf %add3A_1109 : vector<16x512xf32> to vector<16x512xbf16>
    %dot_general3A_1161 = arith.constant dense<0.000000e+00> : vector<16x1536xf32>
    %dot_general3A_1162 = tpu.matmul %convert_element_type3A_1160, %get3A_56, %dot_general3A_1161 {dimension_numbers = #tpu.dot_dimension_numbers<[1], [0], [0], [1], [0, 0, 1, 1], [], []>, transpose_lhs_hint = false} : vector<16x512xbf16>, vector<512x1536xbf16>, vector<16x1536xf32> -> vector<16x1536xf32>
    %add3A_1163 = vector.broadcast %get3A_62 : vector<1x1536xf32> to vector<16x1536xf32>
    %add3A_1164 = arith.addf %dot_general3A_1162, %add3A_1163 : vector<16x1536xf32>
    %slice3A_1165 = vector.extract_strided_slice %squeeze3A_1159 {offsets = [0, 0], sizes = [16, 512], strides = [1, 1]} : vector<16x1536xf32> to vector<16x512xf32>
    %slice3A_1166 = vector.extract_strided_slice %squeeze3A_1159 {offsets = [0, 512], sizes = [16, 512], strides = [1, 1]} : vector<16x1536xf32> to vector<16x512xf32>
    %slice3A_1167 = vector.extract_strided_slice %squeeze3A_1159 {offsets = [0, 1024], sizes = [16, 512], strides = [1, 1]} : vector<16x1536xf32> to vector<16x512xf32>
    %slice3A_1168 = vector.extract_strided_slice %add3A_1164 {offsets = [0, 0], sizes = [16, 512], strides = [1, 1]} : vector<16x1536xf32> to vector<16x512xf32>
    %slice3A_1169 = vector.extract_strided_slice %add3A_1164 {offsets = [0, 512], sizes = [16, 512], strides = [1, 1]} : vector<16x1536xf32> to vector<16x512xf32>
    %slice3A_1170 = vector.extract_strided_slice %add3A_1164 {offsets = [0, 1024], sizes = [16, 512], strides = [1, 1]} : vector<16x1536xf32> to vector<16x512xf32>
    %add3A_1171 = arith.addf %slice3A_1165, %slice3A_1168 : vector<16x512xf32>
    %logistic3A_1172 = arith.negf %add3A_1171 : vector<16x512xf32>
    %logistic3A_1173 = math.exp %logistic3A_1172 : vector<16x512xf32>
    %logistic3A_1174 = arith.constant 1.000000e+00 : f32
    %logistic3A_1175 = vector.broadcast %logistic3A_1174 : f32 to vector<16x512xf32>
    %logistic3A_1176 = arith.addf %logistic3A_1175, %logistic3A_1173 : vector<16x512xf32>
    %logistic3A_1177 = arith.divf %logistic3A_1175, %logistic3A_1176 : vector<16x512xf32>
    %add3A_1178 = arith.addf %slice3A_1166, %slice3A_1169 : vector<16x512xf32>
    %logistic3A_1179 = arith.negf %add3A_1178 : vector<16x512xf32>
    %logistic3A_1180 = math.exp %logistic3A_1179 : vector<16x512xf32>
    %logistic3A_1181 = arith.constant 1.000000e+00 : f32
    %logistic3A_1182 = vector.broadcast %logistic3A_1181 : f32 to vector<16x512xf32>
    %logistic3A_1183 = arith.addf %logistic3A_1182, %logistic3A_1180 : vector<16x512xf32>
    %logistic3A_1184 = arith.divf %logistic3A_1182, %logistic3A_1183 : vector<16x512xf32>
    %mul3A_1185 = arith.mulf %logistic3A_1177, %slice3A_1170 : vector<16x512xf32>
    %add3A_1186 = arith.addf %slice3A_1167, %mul3A_1185 : vector<16x512xf32>
    %tanh3A_1187 = math.tanh %add3A_1186 : vector<16x512xf32>
    %sub3A_1188 = arith.constant 1.000000e+00 : f32
    %sub3A_1189 = vector.broadcast %sub3A_1188 : f32 to vector<16x512xf32>
    %sub3A_1190 = arith.subf %sub3A_1189, %logistic3A_1184 : vector<16x512xf32>
    %mul3A_1191 = arith.mulf %sub3A_1190, %tanh3A_1187 : vector<16x512xf32>
    %mul3A_1192 = arith.mulf %logistic3A_1184, %add3A_1109 : vector<16x512xf32>
    %add3A_1193 = arith.addf %mul3A_1191, %mul3A_1192 : vector<16x512xf32>
    %swap3A_1194 = arith.constant 0 : index
    %swap3A_1195 = arith.constant 13 : index
    %swap3A_1196 = arith.constant 0 : index
    %swap3A_1197 = vector.load %arg15[%swap3A_1194, %swap3A_1195, %swap3A_1196] : memref<16x16x512xf32, #tpu.memory_space<vmem>>, vector<16x1x512xf32>
    %swap3A_1198 = vector.shape_cast %swap3A_1197 : vector<16x1x512xf32> to vector<16x512xf32>
    %swap3A_1199 = vector.shape_cast %add3A_1193 : vector<16x512xf32> to vector<16x1x512xf32>
    tpu.vector_store %arg15[%swap3A_1194, %swap3A_1195, %swap3A_1196], %swap3A_1199 {strides = array<i32>} : memref<16x16x512xf32, #tpu.memory_space<vmem>>, vector<16x1x512xf32>,
    %slice3A_1200 = vector.extract_strided_slice %reshape3A_53 {offsets = [2, 0, 0], sizes = [1, 16, 1536], strides = [1, 1, 1]} : vector<16x16x1536xf32> to vector<1x16x1536xf32>
    %squeeze3A_1201 = vector.shape_cast %slice3A_1200 : vector<1x16x1536xf32> to vector<16x1536xf32>
    %convert_element_type3A_1202 = arith.truncf %add3A_1151 : vector<16x512xf32> to vector<16x512xbf16>
    %dot_general3A_1203 = arith.constant dense<0.000000e+00> : vector<16x1536xf32>
    %dot_general3A_1204 = tpu.matmul %convert_element_type3A_1202, %get3A_59, %dot_general3A_1203 {dimension_numbers = #tpu.dot_dimension_numbers<[1], [0], [0], [1], [0, 0, 1, 1], [], []>, transpose_lhs_hint = false} : vector<16x512xbf16>, vector<512x1536xbf16>, vector<16x1536xf32> -> vector<16x1536xf32>
    %add3A_1205 = vector.broadcast %get3A_65 : vector<1x1536xf32> to vector<16x1536xf32>
    %add3A_1206 = arith.addf %dot_general3A_1204, %add3A_1205 : vector<16x1536xf32>
    %slice3A_1207 = vector.extract_strided_slice %squeeze3A_1201 {offsets = [0, 0], sizes = [16, 512], strides = [1, 1]} : vector<16x1536xf32> to vector<16x512xf32>
    %slice3A_1208 = vector.extract_strided_slice %squeeze3A_1201 {offsets = [0, 512], sizes = [16, 512], strides = [1, 1]} : vector<16x1536xf32> to vector<16x512xf32>
    %slice3A_1209 = vector.extract_strided_slice %squeeze3A_1201 {offsets = [0, 1024], sizes = [16, 512], strides = [1, 1]} : vector<16x1536xf32> to vector<16x512xf32>
    %slice3A_1210 = vector.extract_strided_slice %add3A_1206 {offsets = [0, 0], sizes = [16, 512], strides = [1, 1]} : vector<16x1536xf32> to vector<16x512xf32>
    %slice3A_1211 = vector.extract_strided_slice %add3A_1206 {offsets = [0, 512], sizes = [16, 512], strides = [1, 1]} : vector<16x1536xf32> to vector<16x512xf32>
    %slice3A_1212 = vector.extract_strided_slice %add3A_1206 {offsets = [0, 1024], sizes = [16, 512], strides = [1, 1]} : vector<16x1536xf32> to vector<16x512xf32>
    %add3A_1213 = arith.addf %slice3A_1207, %slice3A_1210 : vector<16x512xf32>
    %logistic3A_1214 = arith.negf %add3A_1213 : vector<16x512xf32>
    %logistic3A_1215 = math.exp %logistic3A_1214 : vector<16x512xf32>
    %logistic3A_1216 = arith.constant 1.000000e+00 : f32
    %logistic3A_1217 = vector.broadcast %logistic3A_1216 : f32 to vector<16x512xf32>
    %logistic3A_1218 = arith.addf %logistic3A_1217, %logistic3A_1215 : vector<16x512xf32>
    %logistic3A_1219 = arith.divf %logistic3A_1217, %logistic3A_1218 : vector<16x512xf32>
    %add3A_1220 = arith.addf %slice3A_1208, %slice3A_1211 : vector<16x512xf32>
    %logistic3A_1221 = arith.negf %add3A_1220 : vector<16x512xf32>
    %logistic3A_1222 = math.exp %logistic3A_1221 : vector<16x512xf32>
    %logistic3A_1223 = arith.constant 1.000000e+00 : f32
    %logistic3A_1224 = vector.broadcast %logistic3A_1223 : f32 to vector<16x512xf32>
    %logistic3A_1225 = arith.addf %logistic3A_1224, %logistic3A_1222 : vector<16x512xf32>
    %logistic3A_1226 = arith.divf %logistic3A_1224, %logistic3A_1225 : vector<16x512xf32>
    %mul3A_1227 = arith.mulf %logistic3A_1219, %slice3A_1212 : vector<16x512xf32>
    %add3A_1228 = arith.addf %slice3A_1209, %mul3A_1227 : vector<16x512xf32>
    %tanh3A_1229 = math.tanh %add3A_1228 : vector<16x512xf32>
    %sub3A_1230 = arith.constant 1.000000e+00 : f32
    %sub3A_1231 = vector.broadcast %sub3A_1230 : f32 to vector<16x512xf32>
    %sub3A_1232 = arith.subf %sub3A_1231, %logistic3A_1226 : vector<16x512xf32>
    %mul3A_1233 = arith.mulf %sub3A_1232, %tanh3A_1229 : vector<16x512xf32>
    %mul3A_1234 = arith.mulf %logistic3A_1226, %add3A_1151 : vector<16x512xf32>
    %add3A_1235 = arith.addf %mul3A_1233, %mul3A_1234 : vector<16x512xf32>
    %swap3A_1236 = arith.constant 0 : index
    %swap3A_1237 = arith.constant 2 : index
    %swap3A_1238 = arith.constant 0 : index
    %swap3A_1239 = vector.load %arg16[%swap3A_1236, %swap3A_1237, %swap3A_1238] : memref<16x16x512xf32, #tpu.memory_space<vmem>>, vector<16x1x512xf32>
    %swap3A_1240 = vector.shape_cast %swap3A_1239 : vector<16x1x512xf32> to vector<16x512xf32>
    %swap3A_1241 = vector.shape_cast %add3A_1235 : vector<16x512xf32> to vector<16x1x512xf32>
    tpu.vector_store %arg16[%swap3A_1236, %swap3A_1237, %swap3A_1238], %swap3A_1241 {strides = array<i32>} : memref<16x16x512xf32, #tpu.memory_space<vmem>>, vector<16x1x512xf32>,
    %slice3A_1242 = vector.extract_strided_slice %reshape3A_30 {offsets = [14, 0, 0], sizes = [1, 16, 1536], strides = [1, 1, 1]} : vector<16x16x1536xf32> to vector<1x16x1536xf32>
    %squeeze3A_1243 = vector.shape_cast %slice3A_1242 : vector<1x16x1536xf32> to vector<16x1536xf32>
    %convert_element_type3A_1244 = arith.truncf %add3A_1193 : vector<16x512xf32> to vector<16x512xbf16>
    %dot_general3A_1245 = arith.constant dense<0.000000e+00> : vector<16x1536xf32>
    %dot_general3A_1246 = tpu.matmul %convert_element_type3A_1244, %get3A_56, %dot_general3A_1245 {dimension_numbers = #tpu.dot_dimension_numbers<[1], [0], [0], [1], [0, 0, 1, 1], [], []>, transpose_lhs_hint = false} : vector<16x512xbf16>, vector<512x1536xbf16>, vector<16x1536xf32> -> vector<16x1536xf32>
    %add3A_1247 = vector.broadcast %get3A_62 : vector<1x1536xf32> to vector<16x1536xf32>
    %add3A_1248 = arith.addf %dot_general3A_1246, %add3A_1247 : vector<16x1536xf32>
    %slice3A_1249 = vector.extract_strided_slice %squeeze3A_1243 {offsets = [0, 0], sizes = [16, 512], strides = [1, 1]} : vector<16x1536xf32> to vector<16x512xf32>
    %slice3A_1250 = vector.extract_strided_slice %squeeze3A_1243 {offsets = [0, 512], sizes = [16, 512], strides = [1, 1]} : vector<16x1536xf32> to vector<16x512xf32>
    %slice3A_1251 = vector.extract_strided_slice %squeeze3A_1243 {offsets = [0, 1024], sizes = [16, 512], strides = [1, 1]} : vector<16x1536xf32> to vector<16x512xf32>
    %slice3A_1252 = vector.extract_strided_slice %add3A_1248 {offsets = [0, 0], sizes = [16, 512], strides = [1, 1]} : vector<16x1536xf32> to vector<16x512xf32>
    %slice3A_1253 = vector.extract_strided_slice %add3A_1248 {offsets = [0, 512], sizes = [16, 512], strides = [1, 1]} : vector<16x1536xf32> to vector<16x512xf32>
    %slice3A_1254 = vector.extract_strided_slice %add3A_1248 {offsets = [0, 1024], sizes = [16, 512], strides = [1, 1]} : vector<16x1536xf32> to vector<16x512xf32>
    %add3A_1255 = arith.addf %slice3A_1249, %slice3A_1252 : vector<16x512xf32>
    %logistic3A_1256 = arith.negf %add3A_1255 : vector<16x512xf32>
    %logistic3A_1257 = math.exp %logistic3A_1256 : vector<16x512xf32>
    %logistic3A_1258 = arith.constant 1.000000e+00 : f32
    %logistic3A_1259 = vector.broadcast %logistic3A_1258 : f32 to vector<16x512xf32>
    %logistic3A_1260 = arith.addf %logistic3A_1259, %logistic3A_1257 : vector<16x512xf32>
    %logistic3A_1261 = arith.divf %logistic3A_1259, %logistic3A_1260 : vector<16x512xf32>
    %add3A_1262 = arith.addf %slice3A_1250, %slice3A_1253 : vector<16x512xf32>
    %logistic3A_1263 = arith.negf %add3A_1262 : vector<16x512xf32>
    %logistic3A_1264 = math.exp %logistic3A_1263 : vector<16x512xf32>
    %logistic3A_1265 = arith.constant 1.000000e+00 : f32
    %logistic3A_1266 = vector.broadcast %logistic3A_1265 : f32 to vector<16x512xf32>
    %logistic3A_1267 = arith.addf %logistic3A_1266, %logistic3A_1264 : vector<16x512xf32>
    %logistic3A_1268 = arith.divf %logistic3A_1266, %logistic3A_1267 : vector<16x512xf32>
    %mul3A_1269 = arith.mulf %logistic3A_1261, %slice3A_1254 : vector<16x512xf32>
    %add3A_1270 = arith.addf %slice3A_1251, %mul3A_1269 : vector<16x512xf32>
    %tanh3A_1271 = math.tanh %add3A_1270 : vector<16x512xf32>
    %sub3A_1272 = arith.constant 1.000000e+00 : f32
    %sub3A_1273 = vector.broadcast %sub3A_1272 : f32 to vector<16x512xf32>
    %sub3A_1274 = arith.subf %sub3A_1273, %logistic3A_1268 : vector<16x512xf32>
    %mul3A_1275 = arith.mulf %sub3A_1274, %tanh3A_1271 : vector<16x512xf32>
    %mul3A_1276 = arith.mulf %logistic3A_1268, %add3A_1193 : vector<16x512xf32>
    %add3A_1277 = arith.addf %mul3A_1275, %mul3A_1276 : vector<16x512xf32>
    %swap3A_1278 = arith.constant 0 : index
    %swap3A_1279 = arith.constant 14 : index
    %swap3A_1280 = arith.constant 0 : index
    %swap3A_1281 = vector.load %arg15[%swap3A_1278, %swap3A_1279, %swap3A_1280] : memref<16x16x512xf32, #tpu.memory_space<vmem>>, vector<16x1x512xf32>
    %swap3A_1282 = vector.shape_cast %swap3A_1281 : vector<16x1x512xf32> to vector<16x512xf32>
    %swap3A_1283 = vector.shape_cast %add3A_1277 : vector<16x512xf32> to vector<16x1x512xf32>
    tpu.vector_store %arg15[%swap3A_1278, %swap3A_1279, %swap3A_1280], %swap3A_1283 {strides = array<i32>} : memref<16x16x512xf32, #tpu.memory_space<vmem>>, vector<16x1x512xf32>,
    %slice3A_1284 = vector.extract_strided_slice %reshape3A_53 {offsets = [1, 0, 0], sizes = [1, 16, 1536], strides = [1, 1, 1]} : vector<16x16x1536xf32> to vector<1x16x1536xf32>
    %squeeze3A_1285 = vector.shape_cast %slice3A_1284 : vector<1x16x1536xf32> to vector<16x1536xf32>
    %convert_element_type3A_1286 = arith.truncf %add3A_1235 : vector<16x512xf32> to vector<16x512xbf16>
    %dot_general3A_1287 = arith.constant dense<0.000000e+00> : vector<16x1536xf32>
    %dot_general3A_1288 = tpu.matmul %convert_element_type3A_1286, %get3A_59, %dot_general3A_1287 {dimension_numbers = #tpu.dot_dimension_numbers<[1], [0], [0], [1], [0, 0, 1, 1], [], []>, transpose_lhs_hint = false} : vector<16x512xbf16>, vector<512x1536xbf16>, vector<16x1536xf32> -> vector<16x1536xf32>
    %add3A_1289 = vector.broadcast %get3A_65 : vector<1x1536xf32> to vector<16x1536xf32>
    %add3A_1290 = arith.addf %dot_general3A_1288, %add3A_1289 : vector<16x1536xf32>
    %slice3A_1291 = vector.extract_strided_slice %squeeze3A_1285 {offsets = [0, 0], sizes = [16, 512], strides = [1, 1]} : vector<16x1536xf32> to vector<16x512xf32>
    %slice3A_1292 = vector.extract_strided_slice %squeeze3A_1285 {offsets = [0, 512], sizes = [16, 512], strides = [1, 1]} : vector<16x1536xf32> to vector<16x512xf32>
    %slice3A_1293 = vector.extract_strided_slice %squeeze3A_1285 {offsets = [0, 1024], sizes = [16, 512], strides = [1, 1]} : vector<16x1536xf32> to vector<16x512xf32>
    %slice3A_1294 = vector.extract_strided_slice %add3A_1290 {offsets = [0, 0], sizes = [16, 512], strides = [1, 1]} : vector<16x1536xf32> to vector<16x512xf32>
    %slice3A_1295 = vector.extract_strided_slice %add3A_1290 {offsets = [0, 512], sizes = [16, 512], strides = [1, 1]} : vector<16x1536xf32> to vector<16x512xf32>
    %slice3A_1296 = vector.extract_strided_slice %add3A_1290 {offsets = [0, 1024], sizes = [16, 512], strides = [1, 1]} : vector<16x1536xf32> to vector<16x512xf32>
    %add3A_1297 = arith.addf %slice3A_1291, %slice3A_1294 : vector<16x512xf32>
    %logistic3A_1298 = arith.negf %add3A_1297 : vector<16x512xf32>
    %logistic3A_1299 = math.exp %logistic3A_1298 : vector<16x512xf32>
    %logistic3A_1300 = arith.constant 1.000000e+00 : f32
    %logistic3A_1301 = vector.broadcast %logistic3A_1300 : f32 to vector<16x512xf32>
    %logistic3A_1302 = arith.addf %logistic3A_1301, %logistic3A_1299 : vector<16x512xf32>
    %logistic3A_1303 = arith.divf %logistic3A_1301, %logistic3A_1302 : vector<16x512xf32>
    %add3A_1304 = arith.addf %slice3A_1292, %slice3A_1295 : vector<16x512xf32>
    %logistic3A_1305 = arith.negf %add3A_1304 : vector<16x512xf32>
    %logistic3A_1306 = math.exp %logistic3A_1305 : vector<16x512xf32>
    %logistic3A_1307 = arith.constant 1.000000e+00 : f32
    %logistic3A_1308 = vector.broadcast %logistic3A_1307 : f32 to vector<16x512xf32>
    %logistic3A_1309 = arith.addf %logistic3A_1308, %logistic3A_1306 : vector<16x512xf32>
    %logistic3A_1310 = arith.divf %logistic3A_1308, %logistic3A_1309 : vector<16x512xf32>
    %mul3A_1311 = arith.mulf %logistic3A_1303, %slice3A_1296 : vector<16x512xf32>
    %add3A_1312 = arith.addf %slice3A_1293, %mul3A_1311 : vector<16x512xf32>
    %tanh3A_1313 = math.tanh %add3A_1312 : vector<16x512xf32>
    %sub3A_1314 = arith.constant 1.000000e+00 : f32
    %sub3A_1315 = vector.broadcast %sub3A_1314 : f32 to vector<16x512xf32>
    %sub3A_1316 = arith.subf %sub3A_1315, %logistic3A_1310 : vector<16x512xf32>
    %mul3A_1317 = arith.mulf %sub3A_1316, %tanh3A_1313 : vector<16x512xf32>
    %mul3A_1318 = arith.mulf %logistic3A_1310, %add3A_1235 : vector<16x512xf32>
    %add3A_1319 = arith.addf %mul3A_1317, %mul3A_1318 : vector<16x512xf32>
    %swap3A_1320 = arith.constant 0 : index
    %swap3A_1321 = arith.constant 1 : index
    %swap3A_1322 = arith.constant 0 : index
    %swap3A_1323 = vector.load %arg16[%swap3A_1320, %swap3A_1321, %swap3A_1322] : memref<16x16x512xf32, #tpu.memory_space<vmem>>, vector<16x1x512xf32>
    %swap3A_1324 = vector.shape_cast %swap3A_1323 : vector<16x1x512xf32> to vector<16x512xf32>
    %swap3A_1325 = vector.shape_cast %add3A_1319 : vector<16x512xf32> to vector<16x1x512xf32>
    tpu.vector_store %arg16[%swap3A_1320, %swap3A_1321, %swap3A_1322], %swap3A_1325 {strides = array<i32>} : memref<16x16x512xf32, #tpu.memory_space<vmem>>, vector<16x1x512xf32>,
    %slice3A_1326 = vector.extract_strided_slice %reshape3A_30 {offsets = [15, 0, 0], sizes = [1, 16, 1536], strides = [1, 1, 1]} : vector<16x16x1536xf32> to vector<1x16x1536xf32>
    %squeeze3A_1327 = vector.shape_cast %slice3A_1326 : vector<1x16x1536xf32> to vector<16x1536xf32>
    %convert_element_type3A_1328 = arith.truncf %add3A_1277 : vector<16x512xf32> to vector<16x512xbf16>
    %dot_general3A_1329 = arith.constant dense<0.000000e+00> : vector<16x1536xf32>
    %dot_general3A_1330 = tpu.matmul %convert_element_type3A_1328, %get3A_56, %dot_general3A_1329 {dimension_numbers = #tpu.dot_dimension_numbers<[1], [0], [0], [1], [0, 0, 1, 1], [], []>, transpose_lhs_hint = false} : vector<16x512xbf16>, vector<512x1536xbf16>, vector<16x1536xf32> -> vector<16x1536xf32>
    %add3A_1331 = vector.broadcast %get3A_62 : vector<1x1536xf32> to vector<16x1536xf32>
    %add3A_1332 = arith.addf %dot_general3A_1330, %add3A_1331 : vector<16x1536xf32>
    %slice3A_1333 = vector.extract_strided_slice %squeeze3A_1327 {offsets = [0, 0], sizes = [16, 512], strides = [1, 1]} : vector<16x1536xf32> to vector<16x512xf32>
    %slice3A_1334 = vector.extract_strided_slice %squeeze3A_1327 {offsets = [0, 512], sizes = [16, 512], strides = [1, 1]} : vector<16x1536xf32> to vector<16x512xf32>
    %slice3A_1335 = vector.extract_strided_slice %squeeze3A_1327 {offsets = [0, 1024], sizes = [16, 512], strides = [1, 1]} : vector<16x1536xf32> to vector<16x512xf32>
    %slice3A_1336 = vector.extract_strided_slice %add3A_1332 {offsets = [0, 0], sizes = [16, 512], strides = [1, 1]} : vector<16x1536xf32> to vector<16x512xf32>
    %slice3A_1337 = vector.extract_strided_slice %add3A_1332 {offsets = [0, 512], sizes = [16, 512], strides = [1, 1]} : vector<16x1536xf32> to vector<16x512xf32>
    %slice3A_1338 = vector.extract_strided_slice %add3A_1332 {offsets = [0, 1024], sizes = [16, 512], strides = [1, 1]} : vector<16x1536xf32> to vector<16x512xf32>
    %add3A_1339 = arith.addf %slice3A_1333, %slice3A_1336 : vector<16x512xf32>
    %logistic3A_1340 = arith.negf %add3A_1339 : vector<16x512xf32>
    %logistic3A_1341 = math.exp %logistic3A_1340 : vector<16x512xf32>
    %logistic3A_1342 = arith.constant 1.000000e+00 : f32
    %logistic3A_1343 = vector.broadcast %logistic3A_1342 : f32 to vector<16x512xf32>
    %logistic3A_1344 = arith.addf %logistic3A_1343, %logistic3A_1341 : vector<16x512xf32>
    %logistic3A_1345 = arith.divf %logistic3A_1343, %logistic3A_1344 : vector<16x512xf32>
    %add3A_1346 = arith.addf %slice3A_1334, %slice3A_1337 : vector<16x512xf32>
    %logistic3A_1347 = arith.negf %add3A_1346 : vector<16x512xf32>
    %logistic3A_1348 = math.exp %logistic3A_1347 : vector<16x512xf32>
    %logistic3A_1349 = arith.constant 1.000000e+00 : f32
    %logistic3A_1350 = vector.broadcast %logistic3A_1349 : f32 to vector<16x512xf32>
    %logistic3A_1351 = arith.addf %logistic3A_1350, %logistic3A_1348 : vector<16x512xf32>
    %logistic3A_1352 = arith.divf %logistic3A_1350, %logistic3A_1351 : vector<16x512xf32>
    %mul3A_1353 = arith.mulf %logistic3A_1345, %slice3A_1338 : vector<16x512xf32>
    %add3A_1354 = arith.addf %slice3A_1335, %mul3A_1353 : vector<16x512xf32>
    %tanh3A_1355 = math.tanh %add3A_1354 : vector<16x512xf32>
    %sub3A_1356 = arith.constant 1.000000e+00 : f32
    %sub3A_1357 = vector.broadcast %sub3A_1356 : f32 to vector<16x512xf32>
    %sub3A_1358 = arith.subf %sub3A_1357, %logistic3A_1352 : vector<16x512xf32>
    %mul3A_1359 = arith.mulf %sub3A_1358, %tanh3A_1355 : vector<16x512xf32>
    %mul3A_1360 = arith.mulf %logistic3A_1352, %add3A_1277 : vector<16x512xf32>
    %add3A_1361 = arith.addf %mul3A_1359, %mul3A_1360 : vector<16x512xf32>
    %swap3A_1362 = arith.constant 0 : index
    %swap3A_1363 = arith.constant 15 : index
    %swap3A_1364 = arith.constant 0 : index
    %swap3A_1365 = vector.load %arg15[%swap3A_1362, %swap3A_1363, %swap3A_1364] : memref<16x16x512xf32, #tpu.memory_space<vmem>>, vector<16x1x512xf32>
    %swap3A_1366 = vector.shape_cast %swap3A_1365 : vector<16x1x512xf32> to vector<16x512xf32>
    %swap3A_1367 = vector.shape_cast %add3A_1361 : vector<16x512xf32> to vector<16x1x512xf32>
    tpu.vector_store %arg15[%swap3A_1362, %swap3A_1363, %swap3A_1364], %swap3A_1367 {strides = array<i32>} : memref<16x16x512xf32, #tpu.memory_space<vmem>>, vector<16x1x512xf32>,
    %slice3A_1368 = vector.extract_strided_slice %reshape3A_53 {offsets = [0, 0, 0], sizes = [1, 16, 1536], strides = [1, 1, 1]} : vector<16x16x1536xf32> to vector<1x16x1536xf32>
    %squeeze3A_1369 = vector.shape_cast %slice3A_1368 : vector<1x16x1536xf32> to vector<16x1536xf32>
    %convert_element_type3A_1370 = arith.truncf %add3A_1319 : vector<16x512xf32> to vector<16x512xbf16>
    %dot_general3A_1371 = arith.constant dense<0.000000e+00> : vector<16x1536xf32>
    %dot_general3A_1372 = tpu.matmul %convert_element_type3A_1370, %get3A_59, %dot_general3A_1371 {dimension_numbers = #tpu.dot_dimension_numbers<[1], [0], [0], [1], [0, 0, 1, 1], [], []>, transpose_lhs_hint = false} : vector<16x512xbf16>, vector<512x1536xbf16>, vector<16x1536xf32> -> vector<16x1536xf32>
    %add3A_1373 = vector.broadcast %get3A_65 : vector<1x1536xf32> to vector<16x1536xf32>
    %add3A_1374 = arith.addf %dot_general3A_1372, %add3A_1373 : vector<16x1536xf32>
    %slice3A_1375 = vector.extract_strided_slice %squeeze3A_1369 {offsets = [0, 0], sizes = [16, 512], strides = [1, 1]} : vector<16x1536xf32> to vector<16x512xf32>
    %slice3A_1376 = vector.extract_strided_slice %squeeze3A_1369 {offsets = [0, 512], sizes = [16, 512], strides = [1, 1]} : vector<16x1536xf32> to vector<16x512xf32>
    %slice3A_1377 = vector.extract_strided_slice %squeeze3A_1369 {offsets = [0, 1024], sizes = [16, 512], strides = [1, 1]} : vector<16x1536xf32> to vector<16x512xf32>
    %slice3A_1378 = vector.extract_strided_slice %add3A_1374 {offsets = [0, 0], sizes = [16, 512], strides = [1, 1]} : vector<16x1536xf32> to vector<16x512xf32>
    %slice3A_1379 = vector.extract_strided_slice %add3A_1374 {offsets = [0, 512], sizes = [16, 512], strides = [1, 1]} : vector<16x1536xf32> to vector<16x512xf32>
    %slice3A_1380 = vector.extract_strided_slice %add3A_1374 {offsets = [0, 1024], sizes = [16, 512], strides = [1, 1]} : vector<16x1536xf32> to vector<16x512xf32>
    %add3A_1381 = arith.addf %slice3A_1375, %slice3A_1378 : vector<16x512xf32>
    %logistic3A_1382 = arith.negf %add3A_1381 : vector<16x512xf32>
    %logistic3A_1383 = math.exp %logistic3A_1382 : vector<16x512xf32>
    %logistic3A_1384 = arith.constant 1.000000e+00 : f32
    %logistic3A_1385 = vector.broadcast %logistic3A_1384 : f32 to vector<16x512xf32>
    %logistic3A_1386 = arith.addf %logistic3A_1385, %logistic3A_1383 : vector<16x512xf32>
    %logistic3A_1387 = arith.divf %logistic3A_1385, %logistic3A_1386 : vector<16x512xf32>
    %add3A_1388 = arith.addf %slice3A_1376, %slice3A_1379 : vector<16x512xf32>
    %logistic3A_1389 = arith.negf %add3A_1388 : vector<16x512xf32>
    %logistic3A_1390 = math.exp %logistic3A_1389 : vector<16x512xf32>
    %logistic3A_1391 = arith.constant 1.000000e+00 : f32
    %logistic3A_1392 = vector.broadcast %logistic3A_1391 : f32 to vector<16x512xf32>
    %logistic3A_1393 = arith.addf %logistic3A_1392, %logistic3A_1390 : vector<16x512xf32>
    %logistic3A_1394 = arith.divf %logistic3A_1392, %logistic3A_1393 : vector<16x512xf32>
    %mul3A_1395 = arith.mulf %logistic3A_1387, %slice3A_1380 : vector<16x512xf32>
    %add3A_1396 = arith.addf %slice3A_1377, %mul3A_1395 : vector<16x512xf32>
    %tanh3A_1397 = math.tanh %add3A_1396 : vector<16x512xf32>
    %sub3A_1398 = arith.constant 1.000000e+00 : f32
    %sub3A_1399 = vector.broadcast %sub3A_1398 : f32 to vector<16x512xf32>
    %sub3A_1400 = arith.subf %sub3A_1399, %logistic3A_1394 : vector<16x512xf32>
    %mul3A_1401 = arith.mulf %sub3A_1400, %tanh3A_1397 : vector<16x512xf32>
    %mul3A_1402 = arith.mulf %logistic3A_1394, %add3A_1319 : vector<16x512xf32>
    %add3A_1403 = arith.addf %mul3A_1401, %mul3A_1402 : vector<16x512xf32>
    %swap3A_1404 = arith.constant 0 : index
    %swap3A_1405 = arith.constant 0 : index
    %swap3A_1406 = arith.constant 0 : index
    %swap3A_1407 = vector.load %arg16[%swap3A_1404, %swap3A_1405, %swap3A_1406] : memref<16x16x512xf32, #tpu.memory_space<vmem>>, vector<16x1x512xf32>
    %swap3A_1408 = vector.shape_cast %swap3A_1407 : vector<16x1x512xf32> to vector<16x512xf32>
    %swap3A_1409 = vector.shape_cast %add3A_1403 : vector<16x512xf32> to vector<16x1x512xf32>
    tpu.vector_store %arg16[%swap3A_1404, %swap3A_1405, %swap3A_1406], %swap3A_1409 {strides = array<i32>} : memref<16x16x512xf32, #tpu.memory_space<vmem>>, vector<16x1x512xf32>,
    %swap3A_1410 = arith.constant 0 : index
    %swap3A_1411 = arith.constant 0 : index
    %swap3A_1412 = vector.load %arg17[%swap3A_1410, %swap3A_1411] : memref<16x512xf32, #tpu.memory_space<vmem>>, vector<16x512xf32>
    tpu.vector_store %arg17[%swap3A_1410, %swap3A_1411], %add3A_1361 {strides = array<i32>} : memref<16x512xf32, #tpu.memory_space<vmem>>, vector<16x512xf32>,
    %swap3A_1413 = arith.constant 0 : index
    %swap3A_1414 = arith.constant 0 : index
    %swap3A_1415 = vector.load %arg18[%swap3A_1413, %swap3A_1414] : memref<16x512xf32, #tpu.memory_space<vmem>>, vector<16x512xf32>
    tpu.vector_store %arg18[%swap3A_1413, %swap3A_1414], %add3A_1403 {strides = array<i32>} : memref<16x512xf32, #tpu.memory_space<vmem>>, vector<16x512xf32>,
    return
  }
  func.func @transform_0(%arg0: i32) -> (i32, i32, i32) {
    %c0_i32 = arith.constant 0 : i32
    %c0_i32_0 = arith.constant 0 : i32
    %c0_i32_1 = arith.constant 0 : i32
    return %arg0, %c0_i32, %c0_i32_0 : i32, i32, i32
  }
  func.func @transform_1(%arg0: i32) -> (i32, i32, i32) {
    %c0_i32 = arith.constant 0 : i32
    %c0_i32_0 = arith.constant 0 : i32
    %c0_i32_1 = arith.constant 0 : i32
    return %arg0, %c0_i32, %c0_i32_0 : i32, i32, i32
  }
  func.func @transform_2(%arg0: i32) -> (i32, i32, i32) {
    %sub3A = arith.constant 7 : i32
    %sub3A_0 = arith.subi %sub3A, %arg0 : i32
    %c0_i32 = arith.constant 0 : i32
    %c0_i32_1 = arith.constant 0 : i32
    %c0_i32_2 = arith.constant 0 : i32
    return %sub3A_0, %c0_i32, %c0_i32_1 : i32, i32, i32
  }
  func.func @transform_3(%arg0: i32) -> (i32, i32, i32) {
    %sub3A = arith.constant 7 : i32
    %sub3A_0 = arith.subi %sub3A, %arg0 : i32
    %c0_i32 = arith.constant 0 : i32
    %c0_i32_1 = arith.constant 0 : i32
    %c0_i32_2 = arith.constant 0 : i32
    return %sub3A_0, %c0_i32, %c0_i32_1 : i32, i32, i32
  }
  func.func @transform_4(%arg0: i32) -> (i32, i32) {
    %c0_i32 = arith.constant 0 : i32
    %c0_i32_0 = arith.constant 0 : i32
    %c0_i32_1 = arith.constant 0 : i32
    return %c0_i32, %c0_i32_0 : i32, i32
  }
  func.func @transform_5(%arg0: i32) -> (i32, i32) {
    %c0_i32 = arith.constant 0 : i32
    %c0_i32_0 = arith.constant 0 : i32
    %c0_i32_1 = arith.constant 0 : i32
    return %c0_i32, %c0_i32_0 : i32, i32
  }
  func.func @transform_6(%arg0: i32) -> (i32, i32) {
    %c0_i32 = arith.constant 0 : i32
    %c0_i32_0 = arith.constant 0 : i32
    %c0_i32_1 = arith.constant 0 : i32
    return %c0_i32, %c0_i32_0 : i32, i32
  }
  func.func @transform_7(%arg0: i32) -> (i32, i32) {
    %c0_i32 = arith.constant 0 : i32
    %c0_i32_0 = arith.constant 0 : i32
    %c0_i32_1 = arith.constant 0 : i32
    return %c0_i32, %c0_i32_0 : i32, i32
  }
  func.func @transform_8(%arg0: i32) -> (i32, i32) {
    %c0_i32 = arith.constant 0 : i32
    %c0_i32_0 = arith.constant 0 : i32
    %c0_i32_1 = arith.constant 0 : i32
    return %c0_i32, %c0_i32_0 : i32, i32
  }
  func.func @transform_9(%arg0: i32) -> (i32, i32) {
    %c0_i32 = arith.constant 0 : i32
    %c0_i32_0 = arith.constant 0 : i32
    %c0_i32_1 = arith.constant 0 : i32
    return %c0_i32, %c0_i32_0 : i32, i32
  }
  func.func @transform_10(%arg0: i32) -> (i32, i32) {
    %c0_i32 = arith.constant 0 : i32
    %c0_i32_0 = arith.constant 0 : i32
    %c0_i32_1 = arith.constant 0 : i32
    return %c0_i32, %c0_i32_0 : i32, i32
  }
  func.func @transform_11(%arg0: i32) -> (i32, i32) {
    %c0_i32 = arith.constant 0 : i32
    %c0_i32_0 = arith.constant 0 : i32
    %c0_i32_1 = arith.constant 0 : i32
    return %c0_i32, %c0_i32_0 : i32, i32
  }
  func.func @transform_12(%arg0: i32) -> (i32, i32) {
    %c0_i32 = arith.constant 0 : i32
    %c0_i32_0 = arith.constant 0 : i32
    %c0_i32_1 = arith.constant 0 : i32
    return %c0_i32, %c0_i32_0 : i32, i32
  }
  func.func @transform_13(%arg0: i32) -> (i32, i32) {
    %c0_i32 = arith.constant 0 : i32
    %c0_i32_0 = arith.constant 0 : i32
    %c0_i32_1 = arith.constant 0 : i32
    return %c0_i32, %c0_i32_0 : i32, i32
  }
  func.func @transform_14(%arg0: i32) -> (i32, i32, i32) {
    %c0_i32 = arith.constant 0 : i32
    %c0_i32_0 = arith.constant 0 : i32
    %c0_i32_1 = arith.constant 0 : i32
    return %c0_i32, %arg0, %c0_i32_0 : i32, i32, i32
  }
  func.func @transform_15(%arg0: i32) -> (i32, i32, i32) {
    %sub3A = arith.constant 7 : i32
    %sub3A_0 = arith.subi %sub3A, %arg0 : i32
    %c0_i32 = arith.constant 0 : i32
    %c0_i32_1 = arith.constant 0 : i32
    %c0_i32_2 = arith.constant 0 : i32
    return %c0_i32, %sub3A_0, %c0_i32_1 : i32, i32, i32
  }
}

module attributes {stable_mosaic.version = 14 : i64} {
  func.func @_attn_kernel(%arg0: memref<16x128x512xf32, #tpu.memory_space<vmem>>, %arg1: memref<16x128x512xf32, #tpu.memory_space<vmem>>, %arg2: memref<192x128xf32, #tpu.memory_space<vmem>>, %arg3: memref<128x1024xf32, #tpu.memory_space<vmem>>, %arg4: memref<1x128xf32, #tpu.memory_space<vmem>>, %arg5: memref<64x512xf32, #tpu.memory_space<vmem>>, %arg6: memref<512x1024xf32, #tpu.memory_space<vmem>>, %arg7: memref<1x512xf32, #tpu.memory_space<vmem>>, %arg8: memref<16x256x1024xf32, #tpu.memory_space<vmem>>, %arg9: memref<16x256x128xf32, #tpu.memory_space<vmem>>) attributes {dimension_semantics = [], scalar_prefetch = 0 : i64, scratch_operands = 0 : i64, tpu.core_type = #tpu.core_type<tc>} {
    %get3A = arith.constant 0 : index
    %get3A_0 = arith.constant 0 : index
    %get3A_1 = vector.load %arg2[%get3A, %get3A_0] : memref<192x128xf32, #tpu.memory_space<vmem>>, vector<192x128xf32>
    %get3A_2 = arith.constant 0 : index
    %get3A_3 = arith.constant 0 : index
    %get3A_4 = vector.load %arg5[%get3A_2, %get3A_3] : memref<64x512xf32, #tpu.memory_space<vmem>>, vector<64x512xf32>
    %get3A_5 = arith.constant 0 : index
    %get3A_6 = arith.constant 0 : index
    %get3A_7 = vector.load %arg3[%get3A_5, %get3A_6] : memref<128x1024xf32, #tpu.memory_space<vmem>>, vector<128x1024xf32>
    %dot_general3A = arith.constant dense<0.000000e+00> : vector<192x1024xf32>
    %dot_general3A_8 = tpu.matmul %get3A_1, %get3A_7, %dot_general3A {dimension_numbers = #tpu.dot_dimension_numbers<[1], [0], [0], [1], [0, 0, 1, 1], [], []>, transpose_lhs_hint = false} : vector<192x128xf32>, vector<128x1024xf32>, vector<192x1024xf32> -> vector<192x1024xf32>
    %get3A_9 = arith.constant 0 : index
    %get3A_10 = arith.constant 0 : index
    %get3A_11 = vector.load %arg6[%get3A_9, %get3A_10] : memref<512x1024xf32, #tpu.memory_space<vmem>>, vector<512x1024xf32>
    %dot_general3A_12 = arith.constant dense<0.000000e+00> : vector<64x1024xf32>
    %dot_general3A_13 = tpu.matmul %get3A_4, %get3A_11, %dot_general3A_12 {dimension_numbers = #tpu.dot_dimension_numbers<[1], [0], [0], [1], [0, 0, 1, 1], [], []>, transpose_lhs_hint = false} : vector<64x512xf32>, vector<512x1024xf32>, vector<64x1024xf32> -> vector<64x1024xf32>
    %concatenate3A = tpu.concatenate %dot_general3A_8, %dot_general3A_13 in 0 : vector<192x1024xf32>, vector<64x1024xf32> -> vector<256x1024xf32>
    %get3A_14 = arith.constant 0 : index
    %get3A_15 = arith.constant 0 : index
    %get3A_16 = vector.load %arg4[%get3A_14, %get3A_15] : memref<1x128xf32, #tpu.memory_space<vmem>>, vector<1x128xf32>
    %dot_general3A_17 = arith.constant dense<0.000000e+00> : vector<1x192xf32>
    %dot_general3A_18 = tpu.matmul %get3A_16, %get3A_1, %dot_general3A_17 {dimension_numbers = #tpu.dot_dimension_numbers<[1], [1], [0], [0], [0, 0, 1, 0], [], []>, transpose_lhs_hint = false} : vector<1x128xf32>, vector<192x128xf32>, vector<1x192xf32> -> vector<1x192xf32>
    %get3A_19 = arith.constant 0 : index
    %get3A_20 = arith.constant 0 : index
    %get3A_21 = vector.load %arg7[%get3A_19, %get3A_20] : memref<1x512xf32, #tpu.memory_space<vmem>>, vector<1x512xf32>
    %dot_general3A_22 = arith.constant dense<0.000000e+00> : vector<1x64xf32>
    %dot_general3A_23 = tpu.matmul %get3A_21, %get3A_4, %dot_general3A_22 {dimension_numbers = #tpu.dot_dimension_numbers<[1], [1], [0], [0], [0, 0, 1, 0], [], []>, transpose_lhs_hint = false} : vector<1x512xf32>, vector<64x512xf32>, vector<1x64xf32> -> vector<1x64xf32>
    %concatenate3A_24 = tpu.concatenate %dot_general3A_18, %dot_general3A_23 in 1 : vector<1x192xf32>, vector<1x64xf32> -> vector<1x256xf32>
    %get3A_25 = arith.constant 0 : index
    %get3A_26 = arith.constant 0 : index
    %get3A_27 = arith.constant 0 : index
    %get3A_28 = vector.load %arg0[%get3A_25, %get3A_26, %get3A_27] : memref<16x128x512xf32, #tpu.memory_space<vmem>>, vector<16x128x512xf32>
    %get3A_29 = arith.constant 0 : index
    %get3A_30 = arith.constant 0 : index
    %get3A_31 = arith.constant 0 : index
    %get3A_32 = vector.load %arg1[%get3A_29, %get3A_30, %get3A_31] : memref<16x128x512xf32, #tpu.memory_space<vmem>>, vector<16x128x512xf32>
    %reshape3A = vector.shape_cast %get3A_28 : vector<16x128x512xf32> to vector<2048x512xf32>
    %slice3A = vector.extract_strided_slice %concatenate3A {offsets = [0, 0], sizes = [256, 512], strides = [1, 1]} : vector<256x1024xf32> to vector<256x512xf32>
    %dot_general3A_33 = arith.constant dense<0.000000e+00> : vector<2048x256xf32>
    %dot_general3A_34 = tpu.matmul %reshape3A, %slice3A, %dot_general3A_33 {dimension_numbers = #tpu.dot_dimension_numbers<[1], [1], [0], [0], [0, 0, 1, 0], [], []>, transpose_lhs_hint = false} : vector<2048x512xf32>, vector<256x512xf32>, vector<2048x256xf32> -> vector<2048x256xf32>
    %reshape3A_35 = vector.shape_cast %get3A_32 : vector<16x128x512xf32> to vector<2048x512xf32>
    %slice3A_36 = vector.extract_strided_slice %concatenate3A {offsets = [0, 512], sizes = [256, 512], strides = [1, 1]} : vector<256x1024xf32> to vector<256x512xf32>
    %dot_general3A_37 = arith.constant dense<0.000000e+00> : vector<2048x256xf32>
    %dot_general3A_38 = tpu.matmul %reshape3A_35, %slice3A_36, %dot_general3A_37 {dimension_numbers = #tpu.dot_dimension_numbers<[1], [1], [0], [0], [0, 0, 1, 0], [], []>, transpose_lhs_hint = false} : vector<2048x512xf32>, vector<256x512xf32>, vector<2048x256xf32> -> vector<2048x256xf32>
    %add3A = arith.addf %dot_general3A_34, %dot_general3A_38 : vector<2048x256xf32>
    %add3A_39 = vector.broadcast %concatenate3A_24 : vector<1x256xf32> to vector<2048x256xf32>
    %add3A_40 = arith.addf %add3A, %add3A_39 : vector<2048x256xf32>
    %reshape3A_41 = vector.shape_cast %add3A_40 : vector<2048x256xf32> to vector<16x128x256xf32>
    %reduce_max3A = arith.constant dense<0xFF800000> : vector<128x256xf32>
    %reduce_max3A_42 = vector.multi_reduction <maximumf>, %reshape3A_41, %reduce_max3A [0] : vector<16x128x256xf32> to vector<128x256xf32>
    %broadcast_in_dim3A = vector.shape_cast %reduce_max3A_42 : vector<128x256xf32> to vector<1x128x256xf32>
    %sub3A = vector.broadcast %broadcast_in_dim3A : vector<1x128x256xf32> to vector<16x128x256xf32>
    %sub3A_43 = arith.subf %reshape3A_41, %sub3A : vector<16x128x256xf32>
    %exp3A = math.exp %sub3A_43 : vector<16x128x256xf32>
    %reduce_sum3A = arith.constant dense<0.000000e+00> : vector<128x256xf32>
    %reduce_sum3A_44 = vector.multi_reduction <add>, %exp3A, %reduce_sum3A [0] : vector<16x128x256xf32> to vector<128x256xf32>
    %broadcast_in_dim3A_45 = vector.shape_cast %reduce_sum3A_44 : vector<128x256xf32> to vector<1x128x256xf32>
    %div3A = vector.broadcast %broadcast_in_dim3A_45 : vector<1x128x256xf32> to vector<16x128x256xf32>
    %div3A_46 = arith.divf %exp3A, %div3A : vector<16x128x256xf32>
    %slice3A_47 = vector.extract_strided_slice %div3A_46 {offsets = [0, 0, 0], sizes = [1, 128, 256], strides = [1, 1, 1]} : vector<16x128x256xf32> to vector<1x128x256xf32>
    %squeeze3A = vector.shape_cast %slice3A_47 : vector<1x128x256xf32> to vector<128x256xf32>
    %slice3A_48 = vector.extract_strided_slice %get3A_28 {offsets = [0, 0, 0], sizes = [1, 128, 512], strides = [1, 1, 1]} : vector<16x128x512xf32> to vector<1x128x512xf32>
    %squeeze3A_49 = vector.shape_cast %slice3A_48 : vector<1x128x512xf32> to vector<128x512xf32>
    %dot_general3A_50 = arith.constant dense<0.000000e+00> : vector<256x512xf32>
    %dot_general3A_51 = tpu.matmul %squeeze3A, %squeeze3A_49, %dot_general3A_50 {dimension_numbers = #tpu.dot_dimension_numbers<[0], [0], [1], [1], [0, 1, 1, 1], [], []>, transpose_lhs_hint = false} : vector<128x256xf32>, vector<128x512xf32>, vector<256x512xf32> -> vector<256x512xf32>
    %swap3A = arith.constant 0 : index
    %swap3A_52 = arith.constant 0 : index
    %swap3A_53 = arith.constant 0 : index
    %swap3A_54 = vector.load %arg8[%swap3A, %swap3A_52, %swap3A_53] : memref<16x256x1024xf32, #tpu.memory_space<vmem>>, vector<1x256x512xf32>
    %swap3A_55 = vector.shape_cast %swap3A_54 : vector<1x256x512xf32> to vector<256x512xf32>
    %swap3A_56 = vector.shape_cast %dot_general3A_51 : vector<256x512xf32> to vector<1x256x512xf32>
    tpu.vector_store %arg8[%swap3A, %swap3A_52, %swap3A_53], %swap3A_56 {strides = array<i32>} : memref<16x256x1024xf32, #tpu.memory_space<vmem>>, vector<1x256x512xf32>,
    %slice3A_57 = vector.extract_strided_slice %get3A_32 {offsets = [0, 0, 0], sizes = [1, 128, 512], strides = [1, 1, 1]} : vector<16x128x512xf32> to vector<1x128x512xf32>
    %squeeze3A_58 = vector.shape_cast %slice3A_57 : vector<1x128x512xf32> to vector<128x512xf32>
    %dot_general3A_59 = arith.constant dense<0.000000e+00> : vector<256x512xf32>
    %dot_general3A_60 = tpu.matmul %squeeze3A, %squeeze3A_58, %dot_general3A_59 {dimension_numbers = #tpu.dot_dimension_numbers<[0], [0], [1], [1], [0, 1, 1, 1], [], []>, transpose_lhs_hint = false} : vector<128x256xf32>, vector<128x512xf32>, vector<256x512xf32> -> vector<256x512xf32>
    %swap3A_61 = arith.constant 0 : index
    %swap3A_62 = arith.constant 0 : index
    %swap3A_63 = arith.constant 512 : index
    %swap3A_64 = vector.load %arg8[%swap3A_61, %swap3A_62, %swap3A_63] : memref<16x256x1024xf32, #tpu.memory_space<vmem>>, vector<1x256x512xf32>
    %swap3A_65 = vector.shape_cast %swap3A_64 : vector<1x256x512xf32> to vector<256x512xf32>
    %swap3A_66 = vector.shape_cast %dot_general3A_60 : vector<256x512xf32> to vector<1x256x512xf32>
    tpu.vector_store %arg8[%swap3A_61, %swap3A_62, %swap3A_63], %swap3A_66 {strides = array<i32>} : memref<16x256x1024xf32, #tpu.memory_space<vmem>>, vector<1x256x512xf32>,
    %transpose3A = tpu.transpose %squeeze3A, [1, 0] : vector<128x256xf32> -> vector<256x128xf32>
    %swap3A_67 = arith.constant 0 : index
    %swap3A_68 = arith.constant 0 : index
    %swap3A_69 = arith.constant 0 : index
    %swap3A_70 = vector.load %arg9[%swap3A_67, %swap3A_68, %swap3A_69] : memref<16x256x128xf32, #tpu.memory_space<vmem>>, vector<1x256x128xf32>
    %swap3A_71 = vector.shape_cast %swap3A_70 : vector<1x256x128xf32> to vector<256x128xf32>
    %swap3A_72 = vector.shape_cast %transpose3A : vector<256x128xf32> to vector<1x256x128xf32>
    tpu.vector_store %arg9[%swap3A_67, %swap3A_68, %swap3A_69], %swap3A_72 {strides = array<i32>} : memref<16x256x128xf32, #tpu.memory_space<vmem>>, vector<1x256x128xf32>,
    %slice3A_73 = vector.extract_strided_slice %div3A_46 {offsets = [1, 0, 0], sizes = [1, 128, 256], strides = [1, 1, 1]} : vector<16x128x256xf32> to vector<1x128x256xf32>
    %squeeze3A_74 = vector.shape_cast %slice3A_73 : vector<1x128x256xf32> to vector<128x256xf32>
    %slice3A_75 = vector.extract_strided_slice %get3A_28 {offsets = [1, 0, 0], sizes = [1, 128, 512], strides = [1, 1, 1]} : vector<16x128x512xf32> to vector<1x128x512xf32>
    %squeeze3A_76 = vector.shape_cast %slice3A_75 : vector<1x128x512xf32> to vector<128x512xf32>
    %dot_general3A_77 = arith.constant dense<0.000000e+00> : vector<256x512xf32>
    %dot_general3A_78 = tpu.matmul %squeeze3A_74, %squeeze3A_76, %dot_general3A_77 {dimension_numbers = #tpu.dot_dimension_numbers<[0], [0], [1], [1], [0, 1, 1, 1], [], []>, transpose_lhs_hint = false} : vector<128x256xf32>, vector<128x512xf32>, vector<256x512xf32> -> vector<256x512xf32>
    %swap3A_79 = arith.constant 1 : index
    %swap3A_80 = arith.constant 0 : index
    %swap3A_81 = arith.constant 0 : index
    %swap3A_82 = vector.load %arg8[%swap3A_79, %swap3A_80, %swap3A_81] : memref<16x256x1024xf32, #tpu.memory_space<vmem>>, vector<1x256x512xf32>
    %swap3A_83 = vector.shape_cast %swap3A_82 : vector<1x256x512xf32> to vector<256x512xf32>
    %swap3A_84 = vector.shape_cast %dot_general3A_78 : vector<256x512xf32> to vector<1x256x512xf32>
    tpu.vector_store %arg8[%swap3A_79, %swap3A_80, %swap3A_81], %swap3A_84 {strides = array<i32>} : memref<16x256x1024xf32, #tpu.memory_space<vmem>>, vector<1x256x512xf32>,
    %slice3A_85 = vector.extract_strided_slice %get3A_32 {offsets = [1, 0, 0], sizes = [1, 128, 512], strides = [1, 1, 1]} : vector<16x128x512xf32> to vector<1x128x512xf32>
    %squeeze3A_86 = vector.shape_cast %slice3A_85 : vector<1x128x512xf32> to vector<128x512xf32>
    %dot_general3A_87 = arith.constant dense<0.000000e+00> : vector<256x512xf32>
    %dot_general3A_88 = tpu.matmul %squeeze3A_74, %squeeze3A_86, %dot_general3A_87 {dimension_numbers = #tpu.dot_dimension_numbers<[0], [0], [1], [1], [0, 1, 1, 1], [], []>, transpose_lhs_hint = false} : vector<128x256xf32>, vector<128x512xf32>, vector<256x512xf32> -> vector<256x512xf32>
    %swap3A_89 = arith.constant 1 : index
    %swap3A_90 = arith.constant 0 : index
    %swap3A_91 = arith.constant 512 : index
    %swap3A_92 = vector.load %arg8[%swap3A_89, %swap3A_90, %swap3A_91] : memref<16x256x1024xf32, #tpu.memory_space<vmem>>, vector<1x256x512xf32>
    %swap3A_93 = vector.shape_cast %swap3A_92 : vector<1x256x512xf32> to vector<256x512xf32>
    %swap3A_94 = vector.shape_cast %dot_general3A_88 : vector<256x512xf32> to vector<1x256x512xf32>
    tpu.vector_store %arg8[%swap3A_89, %swap3A_90, %swap3A_91], %swap3A_94 {strides = array<i32>} : memref<16x256x1024xf32, #tpu.memory_space<vmem>>, vector<1x256x512xf32>,
    %transpose3A_95 = tpu.transpose %squeeze3A_74, [1, 0] : vector<128x256xf32> -> vector<256x128xf32>
    %swap3A_96 = arith.constant 1 : index
    %swap3A_97 = arith.constant 0 : index
    %swap3A_98 = arith.constant 0 : index
    %swap3A_99 = vector.load %arg9[%swap3A_96, %swap3A_97, %swap3A_98] : memref<16x256x128xf32, #tpu.memory_space<vmem>>, vector<1x256x128xf32>
    %swap3A_100 = vector.shape_cast %swap3A_99 : vector<1x256x128xf32> to vector<256x128xf32>
    %swap3A_101 = vector.shape_cast %transpose3A_95 : vector<256x128xf32> to vector<1x256x128xf32>
    tpu.vector_store %arg9[%swap3A_96, %swap3A_97, %swap3A_98], %swap3A_101 {strides = array<i32>} : memref<16x256x128xf32, #tpu.memory_space<vmem>>, vector<1x256x128xf32>,
    %slice3A_102 = vector.extract_strided_slice %div3A_46 {offsets = [2, 0, 0], sizes = [1, 128, 256], strides = [1, 1, 1]} : vector<16x128x256xf32> to vector<1x128x256xf32>
    %squeeze3A_103 = vector.shape_cast %slice3A_102 : vector<1x128x256xf32> to vector<128x256xf32>
    %slice3A_104 = vector.extract_strided_slice %get3A_28 {offsets = [2, 0, 0], sizes = [1, 128, 512], strides = [1, 1, 1]} : vector<16x128x512xf32> to vector<1x128x512xf32>
    %squeeze3A_105 = vector.shape_cast %slice3A_104 : vector<1x128x512xf32> to vector<128x512xf32>
    %dot_general3A_106 = arith.constant dense<0.000000e+00> : vector<256x512xf32>
    %dot_general3A_107 = tpu.matmul %squeeze3A_103, %squeeze3A_105, %dot_general3A_106 {dimension_numbers = #tpu.dot_dimension_numbers<[0], [0], [1], [1], [0, 1, 1, 1], [], []>, transpose_lhs_hint = false} : vector<128x256xf32>, vector<128x512xf32>, vector<256x512xf32> -> vector<256x512xf32>
    %swap3A_108 = arith.constant 2 : index
    %swap3A_109 = arith.constant 0 : index
    %swap3A_110 = arith.constant 0 : index
    %swap3A_111 = vector.load %arg8[%swap3A_108, %swap3A_109, %swap3A_110] : memref<16x256x1024xf32, #tpu.memory_space<vmem>>, vector<1x256x512xf32>
    %swap3A_112 = vector.shape_cast %swap3A_111 : vector<1x256x512xf32> to vector<256x512xf32>
    %swap3A_113 = vector.shape_cast %dot_general3A_107 : vector<256x512xf32> to vector<1x256x512xf32>
    tpu.vector_store %arg8[%swap3A_108, %swap3A_109, %swap3A_110], %swap3A_113 {strides = array<i32>} : memref<16x256x1024xf32, #tpu.memory_space<vmem>>, vector<1x256x512xf32>,
    %slice3A_114 = vector.extract_strided_slice %get3A_32 {offsets = [2, 0, 0], sizes = [1, 128, 512], strides = [1, 1, 1]} : vector<16x128x512xf32> to vector<1x128x512xf32>
    %squeeze3A_115 = vector.shape_cast %slice3A_114 : vector<1x128x512xf32> to vector<128x512xf32>
    %dot_general3A_116 = arith.constant dense<0.000000e+00> : vector<256x512xf32>
    %dot_general3A_117 = tpu.matmul %squeeze3A_103, %squeeze3A_115, %dot_general3A_116 {dimension_numbers = #tpu.dot_dimension_numbers<[0], [0], [1], [1], [0, 1, 1, 1], [], []>, transpose_lhs_hint = false} : vector<128x256xf32>, vector<128x512xf32>, vector<256x512xf32> -> vector<256x512xf32>
    %swap3A_118 = arith.constant 2 : index
    %swap3A_119 = arith.constant 0 : index
    %swap3A_120 = arith.constant 512 : index
    %swap3A_121 = vector.load %arg8[%swap3A_118, %swap3A_119, %swap3A_120] : memref<16x256x1024xf32, #tpu.memory_space<vmem>>, vector<1x256x512xf32>
    %swap3A_122 = vector.shape_cast %swap3A_121 : vector<1x256x512xf32> to vector<256x512xf32>
    %swap3A_123 = vector.shape_cast %dot_general3A_117 : vector<256x512xf32> to vector<1x256x512xf32>
    tpu.vector_store %arg8[%swap3A_118, %swap3A_119, %swap3A_120], %swap3A_123 {strides = array<i32>} : memref<16x256x1024xf32, #tpu.memory_space<vmem>>, vector<1x256x512xf32>,
    %transpose3A_124 = tpu.transpose %squeeze3A_103, [1, 0] : vector<128x256xf32> -> vector<256x128xf32>
    %swap3A_125 = arith.constant 2 : index
    %swap3A_126 = arith.constant 0 : index
    %swap3A_127 = arith.constant 0 : index
    %swap3A_128 = vector.load %arg9[%swap3A_125, %swap3A_126, %swap3A_127] : memref<16x256x128xf32, #tpu.memory_space<vmem>>, vector<1x256x128xf32>
    %swap3A_129 = vector.shape_cast %swap3A_128 : vector<1x256x128xf32> to vector<256x128xf32>
    %swap3A_130 = vector.shape_cast %transpose3A_124 : vector<256x128xf32> to vector<1x256x128xf32>
    tpu.vector_store %arg9[%swap3A_125, %swap3A_126, %swap3A_127], %swap3A_130 {strides = array<i32>} : memref<16x256x128xf32, #tpu.memory_space<vmem>>, vector<1x256x128xf32>,
    %slice3A_131 = vector.extract_strided_slice %div3A_46 {offsets = [3, 0, 0], sizes = [1, 128, 256], strides = [1, 1, 1]} : vector<16x128x256xf32> to vector<1x128x256xf32>
    %squeeze3A_132 = vector.shape_cast %slice3A_131 : vector<1x128x256xf32> to vector<128x256xf32>
    %slice3A_133 = vector.extract_strided_slice %get3A_28 {offsets = [3, 0, 0], sizes = [1, 128, 512], strides = [1, 1, 1]} : vector<16x128x512xf32> to vector<1x128x512xf32>
    %squeeze3A_134 = vector.shape_cast %slice3A_133 : vector<1x128x512xf32> to vector<128x512xf32>
    %dot_general3A_135 = arith.constant dense<0.000000e+00> : vector<256x512xf32>
    %dot_general3A_136 = tpu.matmul %squeeze3A_132, %squeeze3A_134, %dot_general3A_135 {dimension_numbers = #tpu.dot_dimension_numbers<[0], [0], [1], [1], [0, 1, 1, 1], [], []>, transpose_lhs_hint = false} : vector<128x256xf32>, vector<128x512xf32>, vector<256x512xf32> -> vector<256x512xf32>
    %swap3A_137 = arith.constant 3 : index
    %swap3A_138 = arith.constant 0 : index
    %swap3A_139 = arith.constant 0 : index
    %swap3A_140 = vector.load %arg8[%swap3A_137, %swap3A_138, %swap3A_139] : memref<16x256x1024xf32, #tpu.memory_space<vmem>>, vector<1x256x512xf32>
    %swap3A_141 = vector.shape_cast %swap3A_140 : vector<1x256x512xf32> to vector<256x512xf32>
    %swap3A_142 = vector.shape_cast %dot_general3A_136 : vector<256x512xf32> to vector<1x256x512xf32>
    tpu.vector_store %arg8[%swap3A_137, %swap3A_138, %swap3A_139], %swap3A_142 {strides = array<i32>} : memref<16x256x1024xf32, #tpu.memory_space<vmem>>, vector<1x256x512xf32>,
    %slice3A_143 = vector.extract_strided_slice %get3A_32 {offsets = [3, 0, 0], sizes = [1, 128, 512], strides = [1, 1, 1]} : vector<16x128x512xf32> to vector<1x128x512xf32>
    %squeeze3A_144 = vector.shape_cast %slice3A_143 : vector<1x128x512xf32> to vector<128x512xf32>
    %dot_general3A_145 = arith.constant dense<0.000000e+00> : vector<256x512xf32>
    %dot_general3A_146 = tpu.matmul %squeeze3A_132, %squeeze3A_144, %dot_general3A_145 {dimension_numbers = #tpu.dot_dimension_numbers<[0], [0], [1], [1], [0, 1, 1, 1], [], []>, transpose_lhs_hint = false} : vector<128x256xf32>, vector<128x512xf32>, vector<256x512xf32> -> vector<256x512xf32>
    %swap3A_147 = arith.constant 3 : index
    %swap3A_148 = arith.constant 0 : index
    %swap3A_149 = arith.constant 512 : index
    %swap3A_150 = vector.load %arg8[%swap3A_147, %swap3A_148, %swap3A_149] : memref<16x256x1024xf32, #tpu.memory_space<vmem>>, vector<1x256x512xf32>
    %swap3A_151 = vector.shape_cast %swap3A_150 : vector<1x256x512xf32> to vector<256x512xf32>
    %swap3A_152 = vector.shape_cast %dot_general3A_146 : vector<256x512xf32> to vector<1x256x512xf32>
    tpu.vector_store %arg8[%swap3A_147, %swap3A_148, %swap3A_149], %swap3A_152 {strides = array<i32>} : memref<16x256x1024xf32, #tpu.memory_space<vmem>>, vector<1x256x512xf32>,
    %transpose3A_153 = tpu.transpose %squeeze3A_132, [1, 0] : vector<128x256xf32> -> vector<256x128xf32>
    %swap3A_154 = arith.constant 3 : index
    %swap3A_155 = arith.constant 0 : index
    %swap3A_156 = arith.constant 0 : index
    %swap3A_157 = vector.load %arg9[%swap3A_154, %swap3A_155, %swap3A_156] : memref<16x256x128xf32, #tpu.memory_space<vmem>>, vector<1x256x128xf32>
    %swap3A_158 = vector.shape_cast %swap3A_157 : vector<1x256x128xf32> to vector<256x128xf32>
    %swap3A_159 = vector.shape_cast %transpose3A_153 : vector<256x128xf32> to vector<1x256x128xf32>
    tpu.vector_store %arg9[%swap3A_154, %swap3A_155, %swap3A_156], %swap3A_159 {strides = array<i32>} : memref<16x256x128xf32, #tpu.memory_space<vmem>>, vector<1x256x128xf32>,
    %slice3A_160 = vector.extract_strided_slice %div3A_46 {offsets = [4, 0, 0], sizes = [1, 128, 256], strides = [1, 1, 1]} : vector<16x128x256xf32> to vector<1x128x256xf32>
    %squeeze3A_161 = vector.shape_cast %slice3A_160 : vector<1x128x256xf32> to vector<128x256xf32>
    %slice3A_162 = vector.extract_strided_slice %get3A_28 {offsets = [4, 0, 0], sizes = [1, 128, 512], strides = [1, 1, 1]} : vector<16x128x512xf32> to vector<1x128x512xf32>
    %squeeze3A_163 = vector.shape_cast %slice3A_162 : vector<1x128x512xf32> to vector<128x512xf32>
    %dot_general3A_164 = arith.constant dense<0.000000e+00> : vector<256x512xf32>
    %dot_general3A_165 = tpu.matmul %squeeze3A_161, %squeeze3A_163, %dot_general3A_164 {dimension_numbers = #tpu.dot_dimension_numbers<[0], [0], [1], [1], [0, 1, 1, 1], [], []>, transpose_lhs_hint = false} : vector<128x256xf32>, vector<128x512xf32>, vector<256x512xf32> -> vector<256x512xf32>
    %swap3A_166 = arith.constant 4 : index
    %swap3A_167 = arith.constant 0 : index
    %swap3A_168 = arith.constant 0 : index
    %swap3A_169 = vector.load %arg8[%swap3A_166, %swap3A_167, %swap3A_168] : memref<16x256x1024xf32, #tpu.memory_space<vmem>>, vector<1x256x512xf32>
    %swap3A_170 = vector.shape_cast %swap3A_169 : vector<1x256x512xf32> to vector<256x512xf32>
    %swap3A_171 = vector.shape_cast %dot_general3A_165 : vector<256x512xf32> to vector<1x256x512xf32>
    tpu.vector_store %arg8[%swap3A_166, %swap3A_167, %swap3A_168], %swap3A_171 {strides = array<i32>} : memref<16x256x1024xf32, #tpu.memory_space<vmem>>, vector<1x256x512xf32>,
    %slice3A_172 = vector.extract_strided_slice %get3A_32 {offsets = [4, 0, 0], sizes = [1, 128, 512], strides = [1, 1, 1]} : vector<16x128x512xf32> to vector<1x128x512xf32>
    %squeeze3A_173 = vector.shape_cast %slice3A_172 : vector<1x128x512xf32> to vector<128x512xf32>
    %dot_general3A_174 = arith.constant dense<0.000000e+00> : vector<256x512xf32>
    %dot_general3A_175 = tpu.matmul %squeeze3A_161, %squeeze3A_173, %dot_general3A_174 {dimension_numbers = #tpu.dot_dimension_numbers<[0], [0], [1], [1], [0, 1, 1, 1], [], []>, transpose_lhs_hint = false} : vector<128x256xf32>, vector<128x512xf32>, vector<256x512xf32> -> vector<256x512xf32>
    %swap3A_176 = arith.constant 4 : index
    %swap3A_177 = arith.constant 0 : index
    %swap3A_178 = arith.constant 512 : index
    %swap3A_179 = vector.load %arg8[%swap3A_176, %swap3A_177, %swap3A_178] : memref<16x256x1024xf32, #tpu.memory_space<vmem>>, vector<1x256x512xf32>
    %swap3A_180 = vector.shape_cast %swap3A_179 : vector<1x256x512xf32> to vector<256x512xf32>
    %swap3A_181 = vector.shape_cast %dot_general3A_175 : vector<256x512xf32> to vector<1x256x512xf32>
    tpu.vector_store %arg8[%swap3A_176, %swap3A_177, %swap3A_178], %swap3A_181 {strides = array<i32>} : memref<16x256x1024xf32, #tpu.memory_space<vmem>>, vector<1x256x512xf32>,
    %transpose3A_182 = tpu.transpose %squeeze3A_161, [1, 0] : vector<128x256xf32> -> vector<256x128xf32>
    %swap3A_183 = arith.constant 4 : index
    %swap3A_184 = arith.constant 0 : index
    %swap3A_185 = arith.constant 0 : index
    %swap3A_186 = vector.load %arg9[%swap3A_183, %swap3A_184, %swap3A_185] : memref<16x256x128xf32, #tpu.memory_space<vmem>>, vector<1x256x128xf32>
    %swap3A_187 = vector.shape_cast %swap3A_186 : vector<1x256x128xf32> to vector<256x128xf32>
    %swap3A_188 = vector.shape_cast %transpose3A_182 : vector<256x128xf32> to vector<1x256x128xf32>
    tpu.vector_store %arg9[%swap3A_183, %swap3A_184, %swap3A_185], %swap3A_188 {strides = array<i32>} : memref<16x256x128xf32, #tpu.memory_space<vmem>>, vector<1x256x128xf32>,
    %slice3A_189 = vector.extract_strided_slice %div3A_46 {offsets = [5, 0, 0], sizes = [1, 128, 256], strides = [1, 1, 1]} : vector<16x128x256xf32> to vector<1x128x256xf32>
    %squeeze3A_190 = vector.shape_cast %slice3A_189 : vector<1x128x256xf32> to vector<128x256xf32>
    %slice3A_191 = vector.extract_strided_slice %get3A_28 {offsets = [5, 0, 0], sizes = [1, 128, 512], strides = [1, 1, 1]} : vector<16x128x512xf32> to vector<1x128x512xf32>
    %squeeze3A_192 = vector.shape_cast %slice3A_191 : vector<1x128x512xf32> to vector<128x512xf32>
    %dot_general3A_193 = arith.constant dense<0.000000e+00> : vector<256x512xf32>
    %dot_general3A_194 = tpu.matmul %squeeze3A_190, %squeeze3A_192, %dot_general3A_193 {dimension_numbers = #tpu.dot_dimension_numbers<[0], [0], [1], [1], [0, 1, 1, 1], [], []>, transpose_lhs_hint = false} : vector<128x256xf32>, vector<128x512xf32>, vector<256x512xf32> -> vector<256x512xf32>
    %swap3A_195 = arith.constant 5 : index
    %swap3A_196 = arith.constant 0 : index
    %swap3A_197 = arith.constant 0 : index
    %swap3A_198 = vector.load %arg8[%swap3A_195, %swap3A_196, %swap3A_197] : memref<16x256x1024xf32, #tpu.memory_space<vmem>>, vector<1x256x512xf32>
    %swap3A_199 = vector.shape_cast %swap3A_198 : vector<1x256x512xf32> to vector<256x512xf32>
    %swap3A_200 = vector.shape_cast %dot_general3A_194 : vector<256x512xf32> to vector<1x256x512xf32>
    tpu.vector_store %arg8[%swap3A_195, %swap3A_196, %swap3A_197], %swap3A_200 {strides = array<i32>} : memref<16x256x1024xf32, #tpu.memory_space<vmem>>, vector<1x256x512xf32>,
    %slice3A_201 = vector.extract_strided_slice %get3A_32 {offsets = [5, 0, 0], sizes = [1, 128, 512], strides = [1, 1, 1]} : vector<16x128x512xf32> to vector<1x128x512xf32>
    %squeeze3A_202 = vector.shape_cast %slice3A_201 : vector<1x128x512xf32> to vector<128x512xf32>
    %dot_general3A_203 = arith.constant dense<0.000000e+00> : vector<256x512xf32>
    %dot_general3A_204 = tpu.matmul %squeeze3A_190, %squeeze3A_202, %dot_general3A_203 {dimension_numbers = #tpu.dot_dimension_numbers<[0], [0], [1], [1], [0, 1, 1, 1], [], []>, transpose_lhs_hint = false} : vector<128x256xf32>, vector<128x512xf32>, vector<256x512xf32> -> vector<256x512xf32>
    %swap3A_205 = arith.constant 5 : index
    %swap3A_206 = arith.constant 0 : index
    %swap3A_207 = arith.constant 512 : index
    %swap3A_208 = vector.load %arg8[%swap3A_205, %swap3A_206, %swap3A_207] : memref<16x256x1024xf32, #tpu.memory_space<vmem>>, vector<1x256x512xf32>
    %swap3A_209 = vector.shape_cast %swap3A_208 : vector<1x256x512xf32> to vector<256x512xf32>
    %swap3A_210 = vector.shape_cast %dot_general3A_204 : vector<256x512xf32> to vector<1x256x512xf32>
    tpu.vector_store %arg8[%swap3A_205, %swap3A_206, %swap3A_207], %swap3A_210 {strides = array<i32>} : memref<16x256x1024xf32, #tpu.memory_space<vmem>>, vector<1x256x512xf32>,
    %transpose3A_211 = tpu.transpose %squeeze3A_190, [1, 0] : vector<128x256xf32> -> vector<256x128xf32>
    %swap3A_212 = arith.constant 5 : index
    %swap3A_213 = arith.constant 0 : index
    %swap3A_214 = arith.constant 0 : index
    %swap3A_215 = vector.load %arg9[%swap3A_212, %swap3A_213, %swap3A_214] : memref<16x256x128xf32, #tpu.memory_space<vmem>>, vector<1x256x128xf32>
    %swap3A_216 = vector.shape_cast %swap3A_215 : vector<1x256x128xf32> to vector<256x128xf32>
    %swap3A_217 = vector.shape_cast %transpose3A_211 : vector<256x128xf32> to vector<1x256x128xf32>
    tpu.vector_store %arg9[%swap3A_212, %swap3A_213, %swap3A_214], %swap3A_217 {strides = array<i32>} : memref<16x256x128xf32, #tpu.memory_space<vmem>>, vector<1x256x128xf32>,
    %slice3A_218 = vector.extract_strided_slice %div3A_46 {offsets = [6, 0, 0], sizes = [1, 128, 256], strides = [1, 1, 1]} : vector<16x128x256xf32> to vector<1x128x256xf32>
    %squeeze3A_219 = vector.shape_cast %slice3A_218 : vector<1x128x256xf32> to vector<128x256xf32>
    %slice3A_220 = vector.extract_strided_slice %get3A_28 {offsets = [6, 0, 0], sizes = [1, 128, 512], strides = [1, 1, 1]} : vector<16x128x512xf32> to vector<1x128x512xf32>
    %squeeze3A_221 = vector.shape_cast %slice3A_220 : vector<1x128x512xf32> to vector<128x512xf32>
    %dot_general3A_222 = arith.constant dense<0.000000e+00> : vector<256x512xf32>
    %dot_general3A_223 = tpu.matmul %squeeze3A_219, %squeeze3A_221, %dot_general3A_222 {dimension_numbers = #tpu.dot_dimension_numbers<[0], [0], [1], [1], [0, 1, 1, 1], [], []>, transpose_lhs_hint = false} : vector<128x256xf32>, vector<128x512xf32>, vector<256x512xf32> -> vector<256x512xf32>
    %swap3A_224 = arith.constant 6 : index
    %swap3A_225 = arith.constant 0 : index
    %swap3A_226 = arith.constant 0 : index
    %swap3A_227 = vector.load %arg8[%swap3A_224, %swap3A_225, %swap3A_226] : memref<16x256x1024xf32, #tpu.memory_space<vmem>>, vector<1x256x512xf32>
    %swap3A_228 = vector.shape_cast %swap3A_227 : vector<1x256x512xf32> to vector<256x512xf32>
    %swap3A_229 = vector.shape_cast %dot_general3A_223 : vector<256x512xf32> to vector<1x256x512xf32>
    tpu.vector_store %arg8[%swap3A_224, %swap3A_225, %swap3A_226], %swap3A_229 {strides = array<i32>} : memref<16x256x1024xf32, #tpu.memory_space<vmem>>, vector<1x256x512xf32>,
    %slice3A_230 = vector.extract_strided_slice %get3A_32 {offsets = [6, 0, 0], sizes = [1, 128, 512], strides = [1, 1, 1]} : vector<16x128x512xf32> to vector<1x128x512xf32>
    %squeeze3A_231 = vector.shape_cast %slice3A_230 : vector<1x128x512xf32> to vector<128x512xf32>
    %dot_general3A_232 = arith.constant dense<0.000000e+00> : vector<256x512xf32>
    %dot_general3A_233 = tpu.matmul %squeeze3A_219, %squeeze3A_231, %dot_general3A_232 {dimension_numbers = #tpu.dot_dimension_numbers<[0], [0], [1], [1], [0, 1, 1, 1], [], []>, transpose_lhs_hint = false} : vector<128x256xf32>, vector<128x512xf32>, vector<256x512xf32> -> vector<256x512xf32>
    %swap3A_234 = arith.constant 6 : index
    %swap3A_235 = arith.constant 0 : index
    %swap3A_236 = arith.constant 512 : index
    %swap3A_237 = vector.load %arg8[%swap3A_234, %swap3A_235, %swap3A_236] : memref<16x256x1024xf32, #tpu.memory_space<vmem>>, vector<1x256x512xf32>
    %swap3A_238 = vector.shape_cast %swap3A_237 : vector<1x256x512xf32> to vector<256x512xf32>
    %swap3A_239 = vector.shape_cast %dot_general3A_233 : vector<256x512xf32> to vector<1x256x512xf32>
    tpu.vector_store %arg8[%swap3A_234, %swap3A_235, %swap3A_236], %swap3A_239 {strides = array<i32>} : memref<16x256x1024xf32, #tpu.memory_space<vmem>>, vector<1x256x512xf32>,
    %transpose3A_240 = tpu.transpose %squeeze3A_219, [1, 0] : vector<128x256xf32> -> vector<256x128xf32>
    %swap3A_241 = arith.constant 6 : index
    %swap3A_242 = arith.constant 0 : index
    %swap3A_243 = arith.constant 0 : index
    %swap3A_244 = vector.load %arg9[%swap3A_241, %swap3A_242, %swap3A_243] : memref<16x256x128xf32, #tpu.memory_space<vmem>>, vector<1x256x128xf32>
    %swap3A_245 = vector.shape_cast %swap3A_244 : vector<1x256x128xf32> to vector<256x128xf32>
    %swap3A_246 = vector.shape_cast %transpose3A_240 : vector<256x128xf32> to vector<1x256x128xf32>
    tpu.vector_store %arg9[%swap3A_241, %swap3A_242, %swap3A_243], %swap3A_246 {strides = array<i32>} : memref<16x256x128xf32, #tpu.memory_space<vmem>>, vector<1x256x128xf32>,
    %slice3A_247 = vector.extract_strided_slice %div3A_46 {offsets = [7, 0, 0], sizes = [1, 128, 256], strides = [1, 1, 1]} : vector<16x128x256xf32> to vector<1x128x256xf32>
    %squeeze3A_248 = vector.shape_cast %slice3A_247 : vector<1x128x256xf32> to vector<128x256xf32>
    %slice3A_249 = vector.extract_strided_slice %get3A_28 {offsets = [7, 0, 0], sizes = [1, 128, 512], strides = [1, 1, 1]} : vector<16x128x512xf32> to vector<1x128x512xf32>
    %squeeze3A_250 = vector.shape_cast %slice3A_249 : vector<1x128x512xf32> to vector<128x512xf32>
    %dot_general3A_251 = arith.constant dense<0.000000e+00> : vector<256x512xf32>
    %dot_general3A_252 = tpu.matmul %squeeze3A_248, %squeeze3A_250, %dot_general3A_251 {dimension_numbers = #tpu.dot_dimension_numbers<[0], [0], [1], [1], [0, 1, 1, 1], [], []>, transpose_lhs_hint = false} : vector<128x256xf32>, vector<128x512xf32>, vector<256x512xf32> -> vector<256x512xf32>
    %swap3A_253 = arith.constant 7 : index
    %swap3A_254 = arith.constant 0 : index
    %swap3A_255 = arith.constant 0 : index
    %swap3A_256 = vector.load %arg8[%swap3A_253, %swap3A_254, %swap3A_255] : memref<16x256x1024xf32, #tpu.memory_space<vmem>>, vector<1x256x512xf32>
    %swap3A_257 = vector.shape_cast %swap3A_256 : vector<1x256x512xf32> to vector<256x512xf32>
    %swap3A_258 = vector.shape_cast %dot_general3A_252 : vector<256x512xf32> to vector<1x256x512xf32>
    tpu.vector_store %arg8[%swap3A_253, %swap3A_254, %swap3A_255], %swap3A_258 {strides = array<i32>} : memref<16x256x1024xf32, #tpu.memory_space<vmem>>, vector<1x256x512xf32>,
    %slice3A_259 = vector.extract_strided_slice %get3A_32 {offsets = [7, 0, 0], sizes = [1, 128, 512], strides = [1, 1, 1]} : vector<16x128x512xf32> to vector<1x128x512xf32>
    %squeeze3A_260 = vector.shape_cast %slice3A_259 : vector<1x128x512xf32> to vector<128x512xf32>
    %dot_general3A_261 = arith.constant dense<0.000000e+00> : vector<256x512xf32>
    %dot_general3A_262 = tpu.matmul %squeeze3A_248, %squeeze3A_260, %dot_general3A_261 {dimension_numbers = #tpu.dot_dimension_numbers<[0], [0], [1], [1], [0, 1, 1, 1], [], []>, transpose_lhs_hint = false} : vector<128x256xf32>, vector<128x512xf32>, vector<256x512xf32> -> vector<256x512xf32>
    %swap3A_263 = arith.constant 7 : index
    %swap3A_264 = arith.constant 0 : index
    %swap3A_265 = arith.constant 512 : index
    %swap3A_266 = vector.load %arg8[%swap3A_263, %swap3A_264, %swap3A_265] : memref<16x256x1024xf32, #tpu.memory_space<vmem>>, vector<1x256x512xf32>
    %swap3A_267 = vector.shape_cast %swap3A_266 : vector<1x256x512xf32> to vector<256x512xf32>
    %swap3A_268 = vector.shape_cast %dot_general3A_262 : vector<256x512xf32> to vector<1x256x512xf32>
    tpu.vector_store %arg8[%swap3A_263, %swap3A_264, %swap3A_265], %swap3A_268 {strides = array<i32>} : memref<16x256x1024xf32, #tpu.memory_space<vmem>>, vector<1x256x512xf32>,
    %transpose3A_269 = tpu.transpose %squeeze3A_248, [1, 0] : vector<128x256xf32> -> vector<256x128xf32>
    %swap3A_270 = arith.constant 7 : index
    %swap3A_271 = arith.constant 0 : index
    %swap3A_272 = arith.constant 0 : index
    %swap3A_273 = vector.load %arg9[%swap3A_270, %swap3A_271, %swap3A_272] : memref<16x256x128xf32, #tpu.memory_space<vmem>>, vector<1x256x128xf32>
    %swap3A_274 = vector.shape_cast %swap3A_273 : vector<1x256x128xf32> to vector<256x128xf32>
    %swap3A_275 = vector.shape_cast %transpose3A_269 : vector<256x128xf32> to vector<1x256x128xf32>
    tpu.vector_store %arg9[%swap3A_270, %swap3A_271, %swap3A_272], %swap3A_275 {strides = array<i32>} : memref<16x256x128xf32, #tpu.memory_space<vmem>>, vector<1x256x128xf32>,
    %slice3A_276 = vector.extract_strided_slice %div3A_46 {offsets = [8, 0, 0], sizes = [1, 128, 256], strides = [1, 1, 1]} : vector<16x128x256xf32> to vector<1x128x256xf32>
    %squeeze3A_277 = vector.shape_cast %slice3A_276 : vector<1x128x256xf32> to vector<128x256xf32>
    %slice3A_278 = vector.extract_strided_slice %get3A_28 {offsets = [8, 0, 0], sizes = [1, 128, 512], strides = [1, 1, 1]} : vector<16x128x512xf32> to vector<1x128x512xf32>
    %squeeze3A_279 = vector.shape_cast %slice3A_278 : vector<1x128x512xf32> to vector<128x512xf32>
    %dot_general3A_280 = arith.constant dense<0.000000e+00> : vector<256x512xf32>
    %dot_general3A_281 = tpu.matmul %squeeze3A_277, %squeeze3A_279, %dot_general3A_280 {dimension_numbers = #tpu.dot_dimension_numbers<[0], [0], [1], [1], [0, 1, 1, 1], [], []>, transpose_lhs_hint = false} : vector<128x256xf32>, vector<128x512xf32>, vector<256x512xf32> -> vector<256x512xf32>
    %swap3A_282 = arith.constant 8 : index
    %swap3A_283 = arith.constant 0 : index
    %swap3A_284 = arith.constant 0 : index
    %swap3A_285 = vector.load %arg8[%swap3A_282, %swap3A_283, %swap3A_284] : memref<16x256x1024xf32, #tpu.memory_space<vmem>>, vector<1x256x512xf32>
    %swap3A_286 = vector.shape_cast %swap3A_285 : vector<1x256x512xf32> to vector<256x512xf32>
    %swap3A_287 = vector.shape_cast %dot_general3A_281 : vector<256x512xf32> to vector<1x256x512xf32>
    tpu.vector_store %arg8[%swap3A_282, %swap3A_283, %swap3A_284], %swap3A_287 {strides = array<i32>} : memref<16x256x1024xf32, #tpu.memory_space<vmem>>, vector<1x256x512xf32>,
    %slice3A_288 = vector.extract_strided_slice %get3A_32 {offsets = [8, 0, 0], sizes = [1, 128, 512], strides = [1, 1, 1]} : vector<16x128x512xf32> to vector<1x128x512xf32>
    %squeeze3A_289 = vector.shape_cast %slice3A_288 : vector<1x128x512xf32> to vector<128x512xf32>
    %dot_general3A_290 = arith.constant dense<0.000000e+00> : vector<256x512xf32>
    %dot_general3A_291 = tpu.matmul %squeeze3A_277, %squeeze3A_289, %dot_general3A_290 {dimension_numbers = #tpu.dot_dimension_numbers<[0], [0], [1], [1], [0, 1, 1, 1], [], []>, transpose_lhs_hint = false} : vector<128x256xf32>, vector<128x512xf32>, vector<256x512xf32> -> vector<256x512xf32>
    %swap3A_292 = arith.constant 8 : index
    %swap3A_293 = arith.constant 0 : index
    %swap3A_294 = arith.constant 512 : index
    %swap3A_295 = vector.load %arg8[%swap3A_292, %swap3A_293, %swap3A_294] : memref<16x256x1024xf32, #tpu.memory_space<vmem>>, vector<1x256x512xf32>
    %swap3A_296 = vector.shape_cast %swap3A_295 : vector<1x256x512xf32> to vector<256x512xf32>
    %swap3A_297 = vector.shape_cast %dot_general3A_291 : vector<256x512xf32> to vector<1x256x512xf32>
    tpu.vector_store %arg8[%swap3A_292, %swap3A_293, %swap3A_294], %swap3A_297 {strides = array<i32>} : memref<16x256x1024xf32, #tpu.memory_space<vmem>>, vector<1x256x512xf32>,
    %transpose3A_298 = tpu.transpose %squeeze3A_277, [1, 0] : vector<128x256xf32> -> vector<256x128xf32>
    %swap3A_299 = arith.constant 8 : index
    %swap3A_300 = arith.constant 0 : index
    %swap3A_301 = arith.constant 0 : index
    %swap3A_302 = vector.load %arg9[%swap3A_299, %swap3A_300, %swap3A_301] : memref<16x256x128xf32, #tpu.memory_space<vmem>>, vector<1x256x128xf32>
    %swap3A_303 = vector.shape_cast %swap3A_302 : vector<1x256x128xf32> to vector<256x128xf32>
    %swap3A_304 = vector.shape_cast %transpose3A_298 : vector<256x128xf32> to vector<1x256x128xf32>
    tpu.vector_store %arg9[%swap3A_299, %swap3A_300, %swap3A_301], %swap3A_304 {strides = array<i32>} : memref<16x256x128xf32, #tpu.memory_space<vmem>>, vector<1x256x128xf32>,
    %slice3A_305 = vector.extract_strided_slice %div3A_46 {offsets = [9, 0, 0], sizes = [1, 128, 256], strides = [1, 1, 1]} : vector<16x128x256xf32> to vector<1x128x256xf32>
    %squeeze3A_306 = vector.shape_cast %slice3A_305 : vector<1x128x256xf32> to vector<128x256xf32>
    %slice3A_307 = vector.extract_strided_slice %get3A_28 {offsets = [9, 0, 0], sizes = [1, 128, 512], strides = [1, 1, 1]} : vector<16x128x512xf32> to vector<1x128x512xf32>
    %squeeze3A_308 = vector.shape_cast %slice3A_307 : vector<1x128x512xf32> to vector<128x512xf32>
    %dot_general3A_309 = arith.constant dense<0.000000e+00> : vector<256x512xf32>
    %dot_general3A_310 = tpu.matmul %squeeze3A_306, %squeeze3A_308, %dot_general3A_309 {dimension_numbers = #tpu.dot_dimension_numbers<[0], [0], [1], [1], [0, 1, 1, 1], [], []>, transpose_lhs_hint = false} : vector<128x256xf32>, vector<128x512xf32>, vector<256x512xf32> -> vector<256x512xf32>
    %swap3A_311 = arith.constant 9 : index
    %swap3A_312 = arith.constant 0 : index
    %swap3A_313 = arith.constant 0 : index
    %swap3A_314 = vector.load %arg8[%swap3A_311, %swap3A_312, %swap3A_313] : memref<16x256x1024xf32, #tpu.memory_space<vmem>>, vector<1x256x512xf32>
    %swap3A_315 = vector.shape_cast %swap3A_314 : vector<1x256x512xf32> to vector<256x512xf32>
    %swap3A_316 = vector.shape_cast %dot_general3A_310 : vector<256x512xf32> to vector<1x256x512xf32>
    tpu.vector_store %arg8[%swap3A_311, %swap3A_312, %swap3A_313], %swap3A_316 {strides = array<i32>} : memref<16x256x1024xf32, #tpu.memory_space<vmem>>, vector<1x256x512xf32>,
    %slice3A_317 = vector.extract_strided_slice %get3A_32 {offsets = [9, 0, 0], sizes = [1, 128, 512], strides = [1, 1, 1]} : vector<16x128x512xf32> to vector<1x128x512xf32>
    %squeeze3A_318 = vector.shape_cast %slice3A_317 : vector<1x128x512xf32> to vector<128x512xf32>
    %dot_general3A_319 = arith.constant dense<0.000000e+00> : vector<256x512xf32>
    %dot_general3A_320 = tpu.matmul %squeeze3A_306, %squeeze3A_318, %dot_general3A_319 {dimension_numbers = #tpu.dot_dimension_numbers<[0], [0], [1], [1], [0, 1, 1, 1], [], []>, transpose_lhs_hint = false} : vector<128x256xf32>, vector<128x512xf32>, vector<256x512xf32> -> vector<256x512xf32>
    %swap3A_321 = arith.constant 9 : index
    %swap3A_322 = arith.constant 0 : index
    %swap3A_323 = arith.constant 512 : index
    %swap3A_324 = vector.load %arg8[%swap3A_321, %swap3A_322, %swap3A_323] : memref<16x256x1024xf32, #tpu.memory_space<vmem>>, vector<1x256x512xf32>
    %swap3A_325 = vector.shape_cast %swap3A_324 : vector<1x256x512xf32> to vector<256x512xf32>
    %swap3A_326 = vector.shape_cast %dot_general3A_320 : vector<256x512xf32> to vector<1x256x512xf32>
    tpu.vector_store %arg8[%swap3A_321, %swap3A_322, %swap3A_323], %swap3A_326 {strides = array<i32>} : memref<16x256x1024xf32, #tpu.memory_space<vmem>>, vector<1x256x512xf32>,
    %transpose3A_327 = tpu.transpose %squeeze3A_306, [1, 0] : vector<128x256xf32> -> vector<256x128xf32>
    %swap3A_328 = arith.constant 9 : index
    %swap3A_329 = arith.constant 0 : index
    %swap3A_330 = arith.constant 0 : index
    %swap3A_331 = vector.load %arg9[%swap3A_328, %swap3A_329, %swap3A_330] : memref<16x256x128xf32, #tpu.memory_space<vmem>>, vector<1x256x128xf32>
    %swap3A_332 = vector.shape_cast %swap3A_331 : vector<1x256x128xf32> to vector<256x128xf32>
    %swap3A_333 = vector.shape_cast %transpose3A_327 : vector<256x128xf32> to vector<1x256x128xf32>
    tpu.vector_store %arg9[%swap3A_328, %swap3A_329, %swap3A_330], %swap3A_333 {strides = array<i32>} : memref<16x256x128xf32, #tpu.memory_space<vmem>>, vector<1x256x128xf32>,
    %slice3A_334 = vector.extract_strided_slice %div3A_46 {offsets = [10, 0, 0], sizes = [1, 128, 256], strides = [1, 1, 1]} : vector<16x128x256xf32> to vector<1x128x256xf32>
    %squeeze3A_335 = vector.shape_cast %slice3A_334 : vector<1x128x256xf32> to vector<128x256xf32>
    %slice3A_336 = vector.extract_strided_slice %get3A_28 {offsets = [10, 0, 0], sizes = [1, 128, 512], strides = [1, 1, 1]} : vector<16x128x512xf32> to vector<1x128x512xf32>
    %squeeze3A_337 = vector.shape_cast %slice3A_336 : vector<1x128x512xf32> to vector<128x512xf32>
    %dot_general3A_338 = arith.constant dense<0.000000e+00> : vector<256x512xf32>
    %dot_general3A_339 = tpu.matmul %squeeze3A_335, %squeeze3A_337, %dot_general3A_338 {dimension_numbers = #tpu.dot_dimension_numbers<[0], [0], [1], [1], [0, 1, 1, 1], [], []>, transpose_lhs_hint = false} : vector<128x256xf32>, vector<128x512xf32>, vector<256x512xf32> -> vector<256x512xf32>
    %swap3A_340 = arith.constant 10 : index
    %swap3A_341 = arith.constant 0 : index
    %swap3A_342 = arith.constant 0 : index
    %swap3A_343 = vector.load %arg8[%swap3A_340, %swap3A_341, %swap3A_342] : memref<16x256x1024xf32, #tpu.memory_space<vmem>>, vector<1x256x512xf32>
    %swap3A_344 = vector.shape_cast %swap3A_343 : vector<1x256x512xf32> to vector<256x512xf32>
    %swap3A_345 = vector.shape_cast %dot_general3A_339 : vector<256x512xf32> to vector<1x256x512xf32>
    tpu.vector_store %arg8[%swap3A_340, %swap3A_341, %swap3A_342], %swap3A_345 {strides = array<i32>} : memref<16x256x1024xf32, #tpu.memory_space<vmem>>, vector<1x256x512xf32>,
    %slice3A_346 = vector.extract_strided_slice %get3A_32 {offsets = [10, 0, 0], sizes = [1, 128, 512], strides = [1, 1, 1]} : vector<16x128x512xf32> to vector<1x128x512xf32>
    %squeeze3A_347 = vector.shape_cast %slice3A_346 : vector<1x128x512xf32> to vector<128x512xf32>
    %dot_general3A_348 = arith.constant dense<0.000000e+00> : vector<256x512xf32>
    %dot_general3A_349 = tpu.matmul %squeeze3A_335, %squeeze3A_347, %dot_general3A_348 {dimension_numbers = #tpu.dot_dimension_numbers<[0], [0], [1], [1], [0, 1, 1, 1], [], []>, transpose_lhs_hint = false} : vector<128x256xf32>, vector<128x512xf32>, vector<256x512xf32> -> vector<256x512xf32>
    %swap3A_350 = arith.constant 10 : index
    %swap3A_351 = arith.constant 0 : index
    %swap3A_352 = arith.constant 512 : index
    %swap3A_353 = vector.load %arg8[%swap3A_350, %swap3A_351, %swap3A_352] : memref<16x256x1024xf32, #tpu.memory_space<vmem>>, vector<1x256x512xf32>
    %swap3A_354 = vector.shape_cast %swap3A_353 : vector<1x256x512xf32> to vector<256x512xf32>
    %swap3A_355 = vector.shape_cast %dot_general3A_349 : vector<256x512xf32> to vector<1x256x512xf32>
    tpu.vector_store %arg8[%swap3A_350, %swap3A_351, %swap3A_352], %swap3A_355 {strides = array<i32>} : memref<16x256x1024xf32, #tpu.memory_space<vmem>>, vector<1x256x512xf32>,
    %transpose3A_356 = tpu.transpose %squeeze3A_335, [1, 0] : vector<128x256xf32> -> vector<256x128xf32>
    %swap3A_357 = arith.constant 10 : index
    %swap3A_358 = arith.constant 0 : index
    %swap3A_359 = arith.constant 0 : index
    %swap3A_360 = vector.load %arg9[%swap3A_357, %swap3A_358, %swap3A_359] : memref<16x256x128xf32, #tpu.memory_space<vmem>>, vector<1x256x128xf32>
    %swap3A_361 = vector.shape_cast %swap3A_360 : vector<1x256x128xf32> to vector<256x128xf32>
    %swap3A_362 = vector.shape_cast %transpose3A_356 : vector<256x128xf32> to vector<1x256x128xf32>
    tpu.vector_store %arg9[%swap3A_357, %swap3A_358, %swap3A_359], %swap3A_362 {strides = array<i32>} : memref<16x256x128xf32, #tpu.memory_space<vmem>>, vector<1x256x128xf32>,
    %slice3A_363 = vector.extract_strided_slice %div3A_46 {offsets = [11, 0, 0], sizes = [1, 128, 256], strides = [1, 1, 1]} : vector<16x128x256xf32> to vector<1x128x256xf32>
    %squeeze3A_364 = vector.shape_cast %slice3A_363 : vector<1x128x256xf32> to vector<128x256xf32>
    %slice3A_365 = vector.extract_strided_slice %get3A_28 {offsets = [11, 0, 0], sizes = [1, 128, 512], strides = [1, 1, 1]} : vector<16x128x512xf32> to vector<1x128x512xf32>
    %squeeze3A_366 = vector.shape_cast %slice3A_365 : vector<1x128x512xf32> to vector<128x512xf32>
    %dot_general3A_367 = arith.constant dense<0.000000e+00> : vector<256x512xf32>
    %dot_general3A_368 = tpu.matmul %squeeze3A_364, %squeeze3A_366, %dot_general3A_367 {dimension_numbers = #tpu.dot_dimension_numbers<[0], [0], [1], [1], [0, 1, 1, 1], [], []>, transpose_lhs_hint = false} : vector<128x256xf32>, vector<128x512xf32>, vector<256x512xf32> -> vector<256x512xf32>
    %swap3A_369 = arith.constant 11 : index
    %swap3A_370 = arith.constant 0 : index
    %swap3A_371 = arith.constant 0 : index
    %swap3A_372 = vector.load %arg8[%swap3A_369, %swap3A_370, %swap3A_371] : memref<16x256x1024xf32, #tpu.memory_space<vmem>>, vector<1x256x512xf32>
    %swap3A_373 = vector.shape_cast %swap3A_372 : vector<1x256x512xf32> to vector<256x512xf32>
    %swap3A_374 = vector.shape_cast %dot_general3A_368 : vector<256x512xf32> to vector<1x256x512xf32>
    tpu.vector_store %arg8[%swap3A_369, %swap3A_370, %swap3A_371], %swap3A_374 {strides = array<i32>} : memref<16x256x1024xf32, #tpu.memory_space<vmem>>, vector<1x256x512xf32>,
    %slice3A_375 = vector.extract_strided_slice %get3A_32 {offsets = [11, 0, 0], sizes = [1, 128, 512], strides = [1, 1, 1]} : vector<16x128x512xf32> to vector<1x128x512xf32>
    %squeeze3A_376 = vector.shape_cast %slice3A_375 : vector<1x128x512xf32> to vector<128x512xf32>
    %dot_general3A_377 = arith.constant dense<0.000000e+00> : vector<256x512xf32>
    %dot_general3A_378 = tpu.matmul %squeeze3A_364, %squeeze3A_376, %dot_general3A_377 {dimension_numbers = #tpu.dot_dimension_numbers<[0], [0], [1], [1], [0, 1, 1, 1], [], []>, transpose_lhs_hint = false} : vector<128x256xf32>, vector<128x512xf32>, vector<256x512xf32> -> vector<256x512xf32>
    %swap3A_379 = arith.constant 11 : index
    %swap3A_380 = arith.constant 0 : index
    %swap3A_381 = arith.constant 512 : index
    %swap3A_382 = vector.load %arg8[%swap3A_379, %swap3A_380, %swap3A_381] : memref<16x256x1024xf32, #tpu.memory_space<vmem>>, vector<1x256x512xf32>
    %swap3A_383 = vector.shape_cast %swap3A_382 : vector<1x256x512xf32> to vector<256x512xf32>
    %swap3A_384 = vector.shape_cast %dot_general3A_378 : vector<256x512xf32> to vector<1x256x512xf32>
    tpu.vector_store %arg8[%swap3A_379, %swap3A_380, %swap3A_381], %swap3A_384 {strides = array<i32>} : memref<16x256x1024xf32, #tpu.memory_space<vmem>>, vector<1x256x512xf32>,
    %transpose3A_385 = tpu.transpose %squeeze3A_364, [1, 0] : vector<128x256xf32> -> vector<256x128xf32>
    %swap3A_386 = arith.constant 11 : index
    %swap3A_387 = arith.constant 0 : index
    %swap3A_388 = arith.constant 0 : index
    %swap3A_389 = vector.load %arg9[%swap3A_386, %swap3A_387, %swap3A_388] : memref<16x256x128xf32, #tpu.memory_space<vmem>>, vector<1x256x128xf32>
    %swap3A_390 = vector.shape_cast %swap3A_389 : vector<1x256x128xf32> to vector<256x128xf32>
    %swap3A_391 = vector.shape_cast %transpose3A_385 : vector<256x128xf32> to vector<1x256x128xf32>
    tpu.vector_store %arg9[%swap3A_386, %swap3A_387, %swap3A_388], %swap3A_391 {strides = array<i32>} : memref<16x256x128xf32, #tpu.memory_space<vmem>>, vector<1x256x128xf32>,
    %slice3A_392 = vector.extract_strided_slice %div3A_46 {offsets = [12, 0, 0], sizes = [1, 128, 256], strides = [1, 1, 1]} : vector<16x128x256xf32> to vector<1x128x256xf32>
    %squeeze3A_393 = vector.shape_cast %slice3A_392 : vector<1x128x256xf32> to vector<128x256xf32>
    %slice3A_394 = vector.extract_strided_slice %get3A_28 {offsets = [12, 0, 0], sizes = [1, 128, 512], strides = [1, 1, 1]} : vector<16x128x512xf32> to vector<1x128x512xf32>
    %squeeze3A_395 = vector.shape_cast %slice3A_394 : vector<1x128x512xf32> to vector<128x512xf32>
    %dot_general3A_396 = arith.constant dense<0.000000e+00> : vector<256x512xf32>
    %dot_general3A_397 = tpu.matmul %squeeze3A_393, %squeeze3A_395, %dot_general3A_396 {dimension_numbers = #tpu.dot_dimension_numbers<[0], [0], [1], [1], [0, 1, 1, 1], [], []>, transpose_lhs_hint = false} : vector<128x256xf32>, vector<128x512xf32>, vector<256x512xf32> -> vector<256x512xf32>
    %swap3A_398 = arith.constant 12 : index
    %swap3A_399 = arith.constant 0 : index
    %swap3A_400 = arith.constant 0 : index
    %swap3A_401 = vector.load %arg8[%swap3A_398, %swap3A_399, %swap3A_400] : memref<16x256x1024xf32, #tpu.memory_space<vmem>>, vector<1x256x512xf32>
    %swap3A_402 = vector.shape_cast %swap3A_401 : vector<1x256x512xf32> to vector<256x512xf32>
    %swap3A_403 = vector.shape_cast %dot_general3A_397 : vector<256x512xf32> to vector<1x256x512xf32>
    tpu.vector_store %arg8[%swap3A_398, %swap3A_399, %swap3A_400], %swap3A_403 {strides = array<i32>} : memref<16x256x1024xf32, #tpu.memory_space<vmem>>, vector<1x256x512xf32>,
    %slice3A_404 = vector.extract_strided_slice %get3A_32 {offsets = [12, 0, 0], sizes = [1, 128, 512], strides = [1, 1, 1]} : vector<16x128x512xf32> to vector<1x128x512xf32>
    %squeeze3A_405 = vector.shape_cast %slice3A_404 : vector<1x128x512xf32> to vector<128x512xf32>
    %dot_general3A_406 = arith.constant dense<0.000000e+00> : vector<256x512xf32>
    %dot_general3A_407 = tpu.matmul %squeeze3A_393, %squeeze3A_405, %dot_general3A_406 {dimension_numbers = #tpu.dot_dimension_numbers<[0], [0], [1], [1], [0, 1, 1, 1], [], []>, transpose_lhs_hint = false} : vector<128x256xf32>, vector<128x512xf32>, vector<256x512xf32> -> vector<256x512xf32>
    %swap3A_408 = arith.constant 12 : index
    %swap3A_409 = arith.constant 0 : index
    %swap3A_410 = arith.constant 512 : index
    %swap3A_411 = vector.load %arg8[%swap3A_408, %swap3A_409, %swap3A_410] : memref<16x256x1024xf32, #tpu.memory_space<vmem>>, vector<1x256x512xf32>
    %swap3A_412 = vector.shape_cast %swap3A_411 : vector<1x256x512xf32> to vector<256x512xf32>
    %swap3A_413 = vector.shape_cast %dot_general3A_407 : vector<256x512xf32> to vector<1x256x512xf32>
    tpu.vector_store %arg8[%swap3A_408, %swap3A_409, %swap3A_410], %swap3A_413 {strides = array<i32>} : memref<16x256x1024xf32, #tpu.memory_space<vmem>>, vector<1x256x512xf32>,
    %transpose3A_414 = tpu.transpose %squeeze3A_393, [1, 0] : vector<128x256xf32> -> vector<256x128xf32>
    %swap3A_415 = arith.constant 12 : index
    %swap3A_416 = arith.constant 0 : index
    %swap3A_417 = arith.constant 0 : index
    %swap3A_418 = vector.load %arg9[%swap3A_415, %swap3A_416, %swap3A_417] : memref<16x256x128xf32, #tpu.memory_space<vmem>>, vector<1x256x128xf32>
    %swap3A_419 = vector.shape_cast %swap3A_418 : vector<1x256x128xf32> to vector<256x128xf32>
    %swap3A_420 = vector.shape_cast %transpose3A_414 : vector<256x128xf32> to vector<1x256x128xf32>
    tpu.vector_store %arg9[%swap3A_415, %swap3A_416, %swap3A_417], %swap3A_420 {strides = array<i32>} : memref<16x256x128xf32, #tpu.memory_space<vmem>>, vector<1x256x128xf32>,
    %slice3A_421 = vector.extract_strided_slice %div3A_46 {offsets = [13, 0, 0], sizes = [1, 128, 256], strides = [1, 1, 1]} : vector<16x128x256xf32> to vector<1x128x256xf32>
    %squeeze3A_422 = vector.shape_cast %slice3A_421 : vector<1x128x256xf32> to vector<128x256xf32>
    %slice3A_423 = vector.extract_strided_slice %get3A_28 {offsets = [13, 0, 0], sizes = [1, 128, 512], strides = [1, 1, 1]} : vector<16x128x512xf32> to vector<1x128x512xf32>
    %squeeze3A_424 = vector.shape_cast %slice3A_423 : vector<1x128x512xf32> to vector<128x512xf32>
    %dot_general3A_425 = arith.constant dense<0.000000e+00> : vector<256x512xf32>
    %dot_general3A_426 = tpu.matmul %squeeze3A_422, %squeeze3A_424, %dot_general3A_425 {dimension_numbers = #tpu.dot_dimension_numbers<[0], [0], [1], [1], [0, 1, 1, 1], [], []>, transpose_lhs_hint = false} : vector<128x256xf32>, vector<128x512xf32>, vector<256x512xf32> -> vector<256x512xf32>
    %swap3A_427 = arith.constant 13 : index
    %swap3A_428 = arith.constant 0 : index
    %swap3A_429 = arith.constant 0 : index
    %swap3A_430 = vector.load %arg8[%swap3A_427, %swap3A_428, %swap3A_429] : memref<16x256x1024xf32, #tpu.memory_space<vmem>>, vector<1x256x512xf32>
    %swap3A_431 = vector.shape_cast %swap3A_430 : vector<1x256x512xf32> to vector<256x512xf32>
    %swap3A_432 = vector.shape_cast %dot_general3A_426 : vector<256x512xf32> to vector<1x256x512xf32>
    tpu.vector_store %arg8[%swap3A_427, %swap3A_428, %swap3A_429], %swap3A_432 {strides = array<i32>} : memref<16x256x1024xf32, #tpu.memory_space<vmem>>, vector<1x256x512xf32>,
    %slice3A_433 = vector.extract_strided_slice %get3A_32 {offsets = [13, 0, 0], sizes = [1, 128, 512], strides = [1, 1, 1]} : vector<16x128x512xf32> to vector<1x128x512xf32>
    %squeeze3A_434 = vector.shape_cast %slice3A_433 : vector<1x128x512xf32> to vector<128x512xf32>
    %dot_general3A_435 = arith.constant dense<0.000000e+00> : vector<256x512xf32>
    %dot_general3A_436 = tpu.matmul %squeeze3A_422, %squeeze3A_434, %dot_general3A_435 {dimension_numbers = #tpu.dot_dimension_numbers<[0], [0], [1], [1], [0, 1, 1, 1], [], []>, transpose_lhs_hint = false} : vector<128x256xf32>, vector<128x512xf32>, vector<256x512xf32> -> vector<256x512xf32>
    %swap3A_437 = arith.constant 13 : index
    %swap3A_438 = arith.constant 0 : index
    %swap3A_439 = arith.constant 512 : index
    %swap3A_440 = vector.load %arg8[%swap3A_437, %swap3A_438, %swap3A_439] : memref<16x256x1024xf32, #tpu.memory_space<vmem>>, vector<1x256x512xf32>
    %swap3A_441 = vector.shape_cast %swap3A_440 : vector<1x256x512xf32> to vector<256x512xf32>
    %swap3A_442 = vector.shape_cast %dot_general3A_436 : vector<256x512xf32> to vector<1x256x512xf32>
    tpu.vector_store %arg8[%swap3A_437, %swap3A_438, %swap3A_439], %swap3A_442 {strides = array<i32>} : memref<16x256x1024xf32, #tpu.memory_space<vmem>>, vector<1x256x512xf32>,
    %transpose3A_443 = tpu.transpose %squeeze3A_422, [1, 0] : vector<128x256xf32> -> vector<256x128xf32>
    %swap3A_444 = arith.constant 13 : index
    %swap3A_445 = arith.constant 0 : index
    %swap3A_446 = arith.constant 0 : index
    %swap3A_447 = vector.load %arg9[%swap3A_444, %swap3A_445, %swap3A_446] : memref<16x256x128xf32, #tpu.memory_space<vmem>>, vector<1x256x128xf32>
    %swap3A_448 = vector.shape_cast %swap3A_447 : vector<1x256x128xf32> to vector<256x128xf32>
    %swap3A_449 = vector.shape_cast %transpose3A_443 : vector<256x128xf32> to vector<1x256x128xf32>
    tpu.vector_store %arg9[%swap3A_444, %swap3A_445, %swap3A_446], %swap3A_449 {strides = array<i32>} : memref<16x256x128xf32, #tpu.memory_space<vmem>>, vector<1x256x128xf32>,
    %slice3A_450 = vector.extract_strided_slice %div3A_46 {offsets = [14, 0, 0], sizes = [1, 128, 256], strides = [1, 1, 1]} : vector<16x128x256xf32> to vector<1x128x256xf32>
    %squeeze3A_451 = vector.shape_cast %slice3A_450 : vector<1x128x256xf32> to vector<128x256xf32>
    %slice3A_452 = vector.extract_strided_slice %get3A_28 {offsets = [14, 0, 0], sizes = [1, 128, 512], strides = [1, 1, 1]} : vector<16x128x512xf32> to vector<1x128x512xf32>
    %squeeze3A_453 = vector.shape_cast %slice3A_452 : vector<1x128x512xf32> to vector<128x512xf32>
    %dot_general3A_454 = arith.constant dense<0.000000e+00> : vector<256x512xf32>
    %dot_general3A_455 = tpu.matmul %squeeze3A_451, %squeeze3A_453, %dot_general3A_454 {dimension_numbers = #tpu.dot_dimension_numbers<[0], [0], [1], [1], [0, 1, 1, 1], [], []>, transpose_lhs_hint = false} : vector<128x256xf32>, vector<128x512xf32>, vector<256x512xf32> -> vector<256x512xf32>
    %swap3A_456 = arith.constant 14 : index
    %swap3A_457 = arith.constant 0 : index
    %swap3A_458 = arith.constant 0 : index
    %swap3A_459 = vector.load %arg8[%swap3A_456, %swap3A_457, %swap3A_458] : memref<16x256x1024xf32, #tpu.memory_space<vmem>>, vector<1x256x512xf32>
    %swap3A_460 = vector.shape_cast %swap3A_459 : vector<1x256x512xf32> to vector<256x512xf32>
    %swap3A_461 = vector.shape_cast %dot_general3A_455 : vector<256x512xf32> to vector<1x256x512xf32>
    tpu.vector_store %arg8[%swap3A_456, %swap3A_457, %swap3A_458], %swap3A_461 {strides = array<i32>} : memref<16x256x1024xf32, #tpu.memory_space<vmem>>, vector<1x256x512xf32>,
    %slice3A_462 = vector.extract_strided_slice %get3A_32 {offsets = [14, 0, 0], sizes = [1, 128, 512], strides = [1, 1, 1]} : vector<16x128x512xf32> to vector<1x128x512xf32>
    %squeeze3A_463 = vector.shape_cast %slice3A_462 : vector<1x128x512xf32> to vector<128x512xf32>
    %dot_general3A_464 = arith.constant dense<0.000000e+00> : vector<256x512xf32>
    %dot_general3A_465 = tpu.matmul %squeeze3A_451, %squeeze3A_463, %dot_general3A_464 {dimension_numbers = #tpu.dot_dimension_numbers<[0], [0], [1], [1], [0, 1, 1, 1], [], []>, transpose_lhs_hint = false} : vector<128x256xf32>, vector<128x512xf32>, vector<256x512xf32> -> vector<256x512xf32>
    %swap3A_466 = arith.constant 14 : index
    %swap3A_467 = arith.constant 0 : index
    %swap3A_468 = arith.constant 512 : index
    %swap3A_469 = vector.load %arg8[%swap3A_466, %swap3A_467, %swap3A_468] : memref<16x256x1024xf32, #tpu.memory_space<vmem>>, vector<1x256x512xf32>
    %swap3A_470 = vector.shape_cast %swap3A_469 : vector<1x256x512xf32> to vector<256x512xf32>
    %swap3A_471 = vector.shape_cast %dot_general3A_465 : vector<256x512xf32> to vector<1x256x512xf32>
    tpu.vector_store %arg8[%swap3A_466, %swap3A_467, %swap3A_468], %swap3A_471 {strides = array<i32>} : memref<16x256x1024xf32, #tpu.memory_space<vmem>>, vector<1x256x512xf32>,
    %transpose3A_472 = tpu.transpose %squeeze3A_451, [1, 0] : vector<128x256xf32> -> vector<256x128xf32>
    %swap3A_473 = arith.constant 14 : index
    %swap3A_474 = arith.constant 0 : index
    %swap3A_475 = arith.constant 0 : index
    %swap3A_476 = vector.load %arg9[%swap3A_473, %swap3A_474, %swap3A_475] : memref<16x256x128xf32, #tpu.memory_space<vmem>>, vector<1x256x128xf32>
    %swap3A_477 = vector.shape_cast %swap3A_476 : vector<1x256x128xf32> to vector<256x128xf32>
    %swap3A_478 = vector.shape_cast %transpose3A_472 : vector<256x128xf32> to vector<1x256x128xf32>
    tpu.vector_store %arg9[%swap3A_473, %swap3A_474, %swap3A_475], %swap3A_478 {strides = array<i32>} : memref<16x256x128xf32, #tpu.memory_space<vmem>>, vector<1x256x128xf32>,
    %slice3A_479 = vector.extract_strided_slice %div3A_46 {offsets = [15, 0, 0], sizes = [1, 128, 256], strides = [1, 1, 1]} : vector<16x128x256xf32> to vector<1x128x256xf32>
    %squeeze3A_480 = vector.shape_cast %slice3A_479 : vector<1x128x256xf32> to vector<128x256xf32>
    %slice3A_481 = vector.extract_strided_slice %get3A_28 {offsets = [15, 0, 0], sizes = [1, 128, 512], strides = [1, 1, 1]} : vector<16x128x512xf32> to vector<1x128x512xf32>
    %squeeze3A_482 = vector.shape_cast %slice3A_481 : vector<1x128x512xf32> to vector<128x512xf32>
    %dot_general3A_483 = arith.constant dense<0.000000e+00> : vector<256x512xf32>
    %dot_general3A_484 = tpu.matmul %squeeze3A_480, %squeeze3A_482, %dot_general3A_483 {dimension_numbers = #tpu.dot_dimension_numbers<[0], [0], [1], [1], [0, 1, 1, 1], [], []>, transpose_lhs_hint = false} : vector<128x256xf32>, vector<128x512xf32>, vector<256x512xf32> -> vector<256x512xf32>
    %swap3A_485 = arith.constant 15 : index
    %swap3A_486 = arith.constant 0 : index
    %swap3A_487 = arith.constant 0 : index
    %swap3A_488 = vector.load %arg8[%swap3A_485, %swap3A_486, %swap3A_487] : memref<16x256x1024xf32, #tpu.memory_space<vmem>>, vector<1x256x512xf32>
    %swap3A_489 = vector.shape_cast %swap3A_488 : vector<1x256x512xf32> to vector<256x512xf32>
    %swap3A_490 = vector.shape_cast %dot_general3A_484 : vector<256x512xf32> to vector<1x256x512xf32>
    tpu.vector_store %arg8[%swap3A_485, %swap3A_486, %swap3A_487], %swap3A_490 {strides = array<i32>} : memref<16x256x1024xf32, #tpu.memory_space<vmem>>, vector<1x256x512xf32>,
    %slice3A_491 = vector.extract_strided_slice %get3A_32 {offsets = [15, 0, 0], sizes = [1, 128, 512], strides = [1, 1, 1]} : vector<16x128x512xf32> to vector<1x128x512xf32>
    %squeeze3A_492 = vector.shape_cast %slice3A_491 : vector<1x128x512xf32> to vector<128x512xf32>
    %dot_general3A_493 = arith.constant dense<0.000000e+00> : vector<256x512xf32>
    %dot_general3A_494 = tpu.matmul %squeeze3A_480, %squeeze3A_492, %dot_general3A_493 {dimension_numbers = #tpu.dot_dimension_numbers<[0], [0], [1], [1], [0, 1, 1, 1], [], []>, transpose_lhs_hint = false} : vector<128x256xf32>, vector<128x512xf32>, vector<256x512xf32> -> vector<256x512xf32>
    %swap3A_495 = arith.constant 15 : index
    %swap3A_496 = arith.constant 0 : index
    %swap3A_497 = arith.constant 512 : index
    %swap3A_498 = vector.load %arg8[%swap3A_495, %swap3A_496, %swap3A_497] : memref<16x256x1024xf32, #tpu.memory_space<vmem>>, vector<1x256x512xf32>
    %swap3A_499 = vector.shape_cast %swap3A_498 : vector<1x256x512xf32> to vector<256x512xf32>
    %swap3A_500 = vector.shape_cast %dot_general3A_494 : vector<256x512xf32> to vector<1x256x512xf32>
    tpu.vector_store %arg8[%swap3A_495, %swap3A_496, %swap3A_497], %swap3A_500 {strides = array<i32>} : memref<16x256x1024xf32, #tpu.memory_space<vmem>>, vector<1x256x512xf32>,
    %transpose3A_501 = tpu.transpose %squeeze3A_480, [1, 0] : vector<128x256xf32> -> vector<256x128xf32>
    %swap3A_502 = arith.constant 15 : index
    %swap3A_503 = arith.constant 0 : index
    %swap3A_504 = arith.constant 0 : index
    %swap3A_505 = vector.load %arg9[%swap3A_502, %swap3A_503, %swap3A_504] : memref<16x256x128xf32, #tpu.memory_space<vmem>>, vector<1x256x128xf32>
    %swap3A_506 = vector.shape_cast %swap3A_505 : vector<1x256x128xf32> to vector<256x128xf32>
    %swap3A_507 = vector.shape_cast %transpose3A_501 : vector<256x128xf32> to vector<1x256x128xf32>
    tpu.vector_store %arg9[%swap3A_502, %swap3A_503, %swap3A_504], %swap3A_507 {strides = array<i32>} : memref<16x256x128xf32, #tpu.memory_space<vmem>>, vector<1x256x128xf32>,
    return
  }
}

</mosaic_0001>

<sc_bundles>
// kernel: kernel.6.cloned.1.call-start
scs
__scs_entry_jumppad:
0x0: {  	(pc) =	sbr.rel $0x88, $3  }
0x1: {  	(tag) =	ssettag $0x0;
	lr =	simm.s32 $0x1  }
0x2: {  	[smem:$0x3F88] =	sst lr;
	_ =	strace $0xD0000000  }
0x3: {  	_ = 	snop  }
0x4: {  	_ = 	snop  }
0x5: {  	_ = 	snop  }
0x6: {  	_ = 	snop  }
0x7: {  	_ = 	snop  }
__scs_overlays_trampoline_lowered:
0x8: {  	[smem:$0x3F97] =	sst s0  }
0x9: {  	[smem:$0x3F98] =	sst s1  }
0xa: {  	[smem:$0x3F99] =	sst s2  }
0xb: {  	[smem:$0x3F9A] =	sst s3  }
0xc: {  	[smem:$0x3F9B] =	sst s4  }
0xd: {  	[smem:$0x3F9C] =	sst s5  }
0xe: {  	[smem:$0x3F9D] =	sst s6  }
0xf: {  	[smem:$0x3F9E] =	sst s7  }
0x10: {  	[smem:$0x3F9F] =	sst s8  }
0x11: {  	[smem:$0x3FA0] =	sst s9;
	s0 =	simm.s32 @!p0 $0x0  }
0x12: {  	s1 =	sld [smem:$0x3F86];
	s0 =	simm.s32 @p0 $0x1  }
0x13: {  	[smem:$0x3FA1] =	sst s0;
	s0 =	simm.s32 @!p1 $0x0  }
0x14: {  	s2 =	sld [smem:$0x3F85];
	s0 =	simm.s32 @p1 $0x1  }
0x15: {  	[smem:$0x3FA2] =	sst s0;
	s0 =	simm.s32 @!p2 $0x0  }
0x16: {  	s3 =	sld [smem:$0x3FDB];
	s0 =	simm.s32 @p2 $0x1  }
0x17: {  	s4 =	simm.s32 $0x1BF5;
	[smem:$0x3FA4] =	sst s0  }
0x18: {  	s0 =	sld [smem:$0x3F87];
	_ =	swait.ge [sflag:s4], $0x0  }
0x19: {  	s7 =	sld [smem:$0x3F88]  }
0x1a: {  	s8 =	sadd.s32 $0xFFFFE003, lr  }
0x1b: {  	s9 =	sadd.s32 $0xFFFFFEF7, lr;
	s5 =	simm.s32 $0xFFFFFFFF;
	p2 =	slt.u32 s8, $0xFFFFF086  }
0x1c: {  	p1 =	slt.u32 s9, $0xF7A;
	s5 =	simm.s32 @!p2 $0x0  }
0x1d: {  	s5 =	simm.s32 @p1 $0x1;
	p0 =	seq.s32 s7, s2  }
0x1e: {  	s7 =	smul.u32 @!p0 $0xF7A, s2;
	p2 =	seq.s32 @!p0 s5, $0x0  }
0x1f: {  	s9 =	smul.u32 $0xF7A, s1;
	s8 =	simm.s32 @!p0 $0x1BF5;
	p2 =	por !p2, p0  }
0x20: {  	[sflag:s8] =	ssyncset.s32 @!p0 $0xFFFFF086;
	s6 =	sadd.s32 @!p0 s3, s7;
	s7 =	simm.s32 @!p0 $0x108  }
0x21: {  	s3 =	sadd.s32 s3, s9;
	s6 =	sadd.s32 @!p0 $0x88, s6;
	s7 =	simm.s32 @p2 $0x1082  }
0x22: {  	[simem:s7], [sflag:s8] =	dma.local @!p0 [hbm:s6], $0xF7A  }
0x23: {  	s9 =	sor.u32 $0xD0000000, s2;
	s6 =	simm.s32 $0x108;
	_ =	swait.ge @!p0 [sflag:s8], $0x0  }
0x24: {  	s3 =	sadd.s32 $0x88, s3;
	s6 =	simm.s32 @!p1 $0x1082;
	[sflag:s4] =	ssyncset.s32 $0xFFFFF086  }
0x25: {  	[simem:s6], [sflag:s4] =	dma.local [hbm:s3], $0xF7A  }
0x26: {  	[smem:$0x3F88] =	sst s1;
	(tag) =	ssettag s2;
	_ =	strace s9  }
0x27: {  	s1 =	sld [smem:$0x3F98]  }
0x28: {  	s2 =	sld [smem:$0x3F99]  }
0x29: {  	s4 =	sld [smem:$0x3F9B]  }
0x2a: {  	p0 =	seq.s32 s5, $0x0;
	s5 =	sld [smem:$0x3F9C]  }
0x2b: {  	s6 =	sld [smem:$0x3F9D]  }
0x2c: {  	s7 =	sld [smem:$0x3F9E]  }
0x2d: {  	s3 =	simm.s32 $0x108;
	s8 =	sld [smem:$0x3F9F]  }
0x2e: {  	s3 =	simm.s32 @!p0 $0x1082;
	s9 =	sld [smem:$0x3FA0]  }
0x2f: {  	lr =	sadd.s32 s0, s3;
	s0 =	sld [smem:$0x3F97]  }
0x30: {  	s3 =	sld [smem:$0x3F9A]  }
0x31: {  	[smem:$0x3FA3] =	sst s10  }
0x32: {  	s10 =	sld [smem:$0x3FA1];
	_ =	sdelay $0x3  }
0x33: {  	p0 =	seq.s32 s10, $0x1;
	s10 =	sld [smem:$0x3FA3];
	_ =	sdelay $0x3  }
0x34: {  	[smem:$0x3FA3] =	sst s10  }
0x35: {  	s10 =	sld [smem:$0x3FA2];
	_ =	sdelay $0x3  }
0x36: {  	p1 =	seq.s32 s10, $0x1;
	s10 =	sld [smem:$0x3FA3];
	_ =	sdelay $0x3  }
0x37: {  	[smem:$0x3FA3] =	sst s10  }
0x38: {  	s10 =	sld [smem:$0x3FA4]  }
0x39: {  	_ = 	snop;
	(pc) =	sbr.ind lr, $3  }
0x3a: {  	_ = 	snop  }
0x3b: {  	_ = 	snop  }
0x3c: {  	p2 =	seq.s32 s10, $0x1;
	s10 =	sld [smem:$0x3FA3]  }
0x3d: {  	_ =	shalt  }
0x3e: {  	_ =	shalt  }
0x3f: {  	_ =	shalt  }
0x40: {  	_ =	shalt  }
0x41: {  	_ =	shalt  }
0x42: {  	_ =	shalt  }
0x43: {  	_ =	shalt  }
0x44: {  	_ =	shalt  }
0x45: {  	_ =	shalt  }
0x46: {  	_ =	shalt  }
0x47: {  	_ =	shalt  }
0x48: {  	_ =	shalt  }
0x49: {  	_ =	shalt  }
0x4a: {  	_ =	shalt  }
0x4b: {  	_ =	shalt  }
0x4c: {  	_ =	shalt  }
0x4d: {  	_ =	shalt  }
0x4e: {  	_ =	shalt  }
0x4f: {  	_ =	shalt  }
0x50: {  	_ =	shalt  }
0x51: {  	_ =	shalt  }
0x52: {  	_ =	shalt  }
0x53: {  	_ =	shalt  }
0x54: {  	_ =	shalt  }
0x55: {  	_ =	shalt  }
0x56: {  	_ =	shalt  }
0x57: {  	_ =	shalt  }
0x58: {  	_ =	shalt  }
0x59: {  	_ =	shalt  }
0x5a: {  	_ =	shalt  }
0x5b: {  	_ =	shalt  }
0x5c: {  	_ =	shalt  }
0x5d: {  	_ =	shalt  }
0x5e: {  	_ =	shalt  }
0x5f: {  	_ =	shalt  }
0x60: {  	_ =	shalt  }
0x61: {  	_ =	shalt  }
0x62: {  	_ =	shalt  }
0x63: {  	_ =	shalt  }
0x64: {  	_ =	shalt  }
0x65: {  	_ =	shalt  }
0x66: {  	_ =	shalt  }
0x67: {  	_ =	shalt  }
0x68: {  	_ =	shalt  }
0x69: {  	_ =	shalt  }
0x6a: {  	_ =	shalt  }
0x6b: {  	_ =	shalt  }
0x6c: {  	_ =	shalt  }
0x6d: {  	_ =	shalt  }
0x6e: {  	_ =	shalt  }
0x6f: {  	_ =	shalt  }
0x70: {  	_ =	shalt  }
0x71: {  	_ =	shalt  }
0x72: {  	_ =	shalt  }
0x73: {  	_ =	shalt  }
0x74: {  	_ =	shalt  }
0x75: {  	_ =	shalt  }
0x76: {  	_ =	shalt  }
0x77: {  	_ =	shalt  }
0x78: {  	_ =	shalt  }
0x79: {  	_ =	shalt  }
0x7a: {  	_ =	shalt  }
0x7b: {  	_ =	shalt  }
0x7c: {  	_ =	shalt  }
0x7d: {  	_ =	shalt  }
0x7e: {  	_ =	shalt  }
0x7f: {  	_ =	shalt  }
0x80: {  	_ =	shalt  }
0x81: {  	_ =	shalt  }
0x82: {  	_ =	shalt  }
0x83: {  	_ =	shalt  }
0x84: {  	_ =	shalt  }
0x85: {  	_ =	shalt  }
0x86: {  	_ =	shalt  }
0x87: {  	_ =	shalt  }
.Lfunc_end0:
.L_simem_size_0:
called_computation_lowered:
.L_overlay_start_0:
0x88: {  	s2 =	sld [smem:$0x3FD9]  }
0x89: {  	s3 =	sld [smem:$0x3FFE];
	_ =	sdelay $0x1  }
0x8a: {  	s1 =	srdreg.scid  }
0x8b: {  	s0 =	sand.u32 $0x1, s1  }
0x8c: {  	s15 =	sshll.u32 s0, $0xA;
	s2 =	sadd.s32 s3, s2  }
0x8d: {  	s2 =	sadd.s32 s2, s15  }
0x8e: {  	[smem:$0x3FAF] =	sst s2  }
0x8f: {  	_ = 	snop  }
0x90: {  	s2 =	sld [smem:$0x3FD0];
	_ =	sdelay $0x2  }
0x91: {  	s4 =	simm.s32 $0xA;
	s5 =	simm.s32 $0x10;
	s16 =	sld [smem:$0x3FC6]  }
0x92: {  	[smem:s5], [sflag:s4] =	dma.local [hbm:s2], $0x1  }
0x93: {  	_ =	swait.eq [sflag:s4], $0x1  }
0x94: {  	[sflag:s4] =	ssyncset.done $0x0  }
0x95: {  	s17 =	sld [smem:$0x10];
	[sflag:s4] =	ssyncadd.s32 $0xFFFFFFFF  }
0x96: {  	s18 =	sld [smem:$0x11];
	(tm) =	ssettm $0x1  }
0x97: {  	s19 =	sld [smem:$0x3FFB];
	_ =	sdelay $0x3  }
0x98: {  	_ =	strace s19  }
0x99: {  	s5 =	sld [smem:$0x3FFC];
	_ =	sdelay $0x3  }
0x9a: {  	_ =	strace s5  }
0x9b: {  	s5 =	sld [smem:$0x3FFD];
	_ =	sdelay $0x3  }
0x9c: {  	_ =	strace s5  }
0x9d: {  	_ =	strace $0x8FFFFFFF  }
0x9e: {  	s20 =	sld [smem:$0x3FDB];
	_ =	sdelay $0x1  }
0x9f: {  	s6 =	simm.s32 $_scs_section_size  }
0xa0: {  	s7 =	simm.s32 $_size__tile_overlayer_lowered;
	s8 =	simm.s32 $_tile_overlayer_lowered  }
0xa1: {  	s23 =	simm.s32 $0x1BFF;
	s22 =	sshll.u32 s8, $0x1;
	s5 =	sadd.s32 s6, s20  }
0xa2: {  	s9 =	simm.s32 $0x0;
	s21 =	sshll.u32 s7, $0x1;
	s7 =	sadd.s32 s22, s5  }
0xa3: {  	[timem:s9], [sflag:s23] =	dma.local [hbm:s7], s21  }
0xa4: {  	_ =	swait.ge [sflag:s23], s21  }
0xa5: {  	s6 =	ssub.s32 $0x0, s21;
	[sflag:s23] =	ssyncset.done $0x0  }
0xa6: {  	[sflag:s23] =	ssyncadd.s32 s6;
	_ =	sdelay $0x1  }
0xa7: {  	s24 =	simm.s32 $0x1B8B  }
0xa8: {  	_ =	swait.ge [sflag:s24], $0x1  }
0xa9: {  	[sflag:s24] =	ssyncset.done $0x0  }
0xaa: {  	s25 =	simm.s32 $0x1B8E;
	[sflag:s24] =	ssyncadd.s32 $0xFFFFFFFF  }
0xab: {  	s26 =	simm.s32 $execute0_lowered;
	[smem:$0x3FD2] =	sst s25  }
0xac: {  	s6 =	sshll.u32 s26, $0x1;
	_ =	strace $0x80000046;
	[dreg:$0x1] =	wrdreg $0xFFFFFFFF  }
0xad: {  	s28 =	simm.s32 $_size_execute0_lowered;
	s5 =	sadd.s32 s5, s6;
	[dreg:$0x0] =	wrdreg $0x0  }
0xae: {  	s6 =	sshll.u32 s28, $0x1;
	[dreg:$0x2] =	wrdreg s5  }
0xaf: {  	[dreg:$0x3] =	wrdreg s6  }
0xb0: {  	[dreg:$0x4] =	wrdreg $0xC0  }
0xb1: {  	_ =	task [dreg:s9], $0x5FFFF  }
0xb2: {  	[dreg:$0x1] =	wrdreg $0xFFFFFFFF  }
0xb3: {  	[dreg:$0x0] =	wrdreg $0x60  }
0xb4: {  	[dreg:$0x2] =	wrdreg s16  }
0xb5: {  	[dreg:$0x3] =	wrdreg s18  }
0xb6: {  	[dreg:$0x4] =	wrdreg s17  }
0xb7: {  	[dreg:$0x5] =	wrdreg $0x9  }
0xb8: {  	_ =	task.clear_ibuf [dreg:s9], $0x6FFFF;
	_ =	strace $0x90000046  }
0xb9: {  	s29 =	simm.s32 $0x9;
	_ =	strace $0x80000048  }
0xba: {  	_ =	swait.ge [sflag:s29], $0x1  }
0xbb: {  	[sflag:s29] =	ssyncadd.s32 $0xFFFFFFFF  }
0xbc: {  	_ =	strace $0x90000048  }
0xbd: {  	_ =	sfence  }
0xbe: {  	s30 =	sld [smem:$0x0];
	_ =	sdelay $0x2  }
0xbf: {  	s31 =	sshll.u32 s1, $0xD;
	s1 =	sshrl.u32 s1, $0x2  }
0xc0: {  	s3 =	sand.u32 $0x4000, s31;
	s1 =	sadd.s32 s1, s30  }
0xc1: {  	s0 =	sor.u32 s3, s0;
	s1 =	sshll.u32 s1, $0x11  }
0xc2: {  	s0 =	sor.u32 s1, s0  }
0xc3: {  	s0 =	sadd.s32 $0x8F2B, s0  }
0xc4: {  	[sflag:s0] =	ssyncadd.remote.s32 $0x1  }
0xc5: {  	_ =	sfence.sel $0xFFFF  }
0xc6: {  	[dreg:$0x0] =	wrdreg $0xFFFFFFFF;
	(pc) =	sbr.abs _section_cstart, $3  }
0xc7: {  	[dreg:$0x1] =	wrdreg $0xFFFFFFFF  }
0xc8: {  	_ =	task.clear_ibuf [dreg:s9], $0x2FFFF;
	_ =	strace $0x9FFFFFFF  }
0xc9: {  	(tm) =	ssettm $0x7FFFFFFF  }
tec
execute0_lowered:
.L_overlay_start_1:
0x0: {  	(tag) =	ssettag $0x1  }
0x1: {  	s1 =	rddreg [dreg:$0x0]  }
0x2: {  	s4 =	rddreg [dreg:$0x1]  }
0x3: {  	s6 =	rddreg [dreg:$0x2];
	s3 =	srdreg.scid  }
0x4: {  	s0 =	rddreg [dreg:$0x3];
	s2 =	stileid.u32;
	s10 =	simm.s32 $0x880  }
0x5: {  	s11 =	simm.s32 $0x1080;
	s12 =	simm.s32 $0x1880;
	s13 =	simm.s32 $0x2080  }
0x6: {  	s14 =	simm.s32 $0x2880;
	s15 =	simm.s32 $0x3080;
	s16 =	simm.s32 $0x3880  }
0x7: {  	s17 =	simm.s32 $0x4080;
	s18 =	simm.s32 $0x4880;
	s19 =	simm.s32 $0x5080  }
0x8: {  	s20 =	simm.s32 $0x5880;
	s21 =	simm.s32 $0x6080;
	s22 =	simm.s32 $0x6880  }
0x9: {  	s23 =	simm.s32 $0x7080;
	s24 =	simm.s32 $0x7880;
	s25 =	simm.s32 $0x1  }
0xa: {  	s5 =	sand.u32 $0x1, s3;
	s3 =	simm.s32 $0x0;
	s7 =	sshll.u32 s2, $0x7  }
0xb: {  	s8 =	sshll.u32 s5, $0x6;
	[smem:$0x7FF] =	sst s3;
	s5 =	ssub.s32 $0x2, s5  }
0xc: {  	s7 =	sor.u32 s8, s7;
	_ =	strace $0x80000047;
	s31 =	sshrl.u32 s5, $0x1  }
0xd: {  	v2 =	vlaneseq.u32;
	s9 =	sshrl.u32 s7, $0x3;
	s8 =	ssub.s32 s5, s31;
	s7 =	sshll.u32 s7, $0x6  }
0xe: {  	vm0 =	vmmov $0xffff;
	v1 =	vshrl.u32 v2, $0x3;
	s5 =	sadd.s32 $0x100, s1;
	s4 =	sadd.s32 s4, s9;
	s6 =	sadd.s32 s6, s7  }
0xf: {  	v0 =	vand.u32 $0x7, v2;
	v2 =	vor.u32 $0x8, v2;
	v1 =	vmul.u32 $0x8, v1;
	s7 =	smax.u32 s8, $0x1;
	s8 =	simm.s32 $0x2;
	s9 =	simm.s32 $0x80  }
.LBB2_1:
0x10: {  	[tilespmem:s3], [sflag:$0x2] =	stream.linear.gather [hbm4b:s4+s3], $0x40, $0x38;
	[tilespmem:$0x8080] =	vst v63  }
0x11: {  	_ =	swait.ge [sflag:s8], $0x40  }
0x12: {  	[sflag:s8] =	ssyncset.done $0x0  }
0x13: {  	[sflag:s8] =	ssyncadd.s32 $0xFFFFFFC0  }
0x14: {  	v3 =	vld [tilespmem:$0x0];
	_ =	sdelay $0x4  }
0x15: {  	v4 =	vshll.u32 v3, $0x2  }
0x16: {  	v3 =	vand.u32 $0x7, v3;
	v4 =	vand.u32 $0xFFFFFFE0, v4  }
0x17: {  	v3 =	vor.u32 v3, v4  }
0x18: {  	v4 =	vperm.xlane v3, v0;
	_ =	sdelay $0x1  }
0x19: {  	v4 =	vadd.s32 v1, v4;
	_ =	sdelay $0x1  }
0x1a: {  	v3 =	vperm.xlane v3, v2;
	_ =	sdelay $0x1  }
0x1b: {  	v3 =	vadd.s32 v1, v3  }
0x1c: {  	[tilespmem:s9], [sflag:$0x1] =	stream.indirect_vreg.gather [hbm4b:s1+s3], $0x80, v4, vm0, $0xb8;
	[tilespmem:$0x8080] =	vst v63  }
0x1d: {  	_ = 	snop  }
0x1e: {  	[tilespmem:s10], [sflag:$0x1] =	stream.indirect_vreg.gather [hbm4b:s5+s3], $0x80, v4, vm0, $0xb8;
	[tilespmem:$0x8080] =	vst v63  }
0x1f: {  	_ = 	snop  }
0x20: {  	[tilespmem:s11], [sflag:$0x1] =	stream.indirect_vreg.gather [hbm4b:s1+s3], $0x80, v3, vm0, $0xb8;
	[tilespmem:$0x8080] =	vst v63  }
0x21: {  	_ = 	snop  }
0x22: {  	[tilespmem:s12], [sflag:$0x1] =	stream.indirect_vreg.gather [hbm4b:s5+s3], $0x80, v3, vm0, $0xb8;
	[tilespmem:$0x8080] =	vst v63  }
0x23: {  	v3 =	vld [tilespmem:$0x10];
	_ =	sdelay $0x4  }
0x24: {  	v61 =	vshll.u32 v3, $0x2  }
0x25: {  	v3 =	vand.u32 $0x7, v3;
	v4 =	vand.u32 $0xFFFFFFE0, v61  }
0x26: {  	v3 =	vor.u32 v3, v4  }
0x27: {  	v4 =	vperm.xlane v3, v0;
	_ =	sdelay $0x1  }
0x28: {  	v4 =	vadd.s32 v1, v4;
	_ =	sdelay $0x1  }
0x29: {  	v3 =	vperm.xlane v3, v2;
	_ =	sdelay $0x1  }
0x2a: {  	v3 =	vadd.s32 v1, v3  }
0x2b: {  	[tilespmem:s13], [sflag:$0x1] =	stream.indirect_vreg.gather [hbm4b:s1+s3], $0x80, v4, vm0, $0xb8;
	[tilespmem:$0x8080] =	vst v63  }
0x2c: {  	_ = 	snop  }
0x2d: {  	[tilespmem:s14], [sflag:$0x1] =	stream.indirect_vreg.gather [hbm4b:s5+s3], $0x80, v4, vm0, $0xb8;
	[tilespmem:$0x8080] =	vst v63  }
0x2e: {  	_ = 	snop  }
0x2f: {  	[tilespmem:s15], [sflag:$0x1] =	stream.indirect_vreg.gather [hbm4b:s1+s3], $0x80, v3, vm0, $0xb8;
	[tilespmem:$0x8080] =	vst v63  }
0x30: {  	_ = 	snop  }
0x31: {  	[tilespmem:s16], [sflag:$0x1] =	stream.indirect_vreg.gather [hbm4b:s5+s3], $0x80, v3, vm0, $0xb8;
	[tilespmem:$0x8080] =	vst v63  }
0x32: {  	v3 =	vld [tilespmem:$0x20];
	_ =	sdelay $0x4  }
0x33: {  	v62 =	vshll.u32 v3, $0x2  }
0x34: {  	v3 =	vand.u32 $0x7, v3;
	v4 =	vand.u32 $0xFFFFFFE0, v62  }
0x35: {  	v3 =	vor.u32 v3, v4  }
0x36: {  	v4 =	vperm.xlane v3, v0;
	_ =	sdelay $0x1  }
0x37: {  	v4 =	vadd.s32 v1, v4;
	_ =	sdelay $0x1  }
0x38: {  	v3 =	vperm.xlane v3, v2;
	_ =	sdelay $0x1  }
0x39: {  	v3 =	vadd.s32 v1, v3  }
0x3a: {  	[tilespmem:s17], [sflag:$0x1] =	stream.indirect_vreg.gather [hbm4b:s1+s3], $0x80, v4, vm0, $0xb8;
	[tilespmem:$0x8080] =	vst v63  }
0x3b: {  	_ = 	snop  }
0x3c: {  	[tilespmem:s18], [sflag:$0x1] =	stream.indirect_vreg.gather [hbm4b:s5+s3], $0x80, v4, vm0, $0xb8;
	[tilespmem:$0x8080] =	vst v63  }
0x3d: {  	_ = 	snop  }
0x3e: {  	[tilespmem:s19], [sflag:$0x1] =	stream.indirect_vreg.gather [hbm4b:s1+s3], $0x80, v3, vm0, $0xb8;
	[tilespmem:$0x8080] =	vst v63  }
0x3f: {  	_ = 	snop  }
0x40: {  	[tilespmem:s20], [sflag:$0x1] =	stream.indirect_vreg.gather [hbm4b:s5+s3], $0x80, v3, vm0, $0xb8;
	[tilespmem:$0x8080] =	vst v63  }
0x41: {  	v3 =	vld [tilespmem:$0x30];
	_ =	sdelay $0x4  }
0x42: {  	v63 =	vshll.u32 v3, $0x2  }
0x43: {  	v3 =	vand.u32 $0x7, v3;
	v4 =	vand.u32 $0xFFFFFFE0, v63  }
0x44: {  	v3 =	vor.u32 v3, v4  }
0x45: {  	v4 =	vperm.xlane v3, v0;
	_ =	sdelay $0x1  }
0x46: {  	v4 =	vadd.s32 v1, v4;
	_ =	sdelay $0x1  }
0x47: {  	v3 =	vperm.xlane v3, v2;
	_ =	sdelay $0x1  }
0x48: {  	v3 =	vadd.s32 v1, v3  }
0x49: {  	[tilespmem:s21], [sflag:$0x1] =	stream.indirect_vreg.gather [hbm4b:s1+s3], $0x80, v4, vm0, $0xb8;
	[tilespmem:$0x8080] =	vst v63  }
0x4a: {  	_ = 	snop  }
0x4b: {  	[tilespmem:s22], [sflag:$0x1] =	stream.indirect_vreg.gather [hbm4b:s5+s3], $0x80, v4, vm0, $0xb8;
	[tilespmem:$0x8080] =	vst v63  }
0x4c: {  	_ = 	snop  }
0x4d: {  	[tilespmem:s23], [sflag:$0x1] =	stream.indirect_vreg.gather [hbm4b:s1+s3], $0x80, v3, vm0, $0xb8;
	[tilespmem:$0x8080] =	vst v63  }
0x4e: {  	_ = 	snop  }
0x4f: {  	[tilespmem:s24], [sflag:$0x1] =	stream.indirect_vreg.gather [hbm4b:s5+s3], $0x80, v3, vm0, $0xb8;
	[tilespmem:$0x8080] =	vst v63  }
0x50: {  	_ =	swait.ge [sflag:s25], $0x8000  }
0x51: {  	p0 =	sne.s32 s7, $0x1;
	[sflag:s25] =	ssyncset.done $0x0  }
.Ltmp0:
0x52: {  	[sflag:s25] =	ssyncadd.s32 $0xFFFF8000;
	(pc) =	sbr.rel @p0 .LBB2_1-.Ltmp0, $4  }
0x53: {  	[hbm4b:s6+s3] =	stream.linear.scatter [tilespmem:s9], [sflag:$0x2], $0x8000, $0x38;
	[tilespmem:$0x8080] =	vst v63  }
0x54: {  	_ =	swait.ge [sflag:s8], $0x8000  }
0x55: {  	[sflag:s8] =	ssyncset.done $0x0  }
0x56: {  	s7 =	sadd.s32 $0xFFFFFFFF, s7;
	[sflag:s8] =	ssyncadd.s32 $0xFFFF8000  }
0x57: {  	_ =	sfence.sel $0x180000  }
0x58: {  	[bflag:$0x0] =	sbarrier.arrive $0xFFFF  }
0x59: {  	p0 =	sne.s32 s2, $0x0;
	_ =	strace $0x90000047  }
0x5a: {  	s0 =	sadd.s32 @!p0 $0x100000, s0;
	[bflag:$0x2] =	sbarrier.arrive $0xFFFF  }
0x5b: {  	[sflag:s0] =	ssyncadd.tile.s32 @!p0 $0x1;
	_ =	shalt  }
.Lfunc_end2:
_tile_overlayer_lowered:
.L_overlay_start_2:
0x5c: {  	(tag) =	ssettag $0x2  }
0x5d: {  	s0 =	rddreg [dreg:$0x0];
	s2 =	stileid.u32  }
0x5e: {  	s1 =	rddreg [dreg:$0x1];
	p0 =	sne.s32 s2, $0x0  }
0x5f: {  	s3 =	rddreg [dreg:$0x2];
	[bflag:$0x3] =	sbarrier.arrive $0xFFFF;
	s2 =	simm.s32 @!p0 $0x1C02  }
0x60: {  	[timem:s3], [sflag:s2] =	dma.local @!p0 [hbm:s0], s1  }
0x61: {  	s0 =	simm.s32 @!p0 $0x2  }
0x62: {  	_ =	swait.ge @!p0 [sflag:s0], s1  }
0x63: {  	s1 =	ssub.s32 @!p0 $0x0, s1;
	[sflag:s0] =	ssyncset.done @!p0 $0x0  }
0x64: {  	[sflag:s0] =	ssyncadd.s32 @!p0 s1  }
0x65: {  	[bflag:$0x3] =	sbarrier.arrive $0xFFFF  }
0x66: {  	_ =	shalt  }

</sc_bundles>
